<compile_context>
chip_gen: v7x
topology: tpu7x:2x2x1
jax: 0.10.2.dev20260603
libtpu: 0.0.44.dev20260713+nightly
codegen_flags: <defaults>
</compile_context>

<pallas_src>
import functools

import jax
import jax.numpy as jnp
from jax import lax
from jax.experimental import pallas as pl
from jax.experimental.pallas import tpu as pltpu
from jax.experimental.pallas import tpu_sc as plsc

N = 10000
E = 320000
NC, NS, L = 2, 16, 16
NW = NC * NS
EPW = E // NW
K = 80
NCHUNK = EPW // K
ROWS_PER_SUB = N // NS
ZROUNDS = (N // K + NS - 1) // NS

_mesh = plsc.VectorSubcoreMesh(core_axis_name="c", subcore_axis_name="s")
_sc_params = pltpu.CompilerParams(use_tc_tiling_on_sc=False)


def _degrees(src3, dst3):
    out_type = (jax.ShapeDtypeStruct((NC, N, L), jnp.float32),
                jax.ShapeDtypeStruct((NC, N, L), jnp.float32))

    @functools.partial(
        pl.kernel, out_type=out_type, mesh=_mesh, compiler_params=_sc_params,
        scratch_types=[
            pltpu.VMEM((NCHUNK, K), jnp.int32),
            pltpu.VMEM((NCHUNK, K), jnp.int32),
            pltpu.VMEM((K, L), jnp.float32),
            pltpu.VMEM((K, L), jnp.float32),
            pltpu.VMEM_SHARED((N, L), jnp.float32),
            pltpu.VMEM_SHARED((N, L), jnp.float32),
            pltpu.SemaphoreType.DMA,
            pltpu.SemaphoreType.DMA,
            pltpu.SemaphoreType.DMA,
            pltpu.SemaphoreType.DMA,
            pltpu.SemaphoreType.DMA,
        ])
    def deg_kernel(src_hbm, dst_hbm, os_hbm, od_hbm,
                   srcv, dstv, onesv, zerov, accs, accd,
                   sem, ssem, dsem, ssem2, dsem2):
        ci = lax.axis_index("c")
        si = lax.axis_index("s")
        wid = si * NC + ci

        @pl.loop(0, K)
        def _(r):
            onesv[r, :] = jnp.ones((L,), jnp.float32)
            zerov[r, :] = jnp.zeros((L,), jnp.float32)

        @pl.loop(0, ZROUNDS)
        def _(k):
            chunk = si + NS * k

            @pl.when(chunk < N // K)
            def _():
                pltpu.async_copy(zerov, accs.at[pl.ds(chunk * K, K)], sem)
                pltpu.async_copy(zerov, accd.at[pl.ds(chunk * K, K)], sem)

        @pl.loop(0, ZROUNDS)
        def _(k):
            chunk = si + NS * k

            @pl.when(chunk < N // K)
            def _():
                pltpu.make_async_copy(zerov, accs.at[pl.ds(chunk * K, K)], sem).wait()
                pltpu.make_async_copy(zerov, accd.at[pl.ds(chunk * K, K)], sem).wait()

        plsc.subcore_barrier()
        pltpu.sync_copy(src_hbm.at[wid], srcv)
        pltpu.sync_copy(dst_hbm.at[wid], dstv)

        pltpu.async_copy(onesv, accs.at[srcv.at[0]], ssem, add=True)
        pltpu.async_copy(onesv, accd.at[dstv.at[0]], dsem, add=True)

        @pl.loop(0, NCHUNK, step=2)
        def _(c):
            @pl.when(c + 1 < NCHUNK)
            def _():
                pltpu.async_copy(onesv, accs.at[srcv.at[c + 1]], ssem2, add=True)
                pltpu.async_copy(onesv, accd.at[dstv.at[c + 1]], dsem2, add=True)

            pltpu.make_async_copy(onesv, accs.at[srcv.at[c]], ssem).wait()
            pltpu.make_async_copy(onesv, accd.at[dstv.at[c]], dsem).wait()

            @pl.when(c + 2 < NCHUNK)
            def _():
                pltpu.async_copy(onesv, accs.at[srcv.at[c + 2]], ssem, add=True)
                pltpu.async_copy(onesv, accd.at[dstv.at[c + 2]], dsem, add=True)

            @pl.when(c + 1 < NCHUNK)
            def _():
                pltpu.make_async_copy(onesv, accs.at[srcv.at[c + 1]], ssem2).wait()
                pltpu.make_async_copy(onesv, accd.at[dstv.at[c + 1]], dsem2).wait()

        plsc.subcore_barrier()

        @pl.loop(0, ZROUNDS)
        def _(k):
            chunk = si + NS * k

            @pl.when(chunk < N // K)
            def _():
                base = chunk * K
                pltpu.async_copy(accs.at[pl.ds(base, K)],
                                 os_hbm.at[ci, pl.ds(base, K)], sem)
                pltpu.async_copy(accd.at[pl.ds(base, K)],
                                 od_hbm.at[ci, pl.ds(base, K)], sem)

        @pl.loop(0, ZROUNDS)
        def _(k):
            chunk = si + NS * k

            @pl.when(chunk < N // K)
            def _():
                base = chunk * K
                pltpu.make_async_copy(accs.at[pl.ds(base, K)],
                                      os_hbm.at[ci, pl.ds(base, K)], sem).wait()
                pltpu.make_async_copy(accd.at[pl.ds(base, K)],
                                      od_hbm.at[ci, pl.ds(base, K)], sem).wait()

    return deg_kernel(src3, dst3)


_SEC = 25
_NSEC = NCHUNK // _SEC
_D = 128


def _aggregate_full(h2, srclo3, srchi3, dst3):
    H = _D // 2
    out_type = jax.ShapeDtypeStruct((NC, N, _D), jnp.float32)

    @functools.partial(
        pl.kernel, out_type=out_type, mesh=_mesh, compiler_params=_sc_params,
        scratch_types=[
            pltpu.VMEM((_SEC, K), jnp.int32),
            pltpu.VMEM((_SEC, K), jnp.int32),
            pltpu.VMEM((_SEC, K), jnp.int32),
            pltpu.VMEM((K, H), jnp.float32),
            pltpu.VMEM((K, H), jnp.float32),
            pltpu.VMEM((K, H), jnp.float32),
            pltpu.VMEM((K, H), jnp.float32),
            pltpu.VMEM((K, H), jnp.float32),
            pltpu.VMEM((K, H), jnp.float32),
            pltpu.VMEM_SHARED((N, H), jnp.float32),
            pltpu.VMEM_SHARED((N, H), jnp.float32),
            pltpu.SemaphoreType.DMA,
            pltpu.SemaphoreType.DMA,
            pltpu.SemaphoreType.DMA,
            pltpu.SemaphoreType.DMA,
            pltpu.SemaphoreType.DMA,
            pltpu.SemaphoreType.DMA,
            pltpu.SemaphoreType.DMA,
            pltpu.SemaphoreType.DMA,
            pltpu.SemaphoreType.DMA,
            pltpu.SemaphoreType.DMA,
            pltpu.SemaphoreType.DMA,
            pltpu.SemaphoreType.DMA,
        ])
    def agg2_kernel(h_hbm, srclo_hbm, srchi_hbm, dst_hbm, out_hbm,
                    srclov, srchiv, dstv, la, lb, lc, ha, hb, hc,
                    acc_lo, acc_hi,
                    sla, slb, slc, sha, shb, shc,
                    ala, alb, alc, aha, ahb, ahc):
        ci = lax.axis_index("c")
        si = lax.axis_index("s")
        wid = si * NC + ci

        @pl.loop(0, K)
        def _(r):
            @pl.loop(0, H, step=L)
            def _(j):
                la[r, pl.ds(j, L)] = jnp.zeros((L,), jnp.float32)

        @pl.loop(0, ZROUNDS)
        def _(k):
            chunk = si + NS * k

            @pl.when(chunk < N // K)
            def _():
                pltpu.async_copy(la, acc_lo.at[pl.ds(chunk * K, K)], ala)
                pltpu.async_copy(la, acc_hi.at[pl.ds(chunk * K, K)], aha)

        @pl.loop(0, ZROUNDS)
        def _(k):
            chunk = si + NS * k

            @pl.when(chunk < N // K)
            def _():
                pltpu.make_async_copy(la, acc_lo.at[pl.ds(chunk * K, K)], ala).wait()
                pltpu.make_async_copy(la, acc_hi.at[pl.ds(chunk * K, K)], aha).wait()

        plsc.subcore_barrier()

        @pl.loop(0, _NSEC)
        def _(s):
            pltpu.sync_copy(srclo_hbm.at[wid, pl.ds(s * _SEC, _SEC)], srclov)
            pltpu.sync_copy(srchi_hbm.at[wid, pl.ds(s * _SEC, _SEC)], srchiv)
            pltpu.sync_copy(dst_hbm.at[wid, pl.ds(s * _SEC, _SEC)], dstv)

            pltpu.async_copy(h_hbm.at[srclov.at[0]], la, sla)
            pltpu.async_copy(h_hbm.at[srchiv.at[0]], ha, sha)
            pltpu.async_copy(h_hbm.at[srclov.at[1]], lb, slb)
            pltpu.async_copy(h_hbm.at[srchiv.at[1]], hb, shb)
            pltpu.async_copy(h_hbm.at[srclov.at[2]], lc, slc)
            pltpu.async_copy(h_hbm.at[srchiv.at[2]], hc, shc)

            @pl.loop(0, _SEC, step=3)
            def _(c):
                pltpu.make_async_copy(h_hbm.at[srclov.at[c]], la, sla).wait()
                pltpu.async_copy(la, acc_lo.at[dstv.at[c]], ala, add=True)
                pltpu.make_async_copy(h_hbm.at[srchiv.at[c]], ha, sha).wait()
                pltpu.async_copy(ha, acc_hi.at[dstv.at[c]], aha, add=True)

                @pl.when(c + 1 < _SEC)
                def _():
                    pltpu.make_async_copy(h_hbm.at[srclov.at[c + 1]], lb, slb).wait()
                    pltpu.async_copy(lb, acc_lo.at[dstv.at[c + 1]], alb, add=True)
                    pltpu.make_async_copy(h_hbm.at[srchiv.at[c + 1]], hb, shb).wait()
                    pltpu.async_copy(hb, acc_hi.at[dstv.at[c + 1]], ahb, add=True)

                pltpu.make_async_copy(la, acc_lo.at[dstv.at[c]], ala).wait()
                pltpu.make_async_copy(ha, acc_hi.at[dstv.at[c]], aha).wait()

                @pl.when(c + 3 < _SEC)
                def _():
                    pltpu.async_copy(h_hbm.at[srclov.at[c + 3]], la, sla)
                    pltpu.async_copy(h_hbm.at[srchiv.at[c + 3]], ha, sha)

                @pl.when(c + 2 < _SEC)
                def _():
                    pltpu.make_async_copy(h_hbm.at[srclov.at[c + 2]], lc, slc).wait()
                    pltpu.async_copy(lc, acc_lo.at[dstv.at[c + 2]], alc, add=True)
                    pltpu.make_async_copy(h_hbm.at[srchiv.at[c + 2]], hc, shc).wait()
                    pltpu.async_copy(hc, acc_hi.at[dstv.at[c + 2]], ahc, add=True)

                @pl.when(c + 1 < _SEC)
                def _():
                    pltpu.make_async_copy(lb, acc_lo.at[dstv.at[c + 1]], alb).wait()
                    pltpu.make_async_copy(hb, acc_hi.at[dstv.at[c + 1]], ahb).wait()

                @pl.when(c + 4 < _SEC)
                def _():
                    pltpu.async_copy(h_hbm.at[srclov.at[c + 4]], lb, slb)
                    pltpu.async_copy(h_hbm.at[srchiv.at[c + 4]], hb, shb)

                @pl.when(c + 2 < _SEC)
                def _():
                    pltpu.make_async_copy(lc, acc_lo.at[dstv.at[c + 2]], alc).wait()
                    pltpu.make_async_copy(hc, acc_hi.at[dstv.at[c + 2]], ahc).wait()

                @pl.when(c + 5 < _SEC)
                def _():
                    pltpu.async_copy(h_hbm.at[srclov.at[c + 5]], lc, slc)
                    pltpu.async_copy(h_hbm.at[srchiv.at[c + 5]], hc, shc)

        plsc.subcore_barrier()

        @pl.loop(0, ZROUNDS)
        def _(k):
            chunk = si + NS * k

            @pl.when(chunk < N // K)
            def _():
                base = chunk * K
                pltpu.async_copy(acc_lo.at[pl.ds(base, K)],
                                 out_hbm.at[ci, pl.ds(base, K), pl.ds(0, H)], ala)
                pltpu.async_copy(acc_hi.at[pl.ds(base, K)],
                                 out_hbm.at[ci, pl.ds(base, K), pl.ds(H, H)], aha)

        @pl.loop(0, ZROUNDS)
        def _(k):
            chunk = si + NS * k

            @pl.when(chunk < N // K)
            def _():
                base = chunk * K
                pltpu.make_async_copy(
                    acc_lo.at[pl.ds(base, K)],
                    out_hbm.at[ci, pl.ds(base, K), pl.ds(0, H)], ala).wait()
                pltpu.make_async_copy(
                    acc_hi.at[pl.ds(base, K)],
                    out_hbm.at[ci, pl.ds(base, K), pl.ds(H, H)], aha).wait()

    return agg2_kernel(h2, srclo3, srchi3, dst3)


def _aggregate(h, src3, dst3):
    D = h.shape[1]

    @functools.partial(
        pl.kernel, out_type=jax.ShapeDtypeStruct((NC, N, D), jnp.float32),
        mesh=_mesh, compiler_params=_sc_params,
        scratch_types=[
            pltpu.VMEM((NCHUNK, K), jnp.int32),
            pltpu.VMEM((NCHUNK, K), jnp.int32),
            pltpu.VMEM((K, D), jnp.float32),
            pltpu.VMEM((K, D), jnp.float32),
            pltpu.VMEM((K, D), jnp.float32),
            pltpu.VMEM_SHARED((N, D), jnp.float32),
            pltpu.SemaphoreType.DMA,
            pltpu.SemaphoreType.DMA,
            pltpu.SemaphoreType.DMA,
            pltpu.SemaphoreType.DMA,
            pltpu.SemaphoreType.DMA,
            pltpu.SemaphoreType.DMA,
        ])
    def agg_kernel(h_hbm, src_hbm, dst_hbm, out_hbm,
                   srcv, dstv, bufa, bufb, bufc, accum,
                   sema, semb, semc, aa, ab, ac):
        ci = lax.axis_index("c")
        si = lax.axis_index("s")
        wid = si * NC + ci

        @pl.loop(0, K)
        def _(r):
            @pl.loop(0, D, step=L)
            def _(j):
                bufa[r, pl.ds(j, L)] = jnp.zeros((L,), jnp.float32)

        @pl.loop(0, ZROUNDS)
        def _(k):
            chunk = si + NS * k

            @pl.when(chunk < N // K)
            def _():
                pltpu.async_copy(bufa, accum.at[pl.ds(chunk * K, K)], aa)

        @pl.loop(0, ZROUNDS)
        def _(k):
            chunk = si + NS * k

            @pl.when(chunk < N // K)
            def _():
                pltpu.make_async_copy(bufa, accum.at[pl.ds(chunk * K, K)], aa).wait()

        plsc.subcore_barrier()
        pltpu.sync_copy(src_hbm.at[wid], srcv)
        pltpu.sync_copy(dst_hbm.at[wid], dstv)

        pltpu.async_copy(h_hbm.at[srcv.at[0]], bufa, sema)
        pltpu.async_copy(h_hbm.at[srcv.at[1]], bufb, semb)
        pltpu.async_copy(h_hbm.at[srcv.at[2]], bufc, semc)

        @pl.loop(0, NCHUNK, step=3)
        def _(c):
            pltpu.make_async_copy(h_hbm.at[srcv.at[c]], bufa, sema).wait()
            pltpu.async_copy(bufa, accum.at[dstv.at[c]], aa, add=True)

            @pl.when(c + 1 < NCHUNK)
            def _():
                pltpu.make_async_copy(h_hbm.at[srcv.at[c + 1]], bufb, semb).wait()
                pltpu.async_copy(bufb, accum.at[dstv.at[c + 1]], ab, add=True)

            pltpu.make_async_copy(bufa, accum.at[dstv.at[c]], aa).wait()

            @pl.when(c + 3 < NCHUNK)
            def _():
                pltpu.async_copy(h_hbm.at[srcv.at[c + 3]], bufa, sema)

            @pl.when(c + 2 < NCHUNK)
            def _():
                pltpu.make_async_copy(h_hbm.at[srcv.at[c + 2]], bufc, semc).wait()
                pltpu.async_copy(bufc, accum.at[dstv.at[c + 2]], ac, add=True)

            @pl.when(c + 1 < NCHUNK)
            def _():
                pltpu.make_async_copy(bufb, accum.at[dstv.at[c + 1]], ab).wait()

            @pl.when(c + 4 < NCHUNK)
            def _():
                pltpu.async_copy(h_hbm.at[srcv.at[c + 4]], bufb, semb)

            @pl.when(c + 2 < NCHUNK)
            def _():
                pltpu.make_async_copy(bufc, accum.at[dstv.at[c + 2]], ac).wait()

            @pl.when(c + 5 < NCHUNK)
            def _():
                pltpu.async_copy(h_hbm.at[srcv.at[c + 5]], bufc, semc)

        plsc.subcore_barrier()

        @pl.loop(0, ZROUNDS)
        def _(k):
            chunk = si + NS * k

            @pl.when(chunk < N // K)
            def _():
                base = chunk * K
                pltpu.async_copy(accum.at[pl.ds(base, K)],
                                 out_hbm.at[ci, pl.ds(base, K)], aa)

        @pl.loop(0, ZROUNDS)
        def _(k):
            chunk = si + NS * k

            @pl.when(chunk < N // K)
            def _():
                base = chunk * K
                pltpu.make_async_copy(accum.at[pl.ds(base, K)],
                                      out_hbm.at[ci, pl.ds(base, K)], aa).wait()

    return agg_kernel(h, src3, dst3)


_R = 1000


def _norm_from(counts_ref):
    c = counts_ref[0, :, 0:1] + counts_ref[1, :, 0:1]
    return lax.rsqrt(jnp.maximum(c, 1.0))


def _scale_matmul(x, cs, W):
    D, Do = W.shape

    def body(x_ref, cs_ref, w_ref, o_ref):
        o_ref[...] = jnp.dot(x_ref[...] * _norm_from(cs_ref), w_ref[...],
                             preferred_element_type=jnp.float32)

    return pl.pallas_call(
        body, grid=(N // _R,),
        in_specs=[pl.BlockSpec((_R, D), lambda i: (i, 0)),
                  pl.BlockSpec((NC, _R, L), lambda i: (0, i, 0)),
                  pl.BlockSpec((D, Do), lambda i: (0, 0))],
        out_specs=pl.BlockSpec((_R, Do), lambda i: (i, 0)),
        out_shape=jax.ShapeDtypeStruct((N, Do), jnp.float32))(x, cs, W)


def _update_matmul(agg, cd, cs, b, W):
    D, Do = W.shape

    def body(a_ref, cd_ref, cs_ref, b_ref, w_ref, o_ref):
        a = a_ref[0] + a_ref[1]
        h = jnp.maximum(a * _norm_from(cd_ref) + b_ref[...], 0.0) \
            * _norm_from(cs_ref)
        o_ref[...] = jnp.dot(h, w_ref[...], preferred_element_type=jnp.float32)

    return pl.pallas_call(
        body, grid=(N // _R,),
        in_specs=[pl.BlockSpec((NC, _R, D), lambda i: (0, i, 0)),
                  pl.BlockSpec((NC, _R, L), lambda i: (0, i, 0)),
                  pl.BlockSpec((NC, _R, L), lambda i: (0, i, 0)),
                  pl.BlockSpec((1, D), lambda i: (0, 0)),
                  pl.BlockSpec((D, Do), lambda i: (0, 0))],
        out_specs=pl.BlockSpec((_R, Do), lambda i: (i, 0)),
        out_shape=jax.ShapeDtypeStruct((N, Do), jnp.float32))(agg, cd, cs, b, W)


def _finalize(agg, cd, b):
    D = agg.shape[2]
    Do = 40

    def body(a_ref, cd_ref, b_ref, o_ref):
        a = a_ref[0] + a_ref[1]
        o_ref[...] = (a * _norm_from(cd_ref) + b_ref[...])[:, :Do]

    return pl.pallas_call(
        body, grid=(N // _R,),
        in_specs=[pl.BlockSpec((NC, _R, D), lambda i: (0, i, 0)),
                  pl.BlockSpec((NC, _R, L), lambda i: (0, i, 0)),
                  pl.BlockSpec((1, D), lambda i: (0, 0))],
        out_specs=pl.BlockSpec((_R, Do), lambda i: (i, 0)),
        out_shape=jax.ShapeDtypeStruct((N, Do), jnp.float32))(agg, cd, b)


def kernel(features, edge_index, W1, b1, W2, b2, W3, b3):
    src = edge_index[0].astype(jnp.int32)
    src3 = src.reshape(NW, NCHUNK, K)
    dst3 = edge_index[1].astype(jnp.int32).reshape(NW, NCHUNK, K)
    srclo3 = (src * 2).reshape(NW, NCHUNK, K)
    srchi3 = srclo3 + 1

    cs, cd = _degrees(src3, dst3)

    h0 = _scale_matmul(features, cs, W1).reshape(2 * N, _D // 2)
    a1 = _aggregate_full(h0, srclo3, srchi3, dst3)
    h1 = _update_matmul(a1, cd, cs, b1.reshape(1, -1),
                        W2).reshape(2 * N, _D // 2)
    a2 = _aggregate_full(h1, srclo3, srchi3, dst3)

    W3p = jnp.pad(W3, ((0, 0), (0, 8)))
    b3p = jnp.pad(b3, (0, 8))
    h2 = _update_matmul(a2, cd, cs, b2.reshape(1, -1), W3p)
    a3 = _aggregate(h2, src3, dst3)
    out = _finalize(a3, cd, b3p.reshape(1, -1))
    return out

# --- scband reference (transcript-rebuilt; emitter-appended) ---
"""Pipeline reference for scband-gcn-88167088652543 (READ-ONLY COPY).

The authoritative reference and input builder live on the scoring server;
editing this copy changes nothing except your own understanding.
"""

import jax, jax.numpy as jnp
import numpy as np

N_NODES = 10000
N_EDGES = 320000
D_IN = 128
D_HID = 128
D_OUT = 40


def _gcn_layer(x, W, b, src, dst, n, act):
    ones = jnp.ones((src.shape[0],), dtype=x.dtype)
    deg_out = jnp.maximum(jax.ops.segment_sum(ones, src, num_segments=n), 1.0)
    deg_in = jnp.maximum(jax.ops.segment_sum(ones, dst, num_segments=n), 1.0)
    norm_src = deg_out ** -0.5
    norm_dst = deg_in ** -0.5
    h = x * norm_src[:, None]
    h = h @ W
    agg = jax.ops.segment_sum(h[src], dst, num_segments=n)
    h = agg * norm_dst[:, None] + b
    if act:
        h = jax.nn.relu(h)
    return h


def setup_inputs(seed: int = 0) -> dict:
    key = jax.random.key(seed)
    k1, k2, k3, k4, k5 = jax.random.split(key, 5)
    features = jax.random.normal(k1, (N_NODES, D_IN), dtype=jnp.float32)
    edge_index = jax.random.randint(k2, (2, N_EDGES), 0, N_NODES, dtype=jnp.int64)
    W1 = jax.random.normal(k3, (D_IN, D_HID), dtype=jnp.float32) * 0.05
    b1 = jnp.zeros((D_HID,), dtype=jnp.float32)
    W2 = jax.random.normal(k4, (D_HID, D_HID), dtype=jnp.float32) * 0.05
    b2 = jnp.zeros((D_HID,), dtype=jnp.float32)
    W3 = jax.random.normal(k5, (D_HID, D_OUT), dtype=jnp.float32) * 0.05
    b3 = jnp.zeros((D_OUT,), dtype=jnp.float32)
    return {"features": features, "edge_index": edge_index, "W1": W1, "b1": b1, "W2": W2, "b2": b2, "W3": W3, "b3": b3}


def reference(features, edge_index, W1, b1, W2, b2, W3, b3):
    # GCN with n_layers=2 -> 3 GraphConv layers (DGL norm='both', relu on all but last).
    # Dropout is identity in eval mode.
    src = edge_index[0]
    dst = edge_index[1]
    h = _gcn_layer(features, W1, b1, src, dst, N_NODES, True)
    h = _gcn_layer(h, W2, b2, src, dst, N_NODES, True)
    h = _gcn_layer(h, W3, b3, src, dst, N_NODES, False)
    return h

if __name__ == "__main__":
    import jax
    _d = setup_inputs()
    print(jax.jit(kernel)(*tuple(_d.values())))

</pallas_src>

<mosaic_0001>
#map = affine_map<(d0, d1) -> (0, 0, 0)>
module attributes {stable_mosaic.version = 14 : i64} {
  func.func @deg_kernel(%arg0: i32, %arg1: i32, %arg2: memref<32x125x80xi32, #tpu.memory_space<hbm>>, %arg3: memref<32x125x80xi32, #tpu.memory_space<hbm>>, %arg4: memref<2x10000x16xf32, #tpu.memory_space<hbm>>, %arg5: memref<2x10000x16xf32, #tpu.memory_space<hbm>>, %arg6: memref<125x80xi32, #tpu.memory_space<vmem>>, %arg7: memref<125x80xi32, #tpu.memory_space<vmem>>, %arg8: memref<80x16xf32, #tpu.memory_space<vmem>>, %arg9: memref<80x16xf32, #tpu.memory_space<vmem>>, %arg10: memref<10000x16xf32, #tpu.memory_space<vmem_shared>>, %arg11: memref<10000x16xf32, #tpu.memory_space<vmem_shared>>, %arg12: memref<!tpu.dma_semaphore, #tpu.memory_space<semaphore_mem>>, %arg13: memref<!tpu.dma_semaphore, #tpu.memory_space<semaphore_mem>>, %arg14: memref<!tpu.dma_semaphore, #tpu.memory_space<semaphore_mem>>, %arg15: memref<!tpu.dma_semaphore, #tpu.memory_space<semaphore_mem>>, %arg16: memref<!tpu.dma_semaphore, #tpu.memory_space<semaphore_mem>>) attributes {dimension_semantics = [#tpu.dimension_semantics<core_parallel>, #tpu.dimension_semantics<subcore_parallel>], iteration_bounds = array<i64: 2, 16>, scalar_prefetch = 0 : i64, scratch_operands = 11 : i64, tpu.core_type = #tpu.core_type<sc_vector_subcore>, window_params = [{transform_indices = #map}, {transform_indices = #map}, {transform_indices = #map}, {transform_indices = #map}]} {
    %mul3A = arith.constant 2 : i32
    %mul3A_0 = arith.muli %arg1, %mul3A : i32
    %add3A = arith.addi %mul3A_0, %arg0 : i32
    %scan3A = arith.constant 0 : i32
    %scan3A_1 = arith.constant 80 : i32
    %scan3A_2 = arith.addi %scan3A, %scan3A_1 : i32
    %scan3A_3 = arith.constant 1 : i32
    scf.for %scan3A_44 = %scan3A to %scan3A_2 step %scan3A_3  : i32 {
      %mul3A_45 = arith.constant 1 : i32
      %mul3A_46 = arith.muli %scan3A_44, %mul3A_45 : i32
      %add3A_47 = arith.constant 0 : i32
      %add3A_48 = arith.addi %add3A_47, %mul3A_46 : i32
      %broadcast_in_dim3A = arith.constant 1.000000e+00 : f32
      %broadcast_in_dim3A_49 = vector.broadcast %broadcast_in_dim3A : f32 to vector<16xf32>
      %swap3A = arith.index_cast %add3A_48 : i32 to index
      %swap3A_50 = arith.constant 0 : index
      %swap3A_51 = tpu.vector_load %arg8[%swap3A, %swap3A_50] {strides = array<i32>} : memref<80x16xf32, #tpu.memory_space<vmem>>, vector<1x16xf32>,
      %swap3A_52 = vector.shape_cast %swap3A_51 : vector<1x16xf32> to vector<16xf32>
      %swap3A_53 = vector.shape_cast %broadcast_in_dim3A_49 : vector<16xf32> to vector<1x16xf32>
      tpu.vector_store %arg8[%swap3A, %swap3A_50], %swap3A_53 {strides = array<i32>} : memref<80x16xf32, #tpu.memory_space<vmem>>, vector<1x16xf32>,
      %broadcast_in_dim3A_54 = arith.constant 0.000000e+00 : f32
      %broadcast_in_dim3A_55 = vector.broadcast %broadcast_in_dim3A_54 : f32 to vector<16xf32>
      %swap3A_56 = arith.index_cast %add3A_48 : i32 to index
      %swap3A_57 = arith.constant 0 : index
      %swap3A_58 = tpu.vector_load %arg9[%swap3A_56, %swap3A_57] {strides = array<i32>} : memref<80x16xf32, #tpu.memory_space<vmem>>, vector<1x16xf32>,
      %swap3A_59 = vector.shape_cast %swap3A_58 : vector<1x16xf32> to vector<16xf32>
      %swap3A_60 = vector.shape_cast %broadcast_in_dim3A_55 : vector<16xf32> to vector<1x16xf32>
      tpu.vector_store %arg9[%swap3A_56, %swap3A_57], %swap3A_60 {strides = array<i32>} : memref<80x16xf32, #tpu.memory_space<vmem>>, vector<1x16xf32>,
    }
    %scan3A_4 = arith.constant 80 : i32
    %scan3A_5 = arith.constant 0 : i32
    %scan3A_6 = arith.constant 8 : i32
    %scan3A_7 = arith.addi %scan3A_5, %scan3A_6 : i32
    %scan3A_8 = arith.constant 1 : i32
    scf.for %scan3A_44 = %scan3A_5 to %scan3A_7 step %scan3A_8  : i32 {
      %mul3A_45 = arith.constant 1 : i32
      %mul3A_46 = arith.muli %scan3A_44, %mul3A_45 : i32
      %add3A_47 = arith.constant 0 : i32
      %add3A_48 = arith.addi %add3A_47, %mul3A_46 : i32
      %mul3A_49 = arith.constant 16 : i32
      %mul3A_50 = arith.muli %mul3A_49, %add3A_48 : i32
      %add3A_51 = arith.addi %arg1, %mul3A_50 : i32
      %lt3A = arith.constant 125 : i32
      %lt3A_52 = arith.cmpi slt, %add3A_51, %lt3A : i32
      %convert_element_type3A = arith.extui %lt3A_52 : i1 to i32
      %cond3A = arith.constant 0 : i32
      %cond3A_53 = arith.cmpi ne, %convert_element_type3A, %cond3A : i32
      scf.if %cond3A_53 {
        %mul3A_54 = arith.constant 80 : i32
        %mul3A_55 = arith.muli %add3A_51, %mul3A_54 : i32
        %dma_start3A_56 = arith.constant 0 : i32
        %dma_start3A_57 = tpu.memref_slice %arg10[%mul3A_55, %dma_start3A_56] : memref<10000x16xf32, #tpu.memory_space<vmem_shared>> -> memref<80x16xf32, #tpu.memory_space<vmem_shared>>
        %dma_start3A_58 = arith.constant 0 : i32
        %dma_start3A_59 = tpu.memref_slice %arg10[%mul3A_55, %dma_start3A_58] : memref<10000x16xf32, #tpu.memory_space<vmem_shared>> -> memref<80x16xf32, #tpu.memory_space<vmem_shared>>
        tpu.enqueue_dma source(%arg9 : memref<80x16xf32, #tpu.memory_space<vmem>>) target(%dma_start3A_59 : memref<80x16xf32, #tpu.memory_space<vmem_shared>>) target_semaphore(%arg12 : memref<!tpu.dma_semaphore, #tpu.memory_space<semaphore_mem>>)
        %mul3A_60 = arith.constant 80 : i32
        %mul3A_61 = arith.muli %add3A_51, %mul3A_60 : i32
        %dma_start3A_62 = arith.constant 0 : i32
        %dma_start3A_63 = tpu.memref_slice %arg11[%mul3A_61, %dma_start3A_62] : memref<10000x16xf32, #tpu.memory_space<vmem_shared>> -> memref<80x16xf32, #tpu.memory_space<vmem_shared>>
        %dma_start3A_64 = arith.constant 0 : i32
        %dma_start3A_65 = tpu.memref_slice %arg11[%mul3A_61, %dma_start3A_64] : memref<10000x16xf32, #tpu.memory_space<vmem_shared>> -> memref<80x16xf32, #tpu.memory_space<vmem_shared>>
        tpu.enqueue_dma source(%arg9 : memref<80x16xf32, #tpu.memory_space<vmem>>) target(%dma_start3A_65 : memref<80x16xf32, #tpu.memory_space<vmem_shared>>) target_semaphore(%arg12 : memref<!tpu.dma_semaphore, #tpu.memory_space<semaphore_mem>>)
      } else {
      }
    }
    %scan3A_9 = arith.constant 8 : i32
    %scan3A_10 = arith.constant 0 : i32
    %scan3A_11 = arith.constant 8 : i32
    %scan3A_12 = arith.addi %scan3A_10, %scan3A_11 : i32
    %scan3A_13 = arith.constant 1 : i32
    scf.for %scan3A_44 = %scan3A_10 to %scan3A_12 step %scan3A_13  : i32 {
      %mul3A_45 = arith.constant 1 : i32
      %mul3A_46 = arith.muli %scan3A_44, %mul3A_45 : i32
      %add3A_47 = arith.constant 0 : i32
      %add3A_48 = arith.addi %add3A_47, %mul3A_46 : i32
      %mul3A_49 = arith.constant 16 : i32
      %mul3A_50 = arith.muli %mul3A_49, %add3A_48 : i32
      %add3A_51 = arith.addi %arg1, %mul3A_50 : i32
      %lt3A = arith.constant 125 : i32
      %lt3A_52 = arith.cmpi slt, %add3A_51, %lt3A : i32
      %convert_element_type3A = arith.extui %lt3A_52 : i1 to i32
      %cond3A = arith.constant 0 : i32
      %cond3A_53 = arith.cmpi ne, %convert_element_type3A, %cond3A : i32
      scf.if %cond3A_53 {
        %mul3A_54 = arith.constant 80 : i32
        %mul3A_55 = arith.muli %add3A_51, %mul3A_54 : i32
        %dma_wait3A = arith.constant 0 : i32
        %dma_wait3A_56 = tpu.memref_slice %arg10[%mul3A_55, %dma_wait3A] : memref<10000x16xf32, #tpu.memory_space<vmem_shared>> -> memref<80x16xf32, #tpu.memory_space<vmem_shared>>
        %dma_wait3A_57 = arith.constant 0 : i32
        %dma_wait3A_58 = tpu.memref_slice %arg10[%mul3A_55, %dma_wait3A_57] : memref<10000x16xf32, #tpu.memory_space<vmem_shared>> -> memref<80x16xf32, #tpu.memory_space<vmem_shared>>
        tpu.wait_dma2 semaphore(%arg12 : memref<!tpu.dma_semaphore, #tpu.memory_space<semaphore_mem>>) src(%arg9 : memref<80x16xf32, #tpu.memory_space<vmem>>) dst(%dma_wait3A_58 : memref<80x16xf32, #tpu.memory_space<vmem_shared>>)
        %mul3A_59 = arith.constant 80 : i32
        %mul3A_60 = arith.muli %add3A_51, %mul3A_59 : i32
        %dma_wait3A_61 = arith.constant 0 : i32
        %dma_wait3A_62 = tpu.memref_slice %arg11[%mul3A_60, %dma_wait3A_61] : memref<10000x16xf32, #tpu.memory_space<vmem_shared>> -> memref<80x16xf32, #tpu.memory_space<vmem_shared>>
        %dma_wait3A_63 = arith.constant 0 : i32
        %dma_wait3A_64 = tpu.memref_slice %arg11[%mul3A_60, %dma_wait3A_63] : memref<10000x16xf32, #tpu.memory_space<vmem_shared>> -> memref<80x16xf32, #tpu.memory_space<vmem_shared>>
        tpu.wait_dma2 semaphore(%arg12 : memref<!tpu.dma_semaphore, #tpu.memory_space<semaphore_mem>>) src(%arg9 : memref<80x16xf32, #tpu.memory_space<vmem>>) dst(%dma_wait3A_64 : memref<80x16xf32, #tpu.memory_space<vmem_shared>>)
      } else {
      }
    }
    %scan3A_14 = arith.constant 8 : i32
    %barrier3A = arith.constant 0 : index
    tpu.barrier barrier_id(%barrier3A)
    "tpu.region"() ({
      %run_scoped3A = tpu.sem_alloc : memref<!tpu.dma_semaphore, #tpu.memory_space<semaphore_mem>>
      %dma_start3A_44 = arith.constant 0 : i32
      %dma_start3A_45 = arith.constant 0 : i32
      %dma_start3A_46 = tpu.memref_slice %arg2[%add3A, %dma_start3A_44, %dma_start3A_45] : memref<32x125x80xi32, #tpu.memory_space<hbm>> -> memref<1x125x80xi32, #tpu.memory_space<hbm>>
      %dma_start3A_47 = tpu.memref_squeeze %dma_start3A_46 : memref<1x125x80xi32, #tpu.memory_space<hbm>> -> memref<125x80xi32, #tpu.memory_space<hbm>>
      %dma_start3A_48 = arith.constant 0 : i32
      %dma_start3A_49 = arith.constant 0 : i32
      %dma_start3A_50 = tpu.memref_slice %arg2[%add3A, %dma_start3A_48, %dma_start3A_49] : memref<32x125x80xi32, #tpu.memory_space<hbm>> -> memref<1x125x80xi32, #tpu.memory_space<hbm>>
      %dma_start3A_51 = tpu.memref_squeeze %dma_start3A_50 : memref<1x125x80xi32, #tpu.memory_space<hbm>> -> memref<125x80xi32, #tpu.memory_space<hbm>>
      tpu.enqueue_dma source(%dma_start3A_51 : memref<125x80xi32, #tpu.memory_space<hbm>>) target(%arg6 : memref<125x80xi32, #tpu.memory_space<vmem>>) target_semaphore(%run_scoped3A : memref<!tpu.dma_semaphore, #tpu.memory_space<semaphore_mem>>)
      %dma_wait3A = arith.constant 0 : i32
      %dma_wait3A_52 = arith.constant 0 : i32
      %dma_wait3A_53 = tpu.memref_slice %arg2[%add3A, %dma_wait3A, %dma_wait3A_52] : memref<32x125x80xi32, #tpu.memory_space<hbm>> -> memref<1x125x80xi32, #tpu.memory_space<hbm>>
      %dma_wait3A_54 = tpu.memref_squeeze %dma_wait3A_53 : memref<1x125x80xi32, #tpu.memory_space<hbm>> -> memref<125x80xi32, #tpu.memory_space<hbm>>
      %dma_wait3A_55 = arith.constant 0 : i32
      %dma_wait3A_56 = arith.constant 0 : i32
      %dma_wait3A_57 = tpu.memref_slice %arg2[%add3A, %dma_wait3A_55, %dma_wait3A_56] : memref<32x125x80xi32, #tpu.memory_space<hbm>> -> memref<1x125x80xi32, #tpu.memory_space<hbm>>
      %dma_wait3A_58 = tpu.memref_squeeze %dma_wait3A_57 : memref<1x125x80xi32, #tpu.memory_space<hbm>> -> memref<125x80xi32, #tpu.memory_space<hbm>>
      tpu.wait_dma2 semaphore(%run_scoped3A : memref<!tpu.dma_semaphore, #tpu.memory_space<semaphore_mem>>) src(%dma_wait3A_58 : memref<125x80xi32, #tpu.memory_space<hbm>>) dst(%arg6 : memref<125x80xi32, #tpu.memory_space<vmem>>)
      tpu.yield
    }) : () -> ()
    "tpu.region"() ({
      %run_scoped3A = tpu.sem_alloc : memref<!tpu.dma_semaphore, #tpu.memory_space<semaphore_mem>>
      %dma_start3A_44 = arith.constant 0 : i32
      %dma_start3A_45 = arith.constant 0 : i32
      %dma_start3A_46 = tpu.memref_slice %arg3[%add3A, %dma_start3A_44, %dma_start3A_45] : memref<32x125x80xi32, #tpu.memory_space<hbm>> -> memref<1x125x80xi32, #tpu.memory_space<hbm>>
      %dma_start3A_47 = tpu.memref_squeeze %dma_start3A_46 : memref<1x125x80xi32, #tpu.memory_space<hbm>> -> memref<125x80xi32, #tpu.memory_space<hbm>>
      %dma_start3A_48 = arith.constant 0 : i32
      %dma_start3A_49 = arith.constant 0 : i32
      %dma_start3A_50 = tpu.memref_slice %arg3[%add3A, %dma_start3A_48, %dma_start3A_49] : memref<32x125x80xi32, #tpu.memory_space<hbm>> -> memref<1x125x80xi32, #tpu.memory_space<hbm>>
      %dma_start3A_51 = tpu.memref_squeeze %dma_start3A_50 : memref<1x125x80xi32, #tpu.memory_space<hbm>> -> memref<125x80xi32, #tpu.memory_space<hbm>>
      tpu.enqueue_dma source(%dma_start3A_51 : memref<125x80xi32, #tpu.memory_space<hbm>>) target(%arg7 : memref<125x80xi32, #tpu.memory_space<vmem>>) target_semaphore(%run_scoped3A : memref<!tpu.dma_semaphore, #tpu.memory_space<semaphore_mem>>)
      %dma_wait3A = arith.constant 0 : i32
      %dma_wait3A_52 = arith.constant 0 : i32
      %dma_wait3A_53 = tpu.memref_slice %arg3[%add3A, %dma_wait3A, %dma_wait3A_52] : memref<32x125x80xi32, #tpu.memory_space<hbm>> -> memref<1x125x80xi32, #tpu.memory_space<hbm>>
      %dma_wait3A_54 = tpu.memref_squeeze %dma_wait3A_53 : memref<1x125x80xi32, #tpu.memory_space<hbm>> -> memref<125x80xi32, #tpu.memory_space<hbm>>
      %dma_wait3A_55 = arith.constant 0 : i32
      %dma_wait3A_56 = arith.constant 0 : i32
      %dma_wait3A_57 = tpu.memref_slice %arg3[%add3A, %dma_wait3A_55, %dma_wait3A_56] : memref<32x125x80xi32, #tpu.memory_space<hbm>> -> memref<1x125x80xi32, #tpu.memory_space<hbm>>
      %dma_wait3A_58 = tpu.memref_squeeze %dma_wait3A_57 : memref<1x125x80xi32, #tpu.memory_space<hbm>> -> memref<125x80xi32, #tpu.memory_space<hbm>>
      tpu.wait_dma2 semaphore(%run_scoped3A : memref<!tpu.dma_semaphore, #tpu.memory_space<semaphore_mem>>) src(%dma_wait3A_58 : memref<125x80xi32, #tpu.memory_space<hbm>>) dst(%arg7 : memref<125x80xi32, #tpu.memory_space<vmem>>)
      tpu.yield
    }) : () -> ()
    %dma_start3A = arith.constant 0 : i32
    %dma_start3A_15 = arith.constant 0 : i32
    %dma_start3A_16 = tpu.memref_slice %arg6[%dma_start3A, %dma_start3A_15] : memref<125x80xi32, #tpu.memory_space<vmem>> -> memref<1x80xi32, #tpu.memory_space<vmem>>
    %dma_start3A_17 = tpu.memref_squeeze %dma_start3A_16 : memref<1x80xi32, #tpu.memory_space<vmem>> -> memref<80xi32, #tpu.memory_space<vmem>>
    %dma_start3A_18 = arith.constant 0 : i32
    %dma_start3A_19 = arith.constant 0 : i32
    %dma_start3A_20 = tpu.memref_slice %arg10[%dma_start3A_18, %dma_start3A_19] : memref<10000x16xf32, #tpu.memory_space<vmem_shared>> -> memref<10000x16xf32, #tpu.memory_space<vmem_shared>>
    tpu.enqueue_indirect_dma source(%arg8 : memref<80x16xf32, #tpu.memory_space<vmem>>) target(%dma_start3A_20 : memref<10000x16xf32, #tpu.memory_space<vmem_shared>>) offsets(%dma_start3A_17 : memref<80xi32, #tpu.memory_space<vmem>>) semaphore(%arg13 : memref<!tpu.dma_semaphore, #tpu.memory_space<semaphore_mem>>) {add = true}
    %dma_start3A_21 = arith.constant 0 : i32
    %dma_start3A_22 = arith.constant 0 : i32
    %dma_start3A_23 = tpu.memref_slice %arg7[%dma_start3A_21, %dma_start3A_22] : memref<125x80xi32, #tpu.memory_space<vmem>> -> memref<1x80xi32, #tpu.memory_space<vmem>>
    %dma_start3A_24 = tpu.memref_squeeze %dma_start3A_23 : memref<1x80xi32, #tpu.memory_space<vmem>> -> memref<80xi32, #tpu.memory_space<vmem>>
    %dma_start3A_25 = arith.constant 0 : i32
    %dma_start3A_26 = arith.constant 0 : i32
    %dma_start3A_27 = tpu.memref_slice %arg11[%dma_start3A_25, %dma_start3A_26] : memref<10000x16xf32, #tpu.memory_space<vmem_shared>> -> memref<10000x16xf32, #tpu.memory_space<vmem_shared>>
    tpu.enqueue_indirect_dma source(%arg8 : memref<80x16xf32, #tpu.memory_space<vmem>>) target(%dma_start3A_27 : memref<10000x16xf32, #tpu.memory_space<vmem_shared>>) offsets(%dma_start3A_24 : memref<80xi32, #tpu.memory_space<vmem>>) semaphore(%arg14 : memref<!tpu.dma_semaphore, #tpu.memory_space<semaphore_mem>>) {add = true}
    %scan3A_28 = arith.constant 0 : i32
    %scan3A_29 = arith.constant 63 : i32
    %scan3A_30 = arith.addi %scan3A_28, %scan3A_29 : i32
    %scan3A_31 = arith.constant 1 : i32
    scf.for %scan3A_44 = %scan3A_28 to %scan3A_30 step %scan3A_31  : i32 {
      %mul3A_45 = arith.constant 2 : i32
      %mul3A_46 = arith.muli %scan3A_44, %mul3A_45 : i32
      %add3A_47 = arith.constant 0 : i32
      %add3A_48 = arith.addi %add3A_47, %mul3A_46 : i32
      %add3A_49 = arith.constant 1 : i32
      %add3A_50 = arith.addi %add3A_48, %add3A_49 : i32
      %lt3A = arith.constant 125 : i32
      %lt3A_51 = arith.cmpi slt, %add3A_50, %lt3A : i32
      %convert_element_type3A = arith.extui %lt3A_51 : i1 to i32
      %cond3A = arith.constant 0 : i32
      %cond3A_52 = arith.cmpi ne, %convert_element_type3A, %cond3A : i32
      scf.if %cond3A_52 {
        %add3A_78 = arith.constant 1 : i32
        %add3A_79 = arith.addi %add3A_48, %add3A_78 : i32
        %dma_start3A_80 = arith.constant 0 : i32
        %dma_start3A_81 = tpu.memref_slice %arg6[%add3A_79, %dma_start3A_80] : memref<125x80xi32, #tpu.memory_space<vmem>> -> memref<1x80xi32, #tpu.memory_space<vmem>>
        %dma_start3A_82 = tpu.memref_squeeze %dma_start3A_81 : memref<1x80xi32, #tpu.memory_space<vmem>> -> memref<80xi32, #tpu.memory_space<vmem>>
        %dma_start3A_83 = arith.constant 0 : i32
        %dma_start3A_84 = arith.constant 0 : i32
        %dma_start3A_85 = tpu.memref_slice %arg10[%dma_start3A_83, %dma_start3A_84] : memref<10000x16xf32, #tpu.memory_space<vmem_shared>> -> memref<10000x16xf32, #tpu.memory_space<vmem_shared>>
        tpu.enqueue_indirect_dma source(%arg8 : memref<80x16xf32, #tpu.memory_space<vmem>>) target(%dma_start3A_85 : memref<10000x16xf32, #tpu.memory_space<vmem_shared>>) offsets(%dma_start3A_82 : memref<80xi32, #tpu.memory_space<vmem>>) semaphore(%arg15 : memref<!tpu.dma_semaphore, #tpu.memory_space<semaphore_mem>>) {add = true}
        %add3A_86 = arith.constant 1 : i32
        %add3A_87 = arith.addi %add3A_48, %add3A_86 : i32
        %dma_start3A_88 = arith.constant 0 : i32
        %dma_start3A_89 = tpu.memref_slice %arg7[%add3A_87, %dma_start3A_88] : memref<125x80xi32, #tpu.memory_space<vmem>> -> memref<1x80xi32, #tpu.memory_space<vmem>>
        %dma_start3A_90 = tpu.memref_squeeze %dma_start3A_89 : memref<1x80xi32, #tpu.memory_space<vmem>> -> memref<80xi32, #tpu.memory_space<vmem>>
        %dma_start3A_91 = arith.constant 0 : i32
        %dma_start3A_92 = arith.constant 0 : i32
        %dma_start3A_93 = tpu.memref_slice %arg11[%dma_start3A_91, %dma_start3A_92] : memref<10000x16xf32, #tpu.memory_space<vmem_shared>> -> memref<10000x16xf32, #tpu.memory_space<vmem_shared>>
        tpu.enqueue_indirect_dma source(%arg8 : memref<80x16xf32, #tpu.memory_space<vmem>>) target(%dma_start3A_93 : memref<10000x16xf32, #tpu.memory_space<vmem_shared>>) offsets(%dma_start3A_90 : memref<80xi32, #tpu.memory_space<vmem>>) semaphore(%arg16 : memref<!tpu.dma_semaphore, #tpu.memory_space<semaphore_mem>>) {add = true}
      } else {
      }
      %dma_wait3A = arith.constant 0 : i32
      %dma_wait3A_53 = tpu.memref_slice %arg6[%add3A_48, %dma_wait3A] : memref<125x80xi32, #tpu.memory_space<vmem>> -> memref<1x80xi32, #tpu.memory_space<vmem>>
      %dma_wait3A_54 = tpu.memref_squeeze %dma_wait3A_53 : memref<1x80xi32, #tpu.memory_space<vmem>> -> memref<80xi32, #tpu.memory_space<vmem>>
      %dma_wait3A_55 = arith.constant 0 : i32
      %dma_wait3A_56 = arith.constant 0 : i32
      %dma_wait3A_57 = tpu.memref_slice %arg10[%dma_wait3A_55, %dma_wait3A_56] : memref<10000x16xf32, #tpu.memory_space<vmem_shared>> -> memref<10000x16xf32, #tpu.memory_space<vmem_shared>>
      tpu.wait_indirect_dma semaphore(%arg13 : memref<!tpu.dma_semaphore, #tpu.memory_space<semaphore_mem>>) src(%arg8 : memref<80x16xf32, #tpu.memory_space<vmem>>) dst(%dma_wait3A_57 : memref<10000x16xf32, #tpu.memory_space<vmem_shared>>)
      %dma_wait3A_58 = arith.constant 0 : i32
      %dma_wait3A_59 = tpu.memref_slice %arg7[%add3A_48, %dma_wait3A_58] : memref<125x80xi32, #tpu.memory_space<vmem>> -> memref<1x80xi32, #tpu.memory_space<vmem>>
      %dma_wait3A_60 = tpu.memref_squeeze %dma_wait3A_59 : memref<1x80xi32, #tpu.memory_space<vmem>> -> memref<80xi32, #tpu.memory_space<vmem>>
      %dma_wait3A_61 = arith.constant 0 : i32
      %dma_wait3A_62 = arith.constant 0 : i32
      %dma_wait3A_63 = tpu.memref_slice %arg11[%dma_wait3A_61, %dma_wait3A_62] : memref<10000x16xf32, #tpu.memory_space<vmem_shared>> -> memref<10000x16xf32, #tpu.memory_space<vmem_shared>>
      tpu.wait_indirect_dma semaphore(%arg14 : memref<!tpu.dma_semaphore, #tpu.memory_space<semaphore_mem>>) src(%arg8 : memref<80x16xf32, #tpu.memory_space<vmem>>) dst(%dma_wait3A_63 : memref<10000x16xf32, #tpu.memory_space<vmem_shared>>)
      %add3A_64 = arith.constant 2 : i32
      %add3A_65 = arith.addi %add3A_48, %add3A_64 : i32
      %lt3A_66 = arith.constant 125 : i32
      %lt3A_67 = arith.cmpi slt, %add3A_65, %lt3A_66 : i32
      %convert_element_type3A_68 = arith.extui %lt3A_67 : i1 to i32
      %cond3A_69 = arith.constant 0 : i32
      %cond3A_70 = arith.cmpi ne, %convert_element_type3A_68, %cond3A_69 : i32
      scf.if %cond3A_70 {
        %add3A_78 = arith.constant 2 : i32
        %add3A_79 = arith.addi %add3A_48, %add3A_78 : i32
        %dma_start3A_80 = arith.constant 0 : i32
        %dma_start3A_81 = tpu.memref_slice %arg6[%add3A_79, %dma_start3A_80] : memref<125x80xi32, #tpu.memory_space<vmem>> -> memref<1x80xi32, #tpu.memory_space<vmem>>
        %dma_start3A_82 = tpu.memref_squeeze %dma_start3A_81 : memref<1x80xi32, #tpu.memory_space<vmem>> -> memref<80xi32, #tpu.memory_space<vmem>>
        %dma_start3A_83 = arith.constant 0 : i32
        %dma_start3A_84 = arith.constant 0 : i32
        %dma_start3A_85 = tpu.memref_slice %arg10[%dma_start3A_83, %dma_start3A_84] : memref<10000x16xf32, #tpu.memory_space<vmem_shared>> -> memref<10000x16xf32, #tpu.memory_space<vmem_shared>>
        tpu.enqueue_indirect_dma source(%arg8 : memref<80x16xf32, #tpu.memory_space<vmem>>) target(%dma_start3A_85 : memref<10000x16xf32, #tpu.memory_space<vmem_shared>>) offsets(%dma_start3A_82 : memref<80xi32, #tpu.memory_space<vmem>>) semaphore(%arg13 : memref<!tpu.dma_semaphore, #tpu.memory_space<semaphore_mem>>) {add = true}
        %add3A_86 = arith.constant 2 : i32
        %add3A_87 = arith.addi %add3A_48, %add3A_86 : i32
        %dma_start3A_88 = arith.constant 0 : i32
        %dma_start3A_89 = tpu.memref_slice %arg7[%add3A_87, %dma_start3A_88] : memref<125x80xi32, #tpu.memory_space<vmem>> -> memref<1x80xi32, #tpu.memory_space<vmem>>
        %dma_start3A_90 = tpu.memref_squeeze %dma_start3A_89 : memref<1x80xi32, #tpu.memory_space<vmem>> -> memref<80xi32, #tpu.memory_space<vmem>>
        %dma_start3A_91 = arith.constant 0 : i32
        %dma_start3A_92 = arith.constant 0 : i32
        %dma_start3A_93 = tpu.memref_slice %arg11[%dma_start3A_91, %dma_start3A_92] : memref<10000x16xf32, #tpu.memory_space<vmem_shared>> -> memref<10000x16xf32, #tpu.memory_space<vmem_shared>>
        tpu.enqueue_indirect_dma source(%arg8 : memref<80x16xf32, #tpu.memory_space<vmem>>) target(%dma_start3A_93 : memref<10000x16xf32, #tpu.memory_space<vmem_shared>>) offsets(%dma_start3A_90 : memref<80xi32, #tpu.memory_space<vmem>>) semaphore(%arg14 : memref<!tpu.dma_semaphore, #tpu.memory_space<semaphore_mem>>) {add = true}
      } else {
      }
      %add3A_71 = arith.constant 1 : i32
      %add3A_72 = arith.addi %add3A_48, %add3A_71 : i32
      %lt3A_73 = arith.constant 125 : i32
      %lt3A_74 = arith.cmpi slt, %add3A_72, %lt3A_73 : i32
      %convert_element_type3A_75 = arith.extui %lt3A_74 : i1 to i32
      %cond3A_76 = arith.constant 0 : i32
      %cond3A_77 = arith.cmpi ne, %convert_element_type3A_75, %cond3A_76 : i32
      scf.if %cond3A_77 {
        %add3A_78 = arith.constant 1 : i32
        %add3A_79 = arith.addi %add3A_48, %add3A_78 : i32
        %dma_wait3A_80 = arith.constant 0 : i32
        %dma_wait3A_81 = tpu.memref_slice %arg6[%add3A_79, %dma_wait3A_80] : memref<125x80xi32, #tpu.memory_space<vmem>> -> memref<1x80xi32, #tpu.memory_space<vmem>>
        %dma_wait3A_82 = tpu.memref_squeeze %dma_wait3A_81 : memref<1x80xi32, #tpu.memory_space<vmem>> -> memref<80xi32, #tpu.memory_space<vmem>>
        %dma_wait3A_83 = arith.constant 0 : i32
        %dma_wait3A_84 = arith.constant 0 : i32
        %dma_wait3A_85 = tpu.memref_slice %arg10[%dma_wait3A_83, %dma_wait3A_84] : memref<10000x16xf32, #tpu.memory_space<vmem_shared>> -> memref<10000x16xf32, #tpu.memory_space<vmem_shared>>
        tpu.wait_indirect_dma semaphore(%arg15 : memref<!tpu.dma_semaphore, #tpu.memory_space<semaphore_mem>>) src(%arg8 : memref<80x16xf32, #tpu.memory_space<vmem>>) dst(%dma_wait3A_85 : memref<10000x16xf32, #tpu.memory_space<vmem_shared>>)
        %add3A_86 = arith.constant 1 : i32
        %add3A_87 = arith.addi %add3A_48, %add3A_86 : i32
        %dma_wait3A_88 = arith.constant 0 : i32
        %dma_wait3A_89 = tpu.memref_slice %arg7[%add3A_87, %dma_wait3A_88] : memref<125x80xi32, #tpu.memory_space<vmem>> -> memref<1x80xi32, #tpu.memory_space<vmem>>
        %dma_wait3A_90 = tpu.memref_squeeze %dma_wait3A_89 : memref<1x80xi32, #tpu.memory_space<vmem>> -> memref<80xi32, #tpu.memory_space<vmem>>
        %dma_wait3A_91 = arith.constant 0 : i32
        %dma_wait3A_92 = arith.constant 0 : i32
        %dma_wait3A_93 = tpu.memref_slice %arg11[%dma_wait3A_91, %dma_wait3A_92] : memref<10000x16xf32, #tpu.memory_space<vmem_shared>> -> memref<10000x16xf32, #tpu.memory_space<vmem_shared>>
        tpu.wait_indirect_dma semaphore(%arg16 : memref<!tpu.dma_semaphore, #tpu.memory_space<semaphore_mem>>) src(%arg8 : memref<80x16xf32, #tpu.memory_space<vmem>>) dst(%dma_wait3A_93 : memref<10000x16xf32, #tpu.memory_space<vmem_shared>>)
      } else {
      }
    }
    %scan3A_32 = arith.constant 63 : i32
    %barrier3A_33 = arith.constant 0 : index
    tpu.barrier barrier_id(%barrier3A_33)
    %scan3A_34 = arith.constant 0 : i32
    %scan3A_35 = arith.constant 8 : i32
    %scan3A_36 = arith.addi %scan3A_34, %scan3A_35 : i32
    %scan3A_37 = arith.constant 1 : i32
    scf.for %scan3A_44 = %scan3A_34 to %scan3A_36 step %scan3A_37  : i32 {
      %mul3A_45 = arith.constant 1 : i32
      %mul3A_46 = arith.muli %scan3A_44, %mul3A_45 : i32
      %add3A_47 = arith.constant 0 : i32
      %add3A_48 = arith.addi %add3A_47, %mul3A_46 : i32
      %mul3A_49 = arith.constant 16 : i32
      %mul3A_50 = arith.muli %mul3A_49, %add3A_48 : i32
      %add3A_51 = arith.addi %arg1, %mul3A_50 : i32
      %lt3A = arith.constant 125 : i32
      %lt3A_52 = arith.cmpi slt, %add3A_51, %lt3A : i32
      %convert_element_type3A = arith.extui %lt3A_52 : i1 to i32
      %cond3A = arith.constant 0 : i32
      %cond3A_53 = arith.cmpi ne, %convert_element_type3A, %cond3A : i32
      scf.if %cond3A_53 {
        %mul3A_54 = arith.constant 80 : i32
        %mul3A_55 = arith.muli %add3A_51, %mul3A_54 : i32
        %dma_start3A_56 = arith.constant 0 : i32
        %dma_start3A_57 = tpu.memref_slice %arg4[%arg0, %mul3A_55, %dma_start3A_56] : memref<2x10000x16xf32, #tpu.memory_space<hbm>> -> memref<1x80x16xf32, #tpu.memory_space<hbm>>
        %dma_start3A_58 = tpu.memref_squeeze %dma_start3A_57 : memref<1x80x16xf32, #tpu.memory_space<hbm>> -> memref<80x16xf32, #tpu.memory_space<hbm>>
        %dma_start3A_59 = arith.constant 0 : i32
        %dma_start3A_60 = tpu.memref_slice %arg10[%mul3A_55, %dma_start3A_59] : memref<10000x16xf32, #tpu.memory_space<vmem_shared>> -> memref<80x16xf32, #tpu.memory_space<vmem_shared>>
        tpu.enqueue_dma source(%dma_start3A_60 : memref<80x16xf32, #tpu.memory_space<vmem_shared>>) target(%dma_start3A_58 : memref<80x16xf32, #tpu.memory_space<hbm>>) target_semaphore(%arg12 : memref<!tpu.dma_semaphore, #tpu.memory_space<semaphore_mem>>)
        %dma_start3A_61 = arith.constant 0 : i32
        %dma_start3A_62 = tpu.memref_slice %arg5[%arg0, %mul3A_55, %dma_start3A_61] : memref<2x10000x16xf32, #tpu.memory_space<hbm>> -> memref<1x80x16xf32, #tpu.memory_space<hbm>>
        %dma_start3A_63 = tpu.memref_squeeze %dma_start3A_62 : memref<1x80x16xf32, #tpu.memory_space<hbm>> -> memref<80x16xf32, #tpu.memory_space<hbm>>
        %dma_start3A_64 = arith.constant 0 : i32
        %dma_start3A_65 = tpu.memref_slice %arg11[%mul3A_55, %dma_start3A_64] : memref<10000x16xf32, #tpu.memory_space<vmem_shared>> -> memref<80x16xf32, #tpu.memory_space<vmem_shared>>
        tpu.enqueue_dma source(%dma_start3A_65 : memref<80x16xf32, #tpu.memory_space<vmem_shared>>) target(%dma_start3A_63 : memref<80x16xf32, #tpu.memory_space<hbm>>) target_semaphore(%arg12 : memref<!tpu.dma_semaphore, #tpu.memory_space<semaphore_mem>>)
      } else {
      }
    }
    %scan3A_38 = arith.constant 8 : i32
    %scan3A_39 = arith.constant 0 : i32
    %scan3A_40 = arith.constant 8 : i32
    %scan3A_41 = arith.addi %scan3A_39, %scan3A_40 : i32
    %scan3A_42 = arith.constant 1 : i32
    scf.for %scan3A_44 = %scan3A_39 to %scan3A_41 step %scan3A_42  : i32 {
      %mul3A_45 = arith.constant 1 : i32
      %mul3A_46 = arith.muli %scan3A_44, %mul3A_45 : i32
      %add3A_47 = arith.constant 0 : i32
      %add3A_48 = arith.addi %add3A_47, %mul3A_46 : i32
      %mul3A_49 = arith.constant 16 : i32
      %mul3A_50 = arith.muli %mul3A_49, %add3A_48 : i32
      %add3A_51 = arith.addi %arg1, %mul3A_50 : i32
      %lt3A = arith.constant 125 : i32
      %lt3A_52 = arith.cmpi slt, %add3A_51, %lt3A : i32
      %convert_element_type3A = arith.extui %lt3A_52 : i1 to i32
      %cond3A = arith.constant 0 : i32
      %cond3A_53 = arith.cmpi ne, %convert_element_type3A, %cond3A : i32
      scf.if %cond3A_53 {
        %mul3A_54 = arith.constant 80 : i32
        %mul3A_55 = arith.muli %add3A_51, %mul3A_54 : i32
        %dma_wait3A = arith.constant 0 : i32
        %dma_wait3A_56 = tpu.memref_slice %arg4[%arg0, %mul3A_55, %dma_wait3A] : memref<2x10000x16xf32, #tpu.memory_space<hbm>> -> memref<1x80x16xf32, #tpu.memory_space<hbm>>
        %dma_wait3A_57 = tpu.memref_squeeze %dma_wait3A_56 : memref<1x80x16xf32, #tpu.memory_space<hbm>> -> memref<80x16xf32, #tpu.memory_space<hbm>>
        %dma_wait3A_58 = arith.constant 0 : i32
        %dma_wait3A_59 = tpu.memref_slice %arg10[%mul3A_55, %dma_wait3A_58] : memref<10000x16xf32, #tpu.memory_space<vmem_shared>> -> memref<80x16xf32, #tpu.memory_space<vmem_shared>>
        tpu.wait_dma2 semaphore(%arg12 : memref<!tpu.dma_semaphore, #tpu.memory_space<semaphore_mem>>) src(%dma_wait3A_59 : memref<80x16xf32, #tpu.memory_space<vmem_shared>>) dst(%dma_wait3A_57 : memref<80x16xf32, #tpu.memory_space<hbm>>)
        %dma_wait3A_60 = arith.constant 0 : i32
        %dma_wait3A_61 = tpu.memref_slice %arg5[%arg0, %mul3A_55, %dma_wait3A_60] : memref<2x10000x16xf32, #tpu.memory_space<hbm>> -> memref<1x80x16xf32, #tpu.memory_space<hbm>>
        %dma_wait3A_62 = tpu.memref_squeeze %dma_wait3A_61 : memref<1x80x16xf32, #tpu.memory_space<hbm>> -> memref<80x16xf32, #tpu.memory_space<hbm>>
        %dma_wait3A_63 = arith.constant 0 : i32
        %dma_wait3A_64 = tpu.memref_slice %arg11[%mul3A_55, %dma_wait3A_63] : memref<10000x16xf32, #tpu.memory_space<vmem_shared>> -> memref<80x16xf32, #tpu.memory_space<vmem_shared>>
        tpu.wait_dma2 semaphore(%arg12 : memref<!tpu.dma_semaphore, #tpu.memory_space<semaphore_mem>>) src(%dma_wait3A_64 : memref<80x16xf32, #tpu.memory_space<vmem_shared>>) dst(%dma_wait3A_62 : memref<80x16xf32, #tpu.memory_space<hbm>>)
      } else {
      }
    }
    %scan3A_43 = arith.constant 8 : i32
    return
  }
}

#map = affine_map<(d0, d1) -> (0, 0)>
#map1 = affine_map<(d0, d1) -> (0, 0, 0)>
module attributes {stable_mosaic.version = 14 : i64} {
  func.func @agg_kernel(%arg0: i32, %arg1: i32, %arg2: memref<10000x48xf32, #tpu.memory_space<hbm>>, %arg3: memref<32x125x80xi32, #tpu.memory_space<hbm>>, %arg4: memref<32x125x80xi32, #tpu.memory_space<hbm>>, %arg5: memref<2x10000x48xf32, #tpu.memory_space<hbm>>, %arg6: memref<125x80xi32, #tpu.memory_space<vmem>>, %arg7: memref<125x80xi32, #tpu.memory_space<vmem>>, %arg8: memref<80x48xf32, #tpu.memory_space<vmem>>, %arg9: memref<80x48xf32, #tpu.memory_space<vmem>>, %arg10: memref<80x48xf32, #tpu.memory_space<vmem>>, %arg11: memref<10000x48xf32, #tpu.memory_space<vmem_shared>>, %arg12: memref<!tpu.dma_semaphore, #tpu.memory_space<semaphore_mem>>, %arg13: memref<!tpu.dma_semaphore, #tpu.memory_space<semaphore_mem>>, %arg14: memref<!tpu.dma_semaphore, #tpu.memory_space<semaphore_mem>>, %arg15: memref<!tpu.dma_semaphore, #tpu.memory_space<semaphore_mem>>, %arg16: memref<!tpu.dma_semaphore, #tpu.memory_space<semaphore_mem>>, %arg17: memref<!tpu.dma_semaphore, #tpu.memory_space<semaphore_mem>>) attributes {dimension_semantics = [#tpu.dimension_semantics<core_parallel>, #tpu.dimension_semantics<subcore_parallel>], iteration_bounds = array<i64: 2, 16>, scalar_prefetch = 0 : i64, scratch_operands = 12 : i64, tpu.core_type = #tpu.core_type<sc_vector_subcore>, window_params = [{transform_indices = #map}, {transform_indices = #map1}, {transform_indices = #map1}, {transform_indices = #map1}]} {
    %mul3A = arith.constant 2 : i32
    %mul3A_0 = arith.muli %arg1, %mul3A : i32
    %add3A = arith.addi %mul3A_0, %arg0 : i32
    %scan3A = arith.constant 0 : i32
    %scan3A_1 = arith.constant 80 : i32
    %scan3A_2 = arith.addi %scan3A, %scan3A_1 : i32
    %scan3A_3 = arith.constant 1 : i32
    scf.for %scan3A_51 = %scan3A to %scan3A_2 step %scan3A_3  : i32 {
      %mul3A_52 = arith.constant 1 : i32
      %mul3A_53 = arith.muli %scan3A_51, %mul3A_52 : i32
      %add3A_54 = arith.constant 0 : i32
      %add3A_55 = arith.addi %add3A_54, %mul3A_53 : i32
      %scan3A_56 = arith.constant 0 : i32
      %scan3A_57 = arith.constant 3 : i32
      %scan3A_58 = arith.addi %scan3A_56, %scan3A_57 : i32
      %scan3A_59 = arith.constant 1 : i32
      scf.for %scan3A_61 = %scan3A_56 to %scan3A_58 step %scan3A_59  : i32 {
        %mul3A_62 = arith.constant 16 : i32
        %mul3A_63 = arith.muli %scan3A_61, %mul3A_62 : i32
        %add3A_64 = arith.constant 0 : i32
        %add3A_65 = arith.addi %add3A_64, %mul3A_63 : i32
        %broadcast_in_dim3A = arith.constant 0.000000e+00 : f32
        %broadcast_in_dim3A_66 = vector.broadcast %broadcast_in_dim3A : f32 to vector<16xf32>
        %swap3A = arith.index_cast %add3A_55 : i32 to index
        %swap3A_67 = arith.index_cast %add3A_65 : i32 to index
        %swap3A_68 = tpu.vector_load %arg8[%swap3A, %swap3A_67] {strides = array<i32>} : memref<80x48xf32, #tpu.memory_space<vmem>>, vector<1x16xf32>,
        %swap3A_69 = vector.shape_cast %swap3A_68 : vector<1x16xf32> to vector<16xf32>
        %swap3A_70 = vector.shape_cast %broadcast_in_dim3A_66 : vector<16xf32> to vector<1x16xf32>
        tpu.vector_store %arg8[%swap3A, %swap3A_67], %swap3A_70 {strides = array<i32>} : memref<80x48xf32, #tpu.memory_space<vmem>>, vector<1x16xf32>,
      }
      %scan3A_60 = arith.constant 3 : i32
    }
    %scan3A_4 = arith.constant 80 : i32
    %scan3A_5 = arith.constant 0 : i32
    %scan3A_6 = arith.constant 8 : i32
    %scan3A_7 = arith.addi %scan3A_5, %scan3A_6 : i32
    %scan3A_8 = arith.constant 1 : i32
    scf.for %scan3A_51 = %scan3A_5 to %scan3A_7 step %scan3A_8  : i32 {
      %mul3A_52 = arith.constant 1 : i32
      %mul3A_53 = arith.muli %scan3A_51, %mul3A_52 : i32
      %add3A_54 = arith.constant 0 : i32
      %add3A_55 = arith.addi %add3A_54, %mul3A_53 : i32
      %mul3A_56 = arith.constant 16 : i32
      %mul3A_57 = arith.muli %mul3A_56, %add3A_55 : i32
      %add3A_58 = arith.addi %arg1, %mul3A_57 : i32
      %lt3A = arith.constant 125 : i32
      %lt3A_59 = arith.cmpi slt, %add3A_58, %lt3A : i32
      %convert_element_type3A = arith.extui %lt3A_59 : i1 to i32
      %cond3A = arith.constant 0 : i32
      %cond3A_60 = arith.cmpi ne, %convert_element_type3A, %cond3A : i32
      scf.if %cond3A_60 {
        %mul3A_61 = arith.constant 80 : i32
        %mul3A_62 = arith.muli %add3A_58, %mul3A_61 : i32
        %dma_start3A_63 = arith.constant 0 : i32
        %dma_start3A_64 = tpu.memref_slice %arg11[%mul3A_62, %dma_start3A_63] : memref<10000x48xf32, #tpu.memory_space<vmem_shared>> -> memref<80x48xf32, #tpu.memory_space<vmem_shared>>
        %dma_start3A_65 = arith.constant 0 : i32
        %dma_start3A_66 = tpu.memref_slice %arg11[%mul3A_62, %dma_start3A_65] : memref<10000x48xf32, #tpu.memory_space<vmem_shared>> -> memref<80x48xf32, #tpu.memory_space<vmem_shared>>
        tpu.enqueue_dma source(%arg8 : memref<80x48xf32, #tpu.memory_space<vmem>>) target(%dma_start3A_66 : memref<80x48xf32, #tpu.memory_space<vmem_shared>>) target_semaphore(%arg15 : memref<!tpu.dma_semaphore, #tpu.memory_space<semaphore_mem>>)
      } else {
      }
    }
    %scan3A_9 = arith.constant 8 : i32
    %scan3A_10 = arith.constant 0 : i32
    %scan3A_11 = arith.constant 8 : i32
    %scan3A_12 = arith.addi %scan3A_10, %scan3A_11 : i32
    %scan3A_13 = arith.constant 1 : i32
    scf.for %scan3A_51 = %scan3A_10 to %scan3A_12 step %scan3A_13  : i32 {
      %mul3A_52 = arith.constant 1 : i32
      %mul3A_53 = arith.muli %scan3A_51, %mul3A_52 : i32
      %add3A_54 = arith.constant 0 : i32
      %add3A_55 = arith.addi %add3A_54, %mul3A_53 : i32
      %mul3A_56 = arith.constant 16 : i32
      %mul3A_57 = arith.muli %mul3A_56, %add3A_55 : i32
      %add3A_58 = arith.addi %arg1, %mul3A_57 : i32
      %lt3A = arith.constant 125 : i32
      %lt3A_59 = arith.cmpi slt, %add3A_58, %lt3A : i32
      %convert_element_type3A = arith.extui %lt3A_59 : i1 to i32
      %cond3A = arith.constant 0 : i32
      %cond3A_60 = arith.cmpi ne, %convert_element_type3A, %cond3A : i32
      scf.if %cond3A_60 {
        %mul3A_61 = arith.constant 80 : i32
        %mul3A_62 = arith.muli %add3A_58, %mul3A_61 : i32
        %dma_wait3A = arith.constant 0 : i32
        %dma_wait3A_63 = tpu.memref_slice %arg11[%mul3A_62, %dma_wait3A] : memref<10000x48xf32, #tpu.memory_space<vmem_shared>> -> memref<80x48xf32, #tpu.memory_space<vmem_shared>>
        %dma_wait3A_64 = arith.constant 0 : i32
        %dma_wait3A_65 = tpu.memref_slice %arg11[%mul3A_62, %dma_wait3A_64] : memref<10000x48xf32, #tpu.memory_space<vmem_shared>> -> memref<80x48xf32, #tpu.memory_space<vmem_shared>>
        tpu.wait_dma2 semaphore(%arg15 : memref<!tpu.dma_semaphore, #tpu.memory_space<semaphore_mem>>) src(%arg8 : memref<80x48xf32, #tpu.memory_space<vmem>>) dst(%dma_wait3A_65 : memref<80x48xf32, #tpu.memory_space<vmem_shared>>)
      } else {
      }
    }
    %scan3A_14 = arith.constant 8 : i32
    %barrier3A = arith.constant 0 : index
    tpu.barrier barrier_id(%barrier3A)
    "tpu.region"() ({
      %run_scoped3A = tpu.sem_alloc : memref<!tpu.dma_semaphore, #tpu.memory_space<semaphore_mem>>
      %dma_start3A_51 = arith.constant 0 : i32
      %dma_start3A_52 = arith.constant 0 : i32
      %dma_start3A_53 = tpu.memref_slice %arg3[%add3A, %dma_start3A_51, %dma_start3A_52] : memref<32x125x80xi32, #tpu.memory_space<hbm>> -> memref<1x125x80xi32, #tpu.memory_space<hbm>>
      %dma_start3A_54 = tpu.memref_squeeze %dma_start3A_53 : memref<1x125x80xi32, #tpu.memory_space<hbm>> -> memref<125x80xi32, #tpu.memory_space<hbm>>
      %dma_start3A_55 = arith.constant 0 : i32
      %dma_start3A_56 = arith.constant 0 : i32
      %dma_start3A_57 = tpu.memref_slice %arg3[%add3A, %dma_start3A_55, %dma_start3A_56] : memref<32x125x80xi32, #tpu.memory_space<hbm>> -> memref<1x125x80xi32, #tpu.memory_space<hbm>>
      %dma_start3A_58 = tpu.memref_squeeze %dma_start3A_57 : memref<1x125x80xi32, #tpu.memory_space<hbm>> -> memref<125x80xi32, #tpu.memory_space<hbm>>
      tpu.enqueue_dma source(%dma_start3A_58 : memref<125x80xi32, #tpu.memory_space<hbm>>) target(%arg6 : memref<125x80xi32, #tpu.memory_space<vmem>>) target_semaphore(%run_scoped3A : memref<!tpu.dma_semaphore, #tpu.memory_space<semaphore_mem>>)
      %dma_wait3A = arith.constant 0 : i32
      %dma_wait3A_59 = arith.constant 0 : i32
      %dma_wait3A_60 = tpu.memref_slice %arg3[%add3A, %dma_wait3A, %dma_wait3A_59] : memref<32x125x80xi32, #tpu.memory_space<hbm>> -> memref<1x125x80xi32, #tpu.memory_space<hbm>>
      %dma_wait3A_61 = tpu.memref_squeeze %dma_wait3A_60 : memref<1x125x80xi32, #tpu.memory_space<hbm>> -> memref<125x80xi32, #tpu.memory_space<hbm>>
      %dma_wait3A_62 = arith.constant 0 : i32
      %dma_wait3A_63 = arith.constant 0 : i32
      %dma_wait3A_64 = tpu.memref_slice %arg3[%add3A, %dma_wait3A_62, %dma_wait3A_63] : memref<32x125x80xi32, #tpu.memory_space<hbm>> -> memref<1x125x80xi32, #tpu.memory_space<hbm>>
      %dma_wait3A_65 = tpu.memref_squeeze %dma_wait3A_64 : memref<1x125x80xi32, #tpu.memory_space<hbm>> -> memref<125x80xi32, #tpu.memory_space<hbm>>
      tpu.wait_dma2 semaphore(%run_scoped3A : memref<!tpu.dma_semaphore, #tpu.memory_space<semaphore_mem>>) src(%dma_wait3A_65 : memref<125x80xi32, #tpu.memory_space<hbm>>) dst(%arg6 : memref<125x80xi32, #tpu.memory_space<vmem>>)
      tpu.yield
    }) : () -> ()
    "tpu.region"() ({
      %run_scoped3A = tpu.sem_alloc : memref<!tpu.dma_semaphore, #tpu.memory_space<semaphore_mem>>
      %dma_start3A_51 = arith.constant 0 : i32
      %dma_start3A_52 = arith.constant 0 : i32
      %dma_start3A_53 = tpu.memref_slice %arg4[%add3A, %dma_start3A_51, %dma_start3A_52] : memref<32x125x80xi32, #tpu.memory_space<hbm>> -> memref<1x125x80xi32, #tpu.memory_space<hbm>>
      %dma_start3A_54 = tpu.memref_squeeze %dma_start3A_53 : memref<1x125x80xi32, #tpu.memory_space<hbm>> -> memref<125x80xi32, #tpu.memory_space<hbm>>
      %dma_start3A_55 = arith.constant 0 : i32
      %dma_start3A_56 = arith.constant 0 : i32
      %dma_start3A_57 = tpu.memref_slice %arg4[%add3A, %dma_start3A_55, %dma_start3A_56] : memref<32x125x80xi32, #tpu.memory_space<hbm>> -> memref<1x125x80xi32, #tpu.memory_space<hbm>>
      %dma_start3A_58 = tpu.memref_squeeze %dma_start3A_57 : memref<1x125x80xi32, #tpu.memory_space<hbm>> -> memref<125x80xi32, #tpu.memory_space<hbm>>
      tpu.enqueue_dma source(%dma_start3A_58 : memref<125x80xi32, #tpu.memory_space<hbm>>) target(%arg7 : memref<125x80xi32, #tpu.memory_space<vmem>>) target_semaphore(%run_scoped3A : memref<!tpu.dma_semaphore, #tpu.memory_space<semaphore_mem>>)
      %dma_wait3A = arith.constant 0 : i32
      %dma_wait3A_59 = arith.constant 0 : i32
      %dma_wait3A_60 = tpu.memref_slice %arg4[%add3A, %dma_wait3A, %dma_wait3A_59] : memref<32x125x80xi32, #tpu.memory_space<hbm>> -> memref<1x125x80xi32, #tpu.memory_space<hbm>>
      %dma_wait3A_61 = tpu.memref_squeeze %dma_wait3A_60 : memref<1x125x80xi32, #tpu.memory_space<hbm>> -> memref<125x80xi32, #tpu.memory_space<hbm>>
      %dma_wait3A_62 = arith.constant 0 : i32
      %dma_wait3A_63 = arith.constant 0 : i32
      %dma_wait3A_64 = tpu.memref_slice %arg4[%add3A, %dma_wait3A_62, %dma_wait3A_63] : memref<32x125x80xi32, #tpu.memory_space<hbm>> -> memref<1x125x80xi32, #tpu.memory_space<hbm>>
      %dma_wait3A_65 = tpu.memref_squeeze %dma_wait3A_64 : memref<1x125x80xi32, #tpu.memory_space<hbm>> -> memref<125x80xi32, #tpu.memory_space<hbm>>
      tpu.wait_dma2 semaphore(%run_scoped3A : memref<!tpu.dma_semaphore, #tpu.memory_space<semaphore_mem>>) src(%dma_wait3A_65 : memref<125x80xi32, #tpu.memory_space<hbm>>) dst(%arg7 : memref<125x80xi32, #tpu.memory_space<vmem>>)
      tpu.yield
    }) : () -> ()
    %dma_start3A = arith.constant 0 : i32
    %dma_start3A_15 = arith.constant 0 : i32
    %dma_start3A_16 = tpu.memref_slice %arg6[%dma_start3A, %dma_start3A_15] : memref<125x80xi32, #tpu.memory_space<vmem>> -> memref<1x80xi32, #tpu.memory_space<vmem>>
    %dma_start3A_17 = tpu.memref_squeeze %dma_start3A_16 : memref<1x80xi32, #tpu.memory_space<vmem>> -> memref<80xi32, #tpu.memory_space<vmem>>
    %dma_start3A_18 = arith.constant 0 : i32
    %dma_start3A_19 = arith.constant 0 : i32
    %dma_start3A_20 = tpu.memref_slice %arg2[%dma_start3A_18, %dma_start3A_19] : memref<10000x48xf32, #tpu.memory_space<hbm>> -> memref<10000x48xf32, #tpu.memory_space<hbm>>
    tpu.enqueue_indirect_dma source(%dma_start3A_20 : memref<10000x48xf32, #tpu.memory_space<hbm>>) target(%arg8 : memref<80x48xf32, #tpu.memory_space<vmem>>) offsets(%dma_start3A_17 : memref<80xi32, #tpu.memory_space<vmem>>) semaphore(%arg12 : memref<!tpu.dma_semaphore, #tpu.memory_space<semaphore_mem>>)
    %dma_start3A_21 = arith.constant 1 : i32
    %dma_start3A_22 = arith.constant 0 : i32
    %dma_start3A_23 = tpu.memref_slice %arg6[%dma_start3A_21, %dma_start3A_22] : memref<125x80xi32, #tpu.memory_space<vmem>> -> memref<1x80xi32, #tpu.memory_space<vmem>>
    %dma_start3A_24 = tpu.memref_squeeze %dma_start3A_23 : memref<1x80xi32, #tpu.memory_space<vmem>> -> memref<80xi32, #tpu.memory_space<vmem>>
    %dma_start3A_25 = arith.constant 0 : i32
    %dma_start3A_26 = arith.constant 0 : i32
    %dma_start3A_27 = tpu.memref_slice %arg2[%dma_start3A_25, %dma_start3A_26] : memref<10000x48xf32, #tpu.memory_space<hbm>> -> memref<10000x48xf32, #tpu.memory_space<hbm>>
    tpu.enqueue_indirect_dma source(%dma_start3A_27 : memref<10000x48xf32, #tpu.memory_space<hbm>>) target(%arg9 : memref<80x48xf32, #tpu.memory_space<vmem>>) offsets(%dma_start3A_24 : memref<80xi32, #tpu.memory_space<vmem>>) semaphore(%arg13 : memref<!tpu.dma_semaphore, #tpu.memory_space<semaphore_mem>>)
    %dma_start3A_28 = arith.constant 2 : i32
    %dma_start3A_29 = arith.constant 0 : i32
    %dma_start3A_30 = tpu.memref_slice %arg6[%dma_start3A_28, %dma_start3A_29] : memref<125x80xi32, #tpu.memory_space<vmem>> -> memref<1x80xi32, #tpu.memory_space<vmem>>
    %dma_start3A_31 = tpu.memref_squeeze %dma_start3A_30 : memref<1x80xi32, #tpu.memory_space<vmem>> -> memref<80xi32, #tpu.memory_space<vmem>>
    %dma_start3A_32 = arith.constant 0 : i32
    %dma_start3A_33 = arith.constant 0 : i32
    %dma_start3A_34 = tpu.memref_slice %arg2[%dma_start3A_32, %dma_start3A_33] : memref<10000x48xf32, #tpu.memory_space<hbm>> -> memref<10000x48xf32, #tpu.memory_space<hbm>>
    tpu.enqueue_indirect_dma source(%dma_start3A_34 : memref<10000x48xf32, #tpu.memory_space<hbm>>) target(%arg10 : memref<80x48xf32, #tpu.memory_space<vmem>>) offsets(%dma_start3A_31 : memref<80xi32, #tpu.memory_space<vmem>>) semaphore(%arg14 : memref<!tpu.dma_semaphore, #tpu.memory_space<semaphore_mem>>)
    %scan3A_35 = arith.constant 0 : i32
    %scan3A_36 = arith.constant 42 : i32
    %scan3A_37 = arith.addi %scan3A_35, %scan3A_36 : i32
    %scan3A_38 = arith.constant 1 : i32
    scf.for %scan3A_51 = %scan3A_35 to %scan3A_37 step %scan3A_38  : i32 {
      %mul3A_52 = arith.constant 3 : i32
      %mul3A_53 = arith.muli %scan3A_51, %mul3A_52 : i32
      %add3A_54 = arith.constant 0 : i32
      %add3A_55 = arith.addi %add3A_54, %mul3A_53 : i32
      %dma_wait3A = arith.constant 0 : i32
      %dma_wait3A_56 = tpu.memref_slice %arg6[%add3A_55, %dma_wait3A] : memref<125x80xi32, #tpu.memory_space<vmem>> -> memref<1x80xi32, #tpu.memory_space<vmem>>
      %dma_wait3A_57 = tpu.memref_squeeze %dma_wait3A_56 : memref<1x80xi32, #tpu.memory_space<vmem>> -> memref<80xi32, #tpu.memory_space<vmem>>
      %dma_wait3A_58 = arith.constant 0 : i32
      %dma_wait3A_59 = arith.constant 0 : i32
      %dma_wait3A_60 = tpu.memref_slice %arg2[%dma_wait3A_58, %dma_wait3A_59] : memref<10000x48xf32, #tpu.memory_space<hbm>> -> memref<10000x48xf32, #tpu.memory_space<hbm>>
      tpu.wait_indirect_dma semaphore(%arg12 : memref<!tpu.dma_semaphore, #tpu.memory_space<semaphore_mem>>) src(%dma_wait3A_60 : memref<10000x48xf32, #tpu.memory_space<hbm>>) dst(%arg8 : memref<80x48xf32, #tpu.memory_space<vmem>>)
      %dma_start3A_61 = arith.constant 0 : i32
      %dma_start3A_62 = tpu.memref_slice %arg7[%add3A_55, %dma_start3A_61] : memref<125x80xi32, #tpu.memory_space<vmem>> -> memref<1x80xi32, #tpu.memory_space<vmem>>
      %dma_start3A_63 = tpu.memref_squeeze %dma_start3A_62 : memref<1x80xi32, #tpu.memory_space<vmem>> -> memref<80xi32, #tpu.memory_space<vmem>>
      %dma_start3A_64 = arith.constant 0 : i32
      %dma_start3A_65 = arith.constant 0 : i32
      %dma_start3A_66 = tpu.memref_slice %arg11[%dma_start3A_64, %dma_start3A_65] : memref<10000x48xf32, #tpu.memory_space<vmem_shared>> -> memref<10000x48xf32, #tpu.memory_space<vmem_shared>>
      tpu.enqueue_indirect_dma source(%arg8 : memref<80x48xf32, #tpu.memory_space<vmem>>) target(%dma_start3A_66 : memref<10000x48xf32, #tpu.memory_space<vmem_shared>>) offsets(%dma_start3A_63 : memref<80xi32, #tpu.memory_space<vmem>>) semaphore(%arg15 : memref<!tpu.dma_semaphore, #tpu.memory_space<semaphore_mem>>) {add = true}
      %add3A_67 = arith.constant 1 : i32
      %add3A_68 = arith.addi %add3A_55, %add3A_67 : i32
      %lt3A = arith.constant 125 : i32
      %lt3A_69 = arith.cmpi slt, %add3A_68, %lt3A : i32
      %convert_element_type3A = arith.extui %lt3A_69 : i1 to i32
      %cond3A = arith.constant 0 : i32
      %cond3A_70 = arith.cmpi ne, %convert_element_type3A, %cond3A : i32
      scf.if %cond3A_70 {
        %add3A_119 = arith.constant 1 : i32
        %add3A_120 = arith.addi %add3A_55, %add3A_119 : i32
        %dma_wait3A_121 = arith.constant 0 : i32
        %dma_wait3A_122 = tpu.memref_slice %arg6[%add3A_120, %dma_wait3A_121] : memref<125x80xi32, #tpu.memory_space<vmem>> -> memref<1x80xi32, #tpu.memory_space<vmem>>
        %dma_wait3A_123 = tpu.memref_squeeze %dma_wait3A_122 : memref<1x80xi32, #tpu.memory_space<vmem>> -> memref<80xi32, #tpu.memory_space<vmem>>
        %dma_wait3A_124 = arith.constant 0 : i32
        %dma_wait3A_125 = arith.constant 0 : i32
        %dma_wait3A_126 = tpu.memref_slice %arg2[%dma_wait3A_124, %dma_wait3A_125] : memref<10000x48xf32, #tpu.memory_space<hbm>> -> memref<10000x48xf32, #tpu.memory_space<hbm>>
        tpu.wait_indirect_dma semaphore(%arg13 : memref<!tpu.dma_semaphore, #tpu.memory_space<semaphore_mem>>) src(%dma_wait3A_126 : memref<10000x48xf32, #tpu.memory_space<hbm>>) dst(%arg9 : memref<80x48xf32, #tpu.memory_space<vmem>>)
        %add3A_127 = arith.constant 1 : i32
        %add3A_128 = arith.addi %add3A_55, %add3A_127 : i32
        %dma_start3A_129 = arith.constant 0 : i32
        %dma_start3A_130 = tpu.memref_slice %arg7[%add3A_128, %dma_start3A_129] : memref<125x80xi32, #tpu.memory_space<vmem>> -> memref<1x80xi32, #tpu.memory_space<vmem>>
        %dma_start3A_131 = tpu.memref_squeeze %dma_start3A_130 : memref<1x80xi32, #tpu.memory_space<vmem>> -> memref<80xi32, #tpu.memory_space<vmem>>
        %dma_start3A_132 = arith.constant 0 : i32
        %dma_start3A_133 = arith.constant 0 : i32
        %dma_start3A_134 = tpu.memref_slice %arg11[%dma_start3A_132, %dma_start3A_133] : memref<10000x48xf32, #tpu.memory_space<vmem_shared>> -> memref<10000x48xf32, #tpu.memory_space<vmem_shared>>
        tpu.enqueue_indirect_dma source(%arg9 : memref<80x48xf32, #tpu.memory_space<vmem>>) target(%dma_start3A_134 : memref<10000x48xf32, #tpu.memory_space<vmem_shared>>) offsets(%dma_start3A_131 : memref<80xi32, #tpu.memory_space<vmem>>) semaphore(%arg16 : memref<!tpu.dma_semaphore, #tpu.memory_space<semaphore_mem>>) {add = true}
      } else {
      }
      %dma_wait3A_71 = arith.constant 0 : i32
      %dma_wait3A_72 = tpu.memref_slice %arg7[%add3A_55, %dma_wait3A_71] : memref<125x80xi32, #tpu.memory_space<vmem>> -> memref<1x80xi32, #tpu.memory_space<vmem>>
      %dma_wait3A_73 = tpu.memref_squeeze %dma_wait3A_72 : memref<1x80xi32, #tpu.memory_space<vmem>> -> memref<80xi32, #tpu.memory_space<vmem>>
      %dma_wait3A_74 = arith.constant 0 : i32
      %dma_wait3A_75 = arith.constant 0 : i32
      %dma_wait3A_76 = tpu.memref_slice %arg11[%dma_wait3A_74, %dma_wait3A_75] : memref<10000x48xf32, #tpu.memory_space<vmem_shared>> -> memref<10000x48xf32, #tpu.memory_space<vmem_shared>>
      tpu.wait_indirect_dma semaphore(%arg15 : memref<!tpu.dma_semaphore, #tpu.memory_space<semaphore_mem>>) src(%arg8 : memref<80x48xf32, #tpu.memory_space<vmem>>) dst(%dma_wait3A_76 : memref<10000x48xf32, #tpu.memory_space<vmem_shared>>)
      %add3A_77 = arith.constant 3 : i32
      %add3A_78 = arith.addi %add3A_55, %add3A_77 : i32
      %lt3A_79 = arith.constant 125 : i32
      %lt3A_80 = arith.cmpi slt, %add3A_78, %lt3A_79 : i32
      %convert_element_type3A_81 = arith.extui %lt3A_80 : i1 to i32
      %cond3A_82 = arith.constant 0 : i32
      %cond3A_83 = arith.cmpi ne, %convert_element_type3A_81, %cond3A_82 : i32
      scf.if %cond3A_83 {
        %add3A_119 = arith.constant 3 : i32
        %add3A_120 = arith.addi %add3A_55, %add3A_119 : i32
        %dma_start3A_121 = arith.constant 0 : i32
        %dma_start3A_122 = tpu.memref_slice %arg6[%add3A_120, %dma_start3A_121] : memref<125x80xi32, #tpu.memory_space<vmem>> -> memref<1x80xi32, #tpu.memory_space<vmem>>
        %dma_start3A_123 = tpu.memref_squeeze %dma_start3A_122 : memref<1x80xi32, #tpu.memory_space<vmem>> -> memref<80xi32, #tpu.memory_space<vmem>>
        %dma_start3A_124 = arith.constant 0 : i32
        %dma_start3A_125 = arith.constant 0 : i32
        %dma_start3A_126 = tpu.memref_slice %arg2[%dma_start3A_124, %dma_start3A_125] : memref<10000x48xf32, #tpu.memory_space<hbm>> -> memref<10000x48xf32, #tpu.memory_space<hbm>>
        tpu.enqueue_indirect_dma source(%dma_start3A_126 : memref<10000x48xf32, #tpu.memory_space<hbm>>) target(%arg8 : memref<80x48xf32, #tpu.memory_space<vmem>>) offsets(%dma_start3A_123 : memref<80xi32, #tpu.memory_space<vmem>>) semaphore(%arg12 : memref<!tpu.dma_semaphore, #tpu.memory_space<semaphore_mem>>)
      } else {
      }
      %add3A_84 = arith.constant 2 : i32
      %add3A_85 = arith.addi %add3A_55, %add3A_84 : i32
      %lt3A_86 = arith.constant 125 : i32
      %lt3A_87 = arith.cmpi slt, %add3A_85, %lt3A_86 : i32
      %convert_element_type3A_88 = arith.extui %lt3A_87 : i1 to i32
      %cond3A_89 = arith.constant 0 : i32
      %cond3A_90 = arith.cmpi ne, %convert_element_type3A_88, %cond3A_89 : i32
      scf.if %cond3A_90 {
        %add3A_119 = arith.constant 2 : i32
        %add3A_120 = arith.addi %add3A_55, %add3A_119 : i32
        %dma_wait3A_121 = arith.constant 0 : i32
        %dma_wait3A_122 = tpu.memref_slice %arg6[%add3A_120, %dma_wait3A_121] : memref<125x80xi32, #tpu.memory_space<vmem>> -> memref<1x80xi32, #tpu.memory_space<vmem>>
        %dma_wait3A_123 = tpu.memref_squeeze %dma_wait3A_122 : memref<1x80xi32, #tpu.memory_space<vmem>> -> memref<80xi32, #tpu.memory_space<vmem>>
        %dma_wait3A_124 = arith.constant 0 : i32
        %dma_wait3A_125 = arith.constant 0 : i32
        %dma_wait3A_126 = tpu.memref_slice %arg2[%dma_wait3A_124, %dma_wait3A_125] : memref<10000x48xf32, #tpu.memory_space<hbm>> -> memref<10000x48xf32, #tpu.memory_space<hbm>>
        tpu.wait_indirect_dma semaphore(%arg14 : memref<!tpu.dma_semaphore, #tpu.memory_space<semaphore_mem>>) src(%dma_wait3A_126 : memref<10000x48xf32, #tpu.memory_space<hbm>>) dst(%arg10 : memref<80x48xf32, #tpu.memory_space<vmem>>)
        %add3A_127 = arith.constant 2 : i32
        %add3A_128 = arith.addi %add3A_55, %add3A_127 : i32
        %dma_start3A_129 = arith.constant 0 : i32
        %dma_start3A_130 = tpu.memref_slice %arg7[%add3A_128, %dma_start3A_129] : memref<125x80xi32, #tpu.memory_space<vmem>> -> memref<1x80xi32, #tpu.memory_space<vmem>>
        %dma_start3A_131 = tpu.memref_squeeze %dma_start3A_130 : memref<1x80xi32, #tpu.memory_space<vmem>> -> memref<80xi32, #tpu.memory_space<vmem>>
        %dma_start3A_132 = arith.constant 0 : i32
        %dma_start3A_133 = arith.constant 0 : i32
        %dma_start3A_134 = tpu.memref_slice %arg11[%dma_start3A_132, %dma_start3A_133] : memref<10000x48xf32, #tpu.memory_space<vmem_shared>> -> memref<10000x48xf32, #tpu.memory_space<vmem_shared>>
        tpu.enqueue_indirect_dma source(%arg10 : memref<80x48xf32, #tpu.memory_space<vmem>>) target(%dma_start3A_134 : memref<10000x48xf32, #tpu.memory_space<vmem_shared>>) offsets(%dma_start3A_131 : memref<80xi32, #tpu.memory_space<vmem>>) semaphore(%arg17 : memref<!tpu.dma_semaphore, #tpu.memory_space<semaphore_mem>>) {add = true}
      } else {
      }
      %add3A_91 = arith.constant 1 : i32
      %add3A_92 = arith.addi %add3A_55, %add3A_91 : i32
      %lt3A_93 = arith.constant 125 : i32
      %lt3A_94 = arith.cmpi slt, %add3A_92, %lt3A_93 : i32
      %convert_element_type3A_95 = arith.extui %lt3A_94 : i1 to i32
      %cond3A_96 = arith.constant 0 : i32
      %cond3A_97 = arith.cmpi ne, %convert_element_type3A_95, %cond3A_96 : i32
      scf.if %cond3A_97 {
        %add3A_119 = arith.constant 1 : i32
        %add3A_120 = arith.addi %add3A_55, %add3A_119 : i32
        %dma_wait3A_121 = arith.constant 0 : i32
        %dma_wait3A_122 = tpu.memref_slice %arg7[%add3A_120, %dma_wait3A_121] : memref<125x80xi32, #tpu.memory_space<vmem>> -> memref<1x80xi32, #tpu.memory_space<vmem>>
        %dma_wait3A_123 = tpu.memref_squeeze %dma_wait3A_122 : memref<1x80xi32, #tpu.memory_space<vmem>> -> memref<80xi32, #tpu.memory_space<vmem>>
        %dma_wait3A_124 = arith.constant 0 : i32
        %dma_wait3A_125 = arith.constant 0 : i32
        %dma_wait3A_126 = tpu.memref_slice %arg11[%dma_wait3A_124, %dma_wait3A_125] : memref<10000x48xf32, #tpu.memory_space<vmem_shared>> -> memref<10000x48xf32, #tpu.memory_space<vmem_shared>>
        tpu.wait_indirect_dma semaphore(%arg16 : memref<!tpu.dma_semaphore, #tpu.memory_space<semaphore_mem>>) src(%arg9 : memref<80x48xf32, #tpu.memory_space<vmem>>) dst(%dma_wait3A_126 : memref<10000x48xf32, #tpu.memory_space<vmem_shared>>)
      } else {
      }
      %add3A_98 = arith.constant 4 : i32
      %add3A_99 = arith.addi %add3A_55, %add3A_98 : i32
      %lt3A_100 = arith.constant 125 : i32
      %lt3A_101 = arith.cmpi slt, %add3A_99, %lt3A_100 : i32
      %convert_element_type3A_102 = arith.extui %lt3A_101 : i1 to i32
      %cond3A_103 = arith.constant 0 : i32
      %cond3A_104 = arith.cmpi ne, %convert_element_type3A_102, %cond3A_103 : i32
      scf.if %cond3A_104 {
        %add3A_119 = arith.constant 4 : i32
        %add3A_120 = arith.addi %add3A_55, %add3A_119 : i32
        %dma_start3A_121 = arith.constant 0 : i32
        %dma_start3A_122 = tpu.memref_slice %arg6[%add3A_120, %dma_start3A_121] : memref<125x80xi32, #tpu.memory_space<vmem>> -> memref<1x80xi32, #tpu.memory_space<vmem>>
        %dma_start3A_123 = tpu.memref_squeeze %dma_start3A_122 : memref<1x80xi32, #tpu.memory_space<vmem>> -> memref<80xi32, #tpu.memory_space<vmem>>
        %dma_start3A_124 = arith.constant 0 : i32
        %dma_start3A_125 = arith.constant 0 : i32
        %dma_start3A_126 = tpu.memref_slice %arg2[%dma_start3A_124, %dma_start3A_125] : memref<10000x48xf32, #tpu.memory_space<hbm>> -> memref<10000x48xf32, #tpu.memory_space<hbm>>
        tpu.enqueue_indirect_dma source(%dma_start3A_126 : memref<10000x48xf32, #tpu.memory_space<hbm>>) target(%arg9 : memref<80x48xf32, #tpu.memory_space<vmem>>) offsets(%dma_start3A_123 : memref<80xi32, #tpu.memory_space<vmem>>) semaphore(%arg13 : memref<!tpu.dma_semaphore, #tpu.memory_space<semaphore_mem>>)
      } else {
      }
      %add3A_105 = arith.constant 2 : i32
      %add3A_106 = arith.addi %add3A_55, %add3A_105 : i32
      %lt3A_107 = arith.constant 125 : i32
      %lt3A_108 = arith.cmpi slt, %add3A_106, %lt3A_107 : i32
      %convert_element_type3A_109 = arith.extui %lt3A_108 : i1 to i32
      %cond3A_110 = arith.constant 0 : i32
      %cond3A_111 = arith.cmpi ne, %convert_element_type3A_109, %cond3A_110 : i32
      scf.if %cond3A_111 {
        %add3A_119 = arith.constant 2 : i32
        %add3A_120 = arith.addi %add3A_55, %add3A_119 : i32
        %dma_wait3A_121 = arith.constant 0 : i32
        %dma_wait3A_122 = tpu.memref_slice %arg7[%add3A_120, %dma_wait3A_121] : memref<125x80xi32, #tpu.memory_space<vmem>> -> memref<1x80xi32, #tpu.memory_space<vmem>>
        %dma_wait3A_123 = tpu.memref_squeeze %dma_wait3A_122 : memref<1x80xi32, #tpu.memory_space<vmem>> -> memref<80xi32, #tpu.memory_space<vmem>>
        %dma_wait3A_124 = arith.constant 0 : i32
        %dma_wait3A_125 = arith.constant 0 : i32
        %dma_wait3A_126 = tpu.memref_slice %arg11[%dma_wait3A_124, %dma_wait3A_125] : memref<10000x48xf32, #tpu.memory_space<vmem_shared>> -> memref<10000x48xf32, #tpu.memory_space<vmem_shared>>
        tpu.wait_indirect_dma semaphore(%arg17 : memref<!tpu.dma_semaphore, #tpu.memory_space<semaphore_mem>>) src(%arg10 : memref<80x48xf32, #tpu.memory_space<vmem>>) dst(%dma_wait3A_126 : memref<10000x48xf32, #tpu.memory_space<vmem_shared>>)
      } else {
      }
      %add3A_112 = arith.constant 5 : i32
      %add3A_113 = arith.addi %add3A_55, %add3A_112 : i32
      %lt3A_114 = arith.constant 125 : i32
      %lt3A_115 = arith.cmpi slt, %add3A_113, %lt3A_114 : i32
      %convert_element_type3A_116 = arith.extui %lt3A_115 : i1 to i32
      %cond3A_117 = arith.constant 0 : i32
      %cond3A_118 = arith.cmpi ne, %convert_element_type3A_116, %cond3A_117 : i32
      scf.if %cond3A_118 {
        %add3A_119 = arith.constant 5 : i32
        %add3A_120 = arith.addi %add3A_55, %add3A_119 : i32
        %dma_start3A_121 = arith.constant 0 : i32
        %dma_start3A_122 = tpu.memref_slice %arg6[%add3A_120, %dma_start3A_121] : memref<125x80xi32, #tpu.memory_space<vmem>> -> memref<1x80xi32, #tpu.memory_space<vmem>>
        %dma_start3A_123 = tpu.memref_squeeze %dma_start3A_122 : memref<1x80xi32, #tpu.memory_space<vmem>> -> memref<80xi32, #tpu.memory_space<vmem>>
        %dma_start3A_124 = arith.constant 0 : i32
        %dma_start3A_125 = arith.constant 0 : i32
        %dma_start3A_126 = tpu.memref_slice %arg2[%dma_start3A_124, %dma_start3A_125] : memref<10000x48xf32, #tpu.memory_space<hbm>> -> memref<10000x48xf32, #tpu.memory_space<hbm>>
        tpu.enqueue_indirect_dma source(%dma_start3A_126 : memref<10000x48xf32, #tpu.memory_space<hbm>>) target(%arg10 : memref<80x48xf32, #tpu.memory_space<vmem>>) offsets(%dma_start3A_123 : memref<80xi32, #tpu.memory_space<vmem>>) semaphore(%arg14 : memref<!tpu.dma_semaphore, #tpu.memory_space<semaphore_mem>>)
      } else {
      }
    }
    %scan3A_39 = arith.constant 42 : i32
    %barrier3A_40 = arith.constant 0 : index
    tpu.barrier barrier_id(%barrier3A_40)
    %scan3A_41 = arith.constant 0 : i32
    %scan3A_42 = arith.constant 8 : i32
    %scan3A_43 = arith.addi %scan3A_41, %scan3A_42 : i32
    %scan3A_44 = arith.constant 1 : i32
    scf.for %scan3A_51 = %scan3A_41 to %scan3A_43 step %scan3A_44  : i32 {
      %mul3A_52 = arith.constant 1 : i32
      %mul3A_53 = arith.muli %scan3A_51, %mul3A_52 : i32
      %add3A_54 = arith.constant 0 : i32
      %add3A_55 = arith.addi %add3A_54, %mul3A_53 : i32
      %mul3A_56 = arith.constant 16 : i32
      %mul3A_57 = arith.muli %mul3A_56, %add3A_55 : i32
      %add3A_58 = arith.addi %arg1, %mul3A_57 : i32
      %lt3A = arith.constant 125 : i32
      %lt3A_59 = arith.cmpi slt, %add3A_58, %lt3A : i32
      %convert_element_type3A = arith.extui %lt3A_59 : i1 to i32
      %cond3A = arith.constant 0 : i32
      %cond3A_60 = arith.cmpi ne, %convert_element_type3A, %cond3A : i32
      scf.if %cond3A_60 {
        %mul3A_61 = arith.constant 80 : i32
        %mul3A_62 = arith.muli %add3A_58, %mul3A_61 : i32
        %dma_start3A_63 = arith.constant 0 : i32
        %dma_start3A_64 = tpu.memref_slice %arg5[%arg0, %mul3A_62, %dma_start3A_63] : memref<2x10000x48xf32, #tpu.memory_space<hbm>> -> memref<1x80x48xf32, #tpu.memory_space<hbm>>
        %dma_start3A_65 = tpu.memref_squeeze %dma_start3A_64 : memref<1x80x48xf32, #tpu.memory_space<hbm>> -> memref<80x48xf32, #tpu.memory_space<hbm>>
        %dma_start3A_66 = arith.constant 0 : i32
        %dma_start3A_67 = tpu.memref_slice %arg11[%mul3A_62, %dma_start3A_66] : memref<10000x48xf32, #tpu.memory_space<vmem_shared>> -> memref<80x48xf32, #tpu.memory_space<vmem_shared>>
        tpu.enqueue_dma source(%dma_start3A_67 : memref<80x48xf32, #tpu.memory_space<vmem_shared>>) target(%dma_start3A_65 : memref<80x48xf32, #tpu.memory_space<hbm>>) target_semaphore(%arg15 : memref<!tpu.dma_semaphore, #tpu.memory_space<semaphore_mem>>)
      } else {
      }
    }
    %scan3A_45 = arith.constant 8 : i32
    %scan3A_46 = arith.constant 0 : i32
    %scan3A_47 = arith.constant 8 : i32
    %scan3A_48 = arith.addi %scan3A_46, %scan3A_47 : i32
    %scan3A_49 = arith.constant 1 : i32
    scf.for %scan3A_51 = %scan3A_46 to %scan3A_48 step %scan3A_49  : i32 {
      %mul3A_52 = arith.constant 1 : i32
      %mul3A_53 = arith.muli %scan3A_51, %mul3A_52 : i32
      %add3A_54 = arith.constant 0 : i32
      %add3A_55 = arith.addi %add3A_54, %mul3A_53 : i32
      %mul3A_56 = arith.constant 16 : i32
      %mul3A_57 = arith.muli %mul3A_56, %add3A_55 : i32
      %add3A_58 = arith.addi %arg1, %mul3A_57 : i32
      %lt3A = arith.constant 125 : i32
      %lt3A_59 = arith.cmpi slt, %add3A_58, %lt3A : i32
      %convert_element_type3A = arith.extui %lt3A_59 : i1 to i32
      %cond3A = arith.constant 0 : i32
      %cond3A_60 = arith.cmpi ne, %convert_element_type3A, %cond3A : i32
      scf.if %cond3A_60 {
        %mul3A_61 = arith.constant 80 : i32
        %mul3A_62 = arith.muli %add3A_58, %mul3A_61 : i32
        %dma_wait3A = arith.constant 0 : i32
        %dma_wait3A_63 = tpu.memref_slice %arg5[%arg0, %mul3A_62, %dma_wait3A] : memref<2x10000x48xf32, #tpu.memory_space<hbm>> -> memref<1x80x48xf32, #tpu.memory_space<hbm>>
        %dma_wait3A_64 = tpu.memref_squeeze %dma_wait3A_63 : memref<1x80x48xf32, #tpu.memory_space<hbm>> -> memref<80x48xf32, #tpu.memory_space<hbm>>
        %dma_wait3A_65 = arith.constant 0 : i32
        %dma_wait3A_66 = tpu.memref_slice %arg11[%mul3A_62, %dma_wait3A_65] : memref<10000x48xf32, #tpu.memory_space<vmem_shared>> -> memref<80x48xf32, #tpu.memory_space<vmem_shared>>
        tpu.wait_dma2 semaphore(%arg15 : memref<!tpu.dma_semaphore, #tpu.memory_space<semaphore_mem>>) src(%dma_wait3A_66 : memref<80x48xf32, #tpu.memory_space<vmem_shared>>) dst(%dma_wait3A_64 : memref<80x48xf32, #tpu.memory_space<hbm>>)
      } else {
      }
    }
    %scan3A_50 = arith.constant 8 : i32
    return
  }
}

#map = affine_map<(d0, d1) -> (0, 0)>
#map1 = affine_map<(d0, d1) -> (0, 0, 0)>
module attributes {stable_mosaic.version = 14 : i64} {
  func.func @agg2_kernel(%arg0: i32, %arg1: i32, %arg2: memref<20000x64xf32, #tpu.memory_space<hbm>>, %arg3: memref<32x125x80xi32, #tpu.memory_space<hbm>>, %arg4: memref<32x125x80xi32, #tpu.memory_space<hbm>>, %arg5: memref<32x125x80xi32, #tpu.memory_space<hbm>>, %arg6: memref<2x10000x128xf32, #tpu.memory_space<hbm>>, %arg7: memref<25x80xi32, #tpu.memory_space<vmem>>, %arg8: memref<25x80xi32, #tpu.memory_space<vmem>>, %arg9: memref<25x80xi32, #tpu.memory_space<vmem>>, %arg10: memref<80x64xf32, #tpu.memory_space<vmem>>, %arg11: memref<80x64xf32, #tpu.memory_space<vmem>>, %arg12: memref<80x64xf32, #tpu.memory_space<vmem>>, %arg13: memref<80x64xf32, #tpu.memory_space<vmem>>, %arg14: memref<80x64xf32, #tpu.memory_space<vmem>>, %arg15: memref<80x64xf32, #tpu.memory_space<vmem>>, %arg16: memref<10000x64xf32, #tpu.memory_space<vmem_shared>>, %arg17: memref<10000x64xf32, #tpu.memory_space<vmem_shared>>, %arg18: memref<!tpu.dma_semaphore, #tpu.memory_space<semaphore_mem>>, %arg19: memref<!tpu.dma_semaphore, #tpu.memory_space<semaphore_mem>>, %arg20: memref<!tpu.dma_semaphore, #tpu.memory_space<semaphore_mem>>, %arg21: memref<!tpu.dma_semaphore, #tpu.memory_space<semaphore_mem>>, %arg22: memref<!tpu.dma_semaphore, #tpu.memory_space<semaphore_mem>>, %arg23: memref<!tpu.dma_semaphore, #tpu.memory_space<semaphore_mem>>, %arg24: memref<!tpu.dma_semaphore, #tpu.memory_space<semaphore_mem>>, %arg25: memref<!tpu.dma_semaphore, #tpu.memory_space<semaphore_mem>>, %arg26: memref<!tpu.dma_semaphore, #tpu.memory_space<semaphore_mem>>, %arg27: memref<!tpu.dma_semaphore, #tpu.memory_space<semaphore_mem>>, %arg28: memref<!tpu.dma_semaphore, #tpu.memory_space<semaphore_mem>>, %arg29: memref<!tpu.dma_semaphore, #tpu.memory_space<semaphore_mem>>) attributes {dimension_semantics = [#tpu.dimension_semantics<core_parallel>, #tpu.dimension_semantics<subcore_parallel>], iteration_bounds = array<i64: 2, 16>, scalar_prefetch = 0 : i64, scratch_operands = 23 : i64, tpu.core_type = #tpu.core_type<sc_vector_subcore>, window_params = [{transform_indices = #map}, {transform_indices = #map1}, {transform_indices = #map1}, {transform_indices = #map1}, {transform_indices = #map1}]} {
    %mul3A = arith.constant 2 : i32
    %mul3A_0 = arith.muli %arg1, %mul3A : i32
    %add3A = arith.addi %mul3A_0, %arg0 : i32
    %scan3A = arith.constant 0 : i32
    %scan3A_1 = arith.constant 80 : i32
    %scan3A_2 = arith.addi %scan3A, %scan3A_1 : i32
    %scan3A_3 = arith.constant 1 : i32
    scf.for %scan3A_31 = %scan3A to %scan3A_2 step %scan3A_3  : i32 {
      %mul3A_32 = arith.constant 1 : i32
      %mul3A_33 = arith.muli %scan3A_31, %mul3A_32 : i32
      %add3A_34 = arith.constant 0 : i32
      %add3A_35 = arith.addi %add3A_34, %mul3A_33 : i32
      %scan3A_36 = arith.constant 0 : i32
      %scan3A_37 = arith.constant 4 : i32
      %scan3A_38 = arith.addi %scan3A_36, %scan3A_37 : i32
      %scan3A_39 = arith.constant 1 : i32
      scf.for %scan3A_41 = %scan3A_36 to %scan3A_38 step %scan3A_39  : i32 {
        %mul3A_42 = arith.constant 16 : i32
        %mul3A_43 = arith.muli %scan3A_41, %mul3A_42 : i32
        %add3A_44 = arith.constant 0 : i32
        %add3A_45 = arith.addi %add3A_44, %mul3A_43 : i32
        %broadcast_in_dim3A = arith.constant 0.000000e+00 : f32
        %broadcast_in_dim3A_46 = vector.broadcast %broadcast_in_dim3A : f32 to vector<16xf32>
        %swap3A = arith.index_cast %add3A_35 : i32 to index
        %swap3A_47 = arith.index_cast %add3A_45 : i32 to index
        %swap3A_48 = tpu.vector_load %arg10[%swap3A, %swap3A_47] {strides = array<i32>} : memref<80x64xf32, #tpu.memory_space<vmem>>, vector<1x16xf32>,
        %swap3A_49 = vector.shape_cast %swap3A_48 : vector<1x16xf32> to vector<16xf32>
        %swap3A_50 = vector.shape_cast %broadcast_in_dim3A_46 : vector<16xf32> to vector<1x16xf32>
        tpu.vector_store %arg10[%swap3A, %swap3A_47], %swap3A_50 {strides = array<i32>} : memref<80x64xf32, #tpu.memory_space<vmem>>, vector<1x16xf32>,
      }
      %scan3A_40 = arith.constant 4 : i32
    }
    %scan3A_4 = arith.constant 80 : i32
    %scan3A_5 = arith.constant 0 : i32
    %scan3A_6 = arith.constant 8 : i32
    %scan3A_7 = arith.addi %scan3A_5, %scan3A_6 : i32
    %scan3A_8 = arith.constant 1 : i32
    scf.for %scan3A_31 = %scan3A_5 to %scan3A_7 step %scan3A_8  : i32 {
      %mul3A_32 = arith.constant 1 : i32
      %mul3A_33 = arith.muli %scan3A_31, %mul3A_32 : i32
      %add3A_34 = arith.constant 0 : i32
      %add3A_35 = arith.addi %add3A_34, %mul3A_33 : i32
      %mul3A_36 = arith.constant 16 : i32
      %mul3A_37 = arith.muli %mul3A_36, %add3A_35 : i32
      %add3A_38 = arith.addi %arg1, %mul3A_37 : i32
      %lt3A = arith.constant 125 : i32
      %lt3A_39 = arith.cmpi slt, %add3A_38, %lt3A : i32
      %convert_element_type3A = arith.extui %lt3A_39 : i1 to i32
      %cond3A = arith.constant 0 : i32
      %cond3A_40 = arith.cmpi ne, %convert_element_type3A, %cond3A : i32
      scf.if %cond3A_40 {
        %mul3A_41 = arith.constant 80 : i32
        %mul3A_42 = arith.muli %add3A_38, %mul3A_41 : i32
        %dma_start3A = arith.constant 0 : i32
        %dma_start3A_43 = tpu.memref_slice %arg16[%mul3A_42, %dma_start3A] : memref<10000x64xf32, #tpu.memory_space<vmem_shared>> -> memref<80x64xf32, #tpu.memory_space<vmem_shared>>
        %dma_start3A_44 = arith.constant 0 : i32
        %dma_start3A_45 = tpu.memref_slice %arg16[%mul3A_42, %dma_start3A_44] : memref<10000x64xf32, #tpu.memory_space<vmem_shared>> -> memref<80x64xf32, #tpu.memory_space<vmem_shared>>
        tpu.enqueue_dma source(%arg10 : memref<80x64xf32, #tpu.memory_space<vmem>>) target(%dma_start3A_45 : memref<80x64xf32, #tpu.memory_space<vmem_shared>>) target_semaphore(%arg24 : memref<!tpu.dma_semaphore, #tpu.memory_space<semaphore_mem>>)
        %mul3A_46 = arith.constant 80 : i32
        %mul3A_47 = arith.muli %add3A_38, %mul3A_46 : i32
        %dma_start3A_48 = arith.constant 0 : i32
        %dma_start3A_49 = tpu.memref_slice %arg17[%mul3A_47, %dma_start3A_48] : memref<10000x64xf32, #tpu.memory_space<vmem_shared>> -> memref<80x64xf32, #tpu.memory_space<vmem_shared>>
        %dma_start3A_50 = arith.constant 0 : i32
        %dma_start3A_51 = tpu.memref_slice %arg17[%mul3A_47, %dma_start3A_50] : memref<10000x64xf32, #tpu.memory_space<vmem_shared>> -> memref<80x64xf32, #tpu.memory_space<vmem_shared>>
        tpu.enqueue_dma source(%arg10 : memref<80x64xf32, #tpu.memory_space<vmem>>) target(%dma_start3A_51 : memref<80x64xf32, #tpu.memory_space<vmem_shared>>) target_semaphore(%arg27 : memref<!tpu.dma_semaphore, #tpu.memory_space<semaphore_mem>>)
      } else {
      }
    }
    %scan3A_9 = arith.constant 8 : i32
    %scan3A_10 = arith.constant 0 : i32
    %scan3A_11 = arith.constant 8 : i32
    %scan3A_12 = arith.addi %scan3A_10, %scan3A_11 : i32
    %scan3A_13 = arith.constant 1 : i32
    scf.for %scan3A_31 = %scan3A_10 to %scan3A_12 step %scan3A_13  : i32 {
      %mul3A_32 = arith.constant 1 : i32
      %mul3A_33 = arith.muli %scan3A_31, %mul3A_32 : i32
      %add3A_34 = arith.constant 0 : i32
      %add3A_35 = arith.addi %add3A_34, %mul3A_33 : i32
      %mul3A_36 = arith.constant 16 : i32
      %mul3A_37 = arith.muli %mul3A_36, %add3A_35 : i32
      %add3A_38 = arith.addi %arg1, %mul3A_37 : i32
      %lt3A = arith.constant 125 : i32
      %lt3A_39 = arith.cmpi slt, %add3A_38, %lt3A : i32
      %convert_element_type3A = arith.extui %lt3A_39 : i1 to i32
      %cond3A = arith.constant 0 : i32
      %cond3A_40 = arith.cmpi ne, %convert_element_type3A, %cond3A : i32
      scf.if %cond3A_40 {
        %mul3A_41 = arith.constant 80 : i32
        %mul3A_42 = arith.muli %add3A_38, %mul3A_41 : i32
        %dma_wait3A = arith.constant 0 : i32
        %dma_wait3A_43 = tpu.memref_slice %arg16[%mul3A_42, %dma_wait3A] : memref<10000x64xf32, #tpu.memory_space<vmem_shared>> -> memref<80x64xf32, #tpu.memory_space<vmem_shared>>
        %dma_wait3A_44 = arith.constant 0 : i32
        %dma_wait3A_45 = tpu.memref_slice %arg16[%mul3A_42, %dma_wait3A_44] : memref<10000x64xf32, #tpu.memory_space<vmem_shared>> -> memref<80x64xf32, #tpu.memory_space<vmem_shared>>
        tpu.wait_dma2 semaphore(%arg24 : memref<!tpu.dma_semaphore, #tpu.memory_space<semaphore_mem>>) src(%arg10 : memref<80x64xf32, #tpu.memory_space<vmem>>) dst(%dma_wait3A_45 : memref<80x64xf32, #tpu.memory_space<vmem_shared>>)
        %mul3A_46 = arith.constant 80 : i32
        %mul3A_47 = arith.muli %add3A_38, %mul3A_46 : i32
        %dma_wait3A_48 = arith.constant 0 : i32
        %dma_wait3A_49 = tpu.memref_slice %arg17[%mul3A_47, %dma_wait3A_48] : memref<10000x64xf32, #tpu.memory_space<vmem_shared>> -> memref<80x64xf32, #tpu.memory_space<vmem_shared>>
        %dma_wait3A_50 = arith.constant 0 : i32
        %dma_wait3A_51 = tpu.memref_slice %arg17[%mul3A_47, %dma_wait3A_50] : memref<10000x64xf32, #tpu.memory_space<vmem_shared>> -> memref<80x64xf32, #tpu.memory_space<vmem_shared>>
        tpu.wait_dma2 semaphore(%arg27 : memref<!tpu.dma_semaphore, #tpu.memory_space<semaphore_mem>>) src(%arg10 : memref<80x64xf32, #tpu.memory_space<vmem>>) dst(%dma_wait3A_51 : memref<80x64xf32, #tpu.memory_space<vmem_shared>>)
      } else {
      }
    }
    %scan3A_14 = arith.constant 8 : i32
    %barrier3A = arith.constant 0 : index
    tpu.barrier barrier_id(%barrier3A)
    %scan3A_15 = arith.constant 0 : i32
    %scan3A_16 = arith.constant 5 : i32
    %scan3A_17 = arith.addi %scan3A_15, %scan3A_16 : i32
    %scan3A_18 = arith.constant 1 : i32
    scf.for %scan3A_31 = %scan3A_15 to %scan3A_17 step %scan3A_18  : i32 {
      %mul3A_32 = arith.constant 1 : i32
      %mul3A_33 = arith.muli %scan3A_31, %mul3A_32 : i32
      %add3A_34 = arith.constant 0 : i32
      %add3A_35 = arith.addi %add3A_34, %mul3A_33 : i32
      %mul3A_36 = arith.constant 25 : i32
      %mul3A_37 = arith.muli %add3A_35, %mul3A_36 : i32
      "tpu.region"() ({
        %run_scoped3A = tpu.sem_alloc : memref<!tpu.dma_semaphore, #tpu.memory_space<semaphore_mem>>
        %dma_start3A_88 = arith.constant 0 : i32
        %dma_start3A_89 = tpu.memref_slice %arg3[%add3A, %mul3A_37, %dma_start3A_88] : memref<32x125x80xi32, #tpu.memory_space<hbm>> -> memref<1x25x80xi32, #tpu.memory_space<hbm>>
        %dma_start3A_90 = tpu.memref_squeeze %dma_start3A_89 : memref<1x25x80xi32, #tpu.memory_space<hbm>> -> memref<25x80xi32, #tpu.memory_space<hbm>>
        %dma_start3A_91 = arith.constant 0 : i32
        %dma_start3A_92 = tpu.memref_slice %arg3[%add3A, %mul3A_37, %dma_start3A_91] : memref<32x125x80xi32, #tpu.memory_space<hbm>> -> memref<1x25x80xi32, #tpu.memory_space<hbm>>
        %dma_start3A_93 = tpu.memref_squeeze %dma_start3A_92 : memref<1x25x80xi32, #tpu.memory_space<hbm>> -> memref<25x80xi32, #tpu.memory_space<hbm>>
        tpu.enqueue_dma source(%dma_start3A_93 : memref<25x80xi32, #tpu.memory_space<hbm>>) target(%arg7 : memref<25x80xi32, #tpu.memory_space<vmem>>) target_semaphore(%run_scoped3A : memref<!tpu.dma_semaphore, #tpu.memory_space<semaphore_mem>>)
        %dma_wait3A = arith.constant 0 : i32
        %dma_wait3A_94 = tpu.memref_slice %arg3[%add3A, %mul3A_37, %dma_wait3A] : memref<32x125x80xi32, #tpu.memory_space<hbm>> -> memref<1x25x80xi32, #tpu.memory_space<hbm>>
        %dma_wait3A_95 = tpu.memref_squeeze %dma_wait3A_94 : memref<1x25x80xi32, #tpu.memory_space<hbm>> -> memref<25x80xi32, #tpu.memory_space<hbm>>
        %dma_wait3A_96 = arith.constant 0 : i32
        %dma_wait3A_97 = tpu.memref_slice %arg3[%add3A, %mul3A_37, %dma_wait3A_96] : memref<32x125x80xi32, #tpu.memory_space<hbm>> -> memref<1x25x80xi32, #tpu.memory_space<hbm>>
        %dma_wait3A_98 = tpu.memref_squeeze %dma_wait3A_97 : memref<1x25x80xi32, #tpu.memory_space<hbm>> -> memref<25x80xi32, #tpu.memory_space<hbm>>
        tpu.wait_dma2 semaphore(%run_scoped3A : memref<!tpu.dma_semaphore, #tpu.memory_space<semaphore_mem>>) src(%dma_wait3A_98 : memref<25x80xi32, #tpu.memory_space<hbm>>) dst(%arg7 : memref<25x80xi32, #tpu.memory_space<vmem>>)
        tpu.yield
      }) : () -> ()
      %mul3A_38 = arith.constant 25 : i32
      %mul3A_39 = arith.muli %add3A_35, %mul3A_38 : i32
      "tpu.region"() ({
        %run_scoped3A = tpu.sem_alloc : memref<!tpu.dma_semaphore, #tpu.memory_space<semaphore_mem>>
        %dma_start3A_88 = arith.constant 0 : i32
        %dma_start3A_89 = tpu.memref_slice %arg4[%add3A, %mul3A_39, %dma_start3A_88] : memref<32x125x80xi32, #tpu.memory_space<hbm>> -> memref<1x25x80xi32, #tpu.memory_space<hbm>>
        %dma_start3A_90 = tpu.memref_squeeze %dma_start3A_89 : memref<1x25x80xi32, #tpu.memory_space<hbm>> -> memref<25x80xi32, #tpu.memory_space<hbm>>
        %dma_start3A_91 = arith.constant 0 : i32
        %dma_start3A_92 = tpu.memref_slice %arg4[%add3A, %mul3A_39, %dma_start3A_91] : memref<32x125x80xi32, #tpu.memory_space<hbm>> -> memref<1x25x80xi32, #tpu.memory_space<hbm>>
        %dma_start3A_93 = tpu.memref_squeeze %dma_start3A_92 : memref<1x25x80xi32, #tpu.memory_space<hbm>> -> memref<25x80xi32, #tpu.memory_space<hbm>>
        tpu.enqueue_dma source(%dma_start3A_93 : memref<25x80xi32, #tpu.memory_space<hbm>>) target(%arg8 : memref<25x80xi32, #tpu.memory_space<vmem>>) target_semaphore(%run_scoped3A : memref<!tpu.dma_semaphore, #tpu.memory_space<semaphore_mem>>)
        %dma_wait3A = arith.constant 0 : i32
        %dma_wait3A_94 = tpu.memref_slice %arg4[%add3A, %mul3A_39, %dma_wait3A] : memref<32x125x80xi32, #tpu.memory_space<hbm>> -> memref<1x25x80xi32, #tpu.memory_space<hbm>>
        %dma_wait3A_95 = tpu.memref_squeeze %dma_wait3A_94 : memref<1x25x80xi32, #tpu.memory_space<hbm>> -> memref<25x80xi32, #tpu.memory_space<hbm>>
        %dma_wait3A_96 = arith.constant 0 : i32
        %dma_wait3A_97 = tpu.memref_slice %arg4[%add3A, %mul3A_39, %dma_wait3A_96] : memref<32x125x80xi32, #tpu.memory_space<hbm>> -> memref<1x25x80xi32, #tpu.memory_space<hbm>>
        %dma_wait3A_98 = tpu.memref_squeeze %dma_wait3A_97 : memref<1x25x80xi32, #tpu.memory_space<hbm>> -> memref<25x80xi32, #tpu.memory_space<hbm>>
        tpu.wait_dma2 semaphore(%run_scoped3A : memref<!tpu.dma_semaphore, #tpu.memory_space<semaphore_mem>>) src(%dma_wait3A_98 : memref<25x80xi32, #tpu.memory_space<hbm>>) dst(%arg8 : memref<25x80xi32, #tpu.memory_space<vmem>>)
        tpu.yield
      }) : () -> ()
      %mul3A_40 = arith.constant 25 : i32
      %mul3A_41 = arith.muli %add3A_35, %mul3A_40 : i32
      "tpu.region"() ({
        %run_scoped3A = tpu.sem_alloc : memref<!tpu.dma_semaphore, #tpu.memory_space<semaphore_mem>>
        %dma_start3A_88 = arith.constant 0 : i32
        %dma_start3A_89 = tpu.memref_slice %arg5[%add3A, %mul3A_41, %dma_start3A_88] : memref<32x125x80xi32, #tpu.memory_space<hbm>> -> memref<1x25x80xi32, #tpu.memory_space<hbm>>
        %dma_start3A_90 = tpu.memref_squeeze %dma_start3A_89 : memref<1x25x80xi32, #tpu.memory_space<hbm>> -> memref<25x80xi32, #tpu.memory_space<hbm>>
        %dma_start3A_91 = arith.constant 0 : i32
        %dma_start3A_92 = tpu.memref_slice %arg5[%add3A, %mul3A_41, %dma_start3A_91] : memref<32x125x80xi32, #tpu.memory_space<hbm>> -> memref<1x25x80xi32, #tpu.memory_space<hbm>>
        %dma_start3A_93 = tpu.memref_squeeze %dma_start3A_92 : memref<1x25x80xi32, #tpu.memory_space<hbm>> -> memref<25x80xi32, #tpu.memory_space<hbm>>
        tpu.enqueue_dma source(%dma_start3A_93 : memref<25x80xi32, #tpu.memory_space<hbm>>) target(%arg9 : memref<25x80xi32, #tpu.memory_space<vmem>>) target_semaphore(%run_scoped3A : memref<!tpu.dma_semaphore, #tpu.memory_space<semaphore_mem>>)
        %dma_wait3A = arith.constant 0 : i32
        %dma_wait3A_94 = tpu.memref_slice %arg5[%add3A, %mul3A_41, %dma_wait3A] : memref<32x125x80xi32, #tpu.memory_space<hbm>> -> memref<1x25x80xi32, #tpu.memory_space<hbm>>
        %dma_wait3A_95 = tpu.memref_squeeze %dma_wait3A_94 : memref<1x25x80xi32, #tpu.memory_space<hbm>> -> memref<25x80xi32, #tpu.memory_space<hbm>>
        %dma_wait3A_96 = arith.constant 0 : i32
        %dma_wait3A_97 = tpu.memref_slice %arg5[%add3A, %mul3A_41, %dma_wait3A_96] : memref<32x125x80xi32, #tpu.memory_space<hbm>> -> memref<1x25x80xi32, #tpu.memory_space<hbm>>
        %dma_wait3A_98 = tpu.memref_squeeze %dma_wait3A_97 : memref<1x25x80xi32, #tpu.memory_space<hbm>> -> memref<25x80xi32, #tpu.memory_space<hbm>>
        tpu.wait_dma2 semaphore(%run_scoped3A : memref<!tpu.dma_semaphore, #tpu.memory_space<semaphore_mem>>) src(%dma_wait3A_98 : memref<25x80xi32, #tpu.memory_space<hbm>>) dst(%arg9 : memref<25x80xi32, #tpu.memory_space<vmem>>)
        tpu.yield
      }) : () -> ()
      %dma_start3A = arith.constant 0 : i32
      %dma_start3A_42 = arith.constant 0 : i32
      %dma_start3A_43 = tpu.memref_slice %arg7[%dma_start3A, %dma_start3A_42] : memref<25x80xi32, #tpu.memory_space<vmem>> -> memref<1x80xi32, #tpu.memory_space<vmem>>
      %dma_start3A_44 = tpu.memref_squeeze %dma_start3A_43 : memref<1x80xi32, #tpu.memory_space<vmem>> -> memref<80xi32, #tpu.memory_space<vmem>>
      %dma_start3A_45 = arith.constant 0 : i32
      %dma_start3A_46 = arith.constant 0 : i32
      %dma_start3A_47 = tpu.memref_slice %arg2[%dma_start3A_45, %dma_start3A_46] : memref<20000x64xf32, #tpu.memory_space<hbm>> -> memref<20000x64xf32, #tpu.memory_space<hbm>>
      tpu.enqueue_indirect_dma source(%dma_start3A_47 : memref<20000x64xf32, #tpu.memory_space<hbm>>) target(%arg10 : memref<80x64xf32, #tpu.memory_space<vmem>>) offsets(%dma_start3A_44 : memref<80xi32, #tpu.memory_space<vmem>>) semaphore(%arg18 : memref<!tpu.dma_semaphore, #tpu.memory_space<semaphore_mem>>)
      %dma_start3A_48 = arith.constant 0 : i32
      %dma_start3A_49 = arith.constant 0 : i32
      %dma_start3A_50 = tpu.memref_slice %arg8[%dma_start3A_48, %dma_start3A_49] : memref<25x80xi32, #tpu.memory_space<vmem>> -> memref<1x80xi32, #tpu.memory_space<vmem>>
      %dma_start3A_51 = tpu.memref_squeeze %dma_start3A_50 : memref<1x80xi32, #tpu.memory_space<vmem>> -> memref<80xi32, #tpu.memory_space<vmem>>
      %dma_start3A_52 = arith.constant 0 : i32
      %dma_start3A_53 = arith.constant 0 : i32
      %dma_start3A_54 = tpu.memref_slice %arg2[%dma_start3A_52, %dma_start3A_53] : memref<20000x64xf32, #tpu.memory_space<hbm>> -> memref<20000x64xf32, #tpu.memory_space<hbm>>
      tpu.enqueue_indirect_dma source(%dma_start3A_54 : memref<20000x64xf32, #tpu.memory_space<hbm>>) target(%arg13 : memref<80x64xf32, #tpu.memory_space<vmem>>) offsets(%dma_start3A_51 : memref<80xi32, #tpu.memory_space<vmem>>) semaphore(%arg21 : memref<!tpu.dma_semaphore, #tpu.memory_space<semaphore_mem>>)
      %dma_start3A_55 = arith.constant 1 : i32
      %dma_start3A_56 = arith.constant 0 : i32
      %dma_start3A_57 = tpu.memref_slice %arg7[%dma_start3A_55, %dma_start3A_56] : memref<25x80xi32, #tpu.memory_space<vmem>> -> memref<1x80xi32, #tpu.memory_space<vmem>>
      %dma_start3A_58 = tpu.memref_squeeze %dma_start3A_57 : memref<1x80xi32, #tpu.memory_space<vmem>> -> memref<80xi32, #tpu.memory_space<vmem>>
      %dma_start3A_59 = arith.constant 0 : i32
      %dma_start3A_60 = arith.constant 0 : i32
      %dma_start3A_61 = tpu.memref_slice %arg2[%dma_start3A_59, %dma_start3A_60] : memref<20000x64xf32, #tpu.memory_space<hbm>> -> memref<20000x64xf32, #tpu.memory_space<hbm>>
      tpu.enqueue_indirect_dma source(%dma_start3A_61 : memref<20000x64xf32, #tpu.memory_space<hbm>>) target(%arg11 : memref<80x64xf32, #tpu.memory_space<vmem>>) offsets(%dma_start3A_58 : memref<80xi32, #tpu.memory_space<vmem>>) semaphore(%arg19 : memref<!tpu.dma_semaphore, #tpu.memory_space<semaphore_mem>>)
      %dma_start3A_62 = arith.constant 1 : i32
      %dma_start3A_63 = arith.constant 0 : i32
      %dma_start3A_64 = tpu.memref_slice %arg8[%dma_start3A_62, %dma_start3A_63] : memref<25x80xi32, #tpu.memory_space<vmem>> -> memref<1x80xi32, #tpu.memory_space<vmem>>
      %dma_start3A_65 = tpu.memref_squeeze %dma_start3A_64 : memref<1x80xi32, #tpu.memory_space<vmem>> -> memref<80xi32, #tpu.memory_space<vmem>>
      %dma_start3A_66 = arith.constant 0 : i32
      %dma_start3A_67 = arith.constant 0 : i32
      %dma_start3A_68 = tpu.memref_slice %arg2[%dma_start3A_66, %dma_start3A_67] : memref<20000x64xf32, #tpu.memory_space<hbm>> -> memref<20000x64xf32, #tpu.memory_space<hbm>>
      tpu.enqueue_indirect_dma source(%dma_start3A_68 : memref<20000x64xf32, #tpu.memory_space<hbm>>) target(%arg14 : memref<80x64xf32, #tpu.memory_space<vmem>>) offsets(%dma_start3A_65 : memref<80xi32, #tpu.memory_space<vmem>>) semaphore(%arg22 : memref<!tpu.dma_semaphore, #tpu.memory_space<semaphore_mem>>)
      %dma_start3A_69 = arith.constant 2 : i32
      %dma_start3A_70 = arith.constant 0 : i32
      %dma_start3A_71 = tpu.memref_slice %arg7[%dma_start3A_69, %dma_start3A_70] : memref<25x80xi32, #tpu.memory_space<vmem>> -> memref<1x80xi32, #tpu.memory_space<vmem>>
      %dma_start3A_72 = tpu.memref_squeeze %dma_start3A_71 : memref<1x80xi32, #tpu.memory_space<vmem>> -> memref<80xi32, #tpu.memory_space<vmem>>
      %dma_start3A_73 = arith.constant 0 : i32
      %dma_start3A_74 = arith.constant 0 : i32
      %dma_start3A_75 = tpu.memref_slice %arg2[%dma_start3A_73, %dma_start3A_74] : memref<20000x64xf32, #tpu.memory_space<hbm>> -> memref<20000x64xf32, #tpu.memory_space<hbm>>
      tpu.enqueue_indirect_dma source(%dma_start3A_75 : memref<20000x64xf32, #tpu.memory_space<hbm>>) target(%arg12 : memref<80x64xf32, #tpu.memory_space<vmem>>) offsets(%dma_start3A_72 : memref<80xi32, #tpu.memory_space<vmem>>) semaphore(%arg20 : memref<!tpu.dma_semaphore, #tpu.memory_space<semaphore_mem>>)
      %dma_start3A_76 = arith.constant 2 : i32
      %dma_start3A_77 = arith.constant 0 : i32
      %dma_start3A_78 = tpu.memref_slice %arg8[%dma_start3A_76, %dma_start3A_77] : memref<25x80xi32, #tpu.memory_space<vmem>> -> memref<1x80xi32, #tpu.memory_space<vmem>>
      %dma_start3A_79 = tpu.memref_squeeze %dma_start3A_78 : memref<1x80xi32, #tpu.memory_space<vmem>> -> memref<80xi32, #tpu.memory_space<vmem>>
      %dma_start3A_80 = arith.constant 0 : i32
      %dma_start3A_81 = arith.constant 0 : i32
      %dma_start3A_82 = tpu.memref_slice %arg2[%dma_start3A_80, %dma_start3A_81] : memref<20000x64xf32, #tpu.memory_space<hbm>> -> memref<20000x64xf32, #tpu.memory_space<hbm>>
      tpu.enqueue_indirect_dma source(%dma_start3A_82 : memref<20000x64xf32, #tpu.memory_space<hbm>>) target(%arg15 : memref<80x64xf32, #tpu.memory_space<vmem>>) offsets(%dma_start3A_79 : memref<80xi32, #tpu.memory_space<vmem>>) semaphore(%arg23 : memref<!tpu.dma_semaphore, #tpu.memory_space<semaphore_mem>>)
      %scan3A_83 = arith.constant 0 : i32
      %scan3A_84 = arith.constant 9 : i32
      %scan3A_85 = arith.addi %scan3A_83, %scan3A_84 : i32
      %scan3A_86 = arith.constant 1 : i32
      scf.for %scan3A_88 = %scan3A_83 to %scan3A_85 step %scan3A_86  : i32 {
        %mul3A_89 = arith.constant 3 : i32
        %mul3A_90 = arith.muli %scan3A_88, %mul3A_89 : i32
        %add3A_91 = arith.constant 0 : i32
        %add3A_92 = arith.addi %add3A_91, %mul3A_90 : i32
        %dma_wait3A = arith.constant 0 : i32
        %dma_wait3A_93 = tpu.memref_slice %arg7[%add3A_92, %dma_wait3A] : memref<25x80xi32, #tpu.memory_space<vmem>> -> memref<1x80xi32, #tpu.memory_space<vmem>>
        %dma_wait3A_94 = tpu.memref_squeeze %dma_wait3A_93 : memref<1x80xi32, #tpu.memory_space<vmem>> -> memref<80xi32, #tpu.memory_space<vmem>>
        %dma_wait3A_95 = arith.constant 0 : i32
        %dma_wait3A_96 = arith.constant 0 : i32
        %dma_wait3A_97 = tpu.memref_slice %arg2[%dma_wait3A_95, %dma_wait3A_96] : memref<20000x64xf32, #tpu.memory_space<hbm>> -> memref<20000x64xf32, #tpu.memory_space<hbm>>
        tpu.wait_indirect_dma semaphore(%arg18 : memref<!tpu.dma_semaphore, #tpu.memory_space<semaphore_mem>>) src(%dma_wait3A_97 : memref<20000x64xf32, #tpu.memory_space<hbm>>) dst(%arg10 : memref<80x64xf32, #tpu.memory_space<vmem>>)
        %dma_start3A_98 = arith.constant 0 : i32
        %dma_start3A_99 = tpu.memref_slice %arg9[%add3A_92, %dma_start3A_98] : memref<25x80xi32, #tpu.memory_space<vmem>> -> memref<1x80xi32, #tpu.memory_space<vmem>>
        %dma_start3A_100 = tpu.memref_squeeze %dma_start3A_99 : memref<1x80xi32, #tpu.memory_space<vmem>> -> memref<80xi32, #tpu.memory_space<vmem>>
        %dma_start3A_101 = arith.constant 0 : i32
        %dma_start3A_102 = arith.constant 0 : i32
        %dma_start3A_103 = tpu.memref_slice %arg16[%dma_start3A_101, %dma_start3A_102] : memref<10000x64xf32, #tpu.memory_space<vmem_shared>> -> memref<10000x64xf32, #tpu.memory_space<vmem_shared>>
        tpu.enqueue_indirect_dma source(%arg10 : memref<80x64xf32, #tpu.memory_space<vmem>>) target(%dma_start3A_103 : memref<10000x64xf32, #tpu.memory_space<vmem_shared>>) offsets(%dma_start3A_100 : memref<80xi32, #tpu.memory_space<vmem>>) semaphore(%arg24 : memref<!tpu.dma_semaphore, #tpu.memory_space<semaphore_mem>>) {add = true}
        %dma_wait3A_104 = arith.constant 0 : i32
        %dma_wait3A_105 = tpu.memref_slice %arg8[%add3A_92, %dma_wait3A_104] : memref<25x80xi32, #tpu.memory_space<vmem>> -> memref<1x80xi32, #tpu.memory_space<vmem>>
        %dma_wait3A_106 = tpu.memref_squeeze %dma_wait3A_105 : memref<1x80xi32, #tpu.memory_space<vmem>> -> memref<80xi32, #tpu.memory_space<vmem>>
        %dma_wait3A_107 = arith.constant 0 : i32
        %dma_wait3A_108 = arith.constant 0 : i32
        %dma_wait3A_109 = tpu.memref_slice %arg2[%dma_wait3A_107, %dma_wait3A_108] : memref<20000x64xf32, #tpu.memory_space<hbm>> -> memref<20000x64xf32, #tpu.memory_space<hbm>>
        tpu.wait_indirect_dma semaphore(%arg21 : memref<!tpu.dma_semaphore, #tpu.memory_space<semaphore_mem>>) src(%dma_wait3A_109 : memref<20000x64xf32, #tpu.memory_space<hbm>>) dst(%arg13 : memref<80x64xf32, #tpu.memory_space<vmem>>)
        %dma_start3A_110 = arith.constant 0 : i32
        %dma_start3A_111 = tpu.memref_slice %arg9[%add3A_92, %dma_start3A_110] : memref<25x80xi32, #tpu.memory_space<vmem>> -> memref<1x80xi32, #tpu.memory_space<vmem>>
        %dma_start3A_112 = tpu.memref_squeeze %dma_start3A_111 : memref<1x80xi32, #tpu.memory_space<vmem>> -> memref<80xi32, #tpu.memory_space<vmem>>
        %dma_start3A_113 = arith.constant 0 : i32
        %dma_start3A_114 = arith.constant 0 : i32
        %dma_start3A_115 = tpu.memref_slice %arg17[%dma_start3A_113, %dma_start3A_114] : memref<10000x64xf32, #tpu.memory_space<vmem_shared>> -> memref<10000x64xf32, #tpu.memory_space<vmem_shared>>
        tpu.enqueue_indirect_dma source(%arg13 : memref<80x64xf32, #tpu.memory_space<vmem>>) target(%dma_start3A_115 : memref<10000x64xf32, #tpu.memory_space<vmem_shared>>) offsets(%dma_start3A_112 : memref<80xi32, #tpu.memory_space<vmem>>) semaphore(%arg27 : memref<!tpu.dma_semaphore, #tpu.memory_space<semaphore_mem>>) {add = true}
        %add3A_116 = arith.constant 1 : i32
        %add3A_117 = arith.addi %add3A_92, %add3A_116 : i32
        %lt3A = arith.constant 25 : i32
        %lt3A_118 = arith.cmpi slt, %add3A_117, %lt3A : i32
        %convert_element_type3A = arith.extui %lt3A_118 : i1 to i32
        %cond3A = arith.constant 0 : i32
        %cond3A_119 = arith.cmpi ne, %convert_element_type3A, %cond3A : i32
        scf.if %cond3A_119 {
          %add3A_174 = arith.constant 1 : i32
          %add3A_175 = arith.addi %add3A_92, %add3A_174 : i32
          %dma_wait3A_176 = arith.constant 0 : i32
          %dma_wait3A_177 = tpu.memref_slice %arg7[%add3A_175, %dma_wait3A_176] : memref<25x80xi32, #tpu.memory_space<vmem>> -> memref<1x80xi32, #tpu.memory_space<vmem>>
          %dma_wait3A_178 = tpu.memref_squeeze %dma_wait3A_177 : memref<1x80xi32, #tpu.memory_space<vmem>> -> memref<80xi32, #tpu.memory_space<vmem>>
          %dma_wait3A_179 = arith.constant 0 : i32
          %dma_wait3A_180 = arith.constant 0 : i32
          %dma_wait3A_181 = tpu.memref_slice %arg2[%dma_wait3A_179, %dma_wait3A_180] : memref<20000x64xf32, #tpu.memory_space<hbm>> -> memref<20000x64xf32, #tpu.memory_space<hbm>>
          tpu.wait_indirect_dma semaphore(%arg19 : memref<!tpu.dma_semaphore, #tpu.memory_space<semaphore_mem>>) src(%dma_wait3A_181 : memref<20000x64xf32, #tpu.memory_space<hbm>>) dst(%arg11 : memref<80x64xf32, #tpu.memory_space<vmem>>)
          %add3A_182 = arith.constant 1 : i32
          %add3A_183 = arith.addi %add3A_92, %add3A_182 : i32
          %dma_start3A_184 = arith.constant 0 : i32
          %dma_start3A_185 = tpu.memref_slice %arg9[%add3A_183, %dma_start3A_184] : memref<25x80xi32, #tpu.memory_space<vmem>> -> memref<1x80xi32, #tpu.memory_space<vmem>>
          %dma_start3A_186 = tpu.memref_squeeze %dma_start3A_185 : memref<1x80xi32, #tpu.memory_space<vmem>> -> memref<80xi32, #tpu.memory_space<vmem>>
          %dma_start3A_187 = arith.constant 0 : i32
          %dma_start3A_188 = arith.constant 0 : i32
          %dma_start3A_189 = tpu.memref_slice %arg16[%dma_start3A_187, %dma_start3A_188] : memref<10000x64xf32, #tpu.memory_space<vmem_shared>> -> memref<10000x64xf32, #tpu.memory_space<vmem_shared>>
          tpu.enqueue_indirect_dma source(%arg11 : memref<80x64xf32, #tpu.memory_space<vmem>>) target(%dma_start3A_189 : memref<10000x64xf32, #tpu.memory_space<vmem_shared>>) offsets(%dma_start3A_186 : memref<80xi32, #tpu.memory_space<vmem>>) semaphore(%arg25 : memref<!tpu.dma_semaphore, #tpu.memory_space<semaphore_mem>>) {add = true}
          %add3A_190 = arith.constant 1 : i32
          %add3A_191 = arith.addi %add3A_92, %add3A_190 : i32
          %dma_wait3A_192 = arith.constant 0 : i32
          %dma_wait3A_193 = tpu.memref_slice %arg8[%add3A_191, %dma_wait3A_192] : memref<25x80xi32, #tpu.memory_space<vmem>> -> memref<1x80xi32, #tpu.memory_space<vmem>>
          %dma_wait3A_194 = tpu.memref_squeeze %dma_wait3A_193 : memref<1x80xi32, #tpu.memory_space<vmem>> -> memref<80xi32, #tpu.memory_space<vmem>>
          %dma_wait3A_195 = arith.constant 0 : i32
          %dma_wait3A_196 = arith.constant 0 : i32
          %dma_wait3A_197 = tpu.memref_slice %arg2[%dma_wait3A_195, %dma_wait3A_196] : memref<20000x64xf32, #tpu.memory_space<hbm>> -> memref<20000x64xf32, #tpu.memory_space<hbm>>
          tpu.wait_indirect_dma semaphore(%arg22 : memref<!tpu.dma_semaphore, #tpu.memory_space<semaphore_mem>>) src(%dma_wait3A_197 : memref<20000x64xf32, #tpu.memory_space<hbm>>) dst(%arg14 : memref<80x64xf32, #tpu.memory_space<vmem>>)
          %add3A_198 = arith.constant 1 : i32
          %add3A_199 = arith.addi %add3A_92, %add3A_198 : i32
          %dma_start3A_200 = arith.constant 0 : i32
          %dma_start3A_201 = tpu.memref_slice %arg9[%add3A_199, %dma_start3A_200] : memref<25x80xi32, #tpu.memory_space<vmem>> -> memref<1x80xi32, #tpu.memory_space<vmem>>
          %dma_start3A_202 = tpu.memref_squeeze %dma_start3A_201 : memref<1x80xi32, #tpu.memory_space<vmem>> -> memref<80xi32, #tpu.memory_space<vmem>>
          %dma_start3A_203 = arith.constant 0 : i32
          %dma_start3A_204 = arith.constant 0 : i32
          %dma_start3A_205 = tpu.memref_slice %arg17[%dma_start3A_203, %dma_start3A_204] : memref<10000x64xf32, #tpu.memory_space<vmem_shared>> -> memref<10000x64xf32, #tpu.memory_space<vmem_shared>>
          tpu.enqueue_indirect_dma source(%arg14 : memref<80x64xf32, #tpu.memory_space<vmem>>) target(%dma_start3A_205 : memref<10000x64xf32, #tpu.memory_space<vmem_shared>>) offsets(%dma_start3A_202 : memref<80xi32, #tpu.memory_space<vmem>>) semaphore(%arg28 : memref<!tpu.dma_semaphore, #tpu.memory_space<semaphore_mem>>) {add = true}
        } else {
        }
        %dma_wait3A_120 = arith.constant 0 : i32
        %dma_wait3A_121 = tpu.memref_slice %arg9[%add3A_92, %dma_wait3A_120] : memref<25x80xi32, #tpu.memory_space<vmem>> -> memref<1x80xi32, #tpu.memory_space<vmem>>
        %dma_wait3A_122 = tpu.memref_squeeze %dma_wait3A_121 : memref<1x80xi32, #tpu.memory_space<vmem>> -> memref<80xi32, #tpu.memory_space<vmem>>
        %dma_wait3A_123 = arith.constant 0 : i32
        %dma_wait3A_124 = arith.constant 0 : i32
        %dma_wait3A_125 = tpu.memref_slice %arg16[%dma_wait3A_123, %dma_wait3A_124] : memref<10000x64xf32, #tpu.memory_space<vmem_shared>> -> memref<10000x64xf32, #tpu.memory_space<vmem_shared>>
        tpu.wait_indirect_dma semaphore(%arg24 : memref<!tpu.dma_semaphore, #tpu.memory_space<semaphore_mem>>) src(%arg10 : memref<80x64xf32, #tpu.memory_space<vmem>>) dst(%dma_wait3A_125 : memref<10000x64xf32, #tpu.memory_space<vmem_shared>>)
        %dma_wait3A_126 = arith.constant 0 : i32
        %dma_wait3A_127 = tpu.memref_slice %arg9[%add3A_92, %dma_wait3A_126] : memref<25x80xi32, #tpu.memory_space<vmem>> -> memref<1x80xi32, #tpu.memory_space<vmem>>
        %dma_wait3A_128 = tpu.memref_squeeze %dma_wait3A_127 : memref<1x80xi32, #tpu.memory_space<vmem>> -> memref<80xi32, #tpu.memory_space<vmem>>
        %dma_wait3A_129 = arith.constant 0 : i32
        %dma_wait3A_130 = arith.constant 0 : i32
        %dma_wait3A_131 = tpu.memref_slice %arg17[%dma_wait3A_129, %dma_wait3A_130] : memref<10000x64xf32, #tpu.memory_space<vmem_shared>> -> memref<10000x64xf32, #tpu.memory_space<vmem_shared>>
        tpu.wait_indirect_dma semaphore(%arg27 : memref<!tpu.dma_semaphore, #tpu.memory_space<semaphore_mem>>) src(%arg13 : memref<80x64xf32, #tpu.memory_space<vmem>>) dst(%dma_wait3A_131 : memref<10000x64xf32, #tpu.memory_space<vmem_shared>>)
        %add3A_132 = arith.constant 3 : i32
        %add3A_133 = arith.addi %add3A_92, %add3A_132 : i32
        %lt3A_134 = arith.constant 25 : i32
        %lt3A_135 = arith.cmpi slt, %add3A_133, %lt3A_134 : i32
        %convert_element_type3A_136 = arith.extui %lt3A_135 : i1 to i32
        %cond3A_137 = arith.constant 0 : i32
        %cond3A_138 = arith.cmpi ne, %convert_element_type3A_136, %cond3A_137 : i32
        scf.if %cond3A_138 {
          %add3A_174 = arith.constant 3 : i32
          %add3A_175 = arith.addi %add3A_92, %add3A_174 : i32
          %dma_start3A_176 = arith.constant 0 : i32
          %dma_start3A_177 = tpu.memref_slice %arg7[%add3A_175, %dma_start3A_176] : memref<25x80xi32, #tpu.memory_space<vmem>> -> memref<1x80xi32, #tpu.memory_space<vmem>>
          %dma_start3A_178 = tpu.memref_squeeze %dma_start3A_177 : memref<1x80xi32, #tpu.memory_space<vmem>> -> memref<80xi32, #tpu.memory_space<vmem>>
          %dma_start3A_179 = arith.constant 0 : i32
          %dma_start3A_180 = arith.constant 0 : i32
          %dma_start3A_181 = tpu.memref_slice %arg2[%dma_start3A_179, %dma_start3A_180] : memref<20000x64xf32, #tpu.memory_space<hbm>> -> memref<20000x64xf32, #tpu.memory_space<hbm>>
          tpu.enqueue_indirect_dma source(%dma_start3A_181 : memref<20000x64xf32, #tpu.memory_space<hbm>>) target(%arg10 : memref<80x64xf32, #tpu.memory_space<vmem>>) offsets(%dma_start3A_178 : memref<80xi32, #tpu.memory_space<vmem>>) semaphore(%arg18 : memref<!tpu.dma_semaphore, #tpu.memory_space<semaphore_mem>>)
          %add3A_182 = arith.constant 3 : i32
          %add3A_183 = arith.addi %add3A_92, %add3A_182 : i32
          %dma_start3A_184 = arith.constant 0 : i32
          %dma_start3A_185 = tpu.memref_slice %arg8[%add3A_183, %dma_start3A_184] : memref<25x80xi32, #tpu.memory_space<vmem>> -> memref<1x80xi32, #tpu.memory_space<vmem>>
          %dma_start3A_186 = tpu.memref_squeeze %dma_start3A_185 : memref<1x80xi32, #tpu.memory_space<vmem>> -> memref<80xi32, #tpu.memory_space<vmem>>
          %dma_start3A_187 = arith.constant 0 : i32
          %dma_start3A_188 = arith.constant 0 : i32
          %dma_start3A_189 = tpu.memref_slice %arg2[%dma_start3A_187, %dma_start3A_188] : memref<20000x64xf32, #tpu.memory_space<hbm>> -> memref<20000x64xf32, #tpu.memory_space<hbm>>
          tpu.enqueue_indirect_dma source(%dma_start3A_189 : memref<20000x64xf32, #tpu.memory_space<hbm>>) target(%arg13 : memref<80x64xf32, #tpu.memory_space<vmem>>) offsets(%dma_start3A_186 : memref<80xi32, #tpu.memory_space<vmem>>) semaphore(%arg21 : memref<!tpu.dma_semaphore, #tpu.memory_space<semaphore_mem>>)
        } else {
        }
        %add3A_139 = arith.constant 2 : i32
        %add3A_140 = arith.addi %add3A_92, %add3A_139 : i32
        %lt3A_141 = arith.constant 25 : i32
        %lt3A_142 = arith.cmpi slt, %add3A_140, %lt3A_141 : i32
        %convert_element_type3A_143 = arith.extui %lt3A_142 : i1 to i32
        %cond3A_144 = arith.constant 0 : i32
        %cond3A_145 = arith.cmpi ne, %convert_element_type3A_143, %cond3A_144 : i32
        scf.if %cond3A_145 {
          %add3A_174 = arith.constant 2 : i32
          %add3A_175 = arith.addi %add3A_92, %add3A_174 : i32
          %dma_wait3A_176 = arith.constant 0 : i32
          %dma_wait3A_177 = tpu.memref_slice %arg7[%add3A_175, %dma_wait3A_176] : memref<25x80xi32, #tpu.memory_space<vmem>> -> memref<1x80xi32, #tpu.memory_space<vmem>>
          %dma_wait3A_178 = tpu.memref_squeeze %dma_wait3A_177 : memref<1x80xi32, #tpu.memory_space<vmem>> -> memref<80xi32, #tpu.memory_space<vmem>>
          %dma_wait3A_179 = arith.constant 0 : i32
          %dma_wait3A_180 = arith.constant 0 : i32
          %dma_wait3A_181 = tpu.memref_slice %arg2[%dma_wait3A_179, %dma_wait3A_180] : memref<20000x64xf32, #tpu.memory_space<hbm>> -> memref<20000x64xf32, #tpu.memory_space<hbm>>
          tpu.wait_indirect_dma semaphore(%arg20 : memref<!tpu.dma_semaphore, #tpu.memory_space<semaphore_mem>>) src(%dma_wait3A_181 : memref<20000x64xf32, #tpu.memory_space<hbm>>) dst(%arg12 : memref<80x64xf32, #tpu.memory_space<vmem>>)
          %add3A_182 = arith.constant 2 : i32
          %add3A_183 = arith.addi %add3A_92, %add3A_182 : i32
          %dma_start3A_184 = arith.constant 0 : i32
          %dma_start3A_185 = tpu.memref_slice %arg9[%add3A_183, %dma_start3A_184] : memref<25x80xi32, #tpu.memory_space<vmem>> -> memref<1x80xi32, #tpu.memory_space<vmem>>
          %dma_start3A_186 = tpu.memref_squeeze %dma_start3A_185 : memref<1x80xi32, #tpu.memory_space<vmem>> -> memref<80xi32, #tpu.memory_space<vmem>>
          %dma_start3A_187 = arith.constant 0 : i32
          %dma_start3A_188 = arith.constant 0 : i32
          %dma_start3A_189 = tpu.memref_slice %arg16[%dma_start3A_187, %dma_start3A_188] : memref<10000x64xf32, #tpu.memory_space<vmem_shared>> -> memref<10000x64xf32, #tpu.memory_space<vmem_shared>>
          tpu.enqueue_indirect_dma source(%arg12 : memref<80x64xf32, #tpu.memory_space<vmem>>) target(%dma_start3A_189 : memref<10000x64xf32, #tpu.memory_space<vmem_shared>>) offsets(%dma_start3A_186 : memref<80xi32, #tpu.memory_space<vmem>>) semaphore(%arg26 : memref<!tpu.dma_semaphore, #tpu.memory_space<semaphore_mem>>) {add = true}
          %add3A_190 = arith.constant 2 : i32
          %add3A_191 = arith.addi %add3A_92, %add3A_190 : i32
          %dma_wait3A_192 = arith.constant 0 : i32
          %dma_wait3A_193 = tpu.memref_slice %arg8[%add3A_191, %dma_wait3A_192] : memref<25x80xi32, #tpu.memory_space<vmem>> -> memref<1x80xi32, #tpu.memory_space<vmem>>
          %dma_wait3A_194 = tpu.memref_squeeze %dma_wait3A_193 : memref<1x80xi32, #tpu.memory_space<vmem>> -> memref<80xi32, #tpu.memory_space<vmem>>
          %dma_wait3A_195 = arith.constant 0 : i32
          %dma_wait3A_196 = arith.constant 0 : i32
          %dma_wait3A_197 = tpu.memref_slice %arg2[%dma_wait3A_195, %dma_wait3A_196] : memref<20000x64xf32, #tpu.memory_space<hbm>> -> memref<20000x64xf32, #tpu.memory_space<hbm>>
          tpu.wait_indirect_dma semaphore(%arg23 : memref<!tpu.dma_semaphore, #tpu.memory_space<semaphore_mem>>) src(%dma_wait3A_197 : memref<20000x64xf32, #tpu.memory_space<hbm>>) dst(%arg15 : memref<80x64xf32, #tpu.memory_space<vmem>>)
          %add3A_198 = arith.constant 2 : i32
          %add3A_199 = arith.addi %add3A_92, %add3A_198 : i32
          %dma_start3A_200 = arith.constant 0 : i32
          %dma_start3A_201 = tpu.memref_slice %arg9[%add3A_199, %dma_start3A_200] : memref<25x80xi32, #tpu.memory_space<vmem>> -> memref<1x80xi32, #tpu.memory_space<vmem>>
          %dma_start3A_202 = tpu.memref_squeeze %dma_start3A_201 : memref<1x80xi32, #tpu.memory_space<vmem>> -> memref<80xi32, #tpu.memory_space<vmem>>
          %dma_start3A_203 = arith.constant 0 : i32
          %dma_start3A_204 = arith.constant 0 : i32
          %dma_start3A_205 = tpu.memref_slice %arg17[%dma_start3A_203, %dma_start3A_204] : memref<10000x64xf32, #tpu.memory_space<vmem_shared>> -> memref<10000x64xf32, #tpu.memory_space<vmem_shared>>
          tpu.enqueue_indirect_dma source(%arg15 : memref<80x64xf32, #tpu.memory_space<vmem>>) target(%dma_start3A_205 : memref<10000x64xf32, #tpu.memory_space<vmem_shared>>) offsets(%dma_start3A_202 : memref<80xi32, #tpu.memory_space<vmem>>) semaphore(%arg29 : memref<!tpu.dma_semaphore, #tpu.memory_space<semaphore_mem>>) {add = true}
        } else {
        }
        %add3A_146 = arith.constant 1 : i32
        %add3A_147 = arith.addi %add3A_92, %add3A_146 : i32
        %lt3A_148 = arith.constant 25 : i32
        %lt3A_149 = arith.cmpi slt, %add3A_147, %lt3A_148 : i32
        %convert_element_type3A_150 = arith.extui %lt3A_149 : i1 to i32
        %cond3A_151 = arith.constant 0 : i32
        %cond3A_152 = arith.cmpi ne, %convert_element_type3A_150, %cond3A_151 : i32
        scf.if %cond3A_152 {
          %add3A_174 = arith.constant 1 : i32
          %add3A_175 = arith.addi %add3A_92, %add3A_174 : i32
          %dma_wait3A_176 = arith.constant 0 : i32
          %dma_wait3A_177 = tpu.memref_slice %arg9[%add3A_175, %dma_wait3A_176] : memref<25x80xi32, #tpu.memory_space<vmem>> -> memref<1x80xi32, #tpu.memory_space<vmem>>
          %dma_wait3A_178 = tpu.memref_squeeze %dma_wait3A_177 : memref<1x80xi32, #tpu.memory_space<vmem>> -> memref<80xi32, #tpu.memory_space<vmem>>
          %dma_wait3A_179 = arith.constant 0 : i32
          %dma_wait3A_180 = arith.constant 0 : i32
          %dma_wait3A_181 = tpu.memref_slice %arg16[%dma_wait3A_179, %dma_wait3A_180] : memref<10000x64xf32, #tpu.memory_space<vmem_shared>> -> memref<10000x64xf32, #tpu.memory_space<vmem_shared>>
          tpu.wait_indirect_dma semaphore(%arg25 : memref<!tpu.dma_semaphore, #tpu.memory_space<semaphore_mem>>) src(%arg11 : memref<80x64xf32, #tpu.memory_space<vmem>>) dst(%dma_wait3A_181 : memref<10000x64xf32, #tpu.memory_space<vmem_shared>>)
          %add3A_182 = arith.constant 1 : i32
          %add3A_183 = arith.addi %add3A_92, %add3A_182 : i32
          %dma_wait3A_184 = arith.constant 0 : i32
          %dma_wait3A_185 = tpu.memref_slice %arg9[%add3A_183, %dma_wait3A_184] : memref<25x80xi32, #tpu.memory_space<vmem>> -> memref<1x80xi32, #tpu.memory_space<vmem>>
          %dma_wait3A_186 = tpu.memref_squeeze %dma_wait3A_185 : memref<1x80xi32, #tpu.memory_space<vmem>> -> memref<80xi32, #tpu.memory_space<vmem>>
          %dma_wait3A_187 = arith.constant 0 : i32
          %dma_wait3A_188 = arith.constant 0 : i32
          %dma_wait3A_189 = tpu.memref_slice %arg17[%dma_wait3A_187, %dma_wait3A_188] : memref<10000x64xf32, #tpu.memory_space<vmem_shared>> -> memref<10000x64xf32, #tpu.memory_space<vmem_shared>>
          tpu.wait_indirect_dma semaphore(%arg28 : memref<!tpu.dma_semaphore, #tpu.memory_space<semaphore_mem>>) src(%arg14 : memref<80x64xf32, #tpu.memory_space<vmem>>) dst(%dma_wait3A_189 : memref<10000x64xf32, #tpu.memory_space<vmem_shared>>)
        } else {
        }
        %add3A_153 = arith.constant 4 : i32
        %add3A_154 = arith.addi %add3A_92, %add3A_153 : i32
        %lt3A_155 = arith.constant 25 : i32
        %lt3A_156 = arith.cmpi slt, %add3A_154, %lt3A_155 : i32
        %convert_element_type3A_157 = arith.extui %lt3A_156 : i1 to i32
        %cond3A_158 = arith.constant 0 : i32
        %cond3A_159 = arith.cmpi ne, %convert_element_type3A_157, %cond3A_158 : i32
        scf.if %cond3A_159 {
          %add3A_174 = arith.constant 4 : i32
          %add3A_175 = arith.addi %add3A_92, %add3A_174 : i32
          %dma_start3A_176 = arith.constant 0 : i32
          %dma_start3A_177 = tpu.memref_slice %arg7[%add3A_175, %dma_start3A_176] : memref<25x80xi32, #tpu.memory_space<vmem>> -> memref<1x80xi32, #tpu.memory_space<vmem>>
          %dma_start3A_178 = tpu.memref_squeeze %dma_start3A_177 : memref<1x80xi32, #tpu.memory_space<vmem>> -> memref<80xi32, #tpu.memory_space<vmem>>
          %dma_start3A_179 = arith.constant 0 : i32
          %dma_start3A_180 = arith.constant 0 : i32
          %dma_start3A_181 = tpu.memref_slice %arg2[%dma_start3A_179, %dma_start3A_180] : memref<20000x64xf32, #tpu.memory_space<hbm>> -> memref<20000x64xf32, #tpu.memory_space<hbm>>
          tpu.enqueue_indirect_dma source(%dma_start3A_181 : memref<20000x64xf32, #tpu.memory_space<hbm>>) target(%arg11 : memref<80x64xf32, #tpu.memory_space<vmem>>) offsets(%dma_start3A_178 : memref<80xi32, #tpu.memory_space<vmem>>) semaphore(%arg19 : memref<!tpu.dma_semaphore, #tpu.memory_space<semaphore_mem>>)
          %add3A_182 = arith.constant 4 : i32
          %add3A_183 = arith.addi %add3A_92, %add3A_182 : i32
          %dma_start3A_184 = arith.constant 0 : i32
          %dma_start3A_185 = tpu.memref_slice %arg8[%add3A_183, %dma_start3A_184] : memref<25x80xi32, #tpu.memory_space<vmem>> -> memref<1x80xi32, #tpu.memory_space<vmem>>
          %dma_start3A_186 = tpu.memref_squeeze %dma_start3A_185 : memref<1x80xi32, #tpu.memory_space<vmem>> -> memref<80xi32, #tpu.memory_space<vmem>>
          %dma_start3A_187 = arith.constant 0 : i32
          %dma_start3A_188 = arith.constant 0 : i32
          %dma_start3A_189 = tpu.memref_slice %arg2[%dma_start3A_187, %dma_start3A_188] : memref<20000x64xf32, #tpu.memory_space<hbm>> -> memref<20000x64xf32, #tpu.memory_space<hbm>>
          tpu.enqueue_indirect_dma source(%dma_start3A_189 : memref<20000x64xf32, #tpu.memory_space<hbm>>) target(%arg14 : memref<80x64xf32, #tpu.memory_space<vmem>>) offsets(%dma_start3A_186 : memref<80xi32, #tpu.memory_space<vmem>>) semaphore(%arg22 : memref<!tpu.dma_semaphore, #tpu.memory_space<semaphore_mem>>)
        } else {
        }
        %add3A_160 = arith.constant 2 : i32
        %add3A_161 = arith.addi %add3A_92, %add3A_160 : i32
        %lt3A_162 = arith.constant 25 : i32
        %lt3A_163 = arith.cmpi slt, %add3A_161, %lt3A_162 : i32
        %convert_element_type3A_164 = arith.extui %lt3A_163 : i1 to i32
        %cond3A_165 = arith.constant 0 : i32
        %cond3A_166 = arith.cmpi ne, %convert_element_type3A_164, %cond3A_165 : i32
        scf.if %cond3A_166 {
          %add3A_174 = arith.constant 2 : i32
          %add3A_175 = arith.addi %add3A_92, %add3A_174 : i32
          %dma_wait3A_176 = arith.constant 0 : i32
          %dma_wait3A_177 = tpu.memref_slice %arg9[%add3A_175, %dma_wait3A_176] : memref<25x80xi32, #tpu.memory_space<vmem>> -> memref<1x80xi32, #tpu.memory_space<vmem>>
          %dma_wait3A_178 = tpu.memref_squeeze %dma_wait3A_177 : memref<1x80xi32, #tpu.memory_space<vmem>> -> memref<80xi32, #tpu.memory_space<vmem>>
          %dma_wait3A_179 = arith.constant 0 : i32
          %dma_wait3A_180 = arith.constant 0 : i32
          %dma_wait3A_181 = tpu.memref_slice %arg16[%dma_wait3A_179, %dma_wait3A_180] : memref<10000x64xf32, #tpu.memory_space<vmem_shared>> -> memref<10000x64xf32, #tpu.memory_space<vmem_shared>>
          tpu.wait_indirect_dma semaphore(%arg26 : memref<!tpu.dma_semaphore, #tpu.memory_space<semaphore_mem>>) src(%arg12 : memref<80x64xf32, #tpu.memory_space<vmem>>) dst(%dma_wait3A_181 : memref<10000x64xf32, #tpu.memory_space<vmem_shared>>)
          %add3A_182 = arith.constant 2 : i32
          %add3A_183 = arith.addi %add3A_92, %add3A_182 : i32
          %dma_wait3A_184 = arith.constant 0 : i32
          %dma_wait3A_185 = tpu.memref_slice %arg9[%add3A_183, %dma_wait3A_184] : memref<25x80xi32, #tpu.memory_space<vmem>> -> memref<1x80xi32, #tpu.memory_space<vmem>>
          %dma_wait3A_186 = tpu.memref_squeeze %dma_wait3A_185 : memref<1x80xi32, #tpu.memory_space<vmem>> -> memref<80xi32, #tpu.memory_space<vmem>>
          %dma_wait3A_187 = arith.constant 0 : i32
          %dma_wait3A_188 = arith.constant 0 : i32
          %dma_wait3A_189 = tpu.memref_slice %arg17[%dma_wait3A_187, %dma_wait3A_188] : memref<10000x64xf32, #tpu.memory_space<vmem_shared>> -> memref<10000x64xf32, #tpu.memory_space<vmem_shared>>
          tpu.wait_indirect_dma semaphore(%arg29 : memref<!tpu.dma_semaphore, #tpu.memory_space<semaphore_mem>>) src(%arg15 : memref<80x64xf32, #tpu.memory_space<vmem>>) dst(%dma_wait3A_189 : memref<10000x64xf32, #tpu.memory_space<vmem_shared>>)
        } else {
        }
        %add3A_167 = arith.constant 5 : i32
        %add3A_168 = arith.addi %add3A_92, %add3A_167 : i32
        %lt3A_169 = arith.constant 25 : i32
        %lt3A_170 = arith.cmpi slt, %add3A_168, %lt3A_169 : i32
        %convert_element_type3A_171 = arith.extui %lt3A_170 : i1 to i32
        %cond3A_172 = arith.constant 0 : i32
        %cond3A_173 = arith.cmpi ne, %convert_element_type3A_171, %cond3A_172 : i32
        scf.if %cond3A_173 {
          %add3A_174 = arith.constant 5 : i32
          %add3A_175 = arith.addi %add3A_92, %add3A_174 : i32
          %dma_start3A_176 = arith.constant 0 : i32
          %dma_start3A_177 = tpu.memref_slice %arg7[%add3A_175, %dma_start3A_176] : memref<25x80xi32, #tpu.memory_space<vmem>> -> memref<1x80xi32, #tpu.memory_space<vmem>>
          %dma_start3A_178 = tpu.memref_squeeze %dma_start3A_177 : memref<1x80xi32, #tpu.memory_space<vmem>> -> memref<80xi32, #tpu.memory_space<vmem>>
          %dma_start3A_179 = arith.constant 0 : i32
          %dma_start3A_180 = arith.constant 0 : i32
          %dma_start3A_181 = tpu.memref_slice %arg2[%dma_start3A_179, %dma_start3A_180] : memref<20000x64xf32, #tpu.memory_space<hbm>> -> memref<20000x64xf32, #tpu.memory_space<hbm>>
          tpu.enqueue_indirect_dma source(%dma_start3A_181 : memref<20000x64xf32, #tpu.memory_space<hbm>>) target(%arg12 : memref<80x64xf32, #tpu.memory_space<vmem>>) offsets(%dma_start3A_178 : memref<80xi32, #tpu.memory_space<vmem>>) semaphore(%arg20 : memref<!tpu.dma_semaphore, #tpu.memory_space<semaphore_mem>>)
          %add3A_182 = arith.constant 5 : i32
          %add3A_183 = arith.addi %add3A_92, %add3A_182 : i32
          %dma_start3A_184 = arith.constant 0 : i32
          %dma_start3A_185 = tpu.memref_slice %arg8[%add3A_183, %dma_start3A_184] : memref<25x80xi32, #tpu.memory_space<vmem>> -> memref<1x80xi32, #tpu.memory_space<vmem>>
          %dma_start3A_186 = tpu.memref_squeeze %dma_start3A_185 : memref<1x80xi32, #tpu.memory_space<vmem>> -> memref<80xi32, #tpu.memory_space<vmem>>
          %dma_start3A_187 = arith.constant 0 : i32
          %dma_start3A_188 = arith.constant 0 : i32
          %dma_start3A_189 = tpu.memref_slice %arg2[%dma_start3A_187, %dma_start3A_188] : memref<20000x64xf32, #tpu.memory_space<hbm>> -> memref<20000x64xf32, #tpu.memory_space<hbm>>
          tpu.enqueue_indirect_dma source(%dma_start3A_189 : memref<20000x64xf32, #tpu.memory_space<hbm>>) target(%arg15 : memref<80x64xf32, #tpu.memory_space<vmem>>) offsets(%dma_start3A_186 : memref<80xi32, #tpu.memory_space<vmem>>) semaphore(%arg23 : memref<!tpu.dma_semaphore, #tpu.memory_space<semaphore_mem>>)
        } else {
        }
      }
      %scan3A_87 = arith.constant 9 : i32
    }
    %scan3A_19 = arith.constant 5 : i32
    %barrier3A_20 = arith.constant 0 : index
    tpu.barrier barrier_id(%barrier3A_20)
    %scan3A_21 = arith.constant 0 : i32
    %scan3A_22 = arith.constant 8 : i32
    %scan3A_23 = arith.addi %scan3A_21, %scan3A_22 : i32
    %scan3A_24 = arith.constant 1 : i32
    scf.for %scan3A_31 = %scan3A_21 to %scan3A_23 step %scan3A_24  : i32 {
      %mul3A_32 = arith.constant 1 : i32
      %mul3A_33 = arith.muli %scan3A_31, %mul3A_32 : i32
      %add3A_34 = arith.constant 0 : i32
      %add3A_35 = arith.addi %add3A_34, %mul3A_33 : i32
      %mul3A_36 = arith.constant 16 : i32
      %mul3A_37 = arith.muli %mul3A_36, %add3A_35 : i32
      %add3A_38 = arith.addi %arg1, %mul3A_37 : i32
      %lt3A = arith.constant 125 : i32
      %lt3A_39 = arith.cmpi slt, %add3A_38, %lt3A : i32
      %convert_element_type3A = arith.extui %lt3A_39 : i1 to i32
      %cond3A = arith.constant 0 : i32
      %cond3A_40 = arith.cmpi ne, %convert_element_type3A, %cond3A : i32
      scf.if %cond3A_40 {
        %mul3A_41 = arith.constant 80 : i32
        %mul3A_42 = arith.muli %add3A_38, %mul3A_41 : i32
        %dma_start3A = arith.constant 0 : i32
        %dma_start3A_43 = tpu.memref_slice %arg6[%arg0, %mul3A_42, %dma_start3A] : memref<2x10000x128xf32, #tpu.memory_space<hbm>> -> memref<1x80x64xf32, #tpu.memory_space<hbm>>
        %dma_start3A_44 = tpu.memref_squeeze %dma_start3A_43 : memref<1x80x64xf32, #tpu.memory_space<hbm>> -> memref<80x64xf32, #tpu.memory_space<hbm>>
        %dma_start3A_45 = arith.constant 0 : i32
        %dma_start3A_46 = tpu.memref_slice %arg16[%mul3A_42, %dma_start3A_45] : memref<10000x64xf32, #tpu.memory_space<vmem_shared>> -> memref<80x64xf32, #tpu.memory_space<vmem_shared>>
        tpu.enqueue_dma source(%dma_start3A_46 : memref<80x64xf32, #tpu.memory_space<vmem_shared>>) target(%dma_start3A_44 : memref<80x64xf32, #tpu.memory_space<hbm>>) target_semaphore(%arg24 : memref<!tpu.dma_semaphore, #tpu.memory_space<semaphore_mem>>)
        %dma_start3A_47 = arith.constant 64 : i32
        %dma_start3A_48 = tpu.memref_slice %arg6[%arg0, %mul3A_42, %dma_start3A_47] : memref<2x10000x128xf32, #tpu.memory_space<hbm>> -> memref<1x80x64xf32, #tpu.memory_space<hbm>>
        %dma_start3A_49 = tpu.memref_squeeze %dma_start3A_48 : memref<1x80x64xf32, #tpu.memory_space<hbm>> -> memref<80x64xf32, #tpu.memory_space<hbm>>
        %dma_start3A_50 = arith.constant 0 : i32
        %dma_start3A_51 = tpu.memref_slice %arg17[%mul3A_42, %dma_start3A_50] : memref<10000x64xf32, #tpu.memory_space<vmem_shared>> -> memref<80x64xf32, #tpu.memory_space<vmem_shared>>
        tpu.enqueue_dma source(%dma_start3A_51 : memref<80x64xf32, #tpu.memory_space<vmem_shared>>) target(%dma_start3A_49 : memref<80x64xf32, #tpu.memory_space<hbm>>) target_semaphore(%arg27 : memref<!tpu.dma_semaphore, #tpu.memory_space<semaphore_mem>>)
      } else {
      }
    }
    %scan3A_25 = arith.constant 8 : i32
    %scan3A_26 = arith.constant 0 : i32
    %scan3A_27 = arith.constant 8 : i32
    %scan3A_28 = arith.addi %scan3A_26, %scan3A_27 : i32
    %scan3A_29 = arith.constant 1 : i32
    scf.for %scan3A_31 = %scan3A_26 to %scan3A_28 step %scan3A_29  : i32 {
      %mul3A_32 = arith.constant 1 : i32
      %mul3A_33 = arith.muli %scan3A_31, %mul3A_32 : i32
      %add3A_34 = arith.constant 0 : i32
      %add3A_35 = arith.addi %add3A_34, %mul3A_33 : i32
      %mul3A_36 = arith.constant 16 : i32
      %mul3A_37 = arith.muli %mul3A_36, %add3A_35 : i32
      %add3A_38 = arith.addi %arg1, %mul3A_37 : i32
      %lt3A = arith.constant 125 : i32
      %lt3A_39 = arith.cmpi slt, %add3A_38, %lt3A : i32
      %convert_element_type3A = arith.extui %lt3A_39 : i1 to i32
      %cond3A = arith.constant 0 : i32
      %cond3A_40 = arith.cmpi ne, %convert_element_type3A, %cond3A : i32
      scf.if %cond3A_40 {
        %mul3A_41 = arith.constant 80 : i32
        %mul3A_42 = arith.muli %add3A_38, %mul3A_41 : i32
        %dma_wait3A = arith.constant 0 : i32
        %dma_wait3A_43 = tpu.memref_slice %arg6[%arg0, %mul3A_42, %dma_wait3A] : memref<2x10000x128xf32, #tpu.memory_space<hbm>> -> memref<1x80x64xf32, #tpu.memory_space<hbm>>
        %dma_wait3A_44 = tpu.memref_squeeze %dma_wait3A_43 : memref<1x80x64xf32, #tpu.memory_space<hbm>> -> memref<80x64xf32, #tpu.memory_space<hbm>>
        %dma_wait3A_45 = arith.constant 0 : i32
        %dma_wait3A_46 = tpu.memref_slice %arg16[%mul3A_42, %dma_wait3A_45] : memref<10000x64xf32, #tpu.memory_space<vmem_shared>> -> memref<80x64xf32, #tpu.memory_space<vmem_shared>>
        tpu.wait_dma2 semaphore(%arg24 : memref<!tpu.dma_semaphore, #tpu.memory_space<semaphore_mem>>) src(%dma_wait3A_46 : memref<80x64xf32, #tpu.memory_space<vmem_shared>>) dst(%dma_wait3A_44 : memref<80x64xf32, #tpu.memory_space<hbm>>)
        %dma_wait3A_47 = arith.constant 64 : i32
        %dma_wait3A_48 = tpu.memref_slice %arg6[%arg0, %mul3A_42, %dma_wait3A_47] : memref<2x10000x128xf32, #tpu.memory_space<hbm>> -> memref<1x80x64xf32, #tpu.memory_space<hbm>>
        %dma_wait3A_49 = tpu.memref_squeeze %dma_wait3A_48 : memref<1x80x64xf32, #tpu.memory_space<hbm>> -> memref<80x64xf32, #tpu.memory_space<hbm>>
        %dma_wait3A_50 = arith.constant 0 : i32
        %dma_wait3A_51 = tpu.memref_slice %arg17[%mul3A_42, %dma_wait3A_50] : memref<10000x64xf32, #tpu.memory_space<vmem_shared>> -> memref<80x64xf32, #tpu.memory_space<vmem_shared>>
        tpu.wait_dma2 semaphore(%arg27 : memref<!tpu.dma_semaphore, #tpu.memory_space<semaphore_mem>>) src(%dma_wait3A_51 : memref<80x64xf32, #tpu.memory_space<vmem_shared>>) dst(%dma_wait3A_49 : memref<80x64xf32, #tpu.memory_space<hbm>>)
      } else {
      }
    }
    %scan3A_30 = arith.constant 8 : i32
    return
  }
}

#map = affine_map<(d0, d1) -> (0, 0)>
#map1 = affine_map<(d0, d1) -> (0, 0, 0)>
module attributes {stable_mosaic.version = 14 : i64} {
  func.func @agg2_kernel(%arg0: i32, %arg1: i32, %arg2: memref<20000x64xf32, #tpu.memory_space<hbm>>, %arg3: memref<32x125x80xi32, #tpu.memory_space<hbm>>, %arg4: memref<32x125x80xi32, #tpu.memory_space<hbm>>, %arg5: memref<32x125x80xi32, #tpu.memory_space<hbm>>, %arg6: memref<2x10000x128xf32, #tpu.memory_space<hbm>>, %arg7: memref<25x80xi32, #tpu.memory_space<vmem>>, %arg8: memref<25x80xi32, #tpu.memory_space<vmem>>, %arg9: memref<25x80xi32, #tpu.memory_space<vmem>>, %arg10: memref<80x64xf32, #tpu.memory_space<vmem>>, %arg11: memref<80x64xf32, #tpu.memory_space<vmem>>, %arg12: memref<80x64xf32, #tpu.memory_space<vmem>>, %arg13: memref<80x64xf32, #tpu.memory_space<vmem>>, %arg14: memref<80x64xf32, #tpu.memory_space<vmem>>, %arg15: memref<80x64xf32, #tpu.memory_space<vmem>>, %arg16: memref<10000x64xf32, #tpu.memory_space<vmem_shared>>, %arg17: memref<10000x64xf32, #tpu.memory_space<vmem_shared>>, %arg18: memref<!tpu.dma_semaphore, #tpu.memory_space<semaphore_mem>>, %arg19: memref<!tpu.dma_semaphore, #tpu.memory_space<semaphore_mem>>, %arg20: memref<!tpu.dma_semaphore, #tpu.memory_space<semaphore_mem>>, %arg21: memref<!tpu.dma_semaphore, #tpu.memory_space<semaphore_mem>>, %arg22: memref<!tpu.dma_semaphore, #tpu.memory_space<semaphore_mem>>, %arg23: memref<!tpu.dma_semaphore, #tpu.memory_space<semaphore_mem>>, %arg24: memref<!tpu.dma_semaphore, #tpu.memory_space<semaphore_mem>>, %arg25: memref<!tpu.dma_semaphore, #tpu.memory_space<semaphore_mem>>, %arg26: memref<!tpu.dma_semaphore, #tpu.memory_space<semaphore_mem>>, %arg27: memref<!tpu.dma_semaphore, #tpu.memory_space<semaphore_mem>>, %arg28: memref<!tpu.dma_semaphore, #tpu.memory_space<semaphore_mem>>, %arg29: memref<!tpu.dma_semaphore, #tpu.memory_space<semaphore_mem>>) attributes {dimension_semantics = [#tpu.dimension_semantics<core_parallel>, #tpu.dimension_semantics<subcore_parallel>], iteration_bounds = array<i64: 2, 16>, scalar_prefetch = 0 : i64, scratch_operands = 23 : i64, tpu.core_type = #tpu.core_type<sc_vector_subcore>, window_params = [{transform_indices = #map}, {transform_indices = #map1}, {transform_indices = #map1}, {transform_indices = #map1}, {transform_indices = #map1}]} {
    %mul3A = arith.constant 2 : i32
    %mul3A_0 = arith.muli %arg1, %mul3A : i32
    %add3A = arith.addi %mul3A_0, %arg0 : i32
    %scan3A = arith.constant 0 : i32
    %scan3A_1 = arith.constant 80 : i32
    %scan3A_2 = arith.addi %scan3A, %scan3A_1 : i32
    %scan3A_3 = arith.constant 1 : i32
    scf.for %scan3A_31 = %scan3A to %scan3A_2 step %scan3A_3  : i32 {
      %mul3A_32 = arith.constant 1 : i32
      %mul3A_33 = arith.muli %scan3A_31, %mul3A_32 : i32
      %add3A_34 = arith.constant 0 : i32
      %add3A_35 = arith.addi %add3A_34, %mul3A_33 : i32
      %scan3A_36 = arith.constant 0 : i32
      %scan3A_37 = arith.constant 4 : i32
      %scan3A_38 = arith.addi %scan3A_36, %scan3A_37 : i32
      %scan3A_39 = arith.constant 1 : i32
      scf.for %scan3A_41 = %scan3A_36 to %scan3A_38 step %scan3A_39  : i32 {
        %mul3A_42 = arith.constant 16 : i32
        %mul3A_43 = arith.muli %scan3A_41, %mul3A_42 : i32
        %add3A_44 = arith.constant 0 : i32
        %add3A_45 = arith.addi %add3A_44, %mul3A_43 : i32
        %broadcast_in_dim3A = arith.constant 0.000000e+00 : f32
        %broadcast_in_dim3A_46 = vector.broadcast %broadcast_in_dim3A : f32 to vector<16xf32>
        %swap3A = arith.index_cast %add3A_35 : i32 to index
        %swap3A_47 = arith.index_cast %add3A_45 : i32 to index
        %swap3A_48 = tpu.vector_load %arg10[%swap3A, %swap3A_47] {strides = array<i32>} : memref<80x64xf32, #tpu.memory_space<vmem>>, vector<1x16xf32>,
        %swap3A_49 = vector.shape_cast %swap3A_48 : vector<1x16xf32> to vector<16xf32>
        %swap3A_50 = vector.shape_cast %broadcast_in_dim3A_46 : vector<16xf32> to vector<1x16xf32>
        tpu.vector_store %arg10[%swap3A, %swap3A_47], %swap3A_50 {strides = array<i32>} : memref<80x64xf32, #tpu.memory_space<vmem>>, vector<1x16xf32>,
      }
      %scan3A_40 = arith.constant 4 : i32
    }
    %scan3A_4 = arith.constant 80 : i32
    %scan3A_5 = arith.constant 0 : i32
    %scan3A_6 = arith.constant 8 : i32
    %scan3A_7 = arith.addi %scan3A_5, %scan3A_6 : i32
    %scan3A_8 = arith.constant 1 : i32
    scf.for %scan3A_31 = %scan3A_5 to %scan3A_7 step %scan3A_8  : i32 {
      %mul3A_32 = arith.constant 1 : i32
      %mul3A_33 = arith.muli %scan3A_31, %mul3A_32 : i32
      %add3A_34 = arith.constant 0 : i32
      %add3A_35 = arith.addi %add3A_34, %mul3A_33 : i32
      %mul3A_36 = arith.constant 16 : i32
      %mul3A_37 = arith.muli %mul3A_36, %add3A_35 : i32
      %add3A_38 = arith.addi %arg1, %mul3A_37 : i32
      %lt3A = arith.constant 125 : i32
      %lt3A_39 = arith.cmpi slt, %add3A_38, %lt3A : i32
      %convert_element_type3A = arith.extui %lt3A_39 : i1 to i32
      %cond3A = arith.constant 0 : i32
      %cond3A_40 = arith.cmpi ne, %convert_element_type3A, %cond3A : i32
      scf.if %cond3A_40 {
        %mul3A_41 = arith.constant 80 : i32
        %mul3A_42 = arith.muli %add3A_38, %mul3A_41 : i32
        %dma_start3A = arith.constant 0 : i32
        %dma_start3A_43 = tpu.memref_slice %arg16[%mul3A_42, %dma_start3A] : memref<10000x64xf32, #tpu.memory_space<vmem_shared>> -> memref<80x64xf32, #tpu.memory_space<vmem_shared>>
        %dma_start3A_44 = arith.constant 0 : i32
        %dma_start3A_45 = tpu.memref_slice %arg16[%mul3A_42, %dma_start3A_44] : memref<10000x64xf32, #tpu.memory_space<vmem_shared>> -> memref<80x64xf32, #tpu.memory_space<vmem_shared>>
        tpu.enqueue_dma source(%arg10 : memref<80x64xf32, #tpu.memory_space<vmem>>) target(%dma_start3A_45 : memref<80x64xf32, #tpu.memory_space<vmem_shared>>) target_semaphore(%arg24 : memref<!tpu.dma_semaphore, #tpu.memory_space<semaphore_mem>>)
        %mul3A_46 = arith.constant 80 : i32
        %mul3A_47 = arith.muli %add3A_38, %mul3A_46 : i32
        %dma_start3A_48 = arith.constant 0 : i32
        %dma_start3A_49 = tpu.memref_slice %arg17[%mul3A_47, %dma_start3A_48] : memref<10000x64xf32, #tpu.memory_space<vmem_shared>> -> memref<80x64xf32, #tpu.memory_space<vmem_shared>>
        %dma_start3A_50 = arith.constant 0 : i32
        %dma_start3A_51 = tpu.memref_slice %arg17[%mul3A_47, %dma_start3A_50] : memref<10000x64xf32, #tpu.memory_space<vmem_shared>> -> memref<80x64xf32, #tpu.memory_space<vmem_shared>>
        tpu.enqueue_dma source(%arg10 : memref<80x64xf32, #tpu.memory_space<vmem>>) target(%dma_start3A_51 : memref<80x64xf32, #tpu.memory_space<vmem_shared>>) target_semaphore(%arg27 : memref<!tpu.dma_semaphore, #tpu.memory_space<semaphore_mem>>)
      } else {
      }
    }
    %scan3A_9 = arith.constant 8 : i32
    %scan3A_10 = arith.constant 0 : i32
    %scan3A_11 = arith.constant 8 : i32
    %scan3A_12 = arith.addi %scan3A_10, %scan3A_11 : i32
    %scan3A_13 = arith.constant 1 : i32
    scf.for %scan3A_31 = %scan3A_10 to %scan3A_12 step %scan3A_13  : i32 {
      %mul3A_32 = arith.constant 1 : i32
      %mul3A_33 = arith.muli %scan3A_31, %mul3A_32 : i32
      %add3A_34 = arith.constant 0 : i32
      %add3A_35 = arith.addi %add3A_34, %mul3A_33 : i32
      %mul3A_36 = arith.constant 16 : i32
      %mul3A_37 = arith.muli %mul3A_36, %add3A_35 : i32
      %add3A_38 = arith.addi %arg1, %mul3A_37 : i32
      %lt3A = arith.constant 125 : i32
      %lt3A_39 = arith.cmpi slt, %add3A_38, %lt3A : i32
      %convert_element_type3A = arith.extui %lt3A_39 : i1 to i32
      %cond3A = arith.constant 0 : i32
      %cond3A_40 = arith.cmpi ne, %convert_element_type3A, %cond3A : i32
      scf.if %cond3A_40 {
        %mul3A_41 = arith.constant 80 : i32
        %mul3A_42 = arith.muli %add3A_38, %mul3A_41 : i32
        %dma_wait3A = arith.constant 0 : i32
        %dma_wait3A_43 = tpu.memref_slice %arg16[%mul3A_42, %dma_wait3A] : memref<10000x64xf32, #tpu.memory_space<vmem_shared>> -> memref<80x64xf32, #tpu.memory_space<vmem_shared>>
        %dma_wait3A_44 = arith.constant 0 : i32
        %dma_wait3A_45 = tpu.memref_slice %arg16[%mul3A_42, %dma_wait3A_44] : memref<10000x64xf32, #tpu.memory_space<vmem_shared>> -> memref<80x64xf32, #tpu.memory_space<vmem_shared>>
        tpu.wait_dma2 semaphore(%arg24 : memref<!tpu.dma_semaphore, #tpu.memory_space<semaphore_mem>>) src(%arg10 : memref<80x64xf32, #tpu.memory_space<vmem>>) dst(%dma_wait3A_45 : memref<80x64xf32, #tpu.memory_space<vmem_shared>>)
        %mul3A_46 = arith.constant 80 : i32
        %mul3A_47 = arith.muli %add3A_38, %mul3A_46 : i32
        %dma_wait3A_48 = arith.constant 0 : i32
        %dma_wait3A_49 = tpu.memref_slice %arg17[%mul3A_47, %dma_wait3A_48] : memref<10000x64xf32, #tpu.memory_space<vmem_shared>> -> memref<80x64xf32, #tpu.memory_space<vmem_shared>>
        %dma_wait3A_50 = arith.constant 0 : i32
        %dma_wait3A_51 = tpu.memref_slice %arg17[%mul3A_47, %dma_wait3A_50] : memref<10000x64xf32, #tpu.memory_space<vmem_shared>> -> memref<80x64xf32, #tpu.memory_space<vmem_shared>>
        tpu.wait_dma2 semaphore(%arg27 : memref<!tpu.dma_semaphore, #tpu.memory_space<semaphore_mem>>) src(%arg10 : memref<80x64xf32, #tpu.memory_space<vmem>>) dst(%dma_wait3A_51 : memref<80x64xf32, #tpu.memory_space<vmem_shared>>)
      } else {
      }
    }
    %scan3A_14 = arith.constant 8 : i32
    %barrier3A = arith.constant 0 : index
    tpu.barrier barrier_id(%barrier3A)
    %scan3A_15 = arith.constant 0 : i32
    %scan3A_16 = arith.constant 5 : i32
    %scan3A_17 = arith.addi %scan3A_15, %scan3A_16 : i32
    %scan3A_18 = arith.constant 1 : i32
    scf.for %scan3A_31 = %scan3A_15 to %scan3A_17 step %scan3A_18  : i32 {
      %mul3A_32 = arith.constant 1 : i32
      %mul3A_33 = arith.muli %scan3A_31, %mul3A_32 : i32
      %add3A_34 = arith.constant 0 : i32
      %add3A_35 = arith.addi %add3A_34, %mul3A_33 : i32
      %mul3A_36 = arith.constant 25 : i32
      %mul3A_37 = arith.muli %add3A_35, %mul3A_36 : i32
      "tpu.region"() ({
        %run_scoped3A = tpu.sem_alloc : memref<!tpu.dma_semaphore, #tpu.memory_space<semaphore_mem>>
        %dma_start3A_88 = arith.constant 0 : i32
        %dma_start3A_89 = tpu.memref_slice %arg3[%add3A, %mul3A_37, %dma_start3A_88] : memref<32x125x80xi32, #tpu.memory_space<hbm>> -> memref<1x25x80xi32, #tpu.memory_space<hbm>>
        %dma_start3A_90 = tpu.memref_squeeze %dma_start3A_89 : memref<1x25x80xi32, #tpu.memory_space<hbm>> -> memref<25x80xi32, #tpu.memory_space<hbm>>
        %dma_start3A_91 = arith.constant 0 : i32
        %dma_start3A_92 = tpu.memref_slice %arg3[%add3A, %mul3A_37, %dma_start3A_91] : memref<32x125x80xi32, #tpu.memory_space<hbm>> -> memref<1x25x80xi32, #tpu.memory_space<hbm>>
        %dma_start3A_93 = tpu.memref_squeeze %dma_start3A_92 : memref<1x25x80xi32, #tpu.memory_space<hbm>> -> memref<25x80xi32, #tpu.memory_space<hbm>>
        tpu.enqueue_dma source(%dma_start3A_93 : memref<25x80xi32, #tpu.memory_space<hbm>>) target(%arg7 : memref<25x80xi32, #tpu.memory_space<vmem>>) target_semaphore(%run_scoped3A : memref<!tpu.dma_semaphore, #tpu.memory_space<semaphore_mem>>)
        %dma_wait3A = arith.constant 0 : i32
        %dma_wait3A_94 = tpu.memref_slice %arg3[%add3A, %mul3A_37, %dma_wait3A] : memref<32x125x80xi32, #tpu.memory_space<hbm>> -> memref<1x25x80xi32, #tpu.memory_space<hbm>>
        %dma_wait3A_95 = tpu.memref_squeeze %dma_wait3A_94 : memref<1x25x80xi32, #tpu.memory_space<hbm>> -> memref<25x80xi32, #tpu.memory_space<hbm>>
        %dma_wait3A_96 = arith.constant 0 : i32
        %dma_wait3A_97 = tpu.memref_slice %arg3[%add3A, %mul3A_37, %dma_wait3A_96] : memref<32x125x80xi32, #tpu.memory_space<hbm>> -> memref<1x25x80xi32, #tpu.memory_space<hbm>>
        %dma_wait3A_98 = tpu.memref_squeeze %dma_wait3A_97 : memref<1x25x80xi32, #tpu.memory_space<hbm>> -> memref<25x80xi32, #tpu.memory_space<hbm>>
        tpu.wait_dma2 semaphore(%run_scoped3A : memref<!tpu.dma_semaphore, #tpu.memory_space<semaphore_mem>>) src(%dma_wait3A_98 : memref<25x80xi32, #tpu.memory_space<hbm>>) dst(%arg7 : memref<25x80xi32, #tpu.memory_space<vmem>>)
        tpu.yield
      }) : () -> ()
      %mul3A_38 = arith.constant 25 : i32
      %mul3A_39 = arith.muli %add3A_35, %mul3A_38 : i32
      "tpu.region"() ({
        %run_scoped3A = tpu.sem_alloc : memref<!tpu.dma_semaphore, #tpu.memory_space<semaphore_mem>>
        %dma_start3A_88 = arith.constant 0 : i32
        %dma_start3A_89 = tpu.memref_slice %arg4[%add3A, %mul3A_39, %dma_start3A_88] : memref<32x125x80xi32, #tpu.memory_space<hbm>> -> memref<1x25x80xi32, #tpu.memory_space<hbm>>
        %dma_start3A_90 = tpu.memref_squeeze %dma_start3A_89 : memref<1x25x80xi32, #tpu.memory_space<hbm>> -> memref<25x80xi32, #tpu.memory_space<hbm>>
        %dma_start3A_91 = arith.constant 0 : i32
        %dma_start3A_92 = tpu.memref_slice %arg4[%add3A, %mul3A_39, %dma_start3A_91] : memref<32x125x80xi32, #tpu.memory_space<hbm>> -> memref<1x25x80xi32, #tpu.memory_space<hbm>>
        %dma_start3A_93 = tpu.memref_squeeze %dma_start3A_92 : memref<1x25x80xi32, #tpu.memory_space<hbm>> -> memref<25x80xi32, #tpu.memory_space<hbm>>
        tpu.enqueue_dma source(%dma_start3A_93 : memref<25x80xi32, #tpu.memory_space<hbm>>) target(%arg8 : memref<25x80xi32, #tpu.memory_space<vmem>>) target_semaphore(%run_scoped3A : memref<!tpu.dma_semaphore, #tpu.memory_space<semaphore_mem>>)
        %dma_wait3A = arith.constant 0 : i32
        %dma_wait3A_94 = tpu.memref_slice %arg4[%add3A, %mul3A_39, %dma_wait3A] : memref<32x125x80xi32, #tpu.memory_space<hbm>> -> memref<1x25x80xi32, #tpu.memory_space<hbm>>
        %dma_wait3A_95 = tpu.memref_squeeze %dma_wait3A_94 : memref<1x25x80xi32, #tpu.memory_space<hbm>> -> memref<25x80xi32, #tpu.memory_space<hbm>>
        %dma_wait3A_96 = arith.constant 0 : i32
        %dma_wait3A_97 = tpu.memref_slice %arg4[%add3A, %mul3A_39, %dma_wait3A_96] : memref<32x125x80xi32, #tpu.memory_space<hbm>> -> memref<1x25x80xi32, #tpu.memory_space<hbm>>
        %dma_wait3A_98 = tpu.memref_squeeze %dma_wait3A_97 : memref<1x25x80xi32, #tpu.memory_space<hbm>> -> memref<25x80xi32, #tpu.memory_space<hbm>>
        tpu.wait_dma2 semaphore(%run_scoped3A : memref<!tpu.dma_semaphore, #tpu.memory_space<semaphore_mem>>) src(%dma_wait3A_98 : memref<25x80xi32, #tpu.memory_space<hbm>>) dst(%arg8 : memref<25x80xi32, #tpu.memory_space<vmem>>)
        tpu.yield
      }) : () -> ()
      %mul3A_40 = arith.constant 25 : i32
      %mul3A_41 = arith.muli %add3A_35, %mul3A_40 : i32
      "tpu.region"() ({
        %run_scoped3A = tpu.sem_alloc : memref<!tpu.dma_semaphore, #tpu.memory_space<semaphore_mem>>
        %dma_start3A_88 = arith.constant 0 : i32
        %dma_start3A_89 = tpu.memref_slice %arg5[%add3A, %mul3A_41, %dma_start3A_88] : memref<32x125x80xi32, #tpu.memory_space<hbm>> -> memref<1x25x80xi32, #tpu.memory_space<hbm>>
        %dma_start3A_90 = tpu.memref_squeeze %dma_start3A_89 : memref<1x25x80xi32, #tpu.memory_space<hbm>> -> memref<25x80xi32, #tpu.memory_space<hbm>>
        %dma_start3A_91 = arith.constant 0 : i32
        %dma_start3A_92 = tpu.memref_slice %arg5[%add3A, %mul3A_41, %dma_start3A_91] : memref<32x125x80xi32, #tpu.memory_space<hbm>> -> memref<1x25x80xi32, #tpu.memory_space<hbm>>
        %dma_start3A_93 = tpu.memref_squeeze %dma_start3A_92 : memref<1x25x80xi32, #tpu.memory_space<hbm>> -> memref<25x80xi32, #tpu.memory_space<hbm>>
        tpu.enqueue_dma source(%dma_start3A_93 : memref<25x80xi32, #tpu.memory_space<hbm>>) target(%arg9 : memref<25x80xi32, #tpu.memory_space<vmem>>) target_semaphore(%run_scoped3A : memref<!tpu.dma_semaphore, #tpu.memory_space<semaphore_mem>>)
        %dma_wait3A = arith.constant 0 : i32
        %dma_wait3A_94 = tpu.memref_slice %arg5[%add3A, %mul3A_41, %dma_wait3A] : memref<32x125x80xi32, #tpu.memory_space<hbm>> -> memref<1x25x80xi32, #tpu.memory_space<hbm>>
        %dma_wait3A_95 = tpu.memref_squeeze %dma_wait3A_94 : memref<1x25x80xi32, #tpu.memory_space<hbm>> -> memref<25x80xi32, #tpu.memory_space<hbm>>
        %dma_wait3A_96 = arith.constant 0 : i32
        %dma_wait3A_97 = tpu.memref_slice %arg5[%add3A, %mul3A_41, %dma_wait3A_96] : memref<32x125x80xi32, #tpu.memory_space<hbm>> -> memref<1x25x80xi32, #tpu.memory_space<hbm>>
        %dma_wait3A_98 = tpu.memref_squeeze %dma_wait3A_97 : memref<1x25x80xi32, #tpu.memory_space<hbm>> -> memref<25x80xi32, #tpu.memory_space<hbm>>
        tpu.wait_dma2 semaphore(%run_scoped3A : memref<!tpu.dma_semaphore, #tpu.memory_space<semaphore_mem>>) src(%dma_wait3A_98 : memref<25x80xi32, #tpu.memory_space<hbm>>) dst(%arg9 : memref<25x80xi32, #tpu.memory_space<vmem>>)
        tpu.yield
      }) : () -> ()
      %dma_start3A = arith.constant 0 : i32
      %dma_start3A_42 = arith.constant 0 : i32
      %dma_start3A_43 = tpu.memref_slice %arg7[%dma_start3A, %dma_start3A_42] : memref<25x80xi32, #tpu.memory_space<vmem>> -> memref<1x80xi32, #tpu.memory_space<vmem>>
      %dma_start3A_44 = tpu.memref_squeeze %dma_start3A_43 : memref<1x80xi32, #tpu.memory_space<vmem>> -> memref<80xi32, #tpu.memory_space<vmem>>
      %dma_start3A_45 = arith.constant 0 : i32
      %dma_start3A_46 = arith.constant 0 : i32
      %dma_start3A_47 = tpu.memref_slice %arg2[%dma_start3A_45, %dma_start3A_46] : memref<20000x64xf32, #tpu.memory_space<hbm>> -> memref<20000x64xf32, #tpu.memory_space<hbm>>
      tpu.enqueue_indirect_dma source(%dma_start3A_47 : memref<20000x64xf32, #tpu.memory_space<hbm>>) target(%arg10 : memref<80x64xf32, #tpu.memory_space<vmem>>) offsets(%dma_start3A_44 : memref<80xi32, #tpu.memory_space<vmem>>) semaphore(%arg18 : memref<!tpu.dma_semaphore, #tpu.memory_space<semaphore_mem>>)
      %dma_start3A_48 = arith.constant 0 : i32
      %dma_start3A_49 = arith.constant 0 : i32
      %dma_start3A_50 = tpu.memref_slice %arg8[%dma_start3A_48, %dma_start3A_49] : memref<25x80xi32, #tpu.memory_space<vmem>> -> memref<1x80xi32, #tpu.memory_space<vmem>>
      %dma_start3A_51 = tpu.memref_squeeze %dma_start3A_50 : memref<1x80xi32, #tpu.memory_space<vmem>> -> memref<80xi32, #tpu.memory_space<vmem>>
      %dma_start3A_52 = arith.constant 0 : i32
      %dma_start3A_53 = arith.constant 0 : i32
      %dma_start3A_54 = tpu.memref_slice %arg2[%dma_start3A_52, %dma_start3A_53] : memref<20000x64xf32, #tpu.memory_space<hbm>> -> memref<20000x64xf32, #tpu.memory_space<hbm>>
      tpu.enqueue_indirect_dma source(%dma_start3A_54 : memref<20000x64xf32, #tpu.memory_space<hbm>>) target(%arg13 : memref<80x64xf32, #tpu.memory_space<vmem>>) offsets(%dma_start3A_51 : memref<80xi32, #tpu.memory_space<vmem>>) semaphore(%arg21 : memref<!tpu.dma_semaphore, #tpu.memory_space<semaphore_mem>>)
      %dma_start3A_55 = arith.constant 1 : i32
      %dma_start3A_56 = arith.constant 0 : i32
      %dma_start3A_57 = tpu.memref_slice %arg7[%dma_start3A_55, %dma_start3A_56] : memref<25x80xi32, #tpu.memory_space<vmem>> -> memref<1x80xi32, #tpu.memory_space<vmem>>
      %dma_start3A_58 = tpu.memref_squeeze %dma_start3A_57 : memref<1x80xi32, #tpu.memory_space<vmem>> -> memref<80xi32, #tpu.memory_space<vmem>>
      %dma_start3A_59 = arith.constant 0 : i32
      %dma_start3A_60 = arith.constant 0 : i32
      %dma_start3A_61 = tpu.memref_slice %arg2[%dma_start3A_59, %dma_start3A_60] : memref<20000x64xf32, #tpu.memory_space<hbm>> -> memref<20000x64xf32, #tpu.memory_space<hbm>>
      tpu.enqueue_indirect_dma source(%dma_start3A_61 : memref<20000x64xf32, #tpu.memory_space<hbm>>) target(%arg11 : memref<80x64xf32, #tpu.memory_space<vmem>>) offsets(%dma_start3A_58 : memref<80xi32, #tpu.memory_space<vmem>>) semaphore(%arg19 : memref<!tpu.dma_semaphore, #tpu.memory_space<semaphore_mem>>)
      %dma_start3A_62 = arith.constant 1 : i32
      %dma_start3A_63 = arith.constant 0 : i32
      %dma_start3A_64 = tpu.memref_slice %arg8[%dma_start3A_62, %dma_start3A_63] : memref<25x80xi32, #tpu.memory_space<vmem>> -> memref<1x80xi32, #tpu.memory_space<vmem>>
      %dma_start3A_65 = tpu.memref_squeeze %dma_start3A_64 : memref<1x80xi32, #tpu.memory_space<vmem>> -> memref<80xi32, #tpu.memory_space<vmem>>
      %dma_start3A_66 = arith.constant 0 : i32
      %dma_start3A_67 = arith.constant 0 : i32
      %dma_start3A_68 = tpu.memref_slice %arg2[%dma_start3A_66, %dma_start3A_67] : memref<20000x64xf32, #tpu.memory_space<hbm>> -> memref<20000x64xf32, #tpu.memory_space<hbm>>
      tpu.enqueue_indirect_dma source(%dma_start3A_68 : memref<20000x64xf32, #tpu.memory_space<hbm>>) target(%arg14 : memref<80x64xf32, #tpu.memory_space<vmem>>) offsets(%dma_start3A_65 : memref<80xi32, #tpu.memory_space<vmem>>) semaphore(%arg22 : memref<!tpu.dma_semaphore, #tpu.memory_space<semaphore_mem>>)
      %dma_start3A_69 = arith.constant 2 : i32
      %dma_start3A_70 = arith.constant 0 : i32
      %dma_start3A_71 = tpu.memref_slice %arg7[%dma_start3A_69, %dma_start3A_70] : memref<25x80xi32, #tpu.memory_space<vmem>> -> memref<1x80xi32, #tpu.memory_space<vmem>>
      %dma_start3A_72 = tpu.memref_squeeze %dma_start3A_71 : memref<1x80xi32, #tpu.memory_space<vmem>> -> memref<80xi32, #tpu.memory_space<vmem>>
      %dma_start3A_73 = arith.constant 0 : i32
      %dma_start3A_74 = arith.constant 0 : i32
      %dma_start3A_75 = tpu.memref_slice %arg2[%dma_start3A_73, %dma_start3A_74] : memref<20000x64xf32, #tpu.memory_space<hbm>> -> memref<20000x64xf32, #tpu.memory_space<hbm>>
      tpu.enqueue_indirect_dma source(%dma_start3A_75 : memref<20000x64xf32, #tpu.memory_space<hbm>>) target(%arg12 : memref<80x64xf32, #tpu.memory_space<vmem>>) offsets(%dma_start3A_72 : memref<80xi32, #tpu.memory_space<vmem>>) semaphore(%arg20 : memref<!tpu.dma_semaphore, #tpu.memory_space<semaphore_mem>>)
      %dma_start3A_76 = arith.constant 2 : i32
      %dma_start3A_77 = arith.constant 0 : i32
      %dma_start3A_78 = tpu.memref_slice %arg8[%dma_start3A_76, %dma_start3A_77] : memref<25x80xi32, #tpu.memory_space<vmem>> -> memref<1x80xi32, #tpu.memory_space<vmem>>
      %dma_start3A_79 = tpu.memref_squeeze %dma_start3A_78 : memref<1x80xi32, #tpu.memory_space<vmem>> -> memref<80xi32, #tpu.memory_space<vmem>>
      %dma_start3A_80 = arith.constant 0 : i32
      %dma_start3A_81 = arith.constant 0 : i32
      %dma_start3A_82 = tpu.memref_slice %arg2[%dma_start3A_80, %dma_start3A_81] : memref<20000x64xf32, #tpu.memory_space<hbm>> -> memref<20000x64xf32, #tpu.memory_space<hbm>>
      tpu.enqueue_indirect_dma source(%dma_start3A_82 : memref<20000x64xf32, #tpu.memory_space<hbm>>) target(%arg15 : memref<80x64xf32, #tpu.memory_space<vmem>>) offsets(%dma_start3A_79 : memref<80xi32, #tpu.memory_space<vmem>>) semaphore(%arg23 : memref<!tpu.dma_semaphore, #tpu.memory_space<semaphore_mem>>)
      %scan3A_83 = arith.constant 0 : i32
      %scan3A_84 = arith.constant 9 : i32
      %scan3A_85 = arith.addi %scan3A_83, %scan3A_84 : i32
      %scan3A_86 = arith.constant 1 : i32
      scf.for %scan3A_88 = %scan3A_83 to %scan3A_85 step %scan3A_86  : i32 {
        %mul3A_89 = arith.constant 3 : i32
        %mul3A_90 = arith.muli %scan3A_88, %mul3A_89 : i32
        %add3A_91 = arith.constant 0 : i32
        %add3A_92 = arith.addi %add3A_91, %mul3A_90 : i32
        %dma_wait3A = arith.constant 0 : i32
        %dma_wait3A_93 = tpu.memref_slice %arg7[%add3A_92, %dma_wait3A] : memref<25x80xi32, #tpu.memory_space<vmem>> -> memref<1x80xi32, #tpu.memory_space<vmem>>
        %dma_wait3A_94 = tpu.memref_squeeze %dma_wait3A_93 : memref<1x80xi32, #tpu.memory_space<vmem>> -> memref<80xi32, #tpu.memory_space<vmem>>
        %dma_wait3A_95 = arith.constant 0 : i32
        %dma_wait3A_96 = arith.constant 0 : i32
        %dma_wait3A_97 = tpu.memref_slice %arg2[%dma_wait3A_95, %dma_wait3A_96] : memref<20000x64xf32, #tpu.memory_space<hbm>> -> memref<20000x64xf32, #tpu.memory_space<hbm>>
        tpu.wait_indirect_dma semaphore(%arg18 : memref<!tpu.dma_semaphore, #tpu.memory_space<semaphore_mem>>) src(%dma_wait3A_97 : memref<20000x64xf32, #tpu.memory_space<hbm>>) dst(%arg10 : memref<80x64xf32, #tpu.memory_space<vmem>>)
        %dma_start3A_98 = arith.constant 0 : i32
        %dma_start3A_99 = tpu.memref_slice %arg9[%add3A_92, %dma_start3A_98] : memref<25x80xi32, #tpu.memory_space<vmem>> -> memref<1x80xi32, #tpu.memory_space<vmem>>
        %dma_start3A_100 = tpu.memref_squeeze %dma_start3A_99 : memref<1x80xi32, #tpu.memory_space<vmem>> -> memref<80xi32, #tpu.memory_space<vmem>>
        %dma_start3A_101 = arith.constant 0 : i32
        %dma_start3A_102 = arith.constant 0 : i32
        %dma_start3A_103 = tpu.memref_slice %arg16[%dma_start3A_101, %dma_start3A_102] : memref<10000x64xf32, #tpu.memory_space<vmem_shared>> -> memref<10000x64xf32, #tpu.memory_space<vmem_shared>>
        tpu.enqueue_indirect_dma source(%arg10 : memref<80x64xf32, #tpu.memory_space<vmem>>) target(%dma_start3A_103 : memref<10000x64xf32, #tpu.memory_space<vmem_shared>>) offsets(%dma_start3A_100 : memref<80xi32, #tpu.memory_space<vmem>>) semaphore(%arg24 : memref<!tpu.dma_semaphore, #tpu.memory_space<semaphore_mem>>) {add = true}
        %dma_wait3A_104 = arith.constant 0 : i32
        %dma_wait3A_105 = tpu.memref_slice %arg8[%add3A_92, %dma_wait3A_104] : memref<25x80xi32, #tpu.memory_space<vmem>> -> memref<1x80xi32, #tpu.memory_space<vmem>>
        %dma_wait3A_106 = tpu.memref_squeeze %dma_wait3A_105 : memref<1x80xi32, #tpu.memory_space<vmem>> -> memref<80xi32, #tpu.memory_space<vmem>>
        %dma_wait3A_107 = arith.constant 0 : i32
        %dma_wait3A_108 = arith.constant 0 : i32
        %dma_wait3A_109 = tpu.memref_slice %arg2[%dma_wait3A_107, %dma_wait3A_108] : memref<20000x64xf32, #tpu.memory_space<hbm>> -> memref<20000x64xf32, #tpu.memory_space<hbm>>
        tpu.wait_indirect_dma semaphore(%arg21 : memref<!tpu.dma_semaphore, #tpu.memory_space<semaphore_mem>>) src(%dma_wait3A_109 : memref<20000x64xf32, #tpu.memory_space<hbm>>) dst(%arg13 : memref<80x64xf32, #tpu.memory_space<vmem>>)
        %dma_start3A_110 = arith.constant 0 : i32
        %dma_start3A_111 = tpu.memref_slice %arg9[%add3A_92, %dma_start3A_110] : memref<25x80xi32, #tpu.memory_space<vmem>> -> memref<1x80xi32, #tpu.memory_space<vmem>>
        %dma_start3A_112 = tpu.memref_squeeze %dma_start3A_111 : memref<1x80xi32, #tpu.memory_space<vmem>> -> memref<80xi32, #tpu.memory_space<vmem>>
        %dma_start3A_113 = arith.constant 0 : i32
        %dma_start3A_114 = arith.constant 0 : i32
        %dma_start3A_115 = tpu.memref_slice %arg17[%dma_start3A_113, %dma_start3A_114] : memref<10000x64xf32, #tpu.memory_space<vmem_shared>> -> memref<10000x64xf32, #tpu.memory_space<vmem_shared>>
        tpu.enqueue_indirect_dma source(%arg13 : memref<80x64xf32, #tpu.memory_space<vmem>>) target(%dma_start3A_115 : memref<10000x64xf32, #tpu.memory_space<vmem_shared>>) offsets(%dma_start3A_112 : memref<80xi32, #tpu.memory_space<vmem>>) semaphore(%arg27 : memref<!tpu.dma_semaphore, #tpu.memory_space<semaphore_mem>>) {add = true}
        %add3A_116 = arith.constant 1 : i32
        %add3A_117 = arith.addi %add3A_92, %add3A_116 : i32
        %lt3A = arith.constant 25 : i32
        %lt3A_118 = arith.cmpi slt, %add3A_117, %lt3A : i32
        %convert_element_type3A = arith.extui %lt3A_118 : i1 to i32
        %cond3A = arith.constant 0 : i32
        %cond3A_119 = arith.cmpi ne, %convert_element_type3A, %cond3A : i32
        scf.if %cond3A_119 {
          %add3A_174 = arith.constant 1 : i32
          %add3A_175 = arith.addi %add3A_92, %add3A_174 : i32
          %dma_wait3A_176 = arith.constant 0 : i32
          %dma_wait3A_177 = tpu.memref_slice %arg7[%add3A_175, %dma_wait3A_176] : memref<25x80xi32, #tpu.memory_space<vmem>> -> memref<1x80xi32, #tpu.memory_space<vmem>>
          %dma_wait3A_178 = tpu.memref_squeeze %dma_wait3A_177 : memref<1x80xi32, #tpu.memory_space<vmem>> -> memref<80xi32, #tpu.memory_space<vmem>>
          %dma_wait3A_179 = arith.constant 0 : i32
          %dma_wait3A_180 = arith.constant 0 : i32
          %dma_wait3A_181 = tpu.memref_slice %arg2[%dma_wait3A_179, %dma_wait3A_180] : memref<20000x64xf32, #tpu.memory_space<hbm>> -> memref<20000x64xf32, #tpu.memory_space<hbm>>
          tpu.wait_indirect_dma semaphore(%arg19 : memref<!tpu.dma_semaphore, #tpu.memory_space<semaphore_mem>>) src(%dma_wait3A_181 : memref<20000x64xf32, #tpu.memory_space<hbm>>) dst(%arg11 : memref<80x64xf32, #tpu.memory_space<vmem>>)
          %add3A_182 = arith.constant 1 : i32
          %add3A_183 = arith.addi %add3A_92, %add3A_182 : i32
          %dma_start3A_184 = arith.constant 0 : i32
          %dma_start3A_185 = tpu.memref_slice %arg9[%add3A_183, %dma_start3A_184] : memref<25x80xi32, #tpu.memory_space<vmem>> -> memref<1x80xi32, #tpu.memory_space<vmem>>
          %dma_start3A_186 = tpu.memref_squeeze %dma_start3A_185 : memref<1x80xi32, #tpu.memory_space<vmem>> -> memref<80xi32, #tpu.memory_space<vmem>>
          %dma_start3A_187 = arith.constant 0 : i32
          %dma_start3A_188 = arith.constant 0 : i32
          %dma_start3A_189 = tpu.memref_slice %arg16[%dma_start3A_187, %dma_start3A_188] : memref<10000x64xf32, #tpu.memory_space<vmem_shared>> -> memref<10000x64xf32, #tpu.memory_space<vmem_shared>>
          tpu.enqueue_indirect_dma source(%arg11 : memref<80x64xf32, #tpu.memory_space<vmem>>) target(%dma_start3A_189 : memref<10000x64xf32, #tpu.memory_space<vmem_shared>>) offsets(%dma_start3A_186 : memref<80xi32, #tpu.memory_space<vmem>>) semaphore(%arg25 : memref<!tpu.dma_semaphore, #tpu.memory_space<semaphore_mem>>) {add = true}
          %add3A_190 = arith.constant 1 : i32
          %add3A_191 = arith.addi %add3A_92, %add3A_190 : i32
          %dma_wait3A_192 = arith.constant 0 : i32
          %dma_wait3A_193 = tpu.memref_slice %arg8[%add3A_191, %dma_wait3A_192] : memref<25x80xi32, #tpu.memory_space<vmem>> -> memref<1x80xi32, #tpu.memory_space<vmem>>
          %dma_wait3A_194 = tpu.memref_squeeze %dma_wait3A_193 : memref<1x80xi32, #tpu.memory_space<vmem>> -> memref<80xi32, #tpu.memory_space<vmem>>
          %dma_wait3A_195 = arith.constant 0 : i32
          %dma_wait3A_196 = arith.constant 0 : i32
          %dma_wait3A_197 = tpu.memref_slice %arg2[%dma_wait3A_195, %dma_wait3A_196] : memref<20000x64xf32, #tpu.memory_space<hbm>> -> memref<20000x64xf32, #tpu.memory_space<hbm>>
          tpu.wait_indirect_dma semaphore(%arg22 : memref<!tpu.dma_semaphore, #tpu.memory_space<semaphore_mem>>) src(%dma_wait3A_197 : memref<20000x64xf32, #tpu.memory_space<hbm>>) dst(%arg14 : memref<80x64xf32, #tpu.memory_space<vmem>>)
          %add3A_198 = arith.constant 1 : i32
          %add3A_199 = arith.addi %add3A_92, %add3A_198 : i32
          %dma_start3A_200 = arith.constant 0 : i32
          %dma_start3A_201 = tpu.memref_slice %arg9[%add3A_199, %dma_start3A_200] : memref<25x80xi32, #tpu.memory_space<vmem>> -> memref<1x80xi32, #tpu.memory_space<vmem>>
          %dma_start3A_202 = tpu.memref_squeeze %dma_start3A_201 : memref<1x80xi32, #tpu.memory_space<vmem>> -> memref<80xi32, #tpu.memory_space<vmem>>
          %dma_start3A_203 = arith.constant 0 : i32
          %dma_start3A_204 = arith.constant 0 : i32
          %dma_start3A_205 = tpu.memref_slice %arg17[%dma_start3A_203, %dma_start3A_204] : memref<10000x64xf32, #tpu.memory_space<vmem_shared>> -> memref<10000x64xf32, #tpu.memory_space<vmem_shared>>
          tpu.enqueue_indirect_dma source(%arg14 : memref<80x64xf32, #tpu.memory_space<vmem>>) target(%dma_start3A_205 : memref<10000x64xf32, #tpu.memory_space<vmem_shared>>) offsets(%dma_start3A_202 : memref<80xi32, #tpu.memory_space<vmem>>) semaphore(%arg28 : memref<!tpu.dma_semaphore, #tpu.memory_space<semaphore_mem>>) {add = true}
        } else {
        }
        %dma_wait3A_120 = arith.constant 0 : i32
        %dma_wait3A_121 = tpu.memref_slice %arg9[%add3A_92, %dma_wait3A_120] : memref<25x80xi32, #tpu.memory_space<vmem>> -> memref<1x80xi32, #tpu.memory_space<vmem>>
        %dma_wait3A_122 = tpu.memref_squeeze %dma_wait3A_121 : memref<1x80xi32, #tpu.memory_space<vmem>> -> memref<80xi32, #tpu.memory_space<vmem>>
        %dma_wait3A_123 = arith.constant 0 : i32
        %dma_wait3A_124 = arith.constant 0 : i32
        %dma_wait3A_125 = tpu.memref_slice %arg16[%dma_wait3A_123, %dma_wait3A_124] : memref<10000x64xf32, #tpu.memory_space<vmem_shared>> -> memref<10000x64xf32, #tpu.memory_space<vmem_shared>>
        tpu.wait_indirect_dma semaphore(%arg24 : memref<!tpu.dma_semaphore, #tpu.memory_space<semaphore_mem>>) src(%arg10 : memref<80x64xf32, #tpu.memory_space<vmem>>) dst(%dma_wait3A_125 : memref<10000x64xf32, #tpu.memory_space<vmem_shared>>)
        %dma_wait3A_126 = arith.constant 0 : i32
        %dma_wait3A_127 = tpu.memref_slice %arg9[%add3A_92, %dma_wait3A_126] : memref<25x80xi32, #tpu.memory_space<vmem>> -> memref<1x80xi32, #tpu.memory_space<vmem>>
        %dma_wait3A_128 = tpu.memref_squeeze %dma_wait3A_127 : memref<1x80xi32, #tpu.memory_space<vmem>> -> memref<80xi32, #tpu.memory_space<vmem>>
        %dma_wait3A_129 = arith.constant 0 : i32
        %dma_wait3A_130 = arith.constant 0 : i32
        %dma_wait3A_131 = tpu.memref_slice %arg17[%dma_wait3A_129, %dma_wait3A_130] : memref<10000x64xf32, #tpu.memory_space<vmem_shared>> -> memref<10000x64xf32, #tpu.memory_space<vmem_shared>>
        tpu.wait_indirect_dma semaphore(%arg27 : memref<!tpu.dma_semaphore, #tpu.memory_space<semaphore_mem>>) src(%arg13 : memref<80x64xf32, #tpu.memory_space<vmem>>) dst(%dma_wait3A_131 : memref<10000x64xf32, #tpu.memory_space<vmem_shared>>)
        %add3A_132 = arith.constant 3 : i32
        %add3A_133 = arith.addi %add3A_92, %add3A_132 : i32
        %lt3A_134 = arith.constant 25 : i32
        %lt3A_135 = arith.cmpi slt, %add3A_133, %lt3A_134 : i32
        %convert_element_type3A_136 = arith.extui %lt3A_135 : i1 to i32
        %cond3A_137 = arith.constant 0 : i32
        %cond3A_138 = arith.cmpi ne, %convert_element_type3A_136, %cond3A_137 : i32
        scf.if %cond3A_138 {
          %add3A_174 = arith.constant 3 : i32
          %add3A_175 = arith.addi %add3A_92, %add3A_174 : i32
          %dma_start3A_176 = arith.constant 0 : i32
          %dma_start3A_177 = tpu.memref_slice %arg7[%add3A_175, %dma_start3A_176] : memref<25x80xi32, #tpu.memory_space<vmem>> -> memref<1x80xi32, #tpu.memory_space<vmem>>
          %dma_start3A_178 = tpu.memref_squeeze %dma_start3A_177 : memref<1x80xi32, #tpu.memory_space<vmem>> -> memref<80xi32, #tpu.memory_space<vmem>>
          %dma_start3A_179 = arith.constant 0 : i32
          %dma_start3A_180 = arith.constant 0 : i32
          %dma_start3A_181 = tpu.memref_slice %arg2[%dma_start3A_179, %dma_start3A_180] : memref<20000x64xf32, #tpu.memory_space<hbm>> -> memref<20000x64xf32, #tpu.memory_space<hbm>>
          tpu.enqueue_indirect_dma source(%dma_start3A_181 : memref<20000x64xf32, #tpu.memory_space<hbm>>) target(%arg10 : memref<80x64xf32, #tpu.memory_space<vmem>>) offsets(%dma_start3A_178 : memref<80xi32, #tpu.memory_space<vmem>>) semaphore(%arg18 : memref<!tpu.dma_semaphore, #tpu.memory_space<semaphore_mem>>)
          %add3A_182 = arith.constant 3 : i32
          %add3A_183 = arith.addi %add3A_92, %add3A_182 : i32
          %dma_start3A_184 = arith.constant 0 : i32
          %dma_start3A_185 = tpu.memref_slice %arg8[%add3A_183, %dma_start3A_184] : memref<25x80xi32, #tpu.memory_space<vmem>> -> memref<1x80xi32, #tpu.memory_space<vmem>>
          %dma_start3A_186 = tpu.memref_squeeze %dma_start3A_185 : memref<1x80xi32, #tpu.memory_space<vmem>> -> memref<80xi32, #tpu.memory_space<vmem>>
          %dma_start3A_187 = arith.constant 0 : i32
          %dma_start3A_188 = arith.constant 0 : i32
          %dma_start3A_189 = tpu.memref_slice %arg2[%dma_start3A_187, %dma_start3A_188] : memref<20000x64xf32, #tpu.memory_space<hbm>> -> memref<20000x64xf32, #tpu.memory_space<hbm>>
          tpu.enqueue_indirect_dma source(%dma_start3A_189 : memref<20000x64xf32, #tpu.memory_space<hbm>>) target(%arg13 : memref<80x64xf32, #tpu.memory_space<vmem>>) offsets(%dma_start3A_186 : memref<80xi32, #tpu.memory_space<vmem>>) semaphore(%arg21 : memref<!tpu.dma_semaphore, #tpu.memory_space<semaphore_mem>>)
        } else {
        }
        %add3A_139 = arith.constant 2 : i32
        %add3A_140 = arith.addi %add3A_92, %add3A_139 : i32
        %lt3A_141 = arith.constant 25 : i32
        %lt3A_142 = arith.cmpi slt, %add3A_140, %lt3A_141 : i32
        %convert_element_type3A_143 = arith.extui %lt3A_142 : i1 to i32
        %cond3A_144 = arith.constant 0 : i32
        %cond3A_145 = arith.cmpi ne, %convert_element_type3A_143, %cond3A_144 : i32
        scf.if %cond3A_145 {
          %add3A_174 = arith.constant 2 : i32
          %add3A_175 = arith.addi %add3A_92, %add3A_174 : i32
          %dma_wait3A_176 = arith.constant 0 : i32
          %dma_wait3A_177 = tpu.memref_slice %arg7[%add3A_175, %dma_wait3A_176] : memref<25x80xi32, #tpu.memory_space<vmem>> -> memref<1x80xi32, #tpu.memory_space<vmem>>
          %dma_wait3A_178 = tpu.memref_squeeze %dma_wait3A_177 : memref<1x80xi32, #tpu.memory_space<vmem>> -> memref<80xi32, #tpu.memory_space<vmem>>
          %dma_wait3A_179 = arith.constant 0 : i32
          %dma_wait3A_180 = arith.constant 0 : i32
          %dma_wait3A_181 = tpu.memref_slice %arg2[%dma_wait3A_179, %dma_wait3A_180] : memref<20000x64xf32, #tpu.memory_space<hbm>> -> memref<20000x64xf32, #tpu.memory_space<hbm>>
          tpu.wait_indirect_dma semaphore(%arg20 : memref<!tpu.dma_semaphore, #tpu.memory_space<semaphore_mem>>) src(%dma_wait3A_181 : memref<20000x64xf32, #tpu.memory_space<hbm>>) dst(%arg12 : memref<80x64xf32, #tpu.memory_space<vmem>>)
          %add3A_182 = arith.constant 2 : i32
          %add3A_183 = arith.addi %add3A_92, %add3A_182 : i32
          %dma_start3A_184 = arith.constant 0 : i32
          %dma_start3A_185 = tpu.memref_slice %arg9[%add3A_183, %dma_start3A_184] : memref<25x80xi32, #tpu.memory_space<vmem>> -> memref<1x80xi32, #tpu.memory_space<vmem>>
          %dma_start3A_186 = tpu.memref_squeeze %dma_start3A_185 : memref<1x80xi32, #tpu.memory_space<vmem>> -> memref<80xi32, #tpu.memory_space<vmem>>
          %dma_start3A_187 = arith.constant 0 : i32
          %dma_start3A_188 = arith.constant 0 : i32
          %dma_start3A_189 = tpu.memref_slice %arg16[%dma_start3A_187, %dma_start3A_188] : memref<10000x64xf32, #tpu.memory_space<vmem_shared>> -> memref<10000x64xf32, #tpu.memory_space<vmem_shared>>
          tpu.enqueue_indirect_dma source(%arg12 : memref<80x64xf32, #tpu.memory_space<vmem>>) target(%dma_start3A_189 : memref<10000x64xf32, #tpu.memory_space<vmem_shared>>) offsets(%dma_start3A_186 : memref<80xi32, #tpu.memory_space<vmem>>) semaphore(%arg26 : memref<!tpu.dma_semaphore, #tpu.memory_space<semaphore_mem>>) {add = true}
          %add3A_190 = arith.constant 2 : i32
          %add3A_191 = arith.addi %add3A_92, %add3A_190 : i32
          %dma_wait3A_192 = arith.constant 0 : i32
          %dma_wait3A_193 = tpu.memref_slice %arg8[%add3A_191, %dma_wait3A_192] : memref<25x80xi32, #tpu.memory_space<vmem>> -> memref<1x80xi32, #tpu.memory_space<vmem>>
          %dma_wait3A_194 = tpu.memref_squeeze %dma_wait3A_193 : memref<1x80xi32, #tpu.memory_space<vmem>> -> memref<80xi32, #tpu.memory_space<vmem>>
          %dma_wait3A_195 = arith.constant 0 : i32
          %dma_wait3A_196 = arith.constant 0 : i32
          %dma_wait3A_197 = tpu.memref_slice %arg2[%dma_wait3A_195, %dma_wait3A_196] : memref<20000x64xf32, #tpu.memory_space<hbm>> -> memref<20000x64xf32, #tpu.memory_space<hbm>>
          tpu.wait_indirect_dma semaphore(%arg23 : memref<!tpu.dma_semaphore, #tpu.memory_space<semaphore_mem>>) src(%dma_wait3A_197 : memref<20000x64xf32, #tpu.memory_space<hbm>>) dst(%arg15 : memref<80x64xf32, #tpu.memory_space<vmem>>)
          %add3A_198 = arith.constant 2 : i32
          %add3A_199 = arith.addi %add3A_92, %add3A_198 : i32
          %dma_start3A_200 = arith.constant 0 : i32
          %dma_start3A_201 = tpu.memref_slice %arg9[%add3A_199, %dma_start3A_200] : memref<25x80xi32, #tpu.memory_space<vmem>> -> memref<1x80xi32, #tpu.memory_space<vmem>>
          %dma_start3A_202 = tpu.memref_squeeze %dma_start3A_201 : memref<1x80xi32, #tpu.memory_space<vmem>> -> memref<80xi32, #tpu.memory_space<vmem>>
          %dma_start3A_203 = arith.constant 0 : i32
          %dma_start3A_204 = arith.constant 0 : i32
          %dma_start3A_205 = tpu.memref_slice %arg17[%dma_start3A_203, %dma_start3A_204] : memref<10000x64xf32, #tpu.memory_space<vmem_shared>> -> memref<10000x64xf32, #tpu.memory_space<vmem_shared>>
          tpu.enqueue_indirect_dma source(%arg15 : memref<80x64xf32, #tpu.memory_space<vmem>>) target(%dma_start3A_205 : memref<10000x64xf32, #tpu.memory_space<vmem_shared>>) offsets(%dma_start3A_202 : memref<80xi32, #tpu.memory_space<vmem>>) semaphore(%arg29 : memref<!tpu.dma_semaphore, #tpu.memory_space<semaphore_mem>>) {add = true}
        } else {
        }
        %add3A_146 = arith.constant 1 : i32
        %add3A_147 = arith.addi %add3A_92, %add3A_146 : i32
        %lt3A_148 = arith.constant 25 : i32
        %lt3A_149 = arith.cmpi slt, %add3A_147, %lt3A_148 : i32
        %convert_element_type3A_150 = arith.extui %lt3A_149 : i1 to i32
        %cond3A_151 = arith.constant 0 : i32
        %cond3A_152 = arith.cmpi ne, %convert_element_type3A_150, %cond3A_151 : i32
        scf.if %cond3A_152 {
          %add3A_174 = arith.constant 1 : i32
          %add3A_175 = arith.addi %add3A_92, %add3A_174 : i32
          %dma_wait3A_176 = arith.constant 0 : i32
          %dma_wait3A_177 = tpu.memref_slice %arg9[%add3A_175, %dma_wait3A_176] : memref<25x80xi32, #tpu.memory_space<vmem>> -> memref<1x80xi32, #tpu.memory_space<vmem>>
          %dma_wait3A_178 = tpu.memref_squeeze %dma_wait3A_177 : memref<1x80xi32, #tpu.memory_space<vmem>> -> memref<80xi32, #tpu.memory_space<vmem>>
          %dma_wait3A_179 = arith.constant 0 : i32
          %dma_wait3A_180 = arith.constant 0 : i32
          %dma_wait3A_181 = tpu.memref_slice %arg16[%dma_wait3A_179, %dma_wait3A_180] : memref<10000x64xf32, #tpu.memory_space<vmem_shared>> -> memref<10000x64xf32, #tpu.memory_space<vmem_shared>>
          tpu.wait_indirect_dma semaphore(%arg25 : memref<!tpu.dma_semaphore, #tpu.memory_space<semaphore_mem>>) src(%arg11 : memref<80x64xf32, #tpu.memory_space<vmem>>) dst(%dma_wait3A_181 : memref<10000x64xf32, #tpu.memory_space<vmem_shared>>)
          %add3A_182 = arith.constant 1 : i32
          %add3A_183 = arith.addi %add3A_92, %add3A_182 : i32
          %dma_wait3A_184 = arith.constant 0 : i32
          %dma_wait3A_185 = tpu.memref_slice %arg9[%add3A_183, %dma_wait3A_184] : memref<25x80xi32, #tpu.memory_space<vmem>> -> memref<1x80xi32, #tpu.memory_space<vmem>>
          %dma_wait3A_186 = tpu.memref_squeeze %dma_wait3A_185 : memref<1x80xi32, #tpu.memory_space<vmem>> -> memref<80xi32, #tpu.memory_space<vmem>>
          %dma_wait3A_187 = arith.constant 0 : i32
          %dma_wait3A_188 = arith.constant 0 : i32
          %dma_wait3A_189 = tpu.memref_slice %arg17[%dma_wait3A_187, %dma_wait3A_188] : memref<10000x64xf32, #tpu.memory_space<vmem_shared>> -> memref<10000x64xf32, #tpu.memory_space<vmem_shared>>
          tpu.wait_indirect_dma semaphore(%arg28 : memref<!tpu.dma_semaphore, #tpu.memory_space<semaphore_mem>>) src(%arg14 : memref<80x64xf32, #tpu.memory_space<vmem>>) dst(%dma_wait3A_189 : memref<10000x64xf32, #tpu.memory_space<vmem_shared>>)
        } else {
        }
        %add3A_153 = arith.constant 4 : i32
        %add3A_154 = arith.addi %add3A_92, %add3A_153 : i32
        %lt3A_155 = arith.constant 25 : i32
        %lt3A_156 = arith.cmpi slt, %add3A_154, %lt3A_155 : i32
        %convert_element_type3A_157 = arith.extui %lt3A_156 : i1 to i32
        %cond3A_158 = arith.constant 0 : i32
        %cond3A_159 = arith.cmpi ne, %convert_element_type3A_157, %cond3A_158 : i32
        scf.if %cond3A_159 {
          %add3A_174 = arith.constant 4 : i32
          %add3A_175 = arith.addi %add3A_92, %add3A_174 : i32
          %dma_start3A_176 = arith.constant 0 : i32
          %dma_start3A_177 = tpu.memref_slice %arg7[%add3A_175, %dma_start3A_176] : memref<25x80xi32, #tpu.memory_space<vmem>> -> memref<1x80xi32, #tpu.memory_space<vmem>>
          %dma_start3A_178 = tpu.memref_squeeze %dma_start3A_177 : memref<1x80xi32, #tpu.memory_space<vmem>> -> memref<80xi32, #tpu.memory_space<vmem>>
          %dma_start3A_179 = arith.constant 0 : i32
          %dma_start3A_180 = arith.constant 0 : i32
          %dma_start3A_181 = tpu.memref_slice %arg2[%dma_start3A_179, %dma_start3A_180] : memref<20000x64xf32, #tpu.memory_space<hbm>> -> memref<20000x64xf32, #tpu.memory_space<hbm>>
          tpu.enqueue_indirect_dma source(%dma_start3A_181 : memref<20000x64xf32, #tpu.memory_space<hbm>>) target(%arg11 : memref<80x64xf32, #tpu.memory_space<vmem>>) offsets(%dma_start3A_178 : memref<80xi32, #tpu.memory_space<vmem>>) semaphore(%arg19 : memref<!tpu.dma_semaphore, #tpu.memory_space<semaphore_mem>>)
          %add3A_182 = arith.constant 4 : i32
          %add3A_183 = arith.addi %add3A_92, %add3A_182 : i32
          %dma_start3A_184 = arith.constant 0 : i32
          %dma_start3A_185 = tpu.memref_slice %arg8[%add3A_183, %dma_start3A_184] : memref<25x80xi32, #tpu.memory_space<vmem>> -> memref<1x80xi32, #tpu.memory_space<vmem>>
          %dma_start3A_186 = tpu.memref_squeeze %dma_start3A_185 : memref<1x80xi32, #tpu.memory_space<vmem>> -> memref<80xi32, #tpu.memory_space<vmem>>
          %dma_start3A_187 = arith.constant 0 : i32
          %dma_start3A_188 = arith.constant 0 : i32
          %dma_start3A_189 = tpu.memref_slice %arg2[%dma_start3A_187, %dma_start3A_188] : memref<20000x64xf32, #tpu.memory_space<hbm>> -> memref<20000x64xf32, #tpu.memory_space<hbm>>
          tpu.enqueue_indirect_dma source(%dma_start3A_189 : memref<20000x64xf32, #tpu.memory_space<hbm>>) target(%arg14 : memref<80x64xf32, #tpu.memory_space<vmem>>) offsets(%dma_start3A_186 : memref<80xi32, #tpu.memory_space<vmem>>) semaphore(%arg22 : memref<!tpu.dma_semaphore, #tpu.memory_space<semaphore_mem>>)
        } else {
        }
        %add3A_160 = arith.constant 2 : i32
        %add3A_161 = arith.addi %add3A_92, %add3A_160 : i32
        %lt3A_162 = arith.constant 25 : i32
        %lt3A_163 = arith.cmpi slt, %add3A_161, %lt3A_162 : i32
        %convert_element_type3A_164 = arith.extui %lt3A_163 : i1 to i32
        %cond3A_165 = arith.constant 0 : i32
        %cond3A_166 = arith.cmpi ne, %convert_element_type3A_164, %cond3A_165 : i32
        scf.if %cond3A_166 {
          %add3A_174 = arith.constant 2 : i32
          %add3A_175 = arith.addi %add3A_92, %add3A_174 : i32
          %dma_wait3A_176 = arith.constant 0 : i32
          %dma_wait3A_177 = tpu.memref_slice %arg9[%add3A_175, %dma_wait3A_176] : memref<25x80xi32, #tpu.memory_space<vmem>> -> memref<1x80xi32, #tpu.memory_space<vmem>>
          %dma_wait3A_178 = tpu.memref_squeeze %dma_wait3A_177 : memref<1x80xi32, #tpu.memory_space<vmem>> -> memref<80xi32, #tpu.memory_space<vmem>>
          %dma_wait3A_179 = arith.constant 0 : i32
          %dma_wait3A_180 = arith.constant 0 : i32
          %dma_wait3A_181 = tpu.memref_slice %arg16[%dma_wait3A_179, %dma_wait3A_180] : memref<10000x64xf32, #tpu.memory_space<vmem_shared>> -> memref<10000x64xf32, #tpu.memory_space<vmem_shared>>
          tpu.wait_indirect_dma semaphore(%arg26 : memref<!tpu.dma_semaphore, #tpu.memory_space<semaphore_mem>>) src(%arg12 : memref<80x64xf32, #tpu.memory_space<vmem>>) dst(%dma_wait3A_181 : memref<10000x64xf32, #tpu.memory_space<vmem_shared>>)
          %add3A_182 = arith.constant 2 : i32
          %add3A_183 = arith.addi %add3A_92, %add3A_182 : i32
          %dma_wait3A_184 = arith.constant 0 : i32
          %dma_wait3A_185 = tpu.memref_slice %arg9[%add3A_183, %dma_wait3A_184] : memref<25x80xi32, #tpu.memory_space<vmem>> -> memref<1x80xi32, #tpu.memory_space<vmem>>
          %dma_wait3A_186 = tpu.memref_squeeze %dma_wait3A_185 : memref<1x80xi32, #tpu.memory_space<vmem>> -> memref<80xi32, #tpu.memory_space<vmem>>
          %dma_wait3A_187 = arith.constant 0 : i32
          %dma_wait3A_188 = arith.constant 0 : i32
          %dma_wait3A_189 = tpu.memref_slice %arg17[%dma_wait3A_187, %dma_wait3A_188] : memref<10000x64xf32, #tpu.memory_space<vmem_shared>> -> memref<10000x64xf32, #tpu.memory_space<vmem_shared>>
          tpu.wait_indirect_dma semaphore(%arg29 : memref<!tpu.dma_semaphore, #tpu.memory_space<semaphore_mem>>) src(%arg15 : memref<80x64xf32, #tpu.memory_space<vmem>>) dst(%dma_wait3A_189 : memref<10000x64xf32, #tpu.memory_space<vmem_shared>>)
        } else {
        }
        %add3A_167 = arith.constant 5 : i32
        %add3A_168 = arith.addi %add3A_92, %add3A_167 : i32
        %lt3A_169 = arith.constant 25 : i32
        %lt3A_170 = arith.cmpi slt, %add3A_168, %lt3A_169 : i32
        %convert_element_type3A_171 = arith.extui %lt3A_170 : i1 to i32
        %cond3A_172 = arith.constant 0 : i32
        %cond3A_173 = arith.cmpi ne, %convert_element_type3A_171, %cond3A_172 : i32
        scf.if %cond3A_173 {
          %add3A_174 = arith.constant 5 : i32
          %add3A_175 = arith.addi %add3A_92, %add3A_174 : i32
          %dma_start3A_176 = arith.constant 0 : i32
          %dma_start3A_177 = tpu.memref_slice %arg7[%add3A_175, %dma_start3A_176] : memref<25x80xi32, #tpu.memory_space<vmem>> -> memref<1x80xi32, #tpu.memory_space<vmem>>
          %dma_start3A_178 = tpu.memref_squeeze %dma_start3A_177 : memref<1x80xi32, #tpu.memory_space<vmem>> -> memref<80xi32, #tpu.memory_space<vmem>>
          %dma_start3A_179 = arith.constant 0 : i32
          %dma_start3A_180 = arith.constant 0 : i32
          %dma_start3A_181 = tpu.memref_slice %arg2[%dma_start3A_179, %dma_start3A_180] : memref<20000x64xf32, #tpu.memory_space<hbm>> -> memref<20000x64xf32, #tpu.memory_space<hbm>>
          tpu.enqueue_indirect_dma source(%dma_start3A_181 : memref<20000x64xf32, #tpu.memory_space<hbm>>) target(%arg12 : memref<80x64xf32, #tpu.memory_space<vmem>>) offsets(%dma_start3A_178 : memref<80xi32, #tpu.memory_space<vmem>>) semaphore(%arg20 : memref<!tpu.dma_semaphore, #tpu.memory_space<semaphore_mem>>)
          %add3A_182 = arith.constant 5 : i32
          %add3A_183 = arith.addi %add3A_92, %add3A_182 : i32
          %dma_start3A_184 = arith.constant 0 : i32
          %dma_start3A_185 = tpu.memref_slice %arg8[%add3A_183, %dma_start3A_184] : memref<25x80xi32, #tpu.memory_space<vmem>> -> memref<1x80xi32, #tpu.memory_space<vmem>>
          %dma_start3A_186 = tpu.memref_squeeze %dma_start3A_185 : memref<1x80xi32, #tpu.memory_space<vmem>> -> memref<80xi32, #tpu.memory_space<vmem>>
          %dma_start3A_187 = arith.constant 0 : i32
          %dma_start3A_188 = arith.constant 0 : i32
          %dma_start3A_189 = tpu.memref_slice %arg2[%dma_start3A_187, %dma_start3A_188] : memref<20000x64xf32, #tpu.memory_space<hbm>> -> memref<20000x64xf32, #tpu.memory_space<hbm>>
          tpu.enqueue_indirect_dma source(%dma_start3A_189 : memref<20000x64xf32, #tpu.memory_space<hbm>>) target(%arg15 : memref<80x64xf32, #tpu.memory_space<vmem>>) offsets(%dma_start3A_186 : memref<80xi32, #tpu.memory_space<vmem>>) semaphore(%arg23 : memref<!tpu.dma_semaphore, #tpu.memory_space<semaphore_mem>>)
        } else {
        }
      }
      %scan3A_87 = arith.constant 9 : i32
    }
    %scan3A_19 = arith.constant 5 : i32
    %barrier3A_20 = arith.constant 0 : index
    tpu.barrier barrier_id(%barrier3A_20)
    %scan3A_21 = arith.constant 0 : i32
    %scan3A_22 = arith.constant 8 : i32
    %scan3A_23 = arith.addi %scan3A_21, %scan3A_22 : i32
    %scan3A_24 = arith.constant 1 : i32
    scf.for %scan3A_31 = %scan3A_21 to %scan3A_23 step %scan3A_24  : i32 {
      %mul3A_32 = arith.constant 1 : i32
      %mul3A_33 = arith.muli %scan3A_31, %mul3A_32 : i32
      %add3A_34 = arith.constant 0 : i32
      %add3A_35 = arith.addi %add3A_34, %mul3A_33 : i32
      %mul3A_36 = arith.constant 16 : i32
      %mul3A_37 = arith.muli %mul3A_36, %add3A_35 : i32
      %add3A_38 = arith.addi %arg1, %mul3A_37 : i32
      %lt3A = arith.constant 125 : i32
      %lt3A_39 = arith.cmpi slt, %add3A_38, %lt3A : i32
      %convert_element_type3A = arith.extui %lt3A_39 : i1 to i32
      %cond3A = arith.constant 0 : i32
      %cond3A_40 = arith.cmpi ne, %convert_element_type3A, %cond3A : i32
      scf.if %cond3A_40 {
        %mul3A_41 = arith.constant 80 : i32
        %mul3A_42 = arith.muli %add3A_38, %mul3A_41 : i32
        %dma_start3A = arith.constant 0 : i32
        %dma_start3A_43 = tpu.memref_slice %arg6[%arg0, %mul3A_42, %dma_start3A] : memref<2x10000x128xf32, #tpu.memory_space<hbm>> -> memref<1x80x64xf32, #tpu.memory_space<hbm>>
        %dma_start3A_44 = tpu.memref_squeeze %dma_start3A_43 : memref<1x80x64xf32, #tpu.memory_space<hbm>> -> memref<80x64xf32, #tpu.memory_space<hbm>>
        %dma_start3A_45 = arith.constant 0 : i32
        %dma_start3A_46 = tpu.memref_slice %arg16[%mul3A_42, %dma_start3A_45] : memref<10000x64xf32, #tpu.memory_space<vmem_shared>> -> memref<80x64xf32, #tpu.memory_space<vmem_shared>>
        tpu.enqueue_dma source(%dma_start3A_46 : memref<80x64xf32, #tpu.memory_space<vmem_shared>>) target(%dma_start3A_44 : memref<80x64xf32, #tpu.memory_space<hbm>>) target_semaphore(%arg24 : memref<!tpu.dma_semaphore, #tpu.memory_space<semaphore_mem>>)
        %dma_start3A_47 = arith.constant 64 : i32
        %dma_start3A_48 = tpu.memref_slice %arg6[%arg0, %mul3A_42, %dma_start3A_47] : memref<2x10000x128xf32, #tpu.memory_space<hbm>> -> memref<1x80x64xf32, #tpu.memory_space<hbm>>
        %dma_start3A_49 = tpu.memref_squeeze %dma_start3A_48 : memref<1x80x64xf32, #tpu.memory_space<hbm>> -> memref<80x64xf32, #tpu.memory_space<hbm>>
        %dma_start3A_50 = arith.constant 0 : i32
        %dma_start3A_51 = tpu.memref_slice %arg17[%mul3A_42, %dma_start3A_50] : memref<10000x64xf32, #tpu.memory_space<vmem_shared>> -> memref<80x64xf32, #tpu.memory_space<vmem_shared>>
        tpu.enqueue_dma source(%dma_start3A_51 : memref<80x64xf32, #tpu.memory_space<vmem_shared>>) target(%dma_start3A_49 : memref<80x64xf32, #tpu.memory_space<hbm>>) target_semaphore(%arg27 : memref<!tpu.dma_semaphore, #tpu.memory_space<semaphore_mem>>)
      } else {
      }
    }
    %scan3A_25 = arith.constant 8 : i32
    %scan3A_26 = arith.constant 0 : i32
    %scan3A_27 = arith.constant 8 : i32
    %scan3A_28 = arith.addi %scan3A_26, %scan3A_27 : i32
    %scan3A_29 = arith.constant 1 : i32
    scf.for %scan3A_31 = %scan3A_26 to %scan3A_28 step %scan3A_29  : i32 {
      %mul3A_32 = arith.constant 1 : i32
      %mul3A_33 = arith.muli %scan3A_31, %mul3A_32 : i32
      %add3A_34 = arith.constant 0 : i32
      %add3A_35 = arith.addi %add3A_34, %mul3A_33 : i32
      %mul3A_36 = arith.constant 16 : i32
      %mul3A_37 = arith.muli %mul3A_36, %add3A_35 : i32
      %add3A_38 = arith.addi %arg1, %mul3A_37 : i32
      %lt3A = arith.constant 125 : i32
      %lt3A_39 = arith.cmpi slt, %add3A_38, %lt3A : i32
      %convert_element_type3A = arith.extui %lt3A_39 : i1 to i32
      %cond3A = arith.constant 0 : i32
      %cond3A_40 = arith.cmpi ne, %convert_element_type3A, %cond3A : i32
      scf.if %cond3A_40 {
        %mul3A_41 = arith.constant 80 : i32
        %mul3A_42 = arith.muli %add3A_38, %mul3A_41 : i32
        %dma_wait3A = arith.constant 0 : i32
        %dma_wait3A_43 = tpu.memref_slice %arg6[%arg0, %mul3A_42, %dma_wait3A] : memref<2x10000x128xf32, #tpu.memory_space<hbm>> -> memref<1x80x64xf32, #tpu.memory_space<hbm>>
        %dma_wait3A_44 = tpu.memref_squeeze %dma_wait3A_43 : memref<1x80x64xf32, #tpu.memory_space<hbm>> -> memref<80x64xf32, #tpu.memory_space<hbm>>
        %dma_wait3A_45 = arith.constant 0 : i32
        %dma_wait3A_46 = tpu.memref_slice %arg16[%mul3A_42, %dma_wait3A_45] : memref<10000x64xf32, #tpu.memory_space<vmem_shared>> -> memref<80x64xf32, #tpu.memory_space<vmem_shared>>
        tpu.wait_dma2 semaphore(%arg24 : memref<!tpu.dma_semaphore, #tpu.memory_space<semaphore_mem>>) src(%dma_wait3A_46 : memref<80x64xf32, #tpu.memory_space<vmem_shared>>) dst(%dma_wait3A_44 : memref<80x64xf32, #tpu.memory_space<hbm>>)
        %dma_wait3A_47 = arith.constant 64 : i32
        %dma_wait3A_48 = tpu.memref_slice %arg6[%arg0, %mul3A_42, %dma_wait3A_47] : memref<2x10000x128xf32, #tpu.memory_space<hbm>> -> memref<1x80x64xf32, #tpu.memory_space<hbm>>
        %dma_wait3A_49 = tpu.memref_squeeze %dma_wait3A_48 : memref<1x80x64xf32, #tpu.memory_space<hbm>> -> memref<80x64xf32, #tpu.memory_space<hbm>>
        %dma_wait3A_50 = arith.constant 0 : i32
        %dma_wait3A_51 = tpu.memref_slice %arg17[%mul3A_42, %dma_wait3A_50] : memref<10000x64xf32, #tpu.memory_space<vmem_shared>> -> memref<80x64xf32, #tpu.memory_space<vmem_shared>>
        tpu.wait_dma2 semaphore(%arg27 : memref<!tpu.dma_semaphore, #tpu.memory_space<semaphore_mem>>) src(%dma_wait3A_51 : memref<80x64xf32, #tpu.memory_space<vmem_shared>>) dst(%dma_wait3A_49 : memref<80x64xf32, #tpu.memory_space<hbm>>)
      } else {
      }
    }
    %scan3A_30 = arith.constant 8 : i32
    return
  }
}

module attributes {stable_mosaic.version = 14 : i64} {
  func.func @body(%arg0: i32, %arg1: memref<1000x128xf32, #tpu.memory_space<vmem>>, %arg2: memref<2x1000x16xf32, #tpu.memory_space<vmem>>, %arg3: memref<128x128xf32, #tpu.memory_space<vmem>>, %arg4: memref<1000x128xf32, #tpu.memory_space<vmem>>) attributes {dimension_semantics = [#tpu.dimension_semantics<arbitrary>], iteration_bounds = array<i64: 10>, scalar_prefetch = 0 : i64, scratch_operands = 0 : i64, tpu.core_type = #tpu.core_type<tc>, window_params = [{transform_indices = @transform_0, window_bounds = array<i64: 1000, 128>}, {transform_indices = @transform_1, window_bounds = array<i64: 2, 1000, 16>}, {pipeline_mode = #tpu.pipeline_mode<synchronous>, transform_indices = @transform_2, window_bounds = array<i64: 128, 128>}, {transform_indices = @transform_3, window_bounds = array<i64: 1000, 128>}]} {
    %get3A = arith.constant 0 : index
    %get3A_0 = arith.constant 0 : index
    %get3A_1 = vector.load %arg1[%get3A, %get3A_0] : memref<1000x128xf32, #tpu.memory_space<vmem>>, vector<1000x128xf32>
    %get3A_2 = arith.constant 0 : index
    %get3A_3 = arith.constant 0 : index
    %get3A_4 = arith.constant 0 : index
    %get3A_5 = vector.load %arg2[%get3A_2, %get3A_3, %get3A_4] : memref<2x1000x16xf32, #tpu.memory_space<vmem>>, vector<1x1000x1xf32>
    %get3A_6 = vector.shape_cast %get3A_5 : vector<1x1000x1xf32> to vector<1000x1xf32>
    %get3A_7 = arith.constant 1 : index
    %get3A_8 = arith.constant 0 : index
    %get3A_9 = arith.constant 0 : index
    %get3A_10 = vector.load %arg2[%get3A_7, %get3A_8, %get3A_9] : memref<2x1000x16xf32, #tpu.memory_space<vmem>>, vector<1x1000x1xf32>
    %get3A_11 = vector.shape_cast %get3A_10 : vector<1x1000x1xf32> to vector<1000x1xf32>
    %add3A = arith.addf %get3A_6, %get3A_11 : vector<1000x1xf32>
    %max3A = arith.constant 1.000000e+00 : f32
    %max3A_12 = vector.broadcast %max3A : f32 to vector<1000x1xf32>
    %max3A_13 = arith.maximumf %add3A, %max3A_12 : vector<1000x1xf32>
    %rsqrt3A = math.rsqrt %max3A_13 : vector<1000x1xf32>
    %mul3A = vector.broadcast %rsqrt3A : vector<1000x1xf32> to vector<1000x128xf32>
    %mul3A_14 = arith.mulf %get3A_1, %mul3A : vector<1000x128xf32>
    %get3A_15 = arith.constant 0 : index
    %get3A_16 = arith.constant 0 : index
    %get3A_17 = vector.load %arg3[%get3A_15, %get3A_16] : memref<128x128xf32, #tpu.memory_space<vmem>>, vector<128x128xf32>
    %dot_general3A = arith.constant dense<0.000000e+00> : vector<1000x128xf32>
    %dot_general3A_18 = tpu.matmul %mul3A_14, %get3A_17, %dot_general3A {dimension_numbers = #tpu.dot_dimension_numbers<[1], [0], [0], [1], [0, 0, 1, 1], [], []>, transpose_lhs_hint = false} : vector<1000x128xf32>, vector<128x128xf32>, vector<1000x128xf32> -> vector<1000x128xf32>
    %swap3A = arith.constant 0 : index
    %swap3A_19 = arith.constant 0 : index
    %swap3A_20 = vector.load %arg4[%swap3A, %swap3A_19] : memref<1000x128xf32, #tpu.memory_space<vmem>>, vector<1000x128xf32>
    tpu.vector_store %arg4[%swap3A, %swap3A_19], %dot_general3A_18 {strides = array<i32>} : memref<1000x128xf32, #tpu.memory_space<vmem>>, vector<1000x128xf32>,
    return
  }
  func.func @transform_0(%arg0: i32) -> (i32, i32) {
    %c0_i32 = arith.constant 0 : i32
    %c0_i32_0 = arith.constant 0 : i32
    return %arg0, %c0_i32 : i32, i32
  }
  func.func @transform_1(%arg0: i32) -> (i32, i32, i32) {
    %c0_i32 = arith.constant 0 : i32
    %c0_i32_0 = arith.constant 0 : i32
    %c0_i32_1 = arith.constant 0 : i32
    return %c0_i32, %arg0, %c0_i32_0 : i32, i32, i32
  }
  func.func @transform_2(%arg0: i32) -> (i32, i32) {
    %c0_i32 = arith.constant 0 : i32
    %c0_i32_0 = arith.constant 0 : i32
    %c0_i32_1 = arith.constant 0 : i32
    return %c0_i32, %c0_i32_0 : i32, i32
  }
  func.func @transform_3(%arg0: i32) -> (i32, i32) {
    %c0_i32 = arith.constant 0 : i32
    %c0_i32_0 = arith.constant 0 : i32
    return %arg0, %c0_i32 : i32, i32
  }
}

module attributes {stable_mosaic.version = 14 : i64} {
  func.func @body(%arg0: i32, %arg1: memref<2x1000x128xf32, #tpu.memory_space<vmem>>, %arg2: memref<2x1000x16xf32, #tpu.memory_space<vmem>>, %arg3: memref<2x1000x16xf32, #tpu.memory_space<vmem>>, %arg4: memref<1x128xf32, #tpu.memory_space<vmem>>, %arg5: memref<128x128xf32, #tpu.memory_space<vmem>>, %arg6: memref<1000x128xf32, #tpu.memory_space<vmem>>) attributes {dimension_semantics = [#tpu.dimension_semantics<arbitrary>], iteration_bounds = array<i64: 10>, scalar_prefetch = 0 : i64, scratch_operands = 0 : i64, tpu.core_type = #tpu.core_type<tc>, window_params = [{transform_indices = @transform_0, window_bounds = array<i64: 2, 1000, 128>}, {transform_indices = @transform_1, window_bounds = array<i64: 2, 1000, 16>}, {transform_indices = @transform_2, window_bounds = array<i64: 2, 1000, 16>}, {pipeline_mode = #tpu.pipeline_mode<synchronous>, transform_indices = @transform_3, window_bounds = array<i64: 1, 128>}, {pipeline_mode = #tpu.pipeline_mode<synchronous>, transform_indices = @transform_4, window_bounds = array<i64: 128, 128>}, {transform_indices = @transform_5, window_bounds = array<i64: 1000, 128>}]} {
    %get3A = arith.constant 0 : index
    %get3A_0 = arith.constant 0 : index
    %get3A_1 = arith.constant 0 : index
    %get3A_2 = vector.load %arg1[%get3A, %get3A_0, %get3A_1] : memref<2x1000x128xf32, #tpu.memory_space<vmem>>, vector<1x1000x128xf32>
    %get3A_3 = vector.shape_cast %get3A_2 : vector<1x1000x128xf32> to vector<1000x128xf32>
    %get3A_4 = arith.constant 1 : index
    %get3A_5 = arith.constant 0 : index
    %get3A_6 = arith.constant 0 : index
    %get3A_7 = vector.load %arg1[%get3A_4, %get3A_5, %get3A_6] : memref<2x1000x128xf32, #tpu.memory_space<vmem>>, vector<1x1000x128xf32>
    %get3A_8 = vector.shape_cast %get3A_7 : vector<1x1000x128xf32> to vector<1000x128xf32>
    %add3A = arith.addf %get3A_3, %get3A_8 : vector<1000x128xf32>
    %get3A_9 = arith.constant 0 : index
    %get3A_10 = arith.constant 0 : index
    %get3A_11 = arith.constant 0 : index
    %get3A_12 = vector.load %arg2[%get3A_9, %get3A_10, %get3A_11] : memref<2x1000x16xf32, #tpu.memory_space<vmem>>, vector<1x1000x1xf32>
    %get3A_13 = vector.shape_cast %get3A_12 : vector<1x1000x1xf32> to vector<1000x1xf32>
    %get3A_14 = arith.constant 1 : index
    %get3A_15 = arith.constant 0 : index
    %get3A_16 = arith.constant 0 : index
    %get3A_17 = vector.load %arg2[%get3A_14, %get3A_15, %get3A_16] : memref<2x1000x16xf32, #tpu.memory_space<vmem>>, vector<1x1000x1xf32>
    %get3A_18 = vector.shape_cast %get3A_17 : vector<1x1000x1xf32> to vector<1000x1xf32>
    %add3A_19 = arith.addf %get3A_13, %get3A_18 : vector<1000x1xf32>
    %max3A = arith.constant 1.000000e+00 : f32
    %max3A_20 = vector.broadcast %max3A : f32 to vector<1000x1xf32>
    %max3A_21 = arith.maximumf %add3A_19, %max3A_20 : vector<1000x1xf32>
    %rsqrt3A = math.rsqrt %max3A_21 : vector<1000x1xf32>
    %mul3A = vector.broadcast %rsqrt3A : vector<1000x1xf32> to vector<1000x128xf32>
    %mul3A_22 = arith.mulf %add3A, %mul3A : vector<1000x128xf32>
    %get3A_23 = arith.constant 0 : index
    %get3A_24 = arith.constant 0 : index
    %get3A_25 = vector.load %arg4[%get3A_23, %get3A_24] : memref<1x128xf32, #tpu.memory_space<vmem>>, vector<1x128xf32>
    %add3A_26 = vector.broadcast %get3A_25 : vector<1x128xf32> to vector<1000x128xf32>
    %add3A_27 = arith.addf %mul3A_22, %add3A_26 : vector<1000x128xf32>
    %max3A_28 = arith.constant 0.000000e+00 : f32
    %max3A_29 = vector.broadcast %max3A_28 : f32 to vector<1000x128xf32>
    %max3A_30 = arith.maximumf %add3A_27, %max3A_29 : vector<1000x128xf32>
    %get3A_31 = arith.constant 0 : index
    %get3A_32 = arith.constant 0 : index
    %get3A_33 = arith.constant 0 : index
    %get3A_34 = vector.load %arg3[%get3A_31, %get3A_32, %get3A_33] : memref<2x1000x16xf32, #tpu.memory_space<vmem>>, vector<1x1000x1xf32>
    %get3A_35 = vector.shape_cast %get3A_34 : vector<1x1000x1xf32> to vector<1000x1xf32>
    %get3A_36 = arith.constant 1 : index
    %get3A_37 = arith.constant 0 : index
    %get3A_38 = arith.constant 0 : index
    %get3A_39 = vector.load %arg3[%get3A_36, %get3A_37, %get3A_38] : memref<2x1000x16xf32, #tpu.memory_space<vmem>>, vector<1x1000x1xf32>
    %get3A_40 = vector.shape_cast %get3A_39 : vector<1x1000x1xf32> to vector<1000x1xf32>
    %add3A_41 = arith.addf %get3A_35, %get3A_40 : vector<1000x1xf32>
    %max3A_42 = arith.constant 1.000000e+00 : f32
    %max3A_43 = vector.broadcast %max3A_42 : f32 to vector<1000x1xf32>
    %max3A_44 = arith.maximumf %add3A_41, %max3A_43 : vector<1000x1xf32>
    %rsqrt3A_45 = math.rsqrt %max3A_44 : vector<1000x1xf32>
    %mul3A_46 = vector.broadcast %rsqrt3A_45 : vector<1000x1xf32> to vector<1000x128xf32>
    %mul3A_47 = arith.mulf %max3A_30, %mul3A_46 : vector<1000x128xf32>
    %get3A_48 = arith.constant 0 : index
    %get3A_49 = arith.constant 0 : index
    %get3A_50 = vector.load %arg5[%get3A_48, %get3A_49] : memref<128x128xf32, #tpu.memory_space<vmem>>, vector<128x128xf32>
    %dot_general3A = arith.constant dense<0.000000e+00> : vector<1000x128xf32>
    %dot_general3A_51 = tpu.matmul %mul3A_47, %get3A_50, %dot_general3A {dimension_numbers = #tpu.dot_dimension_numbers<[1], [0], [0], [1], [0, 0, 1, 1], [], []>, transpose_lhs_hint = false} : vector<1000x128xf32>, vector<128x128xf32>, vector<1000x128xf32> -> vector<1000x128xf32>
    %swap3A = arith.constant 0 : index
    %swap3A_52 = arith.constant 0 : index
    %swap3A_53 = vector.load %arg6[%swap3A, %swap3A_52] : memref<1000x128xf32, #tpu.memory_space<vmem>>, vector<1000x128xf32>
    tpu.vector_store %arg6[%swap3A, %swap3A_52], %dot_general3A_51 {strides = array<i32>} : memref<1000x128xf32, #tpu.memory_space<vmem>>, vector<1000x128xf32>,
    return
  }
  func.func @transform_0(%arg0: i32) -> (i32, i32, i32) {
    %c0_i32 = arith.constant 0 : i32
    %c0_i32_0 = arith.constant 0 : i32
    %c0_i32_1 = arith.constant 0 : i32
    return %c0_i32, %arg0, %c0_i32_0 : i32, i32, i32
  }
  func.func @transform_1(%arg0: i32) -> (i32, i32, i32) {
    %c0_i32 = arith.constant 0 : i32
    %c0_i32_0 = arith.constant 0 : i32
    %c0_i32_1 = arith.constant 0 : i32
    return %c0_i32, %arg0, %c0_i32_0 : i32, i32, i32
  }
  func.func @transform_2(%arg0: i32) -> (i32, i32, i32) {
    %c0_i32 = arith.constant 0 : i32
    %c0_i32_0 = arith.constant 0 : i32
    %c0_i32_1 = arith.constant 0 : i32
    return %c0_i32, %arg0, %c0_i32_0 : i32, i32, i32
  }
  func.func @transform_3(%arg0: i32) -> (i32, i32) {
    %c0_i32 = arith.constant 0 : i32
    %c0_i32_0 = arith.constant 0 : i32
    %c0_i32_1 = arith.constant 0 : i32
    return %c0_i32, %c0_i32_0 : i32, i32
  }
  func.func @transform_4(%arg0: i32) -> (i32, i32) {
    %c0_i32 = arith.constant 0 : i32
    %c0_i32_0 = arith.constant 0 : i32
    %c0_i32_1 = arith.constant 0 : i32
    return %c0_i32, %c0_i32_0 : i32, i32
  }
  func.func @transform_5(%arg0: i32) -> (i32, i32) {
    %c0_i32 = arith.constant 0 : i32
    %c0_i32_0 = arith.constant 0 : i32
    return %arg0, %c0_i32 : i32, i32
  }
}

module attributes {stable_mosaic.version = 14 : i64} {
  func.func @body(%arg0: i32, %arg1: memref<2x1000x128xf32, #tpu.memory_space<vmem>>, %arg2: memref<2x1000x16xf32, #tpu.memory_space<vmem>>, %arg3: memref<2x1000x16xf32, #tpu.memory_space<vmem>>, %arg4: memref<1x128xf32, #tpu.memory_space<vmem>>, %arg5: memref<128x48xf32, #tpu.memory_space<vmem>>, %arg6: memref<1000x48xf32, #tpu.memory_space<vmem>>) attributes {dimension_semantics = [#tpu.dimension_semantics<arbitrary>], iteration_bounds = array<i64: 10>, scalar_prefetch = 0 : i64, scratch_operands = 0 : i64, tpu.core_type = #tpu.core_type<tc>, window_params = [{transform_indices = @transform_0, window_bounds = array<i64: 2, 1000, 128>}, {transform_indices = @transform_1, window_bounds = array<i64: 2, 1000, 16>}, {transform_indices = @transform_2, window_bounds = array<i64: 2, 1000, 16>}, {pipeline_mode = #tpu.pipeline_mode<synchronous>, transform_indices = @transform_3, window_bounds = array<i64: 1, 128>}, {pipeline_mode = #tpu.pipeline_mode<synchronous>, transform_indices = @transform_4, window_bounds = array<i64: 128, 48>}, {transform_indices = @transform_5, window_bounds = array<i64: 1000, 48>}]} {
    %get3A = arith.constant 0 : index
    %get3A_0 = arith.constant 0 : index
    %get3A_1 = arith.constant 0 : index
    %get3A_2 = vector.load %arg1[%get3A, %get3A_0, %get3A_1] : memref<2x1000x128xf32, #tpu.memory_space<vmem>>, vector<1x1000x128xf32>
    %get3A_3 = vector.shape_cast %get3A_2 : vector<1x1000x128xf32> to vector<1000x128xf32>
    %get3A_4 = arith.constant 1 : index
    %get3A_5 = arith.constant 0 : index
    %get3A_6 = arith.constant 0 : index
    %get3A_7 = vector.load %arg1[%get3A_4, %get3A_5, %get3A_6] : memref<2x1000x128xf32, #tpu.memory_space<vmem>>, vector<1x1000x128xf32>
    %get3A_8 = vector.shape_cast %get3A_7 : vector<1x1000x128xf32> to vector<1000x128xf32>
    %add3A = arith.addf %get3A_3, %get3A_8 : vector<1000x128xf32>
    %get3A_9 = arith.constant 0 : index
    %get3A_10 = arith.constant 0 : index
    %get3A_11 = arith.constant 0 : index
    %get3A_12 = vector.load %arg2[%get3A_9, %get3A_10, %get3A_11] : memref<2x1000x16xf32, #tpu.memory_space<vmem>>, vector<1x1000x1xf32>
    %get3A_13 = vector.shape_cast %get3A_12 : vector<1x1000x1xf32> to vector<1000x1xf32>
    %get3A_14 = arith.constant 1 : index
    %get3A_15 = arith.constant 0 : index
    %get3A_16 = arith.constant 0 : index
    %get3A_17 = vector.load %arg2[%get3A_14, %get3A_15, %get3A_16] : memref<2x1000x16xf32, #tpu.memory_space<vmem>>, vector<1x1000x1xf32>
    %get3A_18 = vector.shape_cast %get3A_17 : vector<1x1000x1xf32> to vector<1000x1xf32>
    %add3A_19 = arith.addf %get3A_13, %get3A_18 : vector<1000x1xf32>
    %max3A = arith.constant 1.000000e+00 : f32
    %max3A_20 = vector.broadcast %max3A : f32 to vector<1000x1xf32>
    %max3A_21 = arith.maximumf %add3A_19, %max3A_20 : vector<1000x1xf32>
    %rsqrt3A = math.rsqrt %max3A_21 : vector<1000x1xf32>
    %mul3A = vector.broadcast %rsqrt3A : vector<1000x1xf32> to vector<1000x128xf32>
    %mul3A_22 = arith.mulf %add3A, %mul3A : vector<1000x128xf32>
    %get3A_23 = arith.constant 0 : index
    %get3A_24 = arith.constant 0 : index
    %get3A_25 = vector.load %arg4[%get3A_23, %get3A_24] : memref<1x128xf32, #tpu.memory_space<vmem>>, vector<1x128xf32>
    %add3A_26 = vector.broadcast %get3A_25 : vector<1x128xf32> to vector<1000x128xf32>
    %add3A_27 = arith.addf %mul3A_22, %add3A_26 : vector<1000x128xf32>
    %max3A_28 = arith.constant 0.000000e+00 : f32
    %max3A_29 = vector.broadcast %max3A_28 : f32 to vector<1000x128xf32>
    %max3A_30 = arith.maximumf %add3A_27, %max3A_29 : vector<1000x128xf32>
    %get3A_31 = arith.constant 0 : index
    %get3A_32 = arith.constant 0 : index
    %get3A_33 = arith.constant 0 : index
    %get3A_34 = vector.load %arg3[%get3A_31, %get3A_32, %get3A_33] : memref<2x1000x16xf32, #tpu.memory_space<vmem>>, vector<1x1000x1xf32>
    %get3A_35 = vector.shape_cast %get3A_34 : vector<1x1000x1xf32> to vector<1000x1xf32>
    %get3A_36 = arith.constant 1 : index
    %get3A_37 = arith.constant 0 : index
    %get3A_38 = arith.constant 0 : index
    %get3A_39 = vector.load %arg3[%get3A_36, %get3A_37, %get3A_38] : memref<2x1000x16xf32, #tpu.memory_space<vmem>>, vector<1x1000x1xf32>
    %get3A_40 = vector.shape_cast %get3A_39 : vector<1x1000x1xf32> to vector<1000x1xf32>
    %add3A_41 = arith.addf %get3A_35, %get3A_40 : vector<1000x1xf32>
    %max3A_42 = arith.constant 1.000000e+00 : f32
    %max3A_43 = vector.broadcast %max3A_42 : f32 to vector<1000x1xf32>
    %max3A_44 = arith.maximumf %add3A_41, %max3A_43 : vector<1000x1xf32>
    %rsqrt3A_45 = math.rsqrt %max3A_44 : vector<1000x1xf32>
    %mul3A_46 = vector.broadcast %rsqrt3A_45 : vector<1000x1xf32> to vector<1000x128xf32>
    %mul3A_47 = arith.mulf %max3A_30, %mul3A_46 : vector<1000x128xf32>
    %get3A_48 = arith.constant 0 : index
    %get3A_49 = arith.constant 0 : index
    %get3A_50 = vector.load %arg5[%get3A_48, %get3A_49] : memref<128x48xf32, #tpu.memory_space<vmem>>, vector<128x48xf32>
    %dot_general3A = arith.constant dense<0.000000e+00> : vector<1000x48xf32>
    %dot_general3A_51 = tpu.matmul %mul3A_47, %get3A_50, %dot_general3A {dimension_numbers = #tpu.dot_dimension_numbers<[1], [0], [0], [1], [0, 0, 1, 1], [], []>, transpose_lhs_hint = false} : vector<1000x128xf32>, vector<128x48xf32>, vector<1000x48xf32> -> vector<1000x48xf32>
    %swap3A = arith.constant 0 : index
    %swap3A_52 = arith.constant 0 : index
    %swap3A_53 = vector.load %arg6[%swap3A, %swap3A_52] : memref<1000x48xf32, #tpu.memory_space<vmem>>, vector<1000x48xf32>
    tpu.vector_store %arg6[%swap3A, %swap3A_52], %dot_general3A_51 {strides = array<i32>} : memref<1000x48xf32, #tpu.memory_space<vmem>>, vector<1000x48xf32>,
    return
  }
  func.func @transform_0(%arg0: i32) -> (i32, i32, i32) {
    %c0_i32 = arith.constant 0 : i32
    %c0_i32_0 = arith.constant 0 : i32
    %c0_i32_1 = arith.constant 0 : i32
    return %c0_i32, %arg0, %c0_i32_0 : i32, i32, i32
  }
  func.func @transform_1(%arg0: i32) -> (i32, i32, i32) {
    %c0_i32 = arith.constant 0 : i32
    %c0_i32_0 = arith.constant 0 : i32
    %c0_i32_1 = arith.constant 0 : i32
    return %c0_i32, %arg0, %c0_i32_0 : i32, i32, i32
  }
  func.func @transform_2(%arg0: i32) -> (i32, i32, i32) {
    %c0_i32 = arith.constant 0 : i32
    %c0_i32_0 = arith.constant 0 : i32
    %c0_i32_1 = arith.constant 0 : i32
    return %c0_i32, %arg0, %c0_i32_0 : i32, i32, i32
  }
  func.func @transform_3(%arg0: i32) -> (i32, i32) {
    %c0_i32 = arith.constant 0 : i32
    %c0_i32_0 = arith.constant 0 : i32
    %c0_i32_1 = arith.constant 0 : i32
    return %c0_i32, %c0_i32_0 : i32, i32
  }
  func.func @transform_4(%arg0: i32) -> (i32, i32) {
    %c0_i32 = arith.constant 0 : i32
    %c0_i32_0 = arith.constant 0 : i32
    %c0_i32_1 = arith.constant 0 : i32
    return %c0_i32, %c0_i32_0 : i32, i32
  }
  func.func @transform_5(%arg0: i32) -> (i32, i32) {
    %c0_i32 = arith.constant 0 : i32
    %c0_i32_0 = arith.constant 0 : i32
    return %arg0, %c0_i32 : i32, i32
  }
}

module attributes {stable_mosaic.version = 14 : i64} {
  func.func @body(%arg0: i32, %arg1: memref<2x1000x48xf32, #tpu.memory_space<vmem>>, %arg2: memref<2x1000x16xf32, #tpu.memory_space<vmem>>, %arg3: memref<1x48xf32, #tpu.memory_space<vmem>>, %arg4: memref<1000x40xf32, #tpu.memory_space<vmem>>) attributes {dimension_semantics = [#tpu.dimension_semantics<arbitrary>], iteration_bounds = array<i64: 10>, scalar_prefetch = 0 : i64, scratch_operands = 0 : i64, tpu.core_type = #tpu.core_type<tc>, window_params = [{transform_indices = @transform_0, window_bounds = array<i64: 2, 1000, 48>}, {transform_indices = @transform_1, window_bounds = array<i64: 2, 1000, 16>}, {pipeline_mode = #tpu.pipeline_mode<synchronous>, transform_indices = @transform_2, window_bounds = array<i64: 1, 48>}, {transform_indices = @transform_3, window_bounds = array<i64: 1000, 40>}]} {
    %get3A = arith.constant 0 : index
    %get3A_0 = arith.constant 0 : index
    %get3A_1 = arith.constant 0 : index
    %get3A_2 = vector.load %arg1[%get3A, %get3A_0, %get3A_1] : memref<2x1000x48xf32, #tpu.memory_space<vmem>>, vector<1x1000x48xf32>
    %get3A_3 = vector.shape_cast %get3A_2 : vector<1x1000x48xf32> to vector<1000x48xf32>
    %get3A_4 = arith.constant 1 : index
    %get3A_5 = arith.constant 0 : index
    %get3A_6 = arith.constant 0 : index
    %get3A_7 = vector.load %arg1[%get3A_4, %get3A_5, %get3A_6] : memref<2x1000x48xf32, #tpu.memory_space<vmem>>, vector<1x1000x48xf32>
    %get3A_8 = vector.shape_cast %get3A_7 : vector<1x1000x48xf32> to vector<1000x48xf32>
    %add3A = arith.addf %get3A_3, %get3A_8 : vector<1000x48xf32>
    %get3A_9 = arith.constant 0 : index
    %get3A_10 = arith.constant 0 : index
    %get3A_11 = arith.constant 0 : index
    %get3A_12 = vector.load %arg2[%get3A_9, %get3A_10, %get3A_11] : memref<2x1000x16xf32, #tpu.memory_space<vmem>>, vector<1x1000x1xf32>
    %get3A_13 = vector.shape_cast %get3A_12 : vector<1x1000x1xf32> to vector<1000x1xf32>
    %get3A_14 = arith.constant 1 : index
    %get3A_15 = arith.constant 0 : index
    %get3A_16 = arith.constant 0 : index
    %get3A_17 = vector.load %arg2[%get3A_14, %get3A_15, %get3A_16] : memref<2x1000x16xf32, #tpu.memory_space<vmem>>, vector<1x1000x1xf32>
    %get3A_18 = vector.shape_cast %get3A_17 : vector<1x1000x1xf32> to vector<1000x1xf32>
    %add3A_19 = arith.addf %get3A_13, %get3A_18 : vector<1000x1xf32>
    %max3A = arith.constant 1.000000e+00 : f32
    %max3A_20 = vector.broadcast %max3A : f32 to vector<1000x1xf32>
    %max3A_21 = arith.maximumf %add3A_19, %max3A_20 : vector<1000x1xf32>
    %rsqrt3A = math.rsqrt %max3A_21 : vector<1000x1xf32>
    %mul3A = vector.broadcast %rsqrt3A : vector<1000x1xf32> to vector<1000x48xf32>
    %mul3A_22 = arith.mulf %add3A, %mul3A : vector<1000x48xf32>
    %get3A_23 = arith.constant 0 : index
    %get3A_24 = arith.constant 0 : index
    %get3A_25 = vector.load %arg3[%get3A_23, %get3A_24] : memref<1x48xf32, #tpu.memory_space<vmem>>, vector<1x48xf32>
    %add3A_26 = vector.broadcast %get3A_25 : vector<1x48xf32> to vector<1000x48xf32>
    %add3A_27 = arith.addf %mul3A_22, %add3A_26 : vector<1000x48xf32>
    %slice3A = vector.extract_strided_slice %add3A_27 {offsets = [0, 0], sizes = [1000, 40], strides = [1, 1]} : vector<1000x48xf32> to vector<1000x40xf32>
    %swap3A = arith.constant 0 : index
    %swap3A_28 = arith.constant 0 : index
    %swap3A_29 = vector.load %arg4[%swap3A, %swap3A_28] : memref<1000x40xf32, #tpu.memory_space<vmem>>, vector<1000x40xf32>
    tpu.vector_store %arg4[%swap3A, %swap3A_28], %slice3A {strides = array<i32>} : memref<1000x40xf32, #tpu.memory_space<vmem>>, vector<1000x40xf32>,
    return
  }
  func.func @transform_0(%arg0: i32) -> (i32, i32, i32) {
    %c0_i32 = arith.constant 0 : i32
    %c0_i32_0 = arith.constant 0 : i32
    %c0_i32_1 = arith.constant 0 : i32
    return %c0_i32, %arg0, %c0_i32_0 : i32, i32, i32
  }
  func.func @transform_1(%arg0: i32) -> (i32, i32, i32) {
    %c0_i32 = arith.constant 0 : i32
    %c0_i32_0 = arith.constant 0 : i32
    %c0_i32_1 = arith.constant 0 : i32
    return %c0_i32, %arg0, %c0_i32_0 : i32, i32, i32
  }
  func.func @transform_2(%arg0: i32) -> (i32, i32) {
    %c0_i32 = arith.constant 0 : i32
    %c0_i32_0 = arith.constant 0 : i32
    %c0_i32_1 = arith.constant 0 : i32
    return %c0_i32, %c0_i32_0 : i32, i32
  }
  func.func @transform_3(%arg0: i32) -> (i32, i32) {
    %c0_i32 = arith.constant 0 : i32
    %c0_i32_0 = arith.constant 0 : i32
    return %arg0, %c0_i32 : i32, i32
  }
}

</mosaic_0001>

<sc_bundles>
// kernel: kernel.10.cloned.1.call-start
scs
__scs_entry_jumppad:
0x0: {  	(pc) =	sbr.rel $0x88, $3  }
0x1: {  	(tag) =	ssettag $0x0;
	lr =	simm.s32 $0x1  }
0x2: {  	[smem:$0x3F99] =	sst lr;
	_ =	strace $0xD0000000  }
0x3: {  	_ = 	snop  }
0x4: {  	_ = 	snop  }
0x5: {  	_ = 	snop  }
0x6: {  	_ = 	snop  }
0x7: {  	_ = 	snop  }
__scs_overlays_trampoline_lowered:
0x8: {  	[smem:$0x3FA8] =	sst s0  }
0x9: {  	[smem:$0x3FA9] =	sst s1  }
0xa: {  	[smem:$0x3FAA] =	sst s2  }
0xb: {  	[smem:$0x3FAB] =	sst s3  }
0xc: {  	[smem:$0x3FAC] =	sst s4  }
0xd: {  	[smem:$0x3FAD] =	sst s5  }
0xe: {  	[smem:$0x3FAE] =	sst s6  }
0xf: {  	[smem:$0x3FAF] =	sst s7  }
0x10: {  	[smem:$0x3FB0] =	sst s8  }
0x11: {  	[smem:$0x3FB1] =	sst s9;
	s0 =	simm.s32 @!p0 $0x0  }
0x12: {  	s1 =	sld [smem:$0x3F97];
	s0 =	simm.s32 @p0 $0x1  }
0x13: {  	[smem:$0x3FB2] =	sst s0;
	s0 =	simm.s32 @!p1 $0x0  }
0x14: {  	s2 =	sld [smem:$0x3F96];
	s0 =	simm.s32 @p1 $0x1  }
0x15: {  	[smem:$0x3FB3] =	sst s0;
	s0 =	simm.s32 @!p2 $0x0  }
0x16: {  	s3 =	sld [smem:$0x3FDB];
	s0 =	simm.s32 @p2 $0x1  }
0x17: {  	s4 =	simm.s32 $0x1BF5;
	[smem:$0x3FB5] =	sst s0  }
0x18: {  	s0 =	sld [smem:$0x3F98];
	_ =	swait.ge [sflag:s4], $0x0  }
0x19: {  	s7 =	sld [smem:$0x3F99]  }
0x1a: {  	s8 =	sadd.s32 $0xFFFFE003, lr  }
0x1b: {  	s9 =	sadd.s32 $0xFFFFFEF7, lr;
	s5 =	simm.s32 $0xFFFFFFFF;
	p2 =	slt.u32 s8, $0xFFFFF086  }
0x1c: {  	p1 =	slt.u32 s9, $0xF7A;
	s5 =	simm.s32 @!p2 $0x0  }
0x1d: {  	s5 =	simm.s32 @p1 $0x1;
	p0 =	seq.s32 s7, s2  }
0x1e: {  	s7 =	smul.u32 @!p0 $0xF7A, s2;
	p2 =	seq.s32 @!p0 s5, $0x0  }
0x1f: {  	s9 =	smul.u32 $0xF7A, s1;
	s8 =	simm.s32 @!p0 $0x1BF5;
	p2 =	por !p2, p0  }
0x20: {  	[sflag:s8] =	ssyncset.s32 @!p0 $0xFFFFF086;
	s6 =	sadd.s32 @!p0 s3, s7;
	s7 =	simm.s32 @!p0 $0x108  }
0x21: {  	s3 =	sadd.s32 s3, s9;
	s6 =	sadd.s32 @!p0 $0x88, s6;
	s7 =	simm.s32 @p2 $0x1082  }
0x22: {  	[simem:s7], [sflag:s8] =	dma.local @!p0 [hbm:s6], $0xF7A  }
0x23: {  	s9 =	sor.u32 $0xD0000000, s2;
	s6 =	simm.s32 $0x108;
	_ =	swait.ge @!p0 [sflag:s8], $0x0  }
0x24: {  	s3 =	sadd.s32 $0x88, s3;
	s6 =	simm.s32 @!p1 $0x1082;
	[sflag:s4] =	ssyncset.s32 $0xFFFFF086  }
0x25: {  	[simem:s6], [sflag:s4] =	dma.local [hbm:s3], $0xF7A  }
0x26: {  	[smem:$0x3F99] =	sst s1;
	(tag) =	ssettag s2;
	_ =	strace s9  }
0x27: {  	s1 =	sld [smem:$0x3FA9]  }
0x28: {  	s2 =	sld [smem:$0x3FAA]  }
0x29: {  	s4 =	sld [smem:$0x3FAC]  }
0x2a: {  	p0 =	seq.s32 s5, $0x0;
	s5 =	sld [smem:$0x3FAD]  }
0x2b: {  	s6 =	sld [smem:$0x3FAE]  }
0x2c: {  	s7 =	sld [smem:$0x3FAF]  }
0x2d: {  	s3 =	simm.s32 $0x108;
	s8 =	sld [smem:$0x3FB0]  }
0x2e: {  	s3 =	simm.s32 @!p0 $0x1082;
	s9 =	sld [smem:$0x3FB1]  }
0x2f: {  	lr =	sadd.s32 s0, s3;
	s0 =	sld [smem:$0x3FA8]  }
0x30: {  	s3 =	sld [smem:$0x3FAB]  }
0x31: {  	[smem:$0x3FB4] =	sst s10  }
0x32: {  	s10 =	sld [smem:$0x3FB2];
	_ =	sdelay $0x3  }
0x33: {  	p0 =	seq.s32 s10, $0x1;
	s10 =	sld [smem:$0x3FB4];
	_ =	sdelay $0x3  }
0x34: {  	[smem:$0x3FB4] =	sst s10  }
0x35: {  	s10 =	sld [smem:$0x3FB3];
	_ =	sdelay $0x3  }
0x36: {  	p1 =	seq.s32 s10, $0x1;
	s10 =	sld [smem:$0x3FB4];
	_ =	sdelay $0x3  }
0x37: {  	[smem:$0x3FB4] =	sst s10  }
0x38: {  	s10 =	sld [smem:$0x3FB5]  }
0x39: {  	_ = 	snop;
	(pc) =	sbr.ind lr, $3  }
0x3a: {  	_ = 	snop  }
0x3b: {  	_ = 	snop  }
0x3c: {  	p2 =	seq.s32 s10, $0x1;
	s10 =	sld [smem:$0x3FB4]  }
0x3d: {  	_ =	shalt  }
0x3e: {  	_ =	shalt  }
0x3f: {  	_ =	shalt  }
0x40: {  	_ =	shalt  }
0x41: {  	_ =	shalt  }
0x42: {  	_ =	shalt  }
0x43: {  	_ =	shalt  }
0x44: {  	_ =	shalt  }
0x45: {  	_ =	shalt  }
0x46: {  	_ =	shalt  }
0x47: {  	_ =	shalt  }
0x48: {  	_ =	shalt  }
0x49: {  	_ =	shalt  }
0x4a: {  	_ =	shalt  }
0x4b: {  	_ =	shalt  }
0x4c: {  	_ =	shalt  }
0x4d: {  	_ =	shalt  }
0x4e: {  	_ =	shalt  }
0x4f: {  	_ =	shalt  }
0x50: {  	_ =	shalt  }
0x51: {  	_ =	shalt  }
0x52: {  	_ =	shalt  }
0x53: {  	_ =	shalt  }
0x54: {  	_ =	shalt  }
0x55: {  	_ =	shalt  }
0x56: {  	_ =	shalt  }
0x57: {  	_ =	shalt  }
0x58: {  	_ =	shalt  }
0x59: {  	_ =	shalt  }
0x5a: {  	_ =	shalt  }
0x5b: {  	_ =	shalt  }
0x5c: {  	_ =	shalt  }
0x5d: {  	_ =	shalt  }
0x5e: {  	_ =	shalt  }
0x5f: {  	_ =	shalt  }
0x60: {  	_ =	shalt  }
0x61: {  	_ =	shalt  }
0x62: {  	_ =	shalt  }
0x63: {  	_ =	shalt  }
0x64: {  	_ =	shalt  }
0x65: {  	_ =	shalt  }
0x66: {  	_ =	shalt  }
0x67: {  	_ =	shalt  }
0x68: {  	_ =	shalt  }
0x69: {  	_ =	shalt  }
0x6a: {  	_ =	shalt  }
0x6b: {  	_ =	shalt  }
0x6c: {  	_ =	shalt  }
0x6d: {  	_ =	shalt  }
0x6e: {  	_ =	shalt  }
0x6f: {  	_ =	shalt  }
0x70: {  	_ =	shalt  }
0x71: {  	_ =	shalt  }
0x72: {  	_ =	shalt  }
0x73: {  	_ =	shalt  }
0x74: {  	_ =	shalt  }
0x75: {  	_ =	shalt  }
0x76: {  	_ =	shalt  }
0x77: {  	_ =	shalt  }
0x78: {  	_ =	shalt  }
0x79: {  	_ =	shalt  }
0x7a: {  	_ =	shalt  }
0x7b: {  	_ =	shalt  }
0x7c: {  	_ =	shalt  }
0x7d: {  	_ =	shalt  }
0x7e: {  	_ =	shalt  }
0x7f: {  	_ =	shalt  }
0x80: {  	_ =	shalt  }
0x81: {  	_ =	shalt  }
0x82: {  	_ =	shalt  }
0x83: {  	_ =	shalt  }
0x84: {  	_ =	shalt  }
0x85: {  	_ =	shalt  }
0x86: {  	_ =	shalt  }
0x87: {  	_ =	shalt  }
.Lfunc_end0:
.L_simem_size_0:
called_computation_lowered:
.L_overlay_start_0:
0x88: {  	s2 =	sld [smem:$0x3FD9]  }
0x89: {  	s3 =	sld [smem:$0x3FFE];
	_ =	sdelay $0x1  }
0x8a: {  	s1 =	srdreg.scid  }
0x8b: {  	s0 =	sand.u32 $0x1, s1  }
0x8c: {  	s17 =	sshll.u32 s0, $0xA;
	s2 =	sadd.s32 s3, s2  }
0x8d: {  	s2 =	sadd.s32 s2, s17  }
0x8e: {  	[smem:$0x3FC0] =	sst s2  }
0x8f: {  	_ = 	snop  }
0x90: {  	s2 =	sld [smem:$0x3FD0];
	(tm) =	ssettm $0x1  }
0x91: {  	s18 =	sld [smem:$0x3FFB];
	_ =	sdelay $0x3  }
0x92: {  	_ =	strace s18  }
0x93: {  	s3 =	sld [smem:$0x3FFC];
	_ =	sdelay $0x3  }
0x94: {  	_ =	strace s3  }
0x95: {  	s3 =	sld [smem:$0x3FFD];
	_ =	sdelay $0x3  }
0x96: {  	_ =	strace s3  }
0x97: {  	_ =	strace $0x8FFFFFFF  }
0x98: {  	s19 =	sld [smem:$0x3FDB];
	_ =	sdelay $0x1  }
0x99: {  	s4 =	simm.s32 $_scs_section_size  }
0x9a: {  	s5 =	simm.s32 $_size__tile_overlayer_lowered;
	s6 =	simm.s32 $_tile_overlayer_lowered  }
0x9b: {  	s22 =	simm.s32 $0x1BFF;
	s21 =	sshll.u32 s6, $0x1;
	s3 =	sadd.s32 s4, s19  }
0x9c: {  	s7 =	simm.s32 $0x0;
	s20 =	sshll.u32 s5, $0x1;
	s5 =	sadd.s32 s21, s3  }
0x9d: {  	[timem:s7], [sflag:s22] =	dma.local [hbm:s5], s20  }
0x9e: {  	_ =	swait.ge [sflag:s22], s20  }
0x9f: {  	s4 =	ssub.s32 $0x0, s20;
	[sflag:s22] =	ssyncset.done $0x0  }
0xa0: {  	[sflag:s22] =	ssyncadd.s32 s4;
	_ =	sdelay $0x1  }
0xa1: {  	s23 =	simm.s32 $0x1B8B  }
0xa2: {  	_ =	swait.ge [sflag:s23], $0x1  }
0xa3: {  	[sflag:s23] =	ssyncset.done $0x0  }
0xa4: {  	s25 =	simm.s32 $0x1B8E;
	s24 =	sld [smem:$0x3FFE];
	[sflag:s23] =	ssyncadd.s32 $0xFFFFFFFF  }
0xa5: {  	s26 =	simm.s32 $execute0_lowered;
	[smem:$0x3FD2] =	sst s25  }
0xa6: {  	s5 =	sshll.u32 s26, $0x1;
	_ =	strace $0x80000046;
	[dreg:$0x1] =	wrdreg $0xFFFFFFFF  }
0xa7: {  	s28 =	simm.s32 $_size_execute0_lowered;
	s3 =	sadd.s32 s3, s5;
	[dreg:$0x0] =	wrdreg $0x0  }
0xa8: {  	s5 =	sshll.u32 s28, $0x1;
	[dreg:$0x2] =	wrdreg s3  }
0xa9: {  	[dreg:$0x3] =	wrdreg s5  }
0xaa: {  	[dreg:$0x4] =	wrdreg $0xC0  }
0xab: {  	_ =	task [dreg:s7], $0x5FFFF  }
0xac: {  	[dreg:$0x1] =	wrdreg $0xFFFFFFFF  }
0xad: {  	[dreg:$0x0] =	wrdreg $0x60  }
0xae: {  	[dreg:$0x2] =	wrdreg s24  }
0xaf: {  	[dreg:$0x3] =	wrdreg s2  }
0xb0: {  	[dreg:$0x4] =	wrdreg $0x58200  }
0xb1: {  	[dreg:$0x5] =	wrdreg $0x7F300  }
0xb2: {  	[dreg:$0x6] =	wrdreg $0x9  }
0xb3: {  	_ =	task.clear_ibuf [dreg:s7], $0x7FFFF;
	_ =	strace $0x90000046  }
0xb4: {  	s29 =	simm.s32 $0x9;
	_ =	strace $0x80000048  }
0xb5: {  	_ =	swait.ge [sflag:s29], $0x1  }
0xb6: {  	[sflag:s29] =	ssyncadd.s32 $0xFFFFFFFF  }
0xb7: {  	_ =	strace $0x90000048  }
0xb8: {  	_ =	sfence  }
0xb9: {  	s30 =	sld [smem:$0x0];
	_ =	sdelay $0x2  }
0xba: {  	s31 =	sshll.u32 s1, $0xD;
	s1 =	sshrl.u32 s1, $0x2  }
0xbb: {  	s3 =	sand.u32 $0x4000, s31;
	s1 =	sadd.s32 s1, s30  }
0xbc: {  	s0 =	sor.u32 s3, s0;
	s1 =	sshll.u32 s1, $0x11  }
0xbd: {  	s0 =	sor.u32 s1, s0  }
0xbe: {  	s0 =	sadd.s32 $0x8F2B, s0  }
0xbf: {  	[sflag:s0] =	ssyncadd.remote.s32 $0x1  }
0xc0: {  	_ =	sfence.sel $0xFFFF  }
0xc1: {  	[dreg:$0x0] =	wrdreg $0xFFFFFFFF;
	(pc) =	sbr.abs _section_cstart, $3  }
0xc2: {  	[dreg:$0x1] =	wrdreg $0xFFFFFFFF  }
0xc3: {  	_ =	task.clear_ibuf [dreg:s7], $0x2FFFF;
	_ =	strace $0x9FFFFFFF  }
0xc4: {  	(tm) =	ssettm $0x7FFFFFFF  }
0xc5: {  	_ =	shalt  }
tec
execute0_lowered:
.L_overlay_start_1:
0x0: {  	(tag) =	ssettag $0x1  }
0x1: {  	s0 =	srdreg.scid;
	s2 =	rddreg [dreg:$0x0]  }
0x2: {  	s19 =	stileid.u32;
	s4 =	rddreg [dreg:$0x1];
	s24 =	simm.s32 $0x0  }
0x3: {  	s0 =	sand.u32 $0x1, s0;
	s1 =	sshll.u32 s19, $0x1;
	[smem:$0x7FF] =	sst s24  }
0x4: {  	s6 =	sadd.s32 $0xCE00, s2;
	s9 =	smul.u32 $0x500, s19;
	s13 =	sor.u32 $0x70, s19  }
0x5: {  	p1 =	sgt.u32 s19, $0xC;
	s19 =	simm.s32 $0x3;
	s3 =	sor.u32 s0, s1  }
0x6: {  	s7 =	ssub.s32 $0x2, s0;
	s0 =	smul.u32 $0x27100, s0;
	p0 =	sgt.u32 s13, $0x7C  }
0x7: {  	s3 =	smul.u32 $0x4E2, s3;
	s8 =	sshrl.u32 s7, $0x1;
	s10 =	sadd.s32 $0x14000, s9  }
0x8: {  	s11 =	sadd.s32 $0x19000, s9;
	s7 =	ssub.s32 s7, s8;
	s8 =	sadd.s32 $0xF000, s9  }
0x9: {  	s12 =	sadd.s32 s0, s9;
	s23 =	sadd.s32 s0, s10;
	s5 =	sadd.s32 s3, s2  }
0xa: {  	s2 =	sadd.s32 $0x16C00, s2;
	s25 =	sadd.s32 s4, s3;
	s3 =	sadd.s32 $0x5000, s9  }
0xb: {  	s4 =	sadd.s32 $0xA000, s9;
	s12 =	sshrl.u32 s12, $0x3;
	s20 =	sadd.s32 s0, s8  }
0xc: {  	[dreg:$0x5] =	wrdreg s25;
	s14 =	sadd.s32 s0, s3;
	s26 =	sadd.s32 s6, s12  }
0xd: {  	s28 =	sadd.s32 s2, s12;
	s22 =	sshrl.u32 s20, $0x3;
	[dreg:$0x6] =	wrdreg s26  }
0xe: {  	s15 =	sadd.s32 s0, s4;
	[dreg:$0x7] =	wrdreg s28;
	s24 =	sadd.s32 s6, s22  }
0xf: {  	s14 =	sshrl.u32 s14, $0x3;
	s25 =	sadd.s32 s2, s22;
	[dreg:$0xc] =	wrdreg s24  }
0x10: {  	s16 =	sshrl.u32 s15, $0x3;
	s12 =	sadd.s32 s6, s14;
	[dreg:$0xd] =	wrdreg s25  }
0x11: {  	s26 =	sshrl.u32 s23, $0x3;
	s17 =	sadd.s32 s2, s14;
	[dreg:$0x8] =	wrdreg s12  }
0x12: {  	s15 =	sadd.s32 s0, s11;
	s18 =	sadd.s32 s6, s16;
	[dreg:$0x9] =	wrdreg s17  }
0x13: {  	s21 =	sadd.s32 s2, s16;
	s28 =	sadd.s32 s6, s26;
	[dreg:$0xa] =	wrdreg s18  }
0x14: {  	s14 =	sadd.s32 s2, s26;
	s24 =	sadd.s32 $0x3000, s5;
	[dreg:$0xb] =	wrdreg s21  }
0x15: {  	s25 =	smax.u32 s7, $0x1;
	[dreg:$0xe] =	wrdreg s28;
	s12 =	sshrl.u32 s15, $0x3  }
0x16: {  	[dreg:$0xf] =	wrdreg s14;
	s14 =	sadd.s32 $0x1E000, s9;
	s16 =	sadd.s32 s6, s12  }
0x17: {  	s18 =	smul.u32 $0x500, s13;
	s17 =	sadd.s32 s2, s12;
	[dreg:$0x10] =	wrdreg s16  }
0x18: {  	s13 =	simm.s32 $0x50;
	s20 =	sadd.s32 s0, s14;
	[dreg:$0x11] =	wrdreg s17  }
0x19: {  	s12 =	sshrl.u32 s20, $0x3;
	s0 =	sadd.s32 s0, s18;
	s16 =	rddreg [dreg:$0x2]  }
0x1a: {  	s17 =	rddreg [dreg:$0x3];
	s20 =	simm.s32 $0x4;
	s0 =	sshrl.u32 s0, $0x3  }
0x1b: {  	s21 =	sadd.s32 s6, s12;
	s22 =	sadd.s32 s2, s12;
	s26 =	sadd.s32 s3, s16  }
0x1c: {  	s28 =	sadd.s32 s3, s17;
	s29 =	sadd.s32 s4, s16;
	s30 =	sadd.s32 s4, s17  }
0x1d: {  	s31 =	sadd.s32 s8, s16;
	s15 =	sadd.s32 s8, s17;
	s3 =	sadd.s32 s11, s16  }
0x1e: {  	s4 =	sadd.s32 s11, s17;
	s5 =	sadd.s32 s14, s16;
	s7 =	sadd.s32 s18, s16  }
0x1f: {  	s8 =	sadd.s32 s18, s17;
	s11 =	simm.s32 $0x6;
	[dreg:$0x12] =	wrdreg s21  }
0x20: {  	s18 =	simm.s32 $0x2;
	[dreg:$0x13] =	wrdreg s22;
	s23 =	sadd.s32 s6, s0  }
0x21: {  	s0 =	sadd.s32 s2, s0;
	s2 =	sadd.s32 s10, s17;
	[dreg:$0x14] =	wrdreg s23  }
0x22: {  	s6 =	sadd.s32 s14, s17;
	s14 =	simm.s32 $0x4E20;
	[dreg:$0x15] =	wrdreg s0  }
0x23: {  	s21 =	simm.s32 $0x5;
	_ =	strace $0x80000047;
	[dreg:$0x16] =	wrdreg s24  }
0x24: {  	s22 =	simm.s32 $0x0;
	s0 =	sadd.s32 s10, s16;
	[dreg:$0x17] =	wrdreg s25  }
0x25: {  	s10 =	simm.s32 $0x1;
	s24 =	sadd.s32 s9, s16;
	[dreg:$0x18] =	wrdreg s26  }
0x26: {  	v0 =	vimm.f32 $1.000000000e+00;
	v1 =	vimm.f32 $0.0e+00;
	s25 =	sadd.s32 s9, s17;
	[dreg:$0x19] =	wrdreg s28;
	s9 =	simm.s32 $0x5320  }
.LBB2_1:
0x27: {  	s23 =	simm.s32 $0x40;
	s12 =	simm.s32 $0x0  }
.LBB2_2:
0x28: {  	p2 =	sne.s32 s23, $0x13C0;
	[tilespmem:s12+$0x4E20] =	vst v0;
	s1 =	smov.u32 s23;
	s23 =	sadd.s32 $0x40, s23  }
.Ltmp0:
0x29: {  	[tilespmem:s12+$0x5320] =	vst v1;
	(pc) =	sbr.rel @p2 .LBB2_2-.Ltmp0, $2  }
0x2a: {  	_ =	sdelay $0x2  }
0x2b: {  	s12 =	sshra.s32 s1, $0x2  }
0x2c: {  	[tilespmem:s12+$0x4E20] =	vst v0  }
0x2d: {  	[tilespmem:s12+$0x5320] =	vst v1  }
0x2e: {  	[spmem:s24] =	stream.linear.scatter [tilespmem:s9], [sflag:$0x1], $0x500, $0x38;
	[tilespmem:$0xA640] =	vst v63  }
0x2f: {  	_ = 	snop  }
0x30: {  	[spmem:s25] =	stream.linear.scatter [tilespmem:s9], [sflag:$0x1], $0x500, $0x38;
	[tilespmem:$0xA640] =	vst v63  }
0x31: {  	s1 =	rddreg [dreg:$0x18]  }
0x32: {  	[spmem:s1] =	stream.linear.scatter [tilespmem:s9], [sflag:$0x1], $0x500, $0x38;
	[tilespmem:$0xA640] =	vst v63  }
0x33: {  	s23 =	rddreg [dreg:$0x19]  }
0x34: {  	[spmem:s23] =	stream.linear.scatter [tilespmem:s9], [sflag:$0x1], $0x500, $0x38;
	[tilespmem:$0xA640] =	vst v63  }
0x35: {  	_ = 	snop  }
0x36: {  	[spmem:s29] =	stream.linear.scatter [tilespmem:s9], [sflag:$0x1], $0x500, $0x38;
	[tilespmem:$0xA640] =	vst v63  }
0x37: {  	_ = 	snop  }
0x38: {  	[spmem:s30] =	stream.linear.scatter [tilespmem:s9], [sflag:$0x1], $0x500, $0x38;
	[tilespmem:$0xA640] =	vst v63  }
0x39: {  	_ = 	snop  }
0x3a: {  	[spmem:s31] =	stream.linear.scatter [tilespmem:s9], [sflag:$0x1], $0x500, $0x38;
	[tilespmem:$0xA640] =	vst v63  }
0x3b: {  	_ = 	snop  }
0x3c: {  	[spmem:s15] =	stream.linear.scatter [tilespmem:s9], [sflag:$0x1], $0x500, $0x38;
	[tilespmem:$0xA640] =	vst v63  }
0x3d: {  	_ = 	snop  }
0x3e: {  	[spmem:s0] =	stream.linear.scatter [tilespmem:s9], [sflag:$0x1], $0x500, $0x38;
	[tilespmem:$0xA640] =	vst v63  }
0x3f: {  	_ = 	snop  }
0x40: {  	[spmem:s2] =	stream.linear.scatter [tilespmem:s9], [sflag:$0x1], $0x500, $0x38;
	[tilespmem:$0xA640] =	vst v63  }
0x41: {  	_ = 	snop  }
0x42: {  	[spmem:s3] =	stream.linear.scatter [tilespmem:s9], [sflag:$0x1], $0x500, $0x38;
	[tilespmem:$0xA640] =	vst v63  }
0x43: {  	_ = 	snop  }
0x44: {  	[spmem:s4] =	stream.linear.scatter [tilespmem:s9], [sflag:$0x1], $0x500, $0x38;
	[tilespmem:$0xA640] =	vst v63  }
0x45: {  	_ = 	snop  }
0x46: {  	[spmem:s5] =	stream.linear.scatter [tilespmem:s9], [sflag:$0x1], $0x500, $0x38;
	[tilespmem:$0xA640] =	vst v63  }
0x47: {  	_ = 	snop  }
0x48: {  	[spmem:s6] =	stream.linear.scatter [tilespmem:s9], [sflag:$0x1], $0x500, $0x38;
	[tilespmem:$0xA640] =	vst v63  }
0x49: {  	s1 =	simm.s32 @!p0 $0x5320  }
0x4a: {  	[spmem:s7] =	stream.linear.scatter @!p0 [tilespmem:s1], [sflag:$0x1], $0x500, $0x38;
	[tilespmem:$0xA640] =	vst v63  }
0x4b: {  	_ = 	snop  }
0x4c: {  	[spmem:s8] =	stream.linear.scatter @!p0 [tilespmem:s1], [sflag:$0x1], $0x500, $0x38;
	[tilespmem:$0xA640] =	vst v63  }
0x4d: {  	_ =	swait.ge [sflag:s10], $0x500  }
0x4e: {  	[sflag:s10] =	ssyncset.done $0x0  }
0x4f: {  	[sflag:s10] =	ssyncadd.s32 $0xFFFFFB00  }
0x50: {  	_ =	swait.ge [sflag:s10], $0x500  }
0x51: {  	[sflag:s10] =	ssyncset.done $0x0  }
0x52: {  	[sflag:s10] =	ssyncadd.s32 $0xFFFFFB00  }
0x53: {  	_ =	swait.ge [sflag:s10], $0x500  }
0x54: {  	[sflag:s10] =	ssyncset.done $0x0  }
0x55: {  	[sflag:s10] =	ssyncadd.s32 $0xFFFFFB00  }
0x56: {  	_ =	swait.ge [sflag:s10], $0x500  }
0x57: {  	[sflag:s10] =	ssyncset.done $0x0  }
0x58: {  	[sflag:s10] =	ssyncadd.s32 $0xFFFFFB00  }
0x59: {  	_ =	swait.ge [sflag:s10], $0x500  }
0x5a: {  	[sflag:s10] =	ssyncset.done $0x0  }
0x5b: {  	[sflag:s10] =	ssyncadd.s32 $0xFFFFFB00  }
0x5c: {  	_ =	swait.ge [sflag:s10], $0x500  }
0x5d: {  	[sflag:s10] =	ssyncset.done $0x0  }
0x5e: {  	[sflag:s10] =	ssyncadd.s32 $0xFFFFFB00  }
0x5f: {  	_ =	swait.ge [sflag:s10], $0x500  }
0x60: {  	[sflag:s10] =	ssyncset.done $0x0  }
0x61: {  	[sflag:s10] =	ssyncadd.s32 $0xFFFFFB00  }
0x62: {  	_ =	swait.ge [sflag:s10], $0x500  }
0x63: {  	[sflag:s10] =	ssyncset.done $0x0  }
0x64: {  	[sflag:s10] =	ssyncadd.s32 $0xFFFFFB00  }
0x65: {  	_ =	swait.ge [sflag:s10], $0x500  }
0x66: {  	[sflag:s10] =	ssyncset.done $0x0  }
0x67: {  	[sflag:s10] =	ssyncadd.s32 $0xFFFFFB00  }
0x68: {  	_ =	swait.ge [sflag:s10], $0x500  }
0x69: {  	[sflag:s10] =	ssyncset.done $0x0  }
0x6a: {  	[sflag:s10] =	ssyncadd.s32 $0xFFFFFB00  }
0x6b: {  	_ =	swait.ge [sflag:s10], $0x500  }
0x6c: {  	[sflag:s10] =	ssyncset.done $0x0  }
0x6d: {  	[sflag:s10] =	ssyncadd.s32 $0xFFFFFB00  }
0x6e: {  	_ =	swait.ge [sflag:s10], $0x500  }
0x6f: {  	[sflag:s10] =	ssyncset.done $0x0  }
0x70: {  	[sflag:s10] =	ssyncadd.s32 $0xFFFFFB00  }
0x71: {  	_ =	swait.ge [sflag:s10], $0x500  }
0x72: {  	[sflag:s10] =	ssyncset.done $0x0  }
0x73: {  	[sflag:s10] =	ssyncadd.s32 $0xFFFFFB00  }
0x74: {  	_ =	swait.ge [sflag:s10], $0x500  }
0x75: {  	[sflag:s10] =	ssyncset.done $0x0  }
0x76: {  	s1 =	simm.s32 @!p1 $0x1;
	[sflag:s10] =	ssyncadd.s32 $0xFFFFFB00  }
0x77: {  	_ =	swait.ge @!p1 [sflag:s1], $0x500  }
0x78: {  	[sflag:s1] =	ssyncset.done @!p1 $0x0  }
0x79: {  	[sflag:s1] =	ssyncadd.s32 @!p1 $0xFFFFFB00  }
0x7a: {  	_ =	swait.ge @!p1 [sflag:s1], $0x500  }
0x7b: {  	[sflag:s1] =	ssyncset.done @!p1 $0x0  }
0x7c: {  	[sflag:s1] =	ssyncadd.s32 @!p1 $0xFFFFFB00  }
0x7d: {  	[bflag:$0x0] =	sbarrier.arrive $0xFFFF  }
0x7e: {  	s26 =	smov.u32 s24;
	s1 =	simm.s32 $0x0;
	s24 =	rddreg [dreg:$0x16]  }
0x7f: {  	[tilespmem:s1], [sflag:$0x6] =	stream.linear.gather [hbm4b:s24+s1], $0x2710, $0x38;
	[tilespmem:$0xA640] =	vst v63  }
0x80: {  	_ =	swait.ge [sflag:s11], $0x2710  }
0x81: {  	s28 =	smov.u32 s25;
	[sflag:s11] =	ssyncset.done $0x0  }
0x82: {  	s23 =	simm.s32 $0x2710;
	s25 =	rddreg [dreg:$0x5];
	[sflag:s11] =	ssyncadd.s32 $0xFFFFD8F0  }
0x83: {  	[tilespmem:s23], [sflag:$0x6] =	stream.linear.gather [hbm4b:s25+s1], $0x2710, $0x38;
	[tilespmem:$0xA640] =	vst v63  }
0x84: {  	_ =	swait.ge [sflag:s11], $0x2710  }
0x85: {  	[sflag:s11] =	ssyncset.done $0x0  }
0x86: {  	[sflag:s11] =	ssyncadd.s32 $0xFFFFD8F0  }
0x87: {  	[spmem:s16] =	stream.indirect.scatter.add.f32 [tilespmem:s14], [sflag:$0x2], $0x10, s1, s13, $0xb8;
	[tilespmem:$0xA640] =	vst v63  }
0x88: {  	_ = 	snop  }
0x89: {  	[spmem:s17] =	stream.indirect.scatter.add.f32 [tilespmem:s14], [sflag:$0x3], $0x10, s23, s13, $0xb8;
	[tilespmem:$0xA640] =	vst v63  }
0x8a: {  	s12 =	simm.s32 $0x50  }
0x8b: {  	[spmem:s16] =	stream.indirect.scatter.add.f32 [tilespmem:s14], [sflag:$0x4], $0x10, s12, s13, $0xb8;
	[tilespmem:$0xA640] =	vst v63  }
0x8c: {  	s23 =	simm.s32 $0x2760  }
0x8d: {  	[spmem:s17] =	stream.indirect.scatter.add.f32 [tilespmem:s14], [sflag:$0x5], $0x10, s23, s13, $0xb8;
	[tilespmem:$0xA640] =	vst v63  }
0x8e: {  	_ =	swait.ge [sflag:s18], $0x500  }
0x8f: {  	[sflag:s18] =	ssyncset.done $0x0  }
0x90: {  	[sflag:s18] =	ssyncadd.s32 $0xFFFFFB00  }
0x91: {  	_ =	swait.ge [sflag:s19], $0x500  }
0x92: {  	[sflag:s19] =	ssyncset.done $0x0  }
0x93: {  	s24 =	simm.s32 $0xA0;
	[sflag:s19] =	ssyncadd.s32 $0xFFFFFB00  }
0x94: {  	[spmem:s16] =	stream.indirect.scatter.add.f32 [tilespmem:s14], [sflag:$0x2], $0x10, s24, s13, $0xb8;
	[tilespmem:$0xA640] =	vst v63  }
0x95: {  	s25 =	simm.s32 $0x27B0  }
0x96: {  	[spmem:s17] =	stream.indirect.scatter.add.f32 [tilespmem:s14], [sflag:$0x3], $0x10, s25, s13, $0xb8;
	[tilespmem:$0xA640] =	vst v63  }
0x97: {  	_ =	swait.ge [sflag:s20], $0x500  }
0x98: {  	[sflag:s20] =	ssyncset.done $0x0  }
0x99: {  	[sflag:s20] =	ssyncadd.s32 $0xFFFFFB00  }
0x9a: {  	_ =	swait.ge [sflag:s21], $0x500  }
0x9b: {  	s12 =	simm.s32 $0xFFFF6A00;
	s23 =	simm.s32 $0xFFFFD9E0;
	[sflag:s21] =	ssyncset.done $0x0  }
.LBB2_4:
0x9c: {  	s1 =	sadd.s32 $0x2710, s23  }
0x9d: {  	[sflag:s21] =	ssyncadd.s32 $0xFFFFFB00;
	s24 =	smov.u32 s12;
	s25 =	sadd.s32 $0x280, s12  }
0x9e: {  	[spmem:s16] =	stream.indirect.scatter.add.f32 [tilespmem:s14], [sflag:$0x4], $0x10, s1, s13, $0xb8;
	[tilespmem:$0xA640] =	vst v63  }
0x9f: {  	p2 =	sne.s32 s12, $0xFFFFFD80;
	s1 =	sadd.s32 $0x4E20, s23  }
0xa0: {  	[spmem:s17] =	stream.indirect.scatter.add.f32 [tilespmem:s14], [sflag:$0x5], $0x10, s1, s13, $0xb8;
	[tilespmem:$0xA640] =	vst v63  }
0xa1: {  	_ =	swait.ge [sflag:s18], $0x500  }
0xa2: {  	[sflag:s18] =	ssyncset.done $0x0  }
0xa3: {  	[sflag:s18] =	ssyncadd.s32 $0xFFFFFB00  }
0xa4: {  	_ =	swait.ge [sflag:s19], $0x500  }
0xa5: {  	[sflag:s19] =	ssyncset.done $0x0  }
0xa6: {  	s1 =	sadd.s32 $0x2760, s23;
	[sflag:s19] =	ssyncadd.s32 $0xFFFFFB00  }
0xa7: {  	[spmem:s16] =	stream.indirect.scatter.add.f32 [tilespmem:s14], [sflag:$0x2], $0x10, s1, s13, $0xb8;
	[tilespmem:$0xA640] =	vst v63  }
0xa8: {  	s1 =	sadd.s32 $0x4E70, s23  }
0xa9: {  	[spmem:s17] =	stream.indirect.scatter.add.f32 [tilespmem:s14], [sflag:$0x3], $0x10, s1, s13, $0xb8;
	[tilespmem:$0xA640] =	vst v63  }
.Ltmp1:
0xaa: {  	_ =	swait.ge [sflag:s20], $0x500;
	(pc) =	sbr.rel @p2 .LBB2_4-.Ltmp1, $4  }
0xab: {  	[sflag:s20] =	ssyncset.done $0x0  }
0xac: {  	[sflag:s20] =	ssyncadd.s32 $0xFFFFFB00  }
0xad: {  	_ =	swait.ge [sflag:s21], $0x500  }
0xae: {  	s12 =	smov.u32 s25;
	s23 =	sshra.s32 s24, $0x2;
	[sflag:s21] =	ssyncset.done $0x0  }
0xaf: {  	s1 =	sadd.s32 $0x2710, s23;
	[sflag:s21] =	ssyncadd.s32 $0xFFFFFB00  }
0xb0: {  	[spmem:s16] =	stream.indirect.scatter.add.f32 [tilespmem:s14], [sflag:$0x4], $0x10, s1, s13, $0xb8;
	[tilespmem:$0xA640] =	vst v63  }
0xb1: {  	s25 =	sadd.s32 $0x4E20, s23  }
0xb2: {  	[spmem:s17] =	stream.indirect.scatter.add.f32 [tilespmem:s14], [sflag:$0x5], $0x10, s25, s13, $0xb8;
	[tilespmem:$0xA640] =	vst v63  }
0xb3: {  	_ =	swait.ge [sflag:s18], $0x500  }
0xb4: {  	[sflag:s18] =	ssyncset.done $0x0  }
0xb5: {  	[sflag:s18] =	ssyncadd.s32 $0xFFFFFB00  }
0xb6: {  	_ =	swait.ge [sflag:s19], $0x500  }
0xb7: {  	[sflag:s19] =	ssyncset.done $0x0  }
0xb8: {  	s12 =	sadd.s32 $0x2760, s23;
	[sflag:s19] =	ssyncadd.s32 $0xFFFFFB00  }
0xb9: {  	[spmem:s16] =	stream.indirect.scatter.add.f32 [tilespmem:s14], [sflag:$0x2], $0x10, s12, s13, $0xb8;
	[tilespmem:$0xA640] =	vst v63  }
0xba: {  	s23 =	sadd.s32 $0x4E70, s23  }
0xbb: {  	[spmem:s17] =	stream.indirect.scatter.add.f32 [tilespmem:s14], [sflag:$0x3], $0x10, s23, s13, $0xb8;
	[tilespmem:$0xA640] =	vst v63  }
0xbc: {  	_ =	swait.ge [sflag:s20], $0x500  }
0xbd: {  	[sflag:s20] =	ssyncset.done $0x0  }
0xbe: {  	[sflag:s20] =	ssyncadd.s32 $0xFFFFFB00  }
0xbf: {  	_ =	swait.ge [sflag:s21], $0x500  }
0xc0: {  	[sflag:s21] =	ssyncset.done $0x0  }
0xc1: {  	[sflag:s21] =	ssyncadd.s32 $0xFFFFFB00  }
0xc2: {  	_ =	swait.ge [sflag:s18], $0x500  }
0xc3: {  	[sflag:s18] =	ssyncset.done $0x0  }
0xc4: {  	[sflag:s18] =	ssyncadd.s32 $0xFFFFFB00  }
0xc5: {  	_ =	swait.ge [sflag:s19], $0x500  }
0xc6: {  	[sflag:s19] =	ssyncset.done $0x0  }
0xc7: {  	s24 =	stileid.u32;
	[sflag:s19] =	ssyncadd.s32 $0xFFFFFB00  }
0xc8: {  	s1 =	sshll.u32 s24, $0x6;
	[bflag:$0x0] =	sbarrier.arrive $0xFFFF  }
0xc9: {  	s1 =	sor.u32 $0x1C01, s1;
	s12 =	sshrl.u32 s26, $0x3;
	s25 =	rddreg [dreg:$0x6]  }
0xca: {  	[hbm:s25], [sflag:s1] =	dma.local [spmem:s12], $0xA0  }
0xcb: {  	s24 =	smov.u32 s26;
	s26 =	sshrl.u32 s28, $0x3;
	s23 =	rddreg [dreg:$0x7]  }
0xcc: {  	[hbm:s23], [sflag:s1] =	dma.local [spmem:s26], $0xA0  }
0xcd: {  	s12 =	rddreg [dreg:$0x18]  }
0xce: {  	s23 =	rddreg [dreg:$0x8];
	s12 =	sshrl.u32 s12, $0x3  }
0xcf: {  	[hbm:s23], [sflag:s1] =	dma.local [spmem:s12], $0xA0  }
0xd0: {  	s12 =	rddreg [dreg:$0x19]  }
0xd1: {  	s23 =	rddreg [dreg:$0x9];
	s12 =	sshrl.u32 s12, $0x3  }
0xd2: {  	[hbm:s23], [sflag:s1] =	dma.local [spmem:s12], $0xA0  }
0xd3: {  	s25 =	smov.u32 s28;
	s28 =	sshrl.u32 s29, $0x3;
	s23 =	rddreg [dreg:$0xa]  }
0xd4: {  	[hbm:s23], [sflag:s1] =	dma.local [spmem:s28], $0xA0  }
0xd5: {  	s26 =	sshrl.u32 s30, $0x3;
	s23 =	rddreg [dreg:$0xb]  }
0xd6: {  	[hbm:s23], [sflag:s1] =	dma.local [spmem:s26], $0xA0  }
0xd7: {  	s28 =	sshrl.u32 s31, $0x3;
	s23 =	rddreg [dreg:$0xc]  }
0xd8: {  	[hbm:s23], [sflag:s1] =	dma.local [spmem:s28], $0xA0  }
0xd9: {  	s26 =	sshrl.u32 s15, $0x3;
	s23 =	rddreg [dreg:$0xd]  }
0xda: {  	[hbm:s23], [sflag:s1] =	dma.local [spmem:s26], $0xA0  }
0xdb: {  	s28 =	sshrl.u32 s0, $0x3;
	s23 =	rddreg [dreg:$0xe]  }
0xdc: {  	[hbm:s23], [sflag:s1] =	dma.local [spmem:s28], $0xA0  }
0xdd: {  	s26 =	sshrl.u32 s2, $0x3;
	s23 =	rddreg [dreg:$0xf]  }
0xde: {  	[hbm:s23], [sflag:s1] =	dma.local [spmem:s26], $0xA0  }
0xdf: {  	s28 =	sshrl.u32 s3, $0x3;
	s23 =	rddreg [dreg:$0x10]  }
0xe0: {  	[hbm:s23], [sflag:s1] =	dma.local [spmem:s28], $0xA0  }
0xe1: {  	s26 =	sshrl.u32 s4, $0x3;
	s23 =	rddreg [dreg:$0x11]  }
0xe2: {  	[hbm:s23], [sflag:s1] =	dma.local [spmem:s26], $0xA0  }
0xe3: {  	s28 =	sshrl.u32 s5, $0x3;
	s23 =	rddreg [dreg:$0x12]  }
0xe4: {  	[hbm:s23], [sflag:s1] =	dma.local [spmem:s28], $0xA0  }
0xe5: {  	s26 =	sshrl.u32 s6, $0x3;
	s23 =	rddreg [dreg:$0x13]  }
0xe6: {  	[hbm:s23], [sflag:s1] =	dma.local [spmem:s26], $0xA0  }
0xe7: {  	s12 =	sshrl.u32 @!p0 s7, $0x3;
	s23 =	rddreg [dreg:$0x14]  }
0xe8: {  	[hbm:s23], [sflag:s1] =	dma.local @!p0 [spmem:s12], $0xA0  }
0xe9: {  	s12 =	sshrl.u32 @!p0 s8, $0x3;
	s23 =	rddreg [dreg:$0x15]  }
0xea: {  	[hbm:s23], [sflag:s1] =	dma.local @!p0 [spmem:s12], $0xA0  }
0xeb: {  	_ =	swait.ge [sflag:s10], $0xA0  }
0xec: {  	[sflag:s10] =	ssyncset.done $0x0  }
0xed: {  	[sflag:s10] =	ssyncadd.s32 $0xFFFFFF60  }
0xee: {  	_ =	swait.ge [sflag:s10], $0xA0  }
0xef: {  	[sflag:s10] =	ssyncset.done $0x0  }
0xf0: {  	[sflag:s10] =	ssyncadd.s32 $0xFFFFFF60  }
0xf1: {  	_ =	swait.ge [sflag:s10], $0xA0  }
0xf2: {  	[sflag:s10] =	ssyncset.done $0x0  }
0xf3: {  	[sflag:s10] =	ssyncadd.s32 $0xFFFFFF60  }
0xf4: {  	_ =	swait.ge [sflag:s10], $0xA0  }
0xf5: {  	[sflag:s10] =	ssyncset.done $0x0  }
0xf6: {  	[sflag:s10] =	ssyncadd.s32 $0xFFFFFF60  }
0xf7: {  	_ =	swait.ge [sflag:s10], $0xA0  }
0xf8: {  	[sflag:s10] =	ssyncset.done $0x0  }
0xf9: {  	[sflag:s10] =	ssyncadd.s32 $0xFFFFFF60  }
0xfa: {  	_ =	swait.ge [sflag:s10], $0xA0  }
0xfb: {  	[sflag:s10] =	ssyncset.done $0x0  }
0xfc: {  	[sflag:s10] =	ssyncadd.s32 $0xFFFFFF60  }
0xfd: {  	_ =	swait.ge [sflag:s10], $0xA0  }
0xfe: {  	[sflag:s10] =	ssyncset.done $0x0  }
0xff: {  	[sflag:s10] =	ssyncadd.s32 $0xFFFFFF60  }
0x100: {  	_ =	swait.ge [sflag:s10], $0xA0  }
0x101: {  	[sflag:s10] =	ssyncset.done $0x0  }
0x102: {  	[sflag:s10] =	ssyncadd.s32 $0xFFFFFF60  }
0x103: {  	_ =	swait.ge [sflag:s10], $0xA0  }
0x104: {  	[sflag:s10] =	ssyncset.done $0x0  }
0x105: {  	[sflag:s10] =	ssyncadd.s32 $0xFFFFFF60  }
0x106: {  	_ =	swait.ge [sflag:s10], $0xA0  }
0x107: {  	[sflag:s10] =	ssyncset.done $0x0  }
0x108: {  	[sflag:s10] =	ssyncadd.s32 $0xFFFFFF60  }
0x109: {  	_ =	swait.ge [sflag:s10], $0xA0  }
0x10a: {  	[sflag:s10] =	ssyncset.done $0x0  }
0x10b: {  	[sflag:s10] =	ssyncadd.s32 $0xFFFFFF60  }
0x10c: {  	_ =	swait.ge [sflag:s10], $0xA0  }
0x10d: {  	[sflag:s10] =	ssyncset.done $0x0  }
0x10e: {  	[sflag:s10] =	ssyncadd.s32 $0xFFFFFF60  }
0x10f: {  	_ =	swait.ge [sflag:s10], $0xA0  }
0x110: {  	[sflag:s10] =	ssyncset.done $0x0  }
0x111: {  	[sflag:s10] =	ssyncadd.s32 $0xFFFFFF60  }
0x112: {  	_ =	swait.ge [sflag:s10], $0xA0  }
0x113: {  	[sflag:s10] =	ssyncset.done $0x0  }
0x114: {  	s1 =	simm.s32 @!p1 $0x1;
	[sflag:s10] =	ssyncadd.s32 $0xFFFFFF60  }
0x115: {  	_ =	swait.ge @!p1 [sflag:s1], $0xA0  }
0x116: {  	[sflag:s1] =	ssyncset.done @!p1 $0x0  }
0x117: {  	[sflag:s1] =	ssyncadd.s32 @!p1 $0xFFFFFF60  }
0x118: {  	_ =	swait.ge @!p1 [sflag:s1], $0xA0  }
0x119: {  	s22 =	sadd.s32 $0x1, s22;
	s28 =	rddreg [dreg:$0x17]  }
0x11a: {  	p2 =	sne.s32 s22, s28  }
.Ltmp2:
0x11b: {  	_ = 	snop;
	(pc) =	sbr.rel @p2 .LBB2_1-.Ltmp2, $3  }
0x11c: {  	_ =	sdelay $0x1  }
0x11d: {  	[sflag:s1] =	ssyncset.done @!p1 $0x0  }
0x11e: {  	[sflag:s1] =	ssyncadd.s32 @!p1 $0xFFFFFF60  }
0x11f: {  	_ =	sfence.sel $0x180000  }
0x120: {  	[bflag:$0x0] =	sbarrier.arrive $0xFFFF  }
0x121: {  	_ =	strace $0x90000047  }
0x122: {  	s0 =	stileid.u32;
	[bflag:$0x2] =	sbarrier.arrive $0xFFFF  }
0x123: {  	p0 =	sne.s32 s0, $0x0;
	s0 =	rddreg [dreg:$0x4]  }
0x124: {  	s0 =	sadd.s32 @!p0 $0x100000, s0  }
0x125: {  	[sflag:s0] =	ssyncadd.tile.s32 @!p0 $0x1;
	_ =	shalt  }
.Lfunc_end2:
_tile_overlayer_lowered:
.L_overlay_start_2:
0x126: {  	(tag) =	ssettag $0x2  }
0x127: {  	s0 =	rddreg [dreg:$0x0];
	s2 =	stileid.u32  }
0x128: {  	s1 =	rddreg [dreg:$0x1];
	p0 =	sne.s32 s2, $0x0  }
0x129: {  	s3 =	rddreg [dreg:$0x2];
	[bflag:$0x3] =	sbarrier.arrive $0xFFFF;
	s2 =	simm.s32 @!p0 $0x1C06  }
0x12a: {  	[timem:s3], [sflag:s2] =	dma.local @!p0 [hbm:s0], s1  }
0x12b: {  	s0 =	simm.s32 @!p0 $0x6  }
0x12c: {  	_ =	swait.ge @!p0 [sflag:s0], s1  }
0x12d: {  	s1 =	ssub.s32 @!p0 $0x0, s1;
	[sflag:s0] =	ssyncset.done @!p0 $0x0  }
0x12e: {  	[sflag:s0] =	ssyncadd.s32 @!p0 s1  }
0x12f: {  	[bflag:$0x3] =	sbarrier.arrive $0xFFFF  }
0x130: {  	_ =	shalt  }

// kernel: kernel.13.cloned.1.call-start
scs
__scs_entry_jumppad:
0x0: {  	(pc) =	sbr.rel $0x88, $3  }
0x1: {  	(tag) =	ssettag $0x0;
	lr =	simm.s32 $0x1  }
0x2: {  	[smem:$0x3F99] =	sst lr;
	_ =	strace $0xD0000000  }
0x3: {  	_ = 	snop  }
0x4: {  	_ = 	snop  }
0x5: {  	_ = 	snop  }
0x6: {  	_ = 	snop  }
0x7: {  	_ = 	snop  }
__scs_overlays_trampoline_lowered:
0x8: {  	[smem:$0x3FA8] =	sst s0  }
0x9: {  	[smem:$0x3FA9] =	sst s1  }
0xa: {  	[smem:$0x3FAA] =	sst s2  }
0xb: {  	[smem:$0x3FAB] =	sst s3  }
0xc: {  	[smem:$0x3FAC] =	sst s4  }
0xd: {  	[smem:$0x3FAD] =	sst s5  }
0xe: {  	[smem:$0x3FAE] =	sst s6  }
0xf: {  	[smem:$0x3FAF] =	sst s7  }
0x10: {  	[smem:$0x3FB0] =	sst s8  }
0x11: {  	[smem:$0x3FB1] =	sst s9;
	s0 =	simm.s32 @!p0 $0x0  }
0x12: {  	s1 =	sld [smem:$0x3F97];
	s0 =	simm.s32 @p0 $0x1  }
0x13: {  	[smem:$0x3FB2] =	sst s0;
	s0 =	simm.s32 @!p1 $0x0  }
0x14: {  	s2 =	sld [smem:$0x3F96];
	s0 =	simm.s32 @p1 $0x1  }
0x15: {  	[smem:$0x3FB3] =	sst s0;
	s0 =	simm.s32 @!p2 $0x0  }
0x16: {  	s3 =	sld [smem:$0x3FDB];
	s0 =	simm.s32 @p2 $0x1  }
0x17: {  	s4 =	simm.s32 $0x1BF5;
	[smem:$0x3FB5] =	sst s0  }
0x18: {  	s0 =	sld [smem:$0x3F98];
	_ =	swait.ge [sflag:s4], $0x0  }
0x19: {  	s7 =	sld [smem:$0x3F99]  }
0x1a: {  	s8 =	sadd.s32 $0xFFFFE003, lr  }
0x1b: {  	s9 =	sadd.s32 $0xFFFFFEF7, lr;
	s5 =	simm.s32 $0xFFFFFFFF;
	p2 =	slt.u32 s8, $0xFFFFF086  }
0x1c: {  	p1 =	slt.u32 s9, $0xF7A;
	s5 =	simm.s32 @!p2 $0x0  }
0x1d: {  	s5 =	simm.s32 @p1 $0x1;
	p0 =	seq.s32 s7, s2  }
0x1e: {  	s7 =	smul.u32 @!p0 $0xF7A, s2;
	p2 =	seq.s32 @!p0 s5, $0x0  }
0x1f: {  	s9 =	smul.u32 $0xF7A, s1;
	s8 =	simm.s32 @!p0 $0x1BF5;
	p2 =	por !p2, p0  }
0x20: {  	[sflag:s8] =	ssyncset.s32 @!p0 $0xFFFFF086;
	s6 =	sadd.s32 @!p0 s3, s7;
	s7 =	simm.s32 @!p0 $0x108  }
0x21: {  	s3 =	sadd.s32 s3, s9;
	s6 =	sadd.s32 @!p0 $0x88, s6;
	s7 =	simm.s32 @p2 $0x1082  }
0x22: {  	[simem:s7], [sflag:s8] =	dma.local @!p0 [hbm:s6], $0xF7A  }
0x23: {  	s9 =	sor.u32 $0xD0000000, s2;
	s6 =	simm.s32 $0x108;
	_ =	swait.ge @!p0 [sflag:s8], $0x0  }
0x24: {  	s3 =	sadd.s32 $0x88, s3;
	s6 =	simm.s32 @!p1 $0x1082;
	[sflag:s4] =	ssyncset.s32 $0xFFFFF086  }
0x25: {  	[simem:s6], [sflag:s4] =	dma.local [hbm:s3], $0xF7A  }
0x26: {  	[smem:$0x3F99] =	sst s1;
	(tag) =	ssettag s2;
	_ =	strace s9  }
0x27: {  	s1 =	sld [smem:$0x3FA9]  }
0x28: {  	s2 =	sld [smem:$0x3FAA]  }
0x29: {  	s4 =	sld [smem:$0x3FAC]  }
0x2a: {  	p0 =	seq.s32 s5, $0x0;
	s5 =	sld [smem:$0x3FAD]  }
0x2b: {  	s6 =	sld [smem:$0x3FAE]  }
0x2c: {  	s7 =	sld [smem:$0x3FAF]  }
0x2d: {  	s3 =	simm.s32 $0x108;
	s8 =	sld [smem:$0x3FB0]  }
0x2e: {  	s3 =	simm.s32 @!p0 $0x1082;
	s9 =	sld [smem:$0x3FB1]  }
0x2f: {  	lr =	sadd.s32 s0, s3;
	s0 =	sld [smem:$0x3FA8]  }
0x30: {  	s3 =	sld [smem:$0x3FAB]  }
0x31: {  	[smem:$0x3FB4] =	sst s10  }
0x32: {  	s10 =	sld [smem:$0x3FB2];
	_ =	sdelay $0x3  }
0x33: {  	p0 =	seq.s32 s10, $0x1;
	s10 =	sld [smem:$0x3FB4];
	_ =	sdelay $0x3  }
0x34: {  	[smem:$0x3FB4] =	sst s10  }
0x35: {  	s10 =	sld [smem:$0x3FB3];
	_ =	sdelay $0x3  }
0x36: {  	p1 =	seq.s32 s10, $0x1;
	s10 =	sld [smem:$0x3FB4];
	_ =	sdelay $0x3  }
0x37: {  	[smem:$0x3FB4] =	sst s10  }
0x38: {  	s10 =	sld [smem:$0x3FB5]  }
0x39: {  	_ = 	snop;
	(pc) =	sbr.ind lr, $3  }
0x3a: {  	_ = 	snop  }
0x3b: {  	_ = 	snop  }
0x3c: {  	p2 =	seq.s32 s10, $0x1;
	s10 =	sld [smem:$0x3FB4]  }
0x3d: {  	_ =	shalt  }
0x3e: {  	_ =	shalt  }
0x3f: {  	_ =	shalt  }
0x40: {  	_ =	shalt  }
0x41: {  	_ =	shalt  }
0x42: {  	_ =	shalt  }
0x43: {  	_ =	shalt  }
0x44: {  	_ =	shalt  }
0x45: {  	_ =	shalt  }
0x46: {  	_ =	shalt  }
0x47: {  	_ =	shalt  }
0x48: {  	_ =	shalt  }
0x49: {  	_ =	shalt  }
0x4a: {  	_ =	shalt  }
0x4b: {  	_ =	shalt  }
0x4c: {  	_ =	shalt  }
0x4d: {  	_ =	shalt  }
0x4e: {  	_ =	shalt  }
0x4f: {  	_ =	shalt  }
0x50: {  	_ =	shalt  }
0x51: {  	_ =	shalt  }
0x52: {  	_ =	shalt  }
0x53: {  	_ =	shalt  }
0x54: {  	_ =	shalt  }
0x55: {  	_ =	shalt  }
0x56: {  	_ =	shalt  }
0x57: {  	_ =	shalt  }
0x58: {  	_ =	shalt  }
0x59: {  	_ =	shalt  }
0x5a: {  	_ =	shalt  }
0x5b: {  	_ =	shalt  }
0x5c: {  	_ =	shalt  }
0x5d: {  	_ =	shalt  }
0x5e: {  	_ =	shalt  }
0x5f: {  	_ =	shalt  }
0x60: {  	_ =	shalt  }
0x61: {  	_ =	shalt  }
0x62: {  	_ =	shalt  }
0x63: {  	_ =	shalt  }
0x64: {  	_ =	shalt  }
0x65: {  	_ =	shalt  }
0x66: {  	_ =	shalt  }
0x67: {  	_ =	shalt  }
0x68: {  	_ =	shalt  }
0x69: {  	_ =	shalt  }
0x6a: {  	_ =	shalt  }
0x6b: {  	_ =	shalt  }
0x6c: {  	_ =	shalt  }
0x6d: {  	_ =	shalt  }
0x6e: {  	_ =	shalt  }
0x6f: {  	_ =	shalt  }
0x70: {  	_ =	shalt  }
0x71: {  	_ =	shalt  }
0x72: {  	_ =	shalt  }
0x73: {  	_ =	shalt  }
0x74: {  	_ =	shalt  }
0x75: {  	_ =	shalt  }
0x76: {  	_ =	shalt  }
0x77: {  	_ =	shalt  }
0x78: {  	_ =	shalt  }
0x79: {  	_ =	shalt  }
0x7a: {  	_ =	shalt  }
0x7b: {  	_ =	shalt  }
0x7c: {  	_ =	shalt  }
0x7d: {  	_ =	shalt  }
0x7e: {  	_ =	shalt  }
0x7f: {  	_ =	shalt  }
0x80: {  	_ =	shalt  }
0x81: {  	_ =	shalt  }
0x82: {  	_ =	shalt  }
0x83: {  	_ =	shalt  }
0x84: {  	_ =	shalt  }
0x85: {  	_ =	shalt  }
0x86: {  	_ =	shalt  }
0x87: {  	_ =	shalt  }
.Lfunc_end0:
.L_simem_size_0:
called_computation.1_lowered:
.L_overlay_start_0:
0x88: {  	s2 =	sld [smem:$0x3FD9]  }
0x89: {  	s3 =	sld [smem:$0x3FFE];
	_ =	sdelay $0x1  }
0x8a: {  	s1 =	srdreg.scid  }
0x8b: {  	s0 =	sand.u32 $0x1, s1  }
0x8c: {  	s17 =	sshll.u32 s0, $0xA;
	s2 =	sadd.s32 s3, s2  }
0x8d: {  	s2 =	sadd.s32 s2, s17  }
0x8e: {  	[smem:$0x3FC0] =	sst s2  }
0x8f: {  	_ = 	snop  }
0x90: {  	s2 =	sld [smem:$0x3FD0];
	(tm) =	ssettm $0x1  }
0x91: {  	s18 =	sld [smem:$0x3FFB];
	_ =	sdelay $0x3  }
0x92: {  	_ =	strace s18  }
0x93: {  	s3 =	sld [smem:$0x3FFC];
	_ =	sdelay $0x3  }
0x94: {  	_ =	strace s3  }
0x95: {  	s3 =	sld [smem:$0x3FFD];
	_ =	sdelay $0x3  }
0x96: {  	_ =	strace s3  }
0x97: {  	_ =	strace $0x8FFFFFFF  }
0x98: {  	s19 =	sld [smem:$0x3FDB];
	_ =	sdelay $0x1  }
0x99: {  	s4 =	simm.s32 $_scs_section_size  }
0x9a: {  	s5 =	simm.s32 $_size__tile_overlayer_lowered;
	s6 =	simm.s32 $_tile_overlayer_lowered  }
0x9b: {  	s22 =	simm.s32 $0x1BFF;
	s21 =	sshll.u32 s6, $0x1;
	s3 =	sadd.s32 s4, s19  }
0x9c: {  	s7 =	simm.s32 $0x0;
	s20 =	sshll.u32 s5, $0x1;
	s5 =	sadd.s32 s21, s3  }
0x9d: {  	[timem:s7], [sflag:s22] =	dma.local [hbm:s5], s20  }
0x9e: {  	_ =	swait.ge [sflag:s22], s20  }
0x9f: {  	s4 =	ssub.s32 $0x0, s20;
	[sflag:s22] =	ssyncset.done $0x0  }
0xa0: {  	[sflag:s22] =	ssyncadd.s32 s4;
	_ =	sdelay $0x1  }
0xa1: {  	s23 =	simm.s32 $0x1B8B  }
0xa2: {  	_ =	swait.ge [sflag:s23], $0x1  }
0xa3: {  	[sflag:s23] =	ssyncset.done $0x0  }
0xa4: {  	s25 =	simm.s32 $0x1B8E;
	s24 =	sld [smem:$0x3FFE];
	[sflag:s23] =	ssyncadd.s32 $0xFFFFFFFF  }
0xa5: {  	s26 =	simm.s32 $execute0_lowered;
	[smem:$0x3FD2] =	sst s25  }
0xa6: {  	s5 =	sshll.u32 s26, $0x1;
	_ =	strace $0x80000049;
	[dreg:$0x1] =	wrdreg $0xFFFFFFFF  }
0xa7: {  	s28 =	simm.s32 $_size_execute0_lowered;
	s3 =	sadd.s32 s3, s5;
	[dreg:$0x0] =	wrdreg $0x0  }
0xa8: {  	s5 =	sshll.u32 s28, $0x1;
	[dreg:$0x2] =	wrdreg s3  }
0xa9: {  	[dreg:$0x3] =	wrdreg s5  }
0xaa: {  	[dreg:$0x4] =	wrdreg $0xC0  }
0xab: {  	_ =	task [dreg:s7], $0x5FFFF  }
0xac: {  	[dreg:$0x1] =	wrdreg $0xFFFFFFFF  }
0xad: {  	[dreg:$0x0] =	wrdreg $0x60  }
0xae: {  	[dreg:$0x2] =	wrdreg s24  }
0xaf: {  	[dreg:$0x3] =	wrdreg s2  }
0xb0: {  	[dreg:$0x4] =	wrdreg $0x8F700  }
0xb1: {  	[dreg:$0x5] =	wrdreg $0x12BB00  }
0xb2: {  	[dreg:$0x6] =	wrdreg $0x9  }
0xb3: {  	_ =	task.clear_ibuf [dreg:s7], $0x7FFFF;
	_ =	strace $0x90000049  }
0xb4: {  	s29 =	simm.s32 $0x9;
	_ =	strace $0x8000004B  }
0xb5: {  	_ =	swait.ge [sflag:s29], $0x1  }
0xb6: {  	[sflag:s29] =	ssyncadd.s32 $0xFFFFFFFF  }
0xb7: {  	_ =	strace $0x9000004B  }
0xb8: {  	_ =	sfence  }
0xb9: {  	s30 =	sld [smem:$0x0];
	_ =	sdelay $0x2  }
0xba: {  	s31 =	sshll.u32 s1, $0xD;
	s1 =	sshrl.u32 s1, $0x2  }
0xbb: {  	s3 =	sand.u32 $0x4000, s31;
	s1 =	sadd.s32 s1, s30  }
0xbc: {  	s0 =	sor.u32 s3, s0;
	s1 =	sshll.u32 s1, $0x11  }
0xbd: {  	s0 =	sor.u32 s1, s0  }
0xbe: {  	s0 =	sadd.s32 $0x8F2B, s0  }
0xbf: {  	[sflag:s0] =	ssyncadd.remote.s32 $0x1  }
0xc0: {  	_ =	sfence.sel $0xFFFF  }
0xc1: {  	[dreg:$0x0] =	wrdreg $0xFFFFFFFF;
	(pc) =	sbr.abs _section_cstart, $3  }
0xc2: {  	[dreg:$0x1] =	wrdreg $0xFFFFFFFF  }
0xc3: {  	_ =	task.clear_ibuf [dreg:s7], $0x2FFFF;
	_ =	strace $0x9FFFFFFF  }
0xc4: {  	(tm) =	ssettm $0x7FFFFFFF  }
0xc5: {  	_ =	shalt  }
tec
execute0_lowered:
.L_overlay_start_1:
0x0: {  	(tag) =	ssettag $0x1  }
0x1: {  	s1 =	srdreg.scid;
	s0 =	rddreg [dreg:$0x0];
	s21 =	simm.s32 $0x0  }
0x2: {  	s18 =	stileid.u32;
	s28 =	simm.s32 $0x5370;
	s29 =	simm.s32 $0x2B70  }
0x3: {  	s31 =	simm.s32 $0x6770;
	s1 =	sand.u32 $0x1, s1;
	[smem:$0x7FF] =	sst s21  }
0x4: {  	s5 =	sadd.s32 $0xA9A00, s0;
	s4 =	sshll.u32 s18, $0x1;
	s22 =	smul.u32 $0x2800, s18  }
0x5: {  	s9 =	sadd.s32 $0xA9A08, s0;
	s10 =	sor.u32 $0x10, s18;
	s8 =	smul.u32 $0x138800, s1  }
0x6: {  	s11 =	sor.u32 $0x20, s18;
	s12 =	sor.u32 $0x30, s18;
	s14 =	smul.u32 $0x2800, s10  }
0x7: {  	p1 =	sgt.u32 s18, $0xC;
	s2 =	ssub.s32 $0x2, s1;
	s23 =	smul.u32 $0x2800, s11  }
0x8: {  	s7 =	sor.u32 s1, s4;
	s4 =	sor.u32 $0x40, s18;
	s25 =	smul.u32 $0x2800, s12  }
0x9: {  	s1 =	sor.u32 $0x70, s18;
	s3 =	sshrl.u32 s2, $0x1;
	s26 =	smul.u32 $0x2800, s4  }
0xa: {  	s4 =	smul.u32 $0x1400, s4;
	p0 =	sgt.u32 s1, $0x7C;
	s6 =	ssub.s32 s2, s3  }
0xb: {  	s2 =	sor.u32 $0x50, s18;
	s13 =	sadd.s32 s8, s22;
	s14 =	sadd.s32 s8, s14  }
0xc: {  	s3 =	sor.u32 $0x60, s18;
	s13 =	sshrl.u32 s13, $0x3;
	s24 =	sshrl.u32 s14, $0x3  }
0xd: {  	s19 =	smul.u32 $0x2800, s2;
	s14 =	sadd.s32 s8, s25;
	s15 =	sadd.s32 s5, s13  }
0xe: {  	s20 =	smul.u32 $0x2800, s3;
	s13 =	sadd.s32 s13, s9;
	[dreg:$0x6] =	wrdreg s15  }
0xf: {  	s16 =	sadd.s32 s5, s24;
	s22 =	sshrl.u32 s14, $0x3;
	[dreg:$0x7] =	wrdreg s13  }
0x10: {  	[dreg:$0x8] =	wrdreg s16;
	s15 =	sadd.s32 s8, s23;
	s13 =	sadd.s32 s24, s9  }
0x11: {  	s24 =	sadd.s32 s5, s22;
	[dreg:$0x9] =	wrdreg s13;
	s15 =	sshrl.u32 s15, $0x3  }
0x12: {  	s16 =	sadd.s32 s8, s26;
	[dreg:$0xc] =	wrdreg s24;
	s17 =	sadd.s32 s5, s15  }
0x13: {  	s25 =	sshrl.u32 s16, $0x3;
	s13 =	sadd.s32 s15, s9;
	[dreg:$0xa] =	wrdreg s17  }
0x14: {  	s23 =	smul.u32 $0x2800, s1;
	s16 =	sadd.s32 s5, s25;
	[dreg:$0xb] =	wrdreg s13  }
0x15: {  	s1 =	smul.u32 $0x1400, s1;
	s14 =	sadd.s32 s25, s9;
	[dreg:$0xe] =	wrdreg s16  }
0x16: {  	s6 =	smax.u32 s6, $0x1;
	s24 =	smul.u32 $0x2710, s7;
	[dreg:$0xf] =	wrdreg s14  }
0x17: {  	s15 =	sadd.s32 s8, s19;
	s13 =	sadd.s32 s22, s9;
	s16 =	rddreg [dreg:$0x2]  }
0x18: {  	s17 =	sadd.s32 s8, s20;
	s26 =	sshrl.u32 s15, $0x3;
	[dreg:$0xd] =	wrdreg s13  }
0x19: {  	s19 =	sadd.s32 s5, s26;
	s20 =	sshrl.u32 s17, $0x3;
	s17 =	rddreg [dreg:$0x3]  }
0x1a: {  	s7 =	smul.u32 $0x1400, s10;
	s13 =	sadd.s32 s26, s9;
	[dreg:$0x10] =	wrdreg s19  }
0x1b: {  	s8 =	sadd.s32 s8, s23;
	[dreg:$0x11] =	wrdreg s13;
	s22 =	sadd.s32 s5, s20  }
0x1c: {  	s8 =	sshrl.u32 s8, $0x3;
	s13 =	sadd.s32 s20, s9;
	[dreg:$0x12] =	wrdreg s22  }
0x1d: {  	s10 =	smul.u32 $0x1400, s12;
	s5 =	sadd.s32 s5, s8;
	[dreg:$0x13] =	wrdreg s13  }
0x1e: {  	s25 =	sadd.s32 $0x2A800, s0;
	s23 =	sadd.s32 s8, s9;
	[dreg:$0x14] =	wrdreg s5  }
0x1f: {  	s26 =	smul.u32 $0x1400, s18;
	s12 =	sadd.s32 s10, s16;
	[dreg:$0x15] =	wrdreg s23  }
0x20: {  	s14 =	sadd.s32 s4, s16;
	_ =	strace $0x8000004A;
	[dreg:$0x16] =	wrdreg s24  }
0x21: {  	s18 =	simm.s32 $0xA;
	s8 =	smul.u32 $0x1400, s11;
	[dreg:$0x17] =	wrdreg s25  }
0x22: {  	s9 =	sadd.s32 s7, s16;
	s5 =	sadd.s32 s26, s17;
	[dreg:$0x18] =	wrdreg s6  }
0x23: {  	s15 =	sadd.s32 s4, s17;
	s19 =	smul.u32 $0x1400, s3;
	[dreg:$0x1a] =	wrdreg s5  }
0x24: {  	s3 =	simm.s32 $0x7B70;
	s4 =	simm.s32 $0x1;
	[dreg:$0x1b] =	wrdreg s9  }
0x25: {  	s23 =	sadd.s32 $0x82800, s0;
	s30 =	sadd.s32 s26, s16;
	[dreg:$0x1f] =	wrdreg s12  }
0x26: {  	s13 =	smul.u32 $0x1400, s2;
	s26 =	sadd.s32 s1, s16;
	[smem:$0x7F6] =	sst s14  }
0x27: {  	s25 =	sadd.s32 $0x20A00, s0;
	s0 =	sadd.s32 s7, s17;
	[smem:$0x7F7] =	sst s15  }
0x28: {  	s11 =	sadd.s32 s8, s16;
	s5 =	sadd.s32 s8, s17;
	[smem:$0x7FC] =	sst s26  }
0x29: {  	s22 =	sadd.s32 s19, s16;
	s24 =	sadd.s32 s19, s17;
	[dreg:$0x19] =	wrdreg s30  }
0x2a: {  	s14 =	simm.s32 $0x7;
	s19 =	simm.s32 $0xD;
	[dreg:$0x1c] =	wrdreg s0  }
0x2b: {  	s26 =	simm.s32 $0x50;
	s7 =	simm.s32 $0x8;
	[dreg:$0x1d] =	wrdreg s11  }
0x2c: {  	s8 =	simm.s32 $0x2;
	s9 =	simm.s32 $0x5;
	[dreg:$0x1e] =	wrdreg s5  }
0x2d: {  	s0 =	sadd.s32 s10, s17;
	s20 =	sadd.s32 s13, s16;
	[smem:$0x7FA] =	sst s22  }
.Ltmp0:
0x2e: {  	[smem:$0x7FB] =	sst s24;
	s24 =	sadd.s32 s1, s17;
	(pc) =	sbr.rel .LBB2_1-.Ltmp0, $4  }
0x2f: {  	s5 =	simm.s32 $0x4;
	s10 =	simm.s32 $0x3;
	[smem:$0x7F5] =	sst s0  }
0x30: {  	s11 =	simm.s32 $0x6;
	s1 =	simm.s32 $0xB;
	[smem:$0x7F8] =	sst s20  }
0x31: {  	s0 =	sadd.s32 s13, s17;
	s13 =	simm.s32 $0x1770;
	[smem:$0x7FD] =	sst s24  }
0x32: {  	v0 =	vimm.f32 $0.0e+00;
	s20 =	simm.s32 $0x7D0;
	[smem:$0x7F9] =	sst s0;
	s0 =	simm.s32 $0x3F70  }
.LBB2_8:
0x33: {  	s2 =	stileid.u32;
	[bflag:$0x0] =	sbarrier.arrive $0xFFFF  }
0x34: {  	s21 =	simm.s32 $0x10;
	s2 =	sshll.u32 s2, $0x6;
	s30 =	rddreg [dreg:$0x19]  }
0x35: {  	s15 =	rddreg [dreg:$0x6];
	s6 =	sor.u32 $0x1C07, s2;
	s12 =	sshrl.u32 s30, $0x3  }
0x36: {  	[hbm:s15@s21], [sflag:s6] =	dma.strided [spmem:s12@s7], $0x280, s4, $0x8   }
0x37: {  	s12 =	rddreg [dreg:$0x1a]  }
0x38: {  	s2 =	sor.u32 $0x1C0A, s2;
	s15 =	rddreg [dreg:$0x7];
	s12 =	sshrl.u32 s12, $0x3  }
0x39: {  	[hbm:s15@s21], [sflag:s2] =	dma.strided [spmem:s12@s7], $0x280, s4, $0x8   }
0x3a: {  	s12 =	rddreg [dreg:$0x1b]  }
0x3b: {  	s15 =	rddreg [dreg:$0x8];
	s12 =	sshrl.u32 s12, $0x3  }
0x3c: {  	[hbm:s15@s21], [sflag:s6] =	dma.strided [spmem:s12@s7], $0x280, s4, $0x8   }
0x3d: {  	s12 =	rddreg [dreg:$0x1c]  }
0x3e: {  	s15 =	rddreg [dreg:$0x9];
	s12 =	sshrl.u32 s12, $0x3  }
0x3f: {  	[hbm:s15@s21], [sflag:s2] =	dma.strided [spmem:s12@s7], $0x280, s4, $0x8   }
0x40: {  	s12 =	rddreg [dreg:$0x1d]  }
0x41: {  	s15 =	rddreg [dreg:$0xa];
	s12 =	sshrl.u32 s12, $0x3  }
0x42: {  	[hbm:s15@s21], [sflag:s6] =	dma.strided [spmem:s12@s7], $0x280, s4, $0x8   }
0x43: {  	s12 =	rddreg [dreg:$0x1e]  }
0x44: {  	s15 =	rddreg [dreg:$0xb];
	s12 =	sshrl.u32 s12, $0x3  }
0x45: {  	[hbm:s15@s21], [sflag:s2] =	dma.strided [spmem:s12@s7], $0x280, s4, $0x8   }
0x46: {  	s12 =	rddreg [dreg:$0x1f]  }
0x47: {  	s15 =	rddreg [dreg:$0xc];
	s12 =	sshrl.u32 s12, $0x3  }
0x48: {  	[hbm:s15@s21], [sflag:s6] =	dma.strided [spmem:s12@s7], $0x280, s4, $0x8   }
0x49: {  	s12 =	sld [smem:$0x7F5];
	_ =	sdelay $0x2  }
0x4a: {  	s15 =	rddreg [dreg:$0xd];
	s12 =	sshrl.u32 s12, $0x3  }
0x4b: {  	[hbm:s15@s21], [sflag:s2] =	dma.strided [spmem:s12@s7], $0x280, s4, $0x8   }
0x4c: {  	s12 =	sld [smem:$0x7F6];
	_ =	sdelay $0x2  }
0x4d: {  	s15 =	rddreg [dreg:$0xe];
	s12 =	sshrl.u32 s12, $0x3  }
0x4e: {  	[hbm:s15@s21], [sflag:s6] =	dma.strided [spmem:s12@s7], $0x280, s4, $0x8   }
0x4f: {  	s12 =	sld [smem:$0x7F7];
	_ =	sdelay $0x2  }
0x50: {  	s15 =	rddreg [dreg:$0xf];
	s12 =	sshrl.u32 s12, $0x3  }
0x51: {  	[hbm:s15@s21], [sflag:s2] =	dma.strided [spmem:s12@s7], $0x280, s4, $0x8   }
0x52: {  	s12 =	sld [smem:$0x7F8];
	_ =	sdelay $0x2  }
0x53: {  	s15 =	rddreg [dreg:$0x10];
	s12 =	sshrl.u32 s12, $0x3  }
0x54: {  	[hbm:s15@s21], [sflag:s6] =	dma.strided [spmem:s12@s7], $0x280, s4, $0x8   }
0x55: {  	s12 =	sld [smem:$0x7F9];
	_ =	sdelay $0x2  }
0x56: {  	s15 =	rddreg [dreg:$0x11];
	s12 =	sshrl.u32 s12, $0x3  }
0x57: {  	[hbm:s15@s21], [sflag:s2] =	dma.strided [spmem:s12@s7], $0x280, s4, $0x8   }
0x58: {  	s12 =	sld [smem:$0x7FA];
	_ =	sdelay $0x2  }
0x59: {  	s15 =	rddreg [dreg:$0x12];
	s12 =	sshrl.u32 s12, $0x3  }
0x5a: {  	[hbm:s15@s21], [sflag:s6] =	dma.strided [spmem:s12@s7], $0x280, s4, $0x8   }
0x5b: {  	s12 =	sld [smem:$0x7FB];
	_ =	sdelay $0x2  }
0x5c: {  	s15 =	rddreg [dreg:$0x13];
	s12 =	sshrl.u32 s12, $0x3  }
0x5d: {  	[hbm:s15@s21], [sflag:s2] =	dma.strided [spmem:s12@s7], $0x280, s4, $0x8   }
0x5e: {  	s12 =	sld [smem:$0x7FC];
	_ =	sdelay $0x1  }
0x5f: {  	s22 =	simm.s32 @!p0 $0x8;
	s15 =	simm.s32 @!p0 $0x1  }
0x60: {  	s21 =	simm.s32 @!p0 $0x10;
	s24 =	rddreg [dreg:$0x14];
	s12 =	sshrl.u32 @!p0 s12, $0x3  }
0x61: {  	[hbm:s24@s21], [sflag:s6] =	dma.strided @!p0 [spmem:s12@s22], $0x280, s15, $0x8   }
0x62: {  	s24 =	sld [smem:$0x7FD];
	_ =	sdelay $0x2  }
0x63: {  	s12 =	rddreg [dreg:$0x15];
	s6 =	sshrl.u32 @!p0 s24, $0x3  }
0x64: {  	[hbm:s12@s21], [sflag:s2] =	dma.strided @!p0 [spmem:s6@s22], $0x280, s15, $0x8   }
0x65: {  	_ =	swait.ge [sflag:s14], $0x280  }
0x66: {  	[sflag:s14] =	ssyncset.done $0x0  }
0x67: {  	[sflag:s14] =	ssyncadd.s32 $0xFFFFFD80  }
0x68: {  	_ =	swait.ge [sflag:s18], $0x280  }
0x69: {  	[sflag:s18] =	ssyncset.done $0x0  }
0x6a: {  	[sflag:s18] =	ssyncadd.s32 $0xFFFFFD80  }
0x6b: {  	_ =	swait.ge [sflag:s14], $0x280  }
0x6c: {  	[sflag:s14] =	ssyncset.done $0x0  }
0x6d: {  	[sflag:s14] =	ssyncadd.s32 $0xFFFFFD80  }
0x6e: {  	_ =	swait.ge [sflag:s18], $0x280  }
0x6f: {  	[sflag:s18] =	ssyncset.done $0x0  }
0x70: {  	[sflag:s18] =	ssyncadd.s32 $0xFFFFFD80  }
0x71: {  	_ =	swait.ge [sflag:s14], $0x280  }
0x72: {  	[sflag:s14] =	ssyncset.done $0x0  }
0x73: {  	[sflag:s14] =	ssyncadd.s32 $0xFFFFFD80  }
0x74: {  	_ =	swait.ge [sflag:s18], $0x280  }
0x75: {  	[sflag:s18] =	ssyncset.done $0x0  }
0x76: {  	[sflag:s18] =	ssyncadd.s32 $0xFFFFFD80  }
0x77: {  	_ =	swait.ge [sflag:s14], $0x280  }
0x78: {  	[sflag:s14] =	ssyncset.done $0x0  }
0x79: {  	[sflag:s14] =	ssyncadd.s32 $0xFFFFFD80  }
0x7a: {  	_ =	swait.ge [sflag:s18], $0x280  }
0x7b: {  	[sflag:s18] =	ssyncset.done $0x0  }
0x7c: {  	[sflag:s18] =	ssyncadd.s32 $0xFFFFFD80  }
0x7d: {  	_ =	swait.ge [sflag:s14], $0x280  }
0x7e: {  	[sflag:s14] =	ssyncset.done $0x0  }
0x7f: {  	[sflag:s14] =	ssyncadd.s32 $0xFFFFFD80  }
0x80: {  	_ =	swait.ge [sflag:s18], $0x280  }
0x81: {  	[sflag:s18] =	ssyncset.done $0x0  }
0x82: {  	[sflag:s18] =	ssyncadd.s32 $0xFFFFFD80  }
0x83: {  	_ =	swait.ge [sflag:s14], $0x280  }
0x84: {  	[sflag:s14] =	ssyncset.done $0x0  }
0x85: {  	[sflag:s14] =	ssyncadd.s32 $0xFFFFFD80  }
0x86: {  	_ =	swait.ge [sflag:s18], $0x280  }
0x87: {  	[sflag:s18] =	ssyncset.done $0x0  }
0x88: {  	[sflag:s18] =	ssyncadd.s32 $0xFFFFFD80  }
0x89: {  	_ =	swait.ge [sflag:s14], $0x280  }
0x8a: {  	[sflag:s14] =	ssyncset.done $0x0  }
0x8b: {  	[sflag:s14] =	ssyncadd.s32 $0xFFFFFD80  }
0x8c: {  	_ =	swait.ge [sflag:s18], $0x280  }
0x8d: {  	[sflag:s18] =	ssyncset.done $0x0  }
0x8e: {  	s2 =	simm.s32 @!p1 $0x7;
	[sflag:s18] =	ssyncadd.s32 $0xFFFFFD80  }
0x8f: {  	_ =	swait.ge @!p1 [sflag:s2], $0x280  }
0x90: {  	[sflag:s2] =	ssyncset.done @!p1 $0x0  }
0x91: {  	[sflag:s2] =	ssyncadd.s32 @!p1 $0xFFFFFD80;
	s2 =	simm.s32 @!p1 $0xA  }
0x92: {  	_ =	swait.ge @!p1 [sflag:s2], $0x280  }
0x93: {  	s15 =	rddreg [dreg:$0x5]  }
0x94: {  	s22 =	rddreg [dreg:$0x18];
	s21 =	sadd.s32 $0x1, s15  }
0x95: {  	p2 =	sne.s32 s21, s22  }
.Ltmp1:
0x96: {  	_ = 	snop;
	(pc) =	sbr.rel @!p2 .LBB2_9-.Ltmp1, $3  }
0x97: {  	_ =	sdelay $0x1  }
0x98: {  	[sflag:s2] =	ssyncset.done @!p1 $0x0  }
0x99: {  	[sflag:s2] =	ssyncadd.s32 @!p1 $0xFFFFFD80  }
.LBB2_1:
0x9a: {  	s12 =	simm.s32 $0x100;
	s6 =	simm.s32 $0x0  }
.LBB2_2:
0x9b: {  	p2 =	sne.s32 s12, $0x4F00;
	[tilespmem:s6+$0x17A0] =	vst v0;
	s15 =	smov.u32 s12;
	s12 =	sadd.s32 $0x100, s12  }
.Ltmp2:
0x9c: {  	[tilespmem:s6+$0x1790] =	vst v0;
	(pc) =	sbr.rel @p2 .LBB2_2-.Ltmp2, $3  }
0x9d: {  	[tilespmem:s6+$0x1770] =	vst v0  }
0x9e: {  	[tilespmem:s6+$0x1780] =	vst v0;
	_ =	sdelay $0x1  }
0x9f: {  	s6 =	sshra.s32 s15, $0x2  }
0xa0: {  	[tilespmem:s6+$0x17A0] =	vst v0  }
0xa1: {  	[tilespmem:s6+$0x1790] =	vst v0  }
0xa2: {  	[dreg:$0x5] =	wrdreg s21;
	[tilespmem:s6+$0x1770] =	vst v0  }
0xa3: {  	[tilespmem:s6+$0x1780] =	vst v0;
	s2 =	rddreg [dreg:$0x1a]  }
0xa4: {  	[spmem:s30] =	stream.linear.scatter [tilespmem:s13], [sflag:$0x7], $0x1400, $0x38;
	[tilespmem:$0x1C7F0] =	vst v63  }
0xa5: {  	s6 =	rddreg [dreg:$0x1b]  }
0xa6: {  	[spmem:s2] =	stream.linear.scatter [tilespmem:s13], [sflag:$0xA], $0x1400, $0x38;
	[tilespmem:$0x1C7F0] =	vst v63  }
0xa7: {  	s12 =	rddreg [dreg:$0x1c]  }
0xa8: {  	[spmem:s6] =	stream.linear.scatter [tilespmem:s13], [sflag:$0x7], $0x1400, $0x38;
	[tilespmem:$0x1C7F0] =	vst v63  }
0xa9: {  	s15 =	rddreg [dreg:$0x1d]  }
0xaa: {  	[spmem:s12] =	stream.linear.scatter [tilespmem:s13], [sflag:$0xA], $0x1400, $0x38;
	[tilespmem:$0x1C7F0] =	vst v63  }
0xab: {  	s21 =	rddreg [dreg:$0x1e]  }
0xac: {  	[spmem:s15] =	stream.linear.scatter [tilespmem:s13], [sflag:$0x7], $0x1400, $0x38;
	[tilespmem:$0x1C7F0] =	vst v63  }
0xad: {  	s22 =	rddreg [dreg:$0x1f]  }
0xae: {  	[spmem:s21] =	stream.linear.scatter [tilespmem:s13], [sflag:$0xA], $0x1400, $0x38;
	[tilespmem:$0x1C7F0] =	vst v63  }
0xaf: {  	s30 =	sld [smem:$0x7F5]  }
0xb0: {  	[spmem:s22] =	stream.linear.scatter [tilespmem:s13], [sflag:$0x7], $0x1400, $0x38;
	[tilespmem:$0x1C7F0] =	vst v63  }
0xb1: {  	s6 =	sld [smem:$0x7F6]  }
0xb2: {  	[spmem:s30] =	stream.linear.scatter [tilespmem:s13], [sflag:$0xA], $0x1400, $0x38;
	[tilespmem:$0x1C7F0] =	vst v63  }
0xb3: {  	s12 =	sld [smem:$0x7F7]  }
0xb4: {  	[spmem:s6] =	stream.linear.scatter [tilespmem:s13], [sflag:$0x7], $0x1400, $0x38;
	[tilespmem:$0x1C7F0] =	vst v63  }
0xb5: {  	s15 =	sld [smem:$0x7F8]  }
0xb6: {  	[spmem:s12] =	stream.linear.scatter [tilespmem:s13], [sflag:$0xA], $0x1400, $0x38;
	[tilespmem:$0x1C7F0] =	vst v63  }
0xb7: {  	s21 =	sld [smem:$0x7F9]  }
0xb8: {  	[spmem:s15] =	stream.linear.scatter [tilespmem:s13], [sflag:$0x7], $0x1400, $0x38;
	[tilespmem:$0x1C7F0] =	vst v63  }
0xb9: {  	s22 =	sld [smem:$0x7FA]  }
0xba: {  	[spmem:s21] =	stream.linear.scatter [tilespmem:s13], [sflag:$0xA], $0x1400, $0x38;
	[tilespmem:$0x1C7F0] =	vst v63  }
0xbb: {  	s30 =	sld [smem:$0x7FB]  }
0xbc: {  	[spmem:s22] =	stream.linear.scatter [tilespmem:s13], [sflag:$0x7], $0x1400, $0x38;
	[tilespmem:$0x1C7F0] =	vst v63  }
0xbd: {  	s2 =	sld [smem:$0x7FC]  }
0xbe: {  	[spmem:s30] =	stream.linear.scatter [tilespmem:s13], [sflag:$0xA], $0x1400, $0x38;
	[tilespmem:$0x1C7F0] =	vst v63  }
0xbf: {  	s6 =	simm.s32 @!p0 $0x1770  }
0xc0: {  	[spmem:s2] =	stream.linear.scatter @!p0 [tilespmem:s6], [sflag:$0x7], $0x1400, $0x38;
	[tilespmem:$0x1C7F0] =	vst v63  }
0xc1: {  	_ = 	snop  }
0xc2: {  	[spmem:s24] =	stream.linear.scatter @!p0 [tilespmem:s6], [sflag:$0xA], $0x1400, $0x38;
	[tilespmem:$0x1C7F0] =	vst v63  }
0xc3: {  	_ =	swait.ge [sflag:s14], $0x1400  }
0xc4: {  	[sflag:s14] =	ssyncset.done $0x0  }
0xc5: {  	[sflag:s14] =	ssyncadd.s32 $0xFFFFEC00  }
0xc6: {  	_ =	swait.ge [sflag:s18], $0x1400  }
0xc7: {  	[sflag:s18] =	ssyncset.done $0x0  }
0xc8: {  	[sflag:s18] =	ssyncadd.s32 $0xFFFFEC00  }
0xc9: {  	_ =	swait.ge [sflag:s14], $0x1400  }
0xca: {  	[sflag:s14] =	ssyncset.done $0x0  }
0xcb: {  	[sflag:s14] =	ssyncadd.s32 $0xFFFFEC00  }
0xcc: {  	_ =	swait.ge [sflag:s18], $0x1400  }
0xcd: {  	[sflag:s18] =	ssyncset.done $0x0  }
0xce: {  	[sflag:s18] =	ssyncadd.s32 $0xFFFFEC00  }
0xcf: {  	_ =	swait.ge [sflag:s14], $0x1400  }
0xd0: {  	[sflag:s14] =	ssyncset.done $0x0  }
0xd1: {  	[sflag:s14] =	ssyncadd.s32 $0xFFFFEC00  }
0xd2: {  	_ =	swait.ge [sflag:s18], $0x1400  }
0xd3: {  	[sflag:s18] =	ssyncset.done $0x0  }
0xd4: {  	[sflag:s18] =	ssyncadd.s32 $0xFFFFEC00  }
0xd5: {  	_ =	swait.ge [sflag:s14], $0x1400  }
0xd6: {  	[sflag:s14] =	ssyncset.done $0x0  }
0xd7: {  	[sflag:s14] =	ssyncadd.s32 $0xFFFFEC00  }
0xd8: {  	_ =	swait.ge [sflag:s18], $0x1400  }
0xd9: {  	[sflag:s18] =	ssyncset.done $0x0  }
0xda: {  	[sflag:s18] =	ssyncadd.s32 $0xFFFFEC00  }
0xdb: {  	_ =	swait.ge [sflag:s14], $0x1400  }
0xdc: {  	[sflag:s14] =	ssyncset.done $0x0  }
0xdd: {  	[sflag:s14] =	ssyncadd.s32 $0xFFFFEC00  }
0xde: {  	_ =	swait.ge [sflag:s18], $0x1400  }
0xdf: {  	[sflag:s18] =	ssyncset.done $0x0  }
0xe0: {  	[sflag:s18] =	ssyncadd.s32 $0xFFFFEC00  }
0xe1: {  	_ =	swait.ge [sflag:s14], $0x1400  }
0xe2: {  	[sflag:s14] =	ssyncset.done $0x0  }
0xe3: {  	[sflag:s14] =	ssyncadd.s32 $0xFFFFEC00  }
0xe4: {  	_ =	swait.ge [sflag:s18], $0x1400  }
0xe5: {  	[sflag:s18] =	ssyncset.done $0x0  }
0xe6: {  	[sflag:s18] =	ssyncadd.s32 $0xFFFFEC00  }
0xe7: {  	_ =	swait.ge [sflag:s14], $0x1400  }
0xe8: {  	[sflag:s14] =	ssyncset.done $0x0  }
0xe9: {  	[sflag:s14] =	ssyncadd.s32 $0xFFFFEC00  }
0xea: {  	_ =	swait.ge [sflag:s18], $0x1400  }
0xeb: {  	[sflag:s18] =	ssyncset.done $0x0  }
0xec: {  	s6 =	simm.s32 @!p1 $0x7;
	[sflag:s18] =	ssyncadd.s32 $0xFFFFEC00  }
0xed: {  	_ =	swait.ge @!p1 [sflag:s6], $0x1400  }
0xee: {  	[sflag:s6] =	ssyncset.done @!p1 $0x0  }
0xef: {  	[sflag:s6] =	ssyncadd.s32 @!p1 $0xFFFFEC00;
	s6 =	simm.s32 @!p1 $0xA  }
.Ltmp3:
0xf0: {  	_ =	swait.ge @!p1 [sflag:s6], $0x1400;
	(pc) =	sbr.rel .LBB2_4-.Ltmp3, $4  }
0xf1: {  	[sflag:s6] =	ssyncset.done @!p1 $0x0  }
0xf2: {  	[sflag:s6] =	ssyncadd.s32 @!p1 $0xFFFFEC00  }
0xf3: {  	[bflag:$0x0] =	sbarrier.arrive $0xFFFF  }
0xf4: {  	s12 =	simm.s32 $0x0;
	s6 =	simm.s32 $0x0  }
.LBB2_10:
0xf5: {  	_ =	swait.ge [sflag:s14], $0x1400  }
0xf6: {  	[sflag:s14] =	ssyncset.done $0x0  }
0xf7: {  	[sflag:s14] =	ssyncadd.s32 $0xFFFFEC00  }
0xf8: {  	_ =	swait.ge [sflag:s18], $0x1400  }
0xf9: {  	[sflag:s18] =	ssyncset.done $0x0  }
0xfa: {  	[sflag:s18] =	ssyncadd.s32 $0xFFFFEC00  }
.LBB2_7:
0xfb: {  	s12 =	sadd.s32 $0x1, s12  }
0xfc: {  	p2 =	sne.s32 s12, $0x5  }
.Ltmp4:
0xfd: {  	_ = 	snop;
	(pc) =	sbr.rel @!p2 .LBB2_8-.Ltmp4, $1  }
0xfe: {  	_ =	sdelay $0x3  }
.LBB2_4:
0xff: {  	s15 =	smul.u32 $0x7D0, s12  }
0x100: {  	s2 =	rddreg [dreg:$0x16]  }
0x101: {  	s15 =	sadd.s32 s2, s15  }
0x102: {  	s24 =	rddreg [dreg:$0x17];
	s15 =	sshrl.u32 s15, $0x3  }
0x103: {  	s21 =	sadd.s32 s24, s15  }
0x104: {  	[tilespmem:s6], [sflag:$0xD] =	stream.linear.gather [hbm4b:s21+s6], $0x7D0, $0x38;
	[tilespmem:$0x1C7F0] =	vst v63  }
0x105: {  	_ =	swait.ge [sflag:s19], $0x7D0  }
0x106: {  	[sflag:s19] =	ssyncset.done $0x0  }
0x107: {  	s2 =	sadd.s32 s25, s15;
	[sflag:s19] =	ssyncadd.s32 $0xFFFFF830  }
0x108: {  	[tilespmem:s20], [sflag:$0xD] =	stream.linear.gather [hbm4b:s2+s6], $0x7D0, $0x38;
	[tilespmem:$0x1C7F0] =	vst v63  }
0x109: {  	_ =	swait.ge [sflag:s19], $0x7D0  }
0x10a: {  	[sflag:s19] =	ssyncset.done $0x0  }
0x10b: {  	[sflag:s19] =	ssyncadd.s32 $0xFFFFF830  }
0x10c: {  	s22 =	rddreg [dreg:$0x1]  }
0x10d: {  	s24 =	simm.s32 $0xFA0;
	s15 =	sadd.s32 s22, s15  }
0x10e: {  	[tilespmem:s24], [sflag:$0xD] =	stream.linear.gather [hbm4b:s15+s6], $0x7D0, $0x38;
	[tilespmem:$0x1C7F0] =	vst v63  }
0x10f: {  	_ =	swait.ge [sflag:s19], $0x7D0  }
0x110: {  	[sflag:s19] =	ssyncset.done $0x0  }
0x111: {  	[sflag:s19] =	ssyncadd.s32 $0xFFFFF830  }
0x112: {  	[tilespmem:s13], [sflag:$0x1] =	stream.indirect.gather [hbm4b:s23+s26], $0x40, s6, s26, $0xb8;
	[tilespmem:$0x1C7F0] =	vst v63  }
0x113: {  	_ = 	snop  }
0x114: {  	[tilespmem:s28], [sflag:$0x4] =	stream.indirect.gather [hbm4b:s23+s26], $0x40, s20, s26, $0xb8;
	[tilespmem:$0x1C7F0] =	vst v63  }
0x115: {  	_ = 	snop  }
0x116: {  	[tilespmem:s29], [sflag:$0x2] =	stream.indirect.gather [hbm4b:s23+s26], $0x40, s26, s26, $0xb8;
	[tilespmem:$0x1C7F0] =	vst v63  }
0x117: {  	s21 =	simm.s32 $0x820  }
0x118: {  	[tilespmem:s31], [sflag:$0x5] =	stream.indirect.gather [hbm4b:s23+s26], $0x40, s21, s26, $0xb8;
	[tilespmem:$0x1C7F0] =	vst v63  }
0x119: {  	s22 =	simm.s32 $0xA0  }
0x11a: {  	[tilespmem:s0], [sflag:$0x3] =	stream.indirect.gather [hbm4b:s23+s26], $0x40, s22, s26, $0xb8;
	[tilespmem:$0x1C7F0] =	vst v63  }
0x11b: {  	s30 =	simm.s32 $0x0;
	s24 =	simm.s32 $0x870;
	s21 =	simm.s32 $0x0  }
0x11c: {  	[tilespmem:s3], [sflag:$0x6] =	stream.indirect.gather [hbm4b:s23+s26], $0x40, s24, s26, $0xb8;
	[tilespmem:$0x1C7F0] =	vst v63  }
.LBB2_5:
0x11d: {  	_ =	swait.ge [sflag:s4], $0x1400  }
0x11e: {  	s15 =	sshra.s32 s21, $0x2;
	[sflag:s4] =	ssyncset.done $0x0  }
0x11f: {  	p2 =	seq.s32 s21, $0x1E00;
	s2 =	sadd.s32 $0xFA0, s15;
	[sflag:s4] =	ssyncadd.s32 $0xFFFFEC00  }
0x120: {  	[spmem:s16] =	stream.indirect.scatter.add.f32 [tilespmem:s13], [sflag:$0x7], $0x40, s2, s26, $0xb8;
	[tilespmem:$0x1C7F0] =	vst v63  }
.Ltmp5:
0x121: {  	_ = 	snop;
	(pc) =	sbr.rel @p2 .LBB2_10-.Ltmp5, $4  }
0x122: {  	_ =	swait.ge [sflag:s5], $0x1400  }
0x123: {  	[sflag:s5] =	ssyncset.done $0x0  }
0x124: {  	[sflag:s5] =	ssyncadd.s32 $0xFFFFEC00  }
0x125: {  	[spmem:s17] =	stream.indirect.scatter.add.f32 [tilespmem:s28], [sflag:$0xA], $0x40, s2, s26, $0xb8;
	[tilespmem:$0x1C7F0] =	vst v63  }
0x126: {  	_ =	swait.ge [sflag:s8], $0x1400  }
0x127: {  	[sflag:s8] =	ssyncset.done $0x0  }
0x128: {  	s2 =	sadd.s32 $0xFF0, s15;
	[sflag:s8] =	ssyncadd.s32 $0xFFFFEC00  }
0x129: {  	[spmem:s16] =	stream.indirect.scatter.add.f32 [tilespmem:s29], [sflag:$0x8], $0x40, s2, s26, $0xb8;
	[tilespmem:$0x1C7F0] =	vst v63  }
0x12a: {  	_ =	swait.ge [sflag:s9], $0x1400  }
0x12b: {  	[sflag:s9] =	ssyncset.done $0x0  }
0x12c: {  	[sflag:s9] =	ssyncadd.s32 $0xFFFFEC00  }
0x12d: {  	[spmem:s17] =	stream.indirect.scatter.add.f32 [tilespmem:s31], [sflag:$0xB], $0x40, s2, s26, $0xb8;
	[tilespmem:$0x1C7F0] =	vst v63  }
0x12e: {  	_ =	swait.ge [sflag:s14], $0x1400  }
0x12f: {  	[sflag:s14] =	ssyncset.done $0x0  }
0x130: {  	[sflag:s14] =	ssyncadd.s32 $0xFFFFEC00  }
0x131: {  	_ =	swait.ge [sflag:s18], $0x1400  }
0x132: {  	[sflag:s18] =	ssyncset.done $0x0  }
0x133: {  	s24 =	sadd.s32 $0xF0, s15;
	[sflag:s18] =	ssyncadd.s32 $0xFFFFEC00  }
0x134: {  	[tilespmem:s13], [sflag:$0x1] =	stream.indirect.gather [hbm4b:s23+s26], $0x40, s24, s26, $0xb8;
	[tilespmem:$0x1C7F0] =	vst v63  }
0x135: {  	s22 =	sadd.s32 $0x8C0, s15  }
0x136: {  	[tilespmem:s28], [sflag:$0x4] =	stream.indirect.gather [hbm4b:s23+s26], $0x40, s22, s26, $0xb8;
	[tilespmem:$0x1C7F0] =	vst v63  }
0x137: {  	_ =	swait.ge [sflag:s10], $0x1400  }
0x138: {  	[sflag:s10] =	ssyncset.done $0x0  }
0x139: {  	s24 =	sadd.s32 $0x1040, s15;
	[sflag:s10] =	ssyncadd.s32 $0xFFFFEC00  }
0x13a: {  	[spmem:s16] =	stream.indirect.scatter.add.f32 [tilespmem:s0], [sflag:$0x9], $0x40, s24, s26, $0xb8;
	[tilespmem:$0x1C7F0] =	vst v63  }
0x13b: {  	_ =	swait.ge [sflag:s11], $0x1400  }
0x13c: {  	[sflag:s11] =	ssyncset.done $0x0  }
0x13d: {  	[sflag:s11] =	ssyncadd.s32 $0xFFFFEC00  }
0x13e: {  	[spmem:s17] =	stream.indirect.scatter.add.f32 [tilespmem:s3], [sflag:$0xC], $0x40, s24, s26, $0xb8;
	[tilespmem:$0x1C7F0] =	vst v63  }
0x13f: {  	_ =	swait.ge [sflag:s7], $0x1400  }
0x140: {  	[sflag:s7] =	ssyncset.done $0x0  }
0x141: {  	[sflag:s7] =	ssyncadd.s32 $0xFFFFEC00  }
0x142: {  	_ =	swait.ge [sflag:s1], $0x1400  }
0x143: {  	p2 =	sgt.u32 s30, $0x6;
	[sflag:s1] =	ssyncset.done $0x0  }
0x144: {  	s2 =	simm.s32 @p2 $0x9;
	[sflag:s1] =	ssyncadd.s32 $0xFFFFEC00  }
0x145: {  	_ =	swait.ge @p2 [sflag:s2], $0x1400  }
0x146: {  	[sflag:s2] =	ssyncset.done @p2 $0x0  }
0x147: {  	[sflag:s2] =	ssyncadd.s32 @p2 $0xFFFFEC00;
	s2 =	simm.s32 @p2 $0xC  }
0x148: {  	_ =	swait.ge @p2 [sflag:s2], $0x1400  }
0x149: {  	[sflag:s2] =	ssyncset.done @p2 $0x0  }
0x14a: {  	[sflag:s2] =	ssyncadd.s32 @p2 $0xFFFFEC00;
	s2 =	sshra.s32 @!p2 s21, $0x2  }
0x14b: {  	s22 =	simm.s32 @!p2 $0x50;
	s24 =	simm.s32 @!p2 $0x2B70;
	s15 =	sadd.s32 @!p2 $0x140, s2  }
0x14c: {  	[tilespmem:s24], [sflag:$0x2] =	stream.indirect.gather @!p2 [hbm4b:s23+s22], $0x40, s15, s22, $0xb8;
	[tilespmem:$0x1C7F0] =	vst v63  }
0x14d: {  	s15 =	sadd.s32 @!p2 $0x910, s2;
	s24 =	simm.s32 @!p2 $0x6770  }
0x14e: {  	[tilespmem:s24], [sflag:$0x5] =	stream.indirect.gather @!p2 [hbm4b:s23+s22], $0x40, s15, s22, $0xb8;
	[tilespmem:$0x1C7F0] =	vst v63  }
0x14f: {  	s15 =	simm.s32 @!p2 $0x9  }
0x150: {  	_ =	swait.ge @!p2 [sflag:s15], $0x1400  }
0x151: {  	[sflag:s15] =	ssyncset.done @!p2 $0x0  }
0x152: {  	[sflag:s15] =	ssyncadd.s32 @!p2 $0xFFFFEC00;
	s15 =	simm.s32 @!p2 $0xC  }
0x153: {  	_ =	swait.ge @!p2 [sflag:s15], $0x1400  }
0x154: {  	[sflag:s15] =	ssyncset.done @!p2 $0x0  }
0x155: {  	s24 =	simm.s32 @!p2 $0x3F70;
	[sflag:s15] =	ssyncadd.s32 @!p2 $0xFFFFEC00;
	s15 =	sadd.s32 @!p2 $0x190, s2  }
0x156: {  	[tilespmem:s24], [sflag:$0x3] =	stream.indirect.gather @!p2 [hbm4b:s23+s22], $0x40, s15, s22, $0xb8;
	[tilespmem:$0x1C7F0] =	vst v63  }
0x157: {  	s21 =	sadd.s32 $0x3C0, s21;
	s2 =	sadd.s32 @!p2 $0x960, s2;
	s15 =	simm.s32 @!p2 $0x7B70  }
0x158: {  	[tilespmem:s15], [sflag:$0x6] =	stream.indirect.gather @!p2 [hbm4b:s23+s22], $0x40, s2, s22, $0xb8;
	[tilespmem:$0x1C7F0] =	vst v63  }
0x159: {  	p2 =	sne.s32 s21, $0x21C0  }
.Ltmp6:
0x15a: {  	_ = 	snop;
	(pc) =	sbr.rel @p2 .LBB2_5-.Ltmp6, $4  }
.Ltmp7:
0x15b: {  	_ = 	snop;
	(pc) =	sbr.rel @!p2 .LBB2_7-.Ltmp7, $4  }
0x15c: {  	_ = 	snop  }
0x15d: {  	_ = 	snop  }
0x15e: {  	s30 =	sadd.s32 $0x1, s30  }
0x15f: {  	_ = 	snop  }
.LBB2_9:
0x160: {  	_ =	sfence.sel $0x180000  }
0x161: {  	[bflag:$0x0] =	sbarrier.arrive $0xFFFF  }
0x162: {  	_ =	strace $0x9000004A  }
0x163: {  	s0 =	stileid.u32;
	[bflag:$0x2] =	sbarrier.arrive $0xFFFF  }
0x164: {  	p0 =	sne.s32 s0, $0x0;
	s0 =	rddreg [dreg:$0x4]  }
0x165: {  	s0 =	sadd.s32 @!p0 $0x100000, s0  }
0x166: {  	[sflag:s0] =	ssyncadd.tile.s32 @!p0 $0x1;
	_ =	shalt  }
.Lfunc_end2:
_tile_overlayer_lowered:
.L_overlay_start_2:
0x167: {  	(tag) =	ssettag $0x2  }
0x168: {  	s0 =	rddreg [dreg:$0x0];
	s2 =	stileid.u32  }
0x169: {  	s1 =	rddreg [dreg:$0x1];
	p0 =	sne.s32 s2, $0x0  }
0x16a: {  	s3 =	rddreg [dreg:$0x2];
	[bflag:$0x3] =	sbarrier.arrive $0xFFFF;
	s2 =	simm.s32 @!p0 $0x1C0D  }
0x16b: {  	[timem:s3], [sflag:s2] =	dma.local @!p0 [hbm:s0], s1  }
0x16c: {  	s0 =	simm.s32 @!p0 $0xD  }
0x16d: {  	_ =	swait.ge @!p0 [sflag:s0], s1  }
0x16e: {  	s1 =	ssub.s32 @!p0 $0x0, s1;
	[sflag:s0] =	ssyncset.done @!p0 $0x0  }
0x16f: {  	[sflag:s0] =	ssyncadd.s32 @!p0 s1  }
0x170: {  	[bflag:$0x3] =	sbarrier.arrive $0xFFFF  }
0x171: {  	_ =	shalt  }

// kernel: kernel.16.cloned.1.call-start
scs
__scs_entry_jumppad:
0x0: {  	(pc) =	sbr.rel $0x88, $3  }
0x1: {  	(tag) =	ssettag $0x0;
	lr =	simm.s32 $0x1  }
0x2: {  	[smem:$0x3F99] =	sst lr;
	_ =	strace $0xD0000000  }
0x3: {  	_ = 	snop  }
0x4: {  	_ = 	snop  }
0x5: {  	_ = 	snop  }
0x6: {  	_ = 	snop  }
0x7: {  	_ = 	snop  }
__scs_overlays_trampoline_lowered:
0x8: {  	[smem:$0x3FA8] =	sst s0  }
0x9: {  	[smem:$0x3FA9] =	sst s1  }
0xa: {  	[smem:$0x3FAA] =	sst s2  }
0xb: {  	[smem:$0x3FAB] =	sst s3  }
0xc: {  	[smem:$0x3FAC] =	sst s4  }
0xd: {  	[smem:$0x3FAD] =	sst s5  }
0xe: {  	[smem:$0x3FAE] =	sst s6  }
0xf: {  	[smem:$0x3FAF] =	sst s7  }
0x10: {  	[smem:$0x3FB0] =	sst s8  }
0x11: {  	[smem:$0x3FB1] =	sst s9;
	s0 =	simm.s32 @!p0 $0x0  }
0x12: {  	s1 =	sld [smem:$0x3F97];
	s0 =	simm.s32 @p0 $0x1  }
0x13: {  	[smem:$0x3FB2] =	sst s0;
	s0 =	simm.s32 @!p1 $0x0  }
0x14: {  	s2 =	sld [smem:$0x3F96];
	s0 =	simm.s32 @p1 $0x1  }
0x15: {  	[smem:$0x3FB3] =	sst s0;
	s0 =	simm.s32 @!p2 $0x0  }
0x16: {  	s3 =	sld [smem:$0x3FDB];
	s0 =	simm.s32 @p2 $0x1  }
0x17: {  	s4 =	simm.s32 $0x1BF5;
	[smem:$0x3FB5] =	sst s0  }
0x18: {  	s0 =	sld [smem:$0x3F98];
	_ =	swait.ge [sflag:s4], $0x0  }
0x19: {  	s7 =	sld [smem:$0x3F99]  }
0x1a: {  	s8 =	sadd.s32 $0xFFFFE003, lr  }
0x1b: {  	s9 =	sadd.s32 $0xFFFFFEF7, lr;
	s5 =	simm.s32 $0xFFFFFFFF;
	p2 =	slt.u32 s8, $0xFFFFF086  }
0x1c: {  	p1 =	slt.u32 s9, $0xF7A;
	s5 =	simm.s32 @!p2 $0x0  }
0x1d: {  	s5 =	simm.s32 @p1 $0x1;
	p0 =	seq.s32 s7, s2  }
0x1e: {  	s7 =	smul.u32 @!p0 $0xF7A, s2;
	p2 =	seq.s32 @!p0 s5, $0x0  }
0x1f: {  	s9 =	smul.u32 $0xF7A, s1;
	s8 =	simm.s32 @!p0 $0x1BF5;
	p2 =	por !p2, p0  }
0x20: {  	[sflag:s8] =	ssyncset.s32 @!p0 $0xFFFFF086;
	s6 =	sadd.s32 @!p0 s3, s7;
	s7 =	simm.s32 @!p0 $0x108  }
0x21: {  	s3 =	sadd.s32 s3, s9;
	s6 =	sadd.s32 @!p0 $0x88, s6;
	s7 =	simm.s32 @p2 $0x1082  }
0x22: {  	[simem:s7], [sflag:s8] =	dma.local @!p0 [hbm:s6], $0xF7A  }
0x23: {  	s9 =	sor.u32 $0xD0000000, s2;
	s6 =	simm.s32 $0x108;
	_ =	swait.ge @!p0 [sflag:s8], $0x0  }
0x24: {  	s3 =	sadd.s32 $0x88, s3;
	s6 =	simm.s32 @!p1 $0x1082;
	[sflag:s4] =	ssyncset.s32 $0xFFFFF086  }
0x25: {  	[simem:s6], [sflag:s4] =	dma.local [hbm:s3], $0xF7A  }
0x26: {  	[smem:$0x3F99] =	sst s1;
	(tag) =	ssettag s2;
	_ =	strace s9  }
0x27: {  	s1 =	sld [smem:$0x3FA9]  }
0x28: {  	s2 =	sld [smem:$0x3FAA]  }
0x29: {  	s4 =	sld [smem:$0x3FAC]  }
0x2a: {  	p0 =	seq.s32 s5, $0x0;
	s5 =	sld [smem:$0x3FAD]  }
0x2b: {  	s6 =	sld [smem:$0x3FAE]  }
0x2c: {  	s7 =	sld [smem:$0x3FAF]  }
0x2d: {  	s3 =	simm.s32 $0x108;
	s8 =	sld [smem:$0x3FB0]  }
0x2e: {  	s3 =	simm.s32 @!p0 $0x1082;
	s9 =	sld [smem:$0x3FB1]  }
0x2f: {  	lr =	sadd.s32 s0, s3;
	s0 =	sld [smem:$0x3FA8]  }
0x30: {  	s3 =	sld [smem:$0x3FAB]  }
0x31: {  	[smem:$0x3FB4] =	sst s10  }
0x32: {  	s10 =	sld [smem:$0x3FB2];
	_ =	sdelay $0x3  }
0x33: {  	p0 =	seq.s32 s10, $0x1;
	s10 =	sld [smem:$0x3FB4];
	_ =	sdelay $0x3  }
0x34: {  	[smem:$0x3FB4] =	sst s10  }
0x35: {  	s10 =	sld [smem:$0x3FB3];
	_ =	sdelay $0x3  }
0x36: {  	p1 =	seq.s32 s10, $0x1;
	s10 =	sld [smem:$0x3FB4];
	_ =	sdelay $0x3  }
0x37: {  	[smem:$0x3FB4] =	sst s10  }
0x38: {  	s10 =	sld [smem:$0x3FB5]  }
0x39: {  	_ = 	snop;
	(pc) =	sbr.ind lr, $3  }
0x3a: {  	_ = 	snop  }
0x3b: {  	_ = 	snop  }
0x3c: {  	p2 =	seq.s32 s10, $0x1;
	s10 =	sld [smem:$0x3FB4]  }
0x3d: {  	_ =	shalt  }
0x3e: {  	_ =	shalt  }
0x3f: {  	_ =	shalt  }
0x40: {  	_ =	shalt  }
0x41: {  	_ =	shalt  }
0x42: {  	_ =	shalt  }
0x43: {  	_ =	shalt  }
0x44: {  	_ =	shalt  }
0x45: {  	_ =	shalt  }
0x46: {  	_ =	shalt  }
0x47: {  	_ =	shalt  }
0x48: {  	_ =	shalt  }
0x49: {  	_ =	shalt  }
0x4a: {  	_ =	shalt  }
0x4b: {  	_ =	shalt  }
0x4c: {  	_ =	shalt  }
0x4d: {  	_ =	shalt  }
0x4e: {  	_ =	shalt  }
0x4f: {  	_ =	shalt  }
0x50: {  	_ =	shalt  }
0x51: {  	_ =	shalt  }
0x52: {  	_ =	shalt  }
0x53: {  	_ =	shalt  }
0x54: {  	_ =	shalt  }
0x55: {  	_ =	shalt  }
0x56: {  	_ =	shalt  }
0x57: {  	_ =	shalt  }
0x58: {  	_ =	shalt  }
0x59: {  	_ =	shalt  }
0x5a: {  	_ =	shalt  }
0x5b: {  	_ =	shalt  }
0x5c: {  	_ =	shalt  }
0x5d: {  	_ =	shalt  }
0x5e: {  	_ =	shalt  }
0x5f: {  	_ =	shalt  }
0x60: {  	_ =	shalt  }
0x61: {  	_ =	shalt  }
0x62: {  	_ =	shalt  }
0x63: {  	_ =	shalt  }
0x64: {  	_ =	shalt  }
0x65: {  	_ =	shalt  }
0x66: {  	_ =	shalt  }
0x67: {  	_ =	shalt  }
0x68: {  	_ =	shalt  }
0x69: {  	_ =	shalt  }
0x6a: {  	_ =	shalt  }
0x6b: {  	_ =	shalt  }
0x6c: {  	_ =	shalt  }
0x6d: {  	_ =	shalt  }
0x6e: {  	_ =	shalt  }
0x6f: {  	_ =	shalt  }
0x70: {  	_ =	shalt  }
0x71: {  	_ =	shalt  }
0x72: {  	_ =	shalt  }
0x73: {  	_ =	shalt  }
0x74: {  	_ =	shalt  }
0x75: {  	_ =	shalt  }
0x76: {  	_ =	shalt  }
0x77: {  	_ =	shalt  }
0x78: {  	_ =	shalt  }
0x79: {  	_ =	shalt  }
0x7a: {  	_ =	shalt  }
0x7b: {  	_ =	shalt  }
0x7c: {  	_ =	shalt  }
0x7d: {  	_ =	shalt  }
0x7e: {  	_ =	shalt  }
0x7f: {  	_ =	shalt  }
0x80: {  	_ =	shalt  }
0x81: {  	_ =	shalt  }
0x82: {  	_ =	shalt  }
0x83: {  	_ =	shalt  }
0x84: {  	_ =	shalt  }
0x85: {  	_ =	shalt  }
0x86: {  	_ =	shalt  }
0x87: {  	_ =	shalt  }
.Lfunc_end0:
.L_simem_size_0:
called_computation.2_lowered:
.L_overlay_start_0:
0x88: {  	s2 =	sld [smem:$0x3FD9]  }
0x89: {  	s3 =	sld [smem:$0x3FFE];
	_ =	sdelay $0x1  }
0x8a: {  	s1 =	srdreg.scid  }
0x8b: {  	s0 =	sand.u32 $0x1, s1  }
0x8c: {  	s17 =	sshll.u32 s0, $0xA;
	s2 =	sadd.s32 s3, s2  }
0x8d: {  	s2 =	sadd.s32 s2, s17  }
0x8e: {  	[smem:$0x3FC0] =	sst s2  }
0x8f: {  	_ = 	snop  }
0x90: {  	s2 =	sld [smem:$0x3FD0];
	(tm) =	ssettm $0x1  }
0x91: {  	s18 =	sld [smem:$0x3FFB];
	_ =	sdelay $0x3  }
0x92: {  	_ =	strace s18  }
0x93: {  	s3 =	sld [smem:$0x3FFC];
	_ =	sdelay $0x3  }
0x94: {  	_ =	strace s3  }
0x95: {  	s3 =	sld [smem:$0x3FFD];
	_ =	sdelay $0x3  }
0x96: {  	_ =	strace s3  }
0x97: {  	_ =	strace $0x8FFFFFFF  }
0x98: {  	s19 =	sld [smem:$0x3FDB];
	_ =	sdelay $0x1  }
0x99: {  	s4 =	simm.s32 $_scs_section_size  }
0x9a: {  	s5 =	simm.s32 $_size__tile_overlayer_lowered;
	s6 =	simm.s32 $_tile_overlayer_lowered  }
0x9b: {  	s22 =	simm.s32 $0x1BFF;
	s21 =	sshll.u32 s6, $0x1;
	s3 =	sadd.s32 s4, s19  }
0x9c: {  	s7 =	simm.s32 $0x0;
	s20 =	sshll.u32 s5, $0x1;
	s5 =	sadd.s32 s21, s3  }
0x9d: {  	[timem:s7], [sflag:s22] =	dma.local [hbm:s5], s20  }
0x9e: {  	_ =	swait.ge [sflag:s22], s20  }
0x9f: {  	s4 =	ssub.s32 $0x0, s20;
	[sflag:s22] =	ssyncset.done $0x0  }
0xa0: {  	[sflag:s22] =	ssyncadd.s32 s4;
	_ =	sdelay $0x1  }
0xa1: {  	s23 =	simm.s32 $0x1B8B  }
0xa2: {  	_ =	swait.ge [sflag:s23], $0x1  }
0xa3: {  	[sflag:s23] =	ssyncset.done $0x0  }
0xa4: {  	s25 =	simm.s32 $0x1B8E;
	s24 =	sld [smem:$0x3FFE];
	[sflag:s23] =	ssyncadd.s32 $0xFFFFFFFF  }
0xa5: {  	s26 =	simm.s32 $execute0_lowered;
	[smem:$0x3FD2] =	sst s25  }
0xa6: {  	s5 =	sshll.u32 s26, $0x1;
	_ =	strace $0x8000004C;
	[dreg:$0x1] =	wrdreg $0xFFFFFFFF  }
0xa7: {  	s28 =	simm.s32 $_size_execute0_lowered;
	s3 =	sadd.s32 s3, s5;
	[dreg:$0x0] =	wrdreg $0x0  }
0xa8: {  	s5 =	sshll.u32 s28, $0x1;
	[dreg:$0x2] =	wrdreg s3  }
0xa9: {  	[dreg:$0x3] =	wrdreg s5  }
0xaa: {  	[dreg:$0x4] =	wrdreg $0xC0  }
0xab: {  	_ =	task [dreg:s7], $0x5FFFF  }
0xac: {  	[dreg:$0x1] =	wrdreg $0xFFFFFFFF  }
0xad: {  	[dreg:$0x0] =	wrdreg $0x60  }
0xae: {  	[dreg:$0x2] =	wrdreg s24  }
0xaf: {  	[dreg:$0x3] =	wrdreg s2  }
0xb0: {  	[dreg:$0x4] =	wrdreg $0x8F700  }
0xb1: {  	[dreg:$0x5] =	wrdreg $0x12BB00  }
0xb2: {  	[dreg:$0x6] =	wrdreg $0x9  }
0xb3: {  	_ =	task.clear_ibuf [dreg:s7], $0x7FFFF;
	_ =	strace $0x9000004C  }
0xb4: {  	s29 =	simm.s32 $0x9;
	_ =	strace $0x8000004E  }
0xb5: {  	_ =	swait.ge [sflag:s29], $0x1  }
0xb6: {  	[sflag:s29] =	ssyncadd.s32 $0xFFFFFFFF  }
0xb7: {  	_ =	strace $0x9000004E  }
0xb8: {  	_ =	sfence  }
0xb9: {  	s30 =	sld [smem:$0x0];
	_ =	sdelay $0x2  }
0xba: {  	s31 =	sshll.u32 s1, $0xD;
	s1 =	sshrl.u32 s1, $0x2  }
0xbb: {  	s3 =	sand.u32 $0x4000, s31;
	s1 =	sadd.s32 s1, s30  }
0xbc: {  	s0 =	sor.u32 s3, s0;
	s1 =	sshll.u32 s1, $0x11  }
0xbd: {  	s0 =	sor.u32 s1, s0  }
0xbe: {  	s0 =	sadd.s32 $0x8F2B, s0  }
0xbf: {  	[sflag:s0] =	ssyncadd.remote.s32 $0x1  }
0xc0: {  	_ =	sfence.sel $0xFFFF  }
0xc1: {  	[dreg:$0x0] =	wrdreg $0xFFFFFFFF;
	(pc) =	sbr.abs _section_cstart, $3  }
0xc2: {  	[dreg:$0x1] =	wrdreg $0xFFFFFFFF  }
0xc3: {  	_ =	task.clear_ibuf [dreg:s7], $0x2FFFF;
	_ =	strace $0x9FFFFFFF  }
0xc4: {  	(tm) =	ssettm $0x7FFFFFFF  }
0xc5: {  	_ =	shalt  }
tec
execute0_lowered:
.L_overlay_start_1:
0x0: {  	(tag) =	ssettag $0x1  }
0x1: {  	s1 =	srdreg.scid;
	s0 =	rddreg [dreg:$0x0];
	s21 =	simm.s32 $0x0  }
0x2: {  	s18 =	stileid.u32;
	s28 =	simm.s32 $0x5370;
	s29 =	simm.s32 $0x2B70  }
0x3: {  	s31 =	simm.s32 $0x6770;
	s1 =	sand.u32 $0x1, s1;
	[smem:$0x7FF] =	sst s21  }
0x4: {  	s5 =	sadd.s32 $0xA9A00, s0;
	s4 =	sshll.u32 s18, $0x1;
	s22 =	smul.u32 $0x2800, s18  }
0x5: {  	s9 =	sadd.s32 $0xA9A08, s0;
	s10 =	sor.u32 $0x10, s18;
	s8 =	smul.u32 $0x138800, s1  }
0x6: {  	s11 =	sor.u32 $0x20, s18;
	s12 =	sor.u32 $0x30, s18;
	s14 =	smul.u32 $0x2800, s10  }
0x7: {  	p1 =	sgt.u32 s18, $0xC;
	s2 =	ssub.s32 $0x2, s1;
	s23 =	smul.u32 $0x2800, s11  }
0x8: {  	s7 =	sor.u32 s1, s4;
	s4 =	sor.u32 $0x40, s18;
	s25 =	smul.u32 $0x2800, s12  }
0x9: {  	s1 =	sor.u32 $0x70, s18;
	s3 =	sshrl.u32 s2, $0x1;
	s26 =	smul.u32 $0x2800, s4  }
0xa: {  	s4 =	smul.u32 $0x1400, s4;
	p0 =	sgt.u32 s1, $0x7C;
	s6 =	ssub.s32 s2, s3  }
0xb: {  	s2 =	sor.u32 $0x50, s18;
	s13 =	sadd.s32 s8, s22;
	s14 =	sadd.s32 s8, s14  }
0xc: {  	s3 =	sor.u32 $0x60, s18;
	s13 =	sshrl.u32 s13, $0x3;
	s24 =	sshrl.u32 s14, $0x3  }
0xd: {  	s19 =	smul.u32 $0x2800, s2;
	s14 =	sadd.s32 s8, s25;
	s15 =	sadd.s32 s5, s13  }
0xe: {  	s20 =	smul.u32 $0x2800, s3;
	s13 =	sadd.s32 s13, s9;
	[dreg:$0x6] =	wrdreg s15  }
0xf: {  	s16 =	sadd.s32 s5, s24;
	s22 =	sshrl.u32 s14, $0x3;
	[dreg:$0x7] =	wrdreg s13  }
0x10: {  	[dreg:$0x8] =	wrdreg s16;
	s15 =	sadd.s32 s8, s23;
	s13 =	sadd.s32 s24, s9  }
0x11: {  	s24 =	sadd.s32 s5, s22;
	[dreg:$0x9] =	wrdreg s13;
	s15 =	sshrl.u32 s15, $0x3  }
0x12: {  	s16 =	sadd.s32 s8, s26;
	[dreg:$0xc] =	wrdreg s24;
	s17 =	sadd.s32 s5, s15  }
0x13: {  	s25 =	sshrl.u32 s16, $0x3;
	s13 =	sadd.s32 s15, s9;
	[dreg:$0xa] =	wrdreg s17  }
0x14: {  	s23 =	smul.u32 $0x2800, s1;
	s16 =	sadd.s32 s5, s25;
	[dreg:$0xb] =	wrdreg s13  }
0x15: {  	s1 =	smul.u32 $0x1400, s1;
	s14 =	sadd.s32 s25, s9;
	[dreg:$0xe] =	wrdreg s16  }
0x16: {  	s6 =	smax.u32 s6, $0x1;
	s24 =	smul.u32 $0x2710, s7;
	[dreg:$0xf] =	wrdreg s14  }
0x17: {  	s15 =	sadd.s32 s8, s19;
	s13 =	sadd.s32 s22, s9;
	s16 =	rddreg [dreg:$0x2]  }
0x18: {  	s17 =	sadd.s32 s8, s20;
	s26 =	sshrl.u32 s15, $0x3;
	[dreg:$0xd] =	wrdreg s13  }
0x19: {  	s19 =	sadd.s32 s5, s26;
	s20 =	sshrl.u32 s17, $0x3;
	s17 =	rddreg [dreg:$0x3]  }
0x1a: {  	s7 =	smul.u32 $0x1400, s10;
	s13 =	sadd.s32 s26, s9;
	[dreg:$0x10] =	wrdreg s19  }
0x1b: {  	s8 =	sadd.s32 s8, s23;
	[dreg:$0x11] =	wrdreg s13;
	s22 =	sadd.s32 s5, s20  }
0x1c: {  	s8 =	sshrl.u32 s8, $0x3;
	s13 =	sadd.s32 s20, s9;
	[dreg:$0x12] =	wrdreg s22  }
0x1d: {  	s10 =	smul.u32 $0x1400, s12;
	s5 =	sadd.s32 s5, s8;
	[dreg:$0x13] =	wrdreg s13  }
0x1e: {  	s25 =	sadd.s32 $0x2A800, s0;
	s23 =	sadd.s32 s8, s9;
	[dreg:$0x14] =	wrdreg s5  }
0x1f: {  	s26 =	smul.u32 $0x1400, s18;
	s12 =	sadd.s32 s10, s16;
	[dreg:$0x15] =	wrdreg s23  }
0x20: {  	s14 =	sadd.s32 s4, s16;
	_ =	strace $0x8000004D;
	[dreg:$0x16] =	wrdreg s24  }
0x21: {  	s18 =	simm.s32 $0xA;
	s8 =	smul.u32 $0x1400, s11;
	[dreg:$0x17] =	wrdreg s25  }
0x22: {  	s9 =	sadd.s32 s7, s16;
	s5 =	sadd.s32 s26, s17;
	[dreg:$0x18] =	wrdreg s6  }
0x23: {  	s15 =	sadd.s32 s4, s17;
	s19 =	smul.u32 $0x1400, s3;
	[dreg:$0x1a] =	wrdreg s5  }
0x24: {  	s3 =	simm.s32 $0x7B70;
	s4 =	simm.s32 $0x1;
	[dreg:$0x1b] =	wrdreg s9  }
0x25: {  	s23 =	sadd.s32 $0x82800, s0;
	s30 =	sadd.s32 s26, s16;
	[dreg:$0x1f] =	wrdreg s12  }
0x26: {  	s13 =	smul.u32 $0x1400, s2;
	s26 =	sadd.s32 s1, s16;
	[smem:$0x7F6] =	sst s14  }
0x27: {  	s25 =	sadd.s32 $0x20A00, s0;
	s0 =	sadd.s32 s7, s17;
	[smem:$0x7F7] =	sst s15  }
0x28: {  	s11 =	sadd.s32 s8, s16;
	s5 =	sadd.s32 s8, s17;
	[smem:$0x7FC] =	sst s26  }
0x29: {  	s22 =	sadd.s32 s19, s16;
	s24 =	sadd.s32 s19, s17;
	[dreg:$0x19] =	wrdreg s30  }
0x2a: {  	s14 =	simm.s32 $0x7;
	s19 =	simm.s32 $0xD;
	[dreg:$0x1c] =	wrdreg s0  }
0x2b: {  	s26 =	simm.s32 $0x50;
	s7 =	simm.s32 $0x8;
	[dreg:$0x1d] =	wrdreg s11  }
0x2c: {  	s8 =	simm.s32 $0x2;
	s9 =	simm.s32 $0x5;
	[dreg:$0x1e] =	wrdreg s5  }
0x2d: {  	s0 =	sadd.s32 s10, s17;
	s20 =	sadd.s32 s13, s16;
	[smem:$0x7FA] =	sst s22  }
.Ltmp0:
0x2e: {  	[smem:$0x7FB] =	sst s24;
	s24 =	sadd.s32 s1, s17;
	(pc) =	sbr.rel .LBB2_1-.Ltmp0, $4  }
0x2f: {  	s5 =	simm.s32 $0x4;
	s10 =	simm.s32 $0x3;
	[smem:$0x7F5] =	sst s0  }
0x30: {  	s11 =	simm.s32 $0x6;
	s1 =	simm.s32 $0xB;
	[smem:$0x7F8] =	sst s20  }
0x31: {  	s0 =	sadd.s32 s13, s17;
	s13 =	simm.s32 $0x1770;
	[smem:$0x7FD] =	sst s24  }
0x32: {  	v0 =	vimm.f32 $0.0e+00;
	s20 =	simm.s32 $0x7D0;
	[smem:$0x7F9] =	sst s0;
	s0 =	simm.s32 $0x3F70  }
.LBB2_8:
0x33: {  	s2 =	stileid.u32;
	[bflag:$0x0] =	sbarrier.arrive $0xFFFF  }
0x34: {  	s21 =	simm.s32 $0x10;
	s2 =	sshll.u32 s2, $0x6;
	s30 =	rddreg [dreg:$0x19]  }
0x35: {  	s15 =	rddreg [dreg:$0x6];
	s6 =	sor.u32 $0x1C07, s2;
	s12 =	sshrl.u32 s30, $0x3  }
0x36: {  	[hbm:s15@s21], [sflag:s6] =	dma.strided [spmem:s12@s7], $0x280, s4, $0x8   }
0x37: {  	s12 =	rddreg [dreg:$0x1a]  }
0x38: {  	s2 =	sor.u32 $0x1C0A, s2;
	s15 =	rddreg [dreg:$0x7];
	s12 =	sshrl.u32 s12, $0x3  }
0x39: {  	[hbm:s15@s21], [sflag:s2] =	dma.strided [spmem:s12@s7], $0x280, s4, $0x8   }
0x3a: {  	s12 =	rddreg [dreg:$0x1b]  }
0x3b: {  	s15 =	rddreg [dreg:$0x8];
	s12 =	sshrl.u32 s12, $0x3  }
0x3c: {  	[hbm:s15@s21], [sflag:s6] =	dma.strided [spmem:s12@s7], $0x280, s4, $0x8   }
0x3d: {  	s12 =	rddreg [dreg:$0x1c]  }
0x3e: {  	s15 =	rddreg [dreg:$0x9];
	s12 =	sshrl.u32 s12, $0x3  }
0x3f: {  	[hbm:s15@s21], [sflag:s2] =	dma.strided [spmem:s12@s7], $0x280, s4, $0x8   }
0x40: {  	s12 =	rddreg [dreg:$0x1d]  }
0x41: {  	s15 =	rddreg [dreg:$0xa];
	s12 =	sshrl.u32 s12, $0x3  }
0x42: {  	[hbm:s15@s21], [sflag:s6] =	dma.strided [spmem:s12@s7], $0x280, s4, $0x8   }
0x43: {  	s12 =	rddreg [dreg:$0x1e]  }
0x44: {  	s15 =	rddreg [dreg:$0xb];
	s12 =	sshrl.u32 s12, $0x3  }
0x45: {  	[hbm:s15@s21], [sflag:s2] =	dma.strided [spmem:s12@s7], $0x280, s4, $0x8   }
0x46: {  	s12 =	rddreg [dreg:$0x1f]  }
0x47: {  	s15 =	rddreg [dreg:$0xc];
	s12 =	sshrl.u32 s12, $0x3  }
0x48: {  	[hbm:s15@s21], [sflag:s6] =	dma.strided [spmem:s12@s7], $0x280, s4, $0x8   }
0x49: {  	s12 =	sld [smem:$0x7F5];
	_ =	sdelay $0x2  }
0x4a: {  	s15 =	rddreg [dreg:$0xd];
	s12 =	sshrl.u32 s12, $0x3  }
0x4b: {  	[hbm:s15@s21], [sflag:s2] =	dma.strided [spmem:s12@s7], $0x280, s4, $0x8   }
0x4c: {  	s12 =	sld [smem:$0x7F6];
	_ =	sdelay $0x2  }
0x4d: {  	s15 =	rddreg [dreg:$0xe];
	s12 =	sshrl.u32 s12, $0x3  }
0x4e: {  	[hbm:s15@s21], [sflag:s6] =	dma.strided [spmem:s12@s7], $0x280, s4, $0x8   }
0x4f: {  	s12 =	sld [smem:$0x7F7];
	_ =	sdelay $0x2  }
0x50: {  	s15 =	rddreg [dreg:$0xf];
	s12 =	sshrl.u32 s12, $0x3  }
0x51: {  	[hbm:s15@s21], [sflag:s2] =	dma.strided [spmem:s12@s7], $0x280, s4, $0x8   }
0x52: {  	s12 =	sld [smem:$0x7F8];
	_ =	sdelay $0x2  }
0x53: {  	s15 =	rddreg [dreg:$0x10];
	s12 =	sshrl.u32 s12, $0x3  }
0x54: {  	[hbm:s15@s21], [sflag:s6] =	dma.strided [spmem:s12@s7], $0x280, s4, $0x8   }
0x55: {  	s12 =	sld [smem:$0x7F9];
	_ =	sdelay $0x2  }
0x56: {  	s15 =	rddreg [dreg:$0x11];
	s12 =	sshrl.u32 s12, $0x3  }
0x57: {  	[hbm:s15@s21], [sflag:s2] =	dma.strided [spmem:s12@s7], $0x280, s4, $0x8   }
0x58: {  	s12 =	sld [smem:$0x7FA];
	_ =	sdelay $0x2  }
0x59: {  	s15 =	rddreg [dreg:$0x12];
	s12 =	sshrl.u32 s12, $0x3  }
0x5a: {  	[hbm:s15@s21], [sflag:s6] =	dma.strided [spmem:s12@s7], $0x280, s4, $0x8   }
0x5b: {  	s12 =	sld [smem:$0x7FB];
	_ =	sdelay $0x2  }
0x5c: {  	s15 =	rddreg [dreg:$0x13];
	s12 =	sshrl.u32 s12, $0x3  }
0x5d: {  	[hbm:s15@s21], [sflag:s2] =	dma.strided [spmem:s12@s7], $0x280, s4, $0x8   }
0x5e: {  	s12 =	sld [smem:$0x7FC];
	_ =	sdelay $0x1  }
0x5f: {  	s22 =	simm.s32 @!p0 $0x8;
	s15 =	simm.s32 @!p0 $0x1  }
0x60: {  	s21 =	simm.s32 @!p0 $0x10;
	s24 =	rddreg [dreg:$0x14];
	s12 =	sshrl.u32 @!p0 s12, $0x3  }
0x61: {  	[hbm:s24@s21], [sflag:s6] =	dma.strided @!p0 [spmem:s12@s22], $0x280, s15, $0x8   }
0x62: {  	s24 =	sld [smem:$0x7FD];
	_ =	sdelay $0x2  }
0x63: {  	s12 =	rddreg [dreg:$0x15];
	s6 =	sshrl.u32 @!p0 s24, $0x3  }
0x64: {  	[hbm:s12@s21], [sflag:s2] =	dma.strided @!p0 [spmem:s6@s22], $0x280, s15, $0x8   }
0x65: {  	_ =	swait.ge [sflag:s14], $0x280  }
0x66: {  	[sflag:s14] =	ssyncset.done $0x0  }
0x67: {  	[sflag:s14] =	ssyncadd.s32 $0xFFFFFD80  }
0x68: {  	_ =	swait.ge [sflag:s18], $0x280  }
0x69: {  	[sflag:s18] =	ssyncset.done $0x0  }
0x6a: {  	[sflag:s18] =	ssyncadd.s32 $0xFFFFFD80  }
0x6b: {  	_ =	swait.ge [sflag:s14], $0x280  }
0x6c: {  	[sflag:s14] =	ssyncset.done $0x0  }
0x6d: {  	[sflag:s14] =	ssyncadd.s32 $0xFFFFFD80  }
0x6e: {  	_ =	swait.ge [sflag:s18], $0x280  }
0x6f: {  	[sflag:s18] =	ssyncset.done $0x0  }
0x70: {  	[sflag:s18] =	ssyncadd.s32 $0xFFFFFD80  }
0x71: {  	_ =	swait.ge [sflag:s14], $0x280  }
0x72: {  	[sflag:s14] =	ssyncset.done $0x0  }
0x73: {  	[sflag:s14] =	ssyncadd.s32 $0xFFFFFD80  }
0x74: {  	_ =	swait.ge [sflag:s18], $0x280  }
0x75: {  	[sflag:s18] =	ssyncset.done $0x0  }
0x76: {  	[sflag:s18] =	ssyncadd.s32 $0xFFFFFD80  }
0x77: {  	_ =	swait.ge [sflag:s14], $0x280  }
0x78: {  	[sflag:s14] =	ssyncset.done $0x0  }
0x79: {  	[sflag:s14] =	ssyncadd.s32 $0xFFFFFD80  }
0x7a: {  	_ =	swait.ge [sflag:s18], $0x280  }
0x7b: {  	[sflag:s18] =	ssyncset.done $0x0  }
0x7c: {  	[sflag:s18] =	ssyncadd.s32 $0xFFFFFD80  }
0x7d: {  	_ =	swait.ge [sflag:s14], $0x280  }
0x7e: {  	[sflag:s14] =	ssyncset.done $0x0  }
0x7f: {  	[sflag:s14] =	ssyncadd.s32 $0xFFFFFD80  }
0x80: {  	_ =	swait.ge [sflag:s18], $0x280  }
0x81: {  	[sflag:s18] =	ssyncset.done $0x0  }
0x82: {  	[sflag:s18] =	ssyncadd.s32 $0xFFFFFD80  }
0x83: {  	_ =	swait.ge [sflag:s14], $0x280  }
0x84: {  	[sflag:s14] =	ssyncset.done $0x0  }
0x85: {  	[sflag:s14] =	ssyncadd.s32 $0xFFFFFD80  }
0x86: {  	_ =	swait.ge [sflag:s18], $0x280  }
0x87: {  	[sflag:s18] =	ssyncset.done $0x0  }
0x88: {  	[sflag:s18] =	ssyncadd.s32 $0xFFFFFD80  }
0x89: {  	_ =	swait.ge [sflag:s14], $0x280  }
0x8a: {  	[sflag:s14] =	ssyncset.done $0x0  }
0x8b: {  	[sflag:s14] =	ssyncadd.s32 $0xFFFFFD80  }
0x8c: {  	_ =	swait.ge [sflag:s18], $0x280  }
0x8d: {  	[sflag:s18] =	ssyncset.done $0x0  }
0x8e: {  	s2 =	simm.s32 @!p1 $0x7;
	[sflag:s18] =	ssyncadd.s32 $0xFFFFFD80  }
0x8f: {  	_ =	swait.ge @!p1 [sflag:s2], $0x280  }
0x90: {  	[sflag:s2] =	ssyncset.done @!p1 $0x0  }
0x91: {  	[sflag:s2] =	ssyncadd.s32 @!p1 $0xFFFFFD80;
	s2 =	simm.s32 @!p1 $0xA  }
0x92: {  	_ =	swait.ge @!p1 [sflag:s2], $0x280  }
0x93: {  	s15 =	rddreg [dreg:$0x5]  }
0x94: {  	s22 =	rddreg [dreg:$0x18];
	s21 =	sadd.s32 $0x1, s15  }
0x95: {  	p2 =	sne.s32 s21, s22  }
.Ltmp1:
0x96: {  	_ = 	snop;
	(pc) =	sbr.rel @!p2 .LBB2_9-.Ltmp1, $3  }
0x97: {  	_ =	sdelay $0x1  }
0x98: {  	[sflag:s2] =	ssyncset.done @!p1 $0x0  }
0x99: {  	[sflag:s2] =	ssyncadd.s32 @!p1 $0xFFFFFD80  }
.LBB2_1:
0x9a: {  	s12 =	simm.s32 $0x100;
	s6 =	simm.s32 $0x0  }
.LBB2_2:
0x9b: {  	p2 =	sne.s32 s12, $0x4F00;
	[tilespmem:s6+$0x17A0] =	vst v0;
	s15 =	smov.u32 s12;
	s12 =	sadd.s32 $0x100, s12  }
.Ltmp2:
0x9c: {  	[tilespmem:s6+$0x1790] =	vst v0;
	(pc) =	sbr.rel @p2 .LBB2_2-.Ltmp2, $3  }
0x9d: {  	[tilespmem:s6+$0x1770] =	vst v0  }
0x9e: {  	[tilespmem:s6+$0x1780] =	vst v0;
	_ =	sdelay $0x1  }
0x9f: {  	s6 =	sshra.s32 s15, $0x2  }
0xa0: {  	[tilespmem:s6+$0x17A0] =	vst v0  }
0xa1: {  	[tilespmem:s6+$0x1790] =	vst v0  }
0xa2: {  	[dreg:$0x5] =	wrdreg s21;
	[tilespmem:s6+$0x1770] =	vst v0  }
0xa3: {  	[tilespmem:s6+$0x1780] =	vst v0;
	s2 =	rddreg [dreg:$0x1a]  }
0xa4: {  	[spmem:s30] =	stream.linear.scatter [tilespmem:s13], [sflag:$0x7], $0x1400, $0x38;
	[tilespmem:$0x1C7F0] =	vst v63  }
0xa5: {  	s6 =	rddreg [dreg:$0x1b]  }
0xa6: {  	[spmem:s2] =	stream.linear.scatter [tilespmem:s13], [sflag:$0xA], $0x1400, $0x38;
	[tilespmem:$0x1C7F0] =	vst v63  }
0xa7: {  	s12 =	rddreg [dreg:$0x1c]  }
0xa8: {  	[spmem:s6] =	stream.linear.scatter [tilespmem:s13], [sflag:$0x7], $0x1400, $0x38;
	[tilespmem:$0x1C7F0] =	vst v63  }
0xa9: {  	s15 =	rddreg [dreg:$0x1d]  }
0xaa: {  	[spmem:s12] =	stream.linear.scatter [tilespmem:s13], [sflag:$0xA], $0x1400, $0x38;
	[tilespmem:$0x1C7F0] =	vst v63  }
0xab: {  	s21 =	rddreg [dreg:$0x1e]  }
0xac: {  	[spmem:s15] =	stream.linear.scatter [tilespmem:s13], [sflag:$0x7], $0x1400, $0x38;
	[tilespmem:$0x1C7F0] =	vst v63  }
0xad: {  	s22 =	rddreg [dreg:$0x1f]  }
0xae: {  	[spmem:s21] =	stream.linear.scatter [tilespmem:s13], [sflag:$0xA], $0x1400, $0x38;
	[tilespmem:$0x1C7F0] =	vst v63  }
0xaf: {  	s30 =	sld [smem:$0x7F5]  }
0xb0: {  	[spmem:s22] =	stream.linear.scatter [tilespmem:s13], [sflag:$0x7], $0x1400, $0x38;
	[tilespmem:$0x1C7F0] =	vst v63  }
0xb1: {  	s6 =	sld [smem:$0x7F6]  }
0xb2: {  	[spmem:s30] =	stream.linear.scatter [tilespmem:s13], [sflag:$0xA], $0x1400, $0x38;
	[tilespmem:$0x1C7F0] =	vst v63  }
0xb3: {  	s12 =	sld [smem:$0x7F7]  }
0xb4: {  	[spmem:s6] =	stream.linear.scatter [tilespmem:s13], [sflag:$0x7], $0x1400, $0x38;
	[tilespmem:$0x1C7F0] =	vst v63  }
0xb5: {  	s15 =	sld [smem:$0x7F8]  }
0xb6: {  	[spmem:s12] =	stream.linear.scatter [tilespmem:s13], [sflag:$0xA], $0x1400, $0x38;
	[tilespmem:$0x1C7F0] =	vst v63  }
0xb7: {  	s21 =	sld [smem:$0x7F9]  }
0xb8: {  	[spmem:s15] =	stream.linear.scatter [tilespmem:s13], [sflag:$0x7], $0x1400, $0x38;
	[tilespmem:$0x1C7F0] =	vst v63  }
0xb9: {  	s22 =	sld [smem:$0x7FA]  }
0xba: {  	[spmem:s21] =	stream.linear.scatter [tilespmem:s13], [sflag:$0xA], $0x1400, $0x38;
	[tilespmem:$0x1C7F0] =	vst v63  }
0xbb: {  	s30 =	sld [smem:$0x7FB]  }
0xbc: {  	[spmem:s22] =	stream.linear.scatter [tilespmem:s13], [sflag:$0x7], $0x1400, $0x38;
	[tilespmem:$0x1C7F0] =	vst v63  }
0xbd: {  	s2 =	sld [smem:$0x7FC]  }
0xbe: {  	[spmem:s30] =	stream.linear.scatter [tilespmem:s13], [sflag:$0xA], $0x1400, $0x38;
	[tilespmem:$0x1C7F0] =	vst v63  }
0xbf: {  	s6 =	simm.s32 @!p0 $0x1770  }
0xc0: {  	[spmem:s2] =	stream.linear.scatter @!p0 [tilespmem:s6], [sflag:$0x7], $0x1400, $0x38;
	[tilespmem:$0x1C7F0] =	vst v63  }
0xc1: {  	_ = 	snop  }
0xc2: {  	[spmem:s24] =	stream.linear.scatter @!p0 [tilespmem:s6], [sflag:$0xA], $0x1400, $0x38;
	[tilespmem:$0x1C7F0] =	vst v63  }
0xc3: {  	_ =	swait.ge [sflag:s14], $0x1400  }
0xc4: {  	[sflag:s14] =	ssyncset.done $0x0  }
0xc5: {  	[sflag:s14] =	ssyncadd.s32 $0xFFFFEC00  }
0xc6: {  	_ =	swait.ge [sflag:s18], $0x1400  }
0xc7: {  	[sflag:s18] =	ssyncset.done $0x0  }
0xc8: {  	[sflag:s18] =	ssyncadd.s32 $0xFFFFEC00  }
0xc9: {  	_ =	swait.ge [sflag:s14], $0x1400  }
0xca: {  	[sflag:s14] =	ssyncset.done $0x0  }
0xcb: {  	[sflag:s14] =	ssyncadd.s32 $0xFFFFEC00  }
0xcc: {  	_ =	swait.ge [sflag:s18], $0x1400  }
0xcd: {  	[sflag:s18] =	ssyncset.done $0x0  }
0xce: {  	[sflag:s18] =	ssyncadd.s32 $0xFFFFEC00  }
0xcf: {  	_ =	swait.ge [sflag:s14], $0x1400  }
0xd0: {  	[sflag:s14] =	ssyncset.done $0x0  }
0xd1: {  	[sflag:s14] =	ssyncadd.s32 $0xFFFFEC00  }
0xd2: {  	_ =	swait.ge [sflag:s18], $0x1400  }
0xd3: {  	[sflag:s18] =	ssyncset.done $0x0  }
0xd4: {  	[sflag:s18] =	ssyncadd.s32 $0xFFFFEC00  }
0xd5: {  	_ =	swait.ge [sflag:s14], $0x1400  }
0xd6: {  	[sflag:s14] =	ssyncset.done $0x0  }
0xd7: {  	[sflag:s14] =	ssyncadd.s32 $0xFFFFEC00  }
0xd8: {  	_ =	swait.ge [sflag:s18], $0x1400  }
0xd9: {  	[sflag:s18] =	ssyncset.done $0x0  }
0xda: {  	[sflag:s18] =	ssyncadd.s32 $0xFFFFEC00  }
0xdb: {  	_ =	swait.ge [sflag:s14], $0x1400  }
0xdc: {  	[sflag:s14] =	ssyncset.done $0x0  }
0xdd: {  	[sflag:s14] =	ssyncadd.s32 $0xFFFFEC00  }
0xde: {  	_ =	swait.ge [sflag:s18], $0x1400  }
0xdf: {  	[sflag:s18] =	ssyncset.done $0x0  }
0xe0: {  	[sflag:s18] =	ssyncadd.s32 $0xFFFFEC00  }
0xe1: {  	_ =	swait.ge [sflag:s14], $0x1400  }
0xe2: {  	[sflag:s14] =	ssyncset.done $0x0  }
0xe3: {  	[sflag:s14] =	ssyncadd.s32 $0xFFFFEC00  }
0xe4: {  	_ =	swait.ge [sflag:s18], $0x1400  }
0xe5: {  	[sflag:s18] =	ssyncset.done $0x0  }
0xe6: {  	[sflag:s18] =	ssyncadd.s32 $0xFFFFEC00  }
0xe7: {  	_ =	swait.ge [sflag:s14], $0x1400  }
0xe8: {  	[sflag:s14] =	ssyncset.done $0x0  }
0xe9: {  	[sflag:s14] =	ssyncadd.s32 $0xFFFFEC00  }
0xea: {  	_ =	swait.ge [sflag:s18], $0x1400  }
0xeb: {  	[sflag:s18] =	ssyncset.done $0x0  }
0xec: {  	s6 =	simm.s32 @!p1 $0x7;
	[sflag:s18] =	ssyncadd.s32 $0xFFFFEC00  }
0xed: {  	_ =	swait.ge @!p1 [sflag:s6], $0x1400  }
0xee: {  	[sflag:s6] =	ssyncset.done @!p1 $0x0  }
0xef: {  	[sflag:s6] =	ssyncadd.s32 @!p1 $0xFFFFEC00;
	s6 =	simm.s32 @!p1 $0xA  }
.Ltmp3:
0xf0: {  	_ =	swait.ge @!p1 [sflag:s6], $0x1400;
	(pc) =	sbr.rel .LBB2_4-.Ltmp3, $4  }
0xf1: {  	[sflag:s6] =	ssyncset.done @!p1 $0x0  }
0xf2: {  	[sflag:s6] =	ssyncadd.s32 @!p1 $0xFFFFEC00  }
0xf3: {  	[bflag:$0x0] =	sbarrier.arrive $0xFFFF  }
0xf4: {  	s12 =	simm.s32 $0x0;
	s6 =	simm.s32 $0x0  }
.LBB2_10:
0xf5: {  	_ =	swait.ge [sflag:s14], $0x1400  }
0xf6: {  	[sflag:s14] =	ssyncset.done $0x0  }
0xf7: {  	[sflag:s14] =	ssyncadd.s32 $0xFFFFEC00  }
0xf8: {  	_ =	swait.ge [sflag:s18], $0x1400  }
0xf9: {  	[sflag:s18] =	ssyncset.done $0x0  }
0xfa: {  	[sflag:s18] =	ssyncadd.s32 $0xFFFFEC00  }
.LBB2_7:
0xfb: {  	s12 =	sadd.s32 $0x1, s12  }
0xfc: {  	p2 =	sne.s32 s12, $0x5  }
.Ltmp4:
0xfd: {  	_ = 	snop;
	(pc) =	sbr.rel @!p2 .LBB2_8-.Ltmp4, $1  }
0xfe: {  	_ =	sdelay $0x3  }
.LBB2_4:
0xff: {  	s15 =	smul.u32 $0x7D0, s12  }
0x100: {  	s2 =	rddreg [dreg:$0x16]  }
0x101: {  	s15 =	sadd.s32 s2, s15  }
0x102: {  	s24 =	rddreg [dreg:$0x17];
	s15 =	sshrl.u32 s15, $0x3  }
0x103: {  	s21 =	sadd.s32 s24, s15  }
0x104: {  	[tilespmem:s6], [sflag:$0xD] =	stream.linear.gather [hbm4b:s21+s6], $0x7D0, $0x38;
	[tilespmem:$0x1C7F0] =	vst v63  }
0x105: {  	_ =	swait.ge [sflag:s19], $0x7D0  }
0x106: {  	[sflag:s19] =	ssyncset.done $0x0  }
0x107: {  	s2 =	sadd.s32 s25, s15;
	[sflag:s19] =	ssyncadd.s32 $0xFFFFF830  }
0x108: {  	[tilespmem:s20], [sflag:$0xD] =	stream.linear.gather [hbm4b:s2+s6], $0x7D0, $0x38;
	[tilespmem:$0x1C7F0] =	vst v63  }
0x109: {  	_ =	swait.ge [sflag:s19], $0x7D0  }
0x10a: {  	[sflag:s19] =	ssyncset.done $0x0  }
0x10b: {  	[sflag:s19] =	ssyncadd.s32 $0xFFFFF830  }
0x10c: {  	s22 =	rddreg [dreg:$0x1]  }
0x10d: {  	s24 =	simm.s32 $0xFA0;
	s15 =	sadd.s32 s22, s15  }
0x10e: {  	[tilespmem:s24], [sflag:$0xD] =	stream.linear.gather [hbm4b:s15+s6], $0x7D0, $0x38;
	[tilespmem:$0x1C7F0] =	vst v63  }
0x10f: {  	_ =	swait.ge [sflag:s19], $0x7D0  }
0x110: {  	[sflag:s19] =	ssyncset.done $0x0  }
0x111: {  	[sflag:s19] =	ssyncadd.s32 $0xFFFFF830  }
0x112: {  	[tilespmem:s13], [sflag:$0x1] =	stream.indirect.gather [hbm4b:s23+s26], $0x40, s6, s26, $0xb8;
	[tilespmem:$0x1C7F0] =	vst v63  }
0x113: {  	_ = 	snop  }
0x114: {  	[tilespmem:s28], [sflag:$0x4] =	stream.indirect.gather [hbm4b:s23+s26], $0x40, s20, s26, $0xb8;
	[tilespmem:$0x1C7F0] =	vst v63  }
0x115: {  	_ = 	snop  }
0x116: {  	[tilespmem:s29], [sflag:$0x2] =	stream.indirect.gather [hbm4b:s23+s26], $0x40, s26, s26, $0xb8;
	[tilespmem:$0x1C7F0] =	vst v63  }
0x117: {  	s21 =	simm.s32 $0x820  }
0x118: {  	[tilespmem:s31], [sflag:$0x5] =	stream.indirect.gather [hbm4b:s23+s26], $0x40, s21, s26, $0xb8;
	[tilespmem:$0x1C7F0] =	vst v63  }
0x119: {  	s22 =	simm.s32 $0xA0  }
0x11a: {  	[tilespmem:s0], [sflag:$0x3] =	stream.indirect.gather [hbm4b:s23+s26], $0x40, s22, s26, $0xb8;
	[tilespmem:$0x1C7F0] =	vst v63  }
0x11b: {  	s30 =	simm.s32 $0x0;
	s24 =	simm.s32 $0x870;
	s21 =	simm.s32 $0x0  }
0x11c: {  	[tilespmem:s3], [sflag:$0x6] =	stream.indirect.gather [hbm4b:s23+s26], $0x40, s24, s26, $0xb8;
	[tilespmem:$0x1C7F0] =	vst v63  }
.LBB2_5:
0x11d: {  	_ =	swait.ge [sflag:s4], $0x1400  }
0x11e: {  	s15 =	sshra.s32 s21, $0x2;
	[sflag:s4] =	ssyncset.done $0x0  }
0x11f: {  	p2 =	seq.s32 s21, $0x1E00;
	s2 =	sadd.s32 $0xFA0, s15;
	[sflag:s4] =	ssyncadd.s32 $0xFFFFEC00  }
0x120: {  	[spmem:s16] =	stream.indirect.scatter.add.f32 [tilespmem:s13], [sflag:$0x7], $0x40, s2, s26, $0xb8;
	[tilespmem:$0x1C7F0] =	vst v63  }
.Ltmp5:
0x121: {  	_ = 	snop;
	(pc) =	sbr.rel @p2 .LBB2_10-.Ltmp5, $4  }
0x122: {  	_ =	swait.ge [sflag:s5], $0x1400  }
0x123: {  	[sflag:s5] =	ssyncset.done $0x0  }
0x124: {  	[sflag:s5] =	ssyncadd.s32 $0xFFFFEC00  }
0x125: {  	[spmem:s17] =	stream.indirect.scatter.add.f32 [tilespmem:s28], [sflag:$0xA], $0x40, s2, s26, $0xb8;
	[tilespmem:$0x1C7F0] =	vst v63  }
0x126: {  	_ =	swait.ge [sflag:s8], $0x1400  }
0x127: {  	[sflag:s8] =	ssyncset.done $0x0  }
0x128: {  	s2 =	sadd.s32 $0xFF0, s15;
	[sflag:s8] =	ssyncadd.s32 $0xFFFFEC00  }
0x129: {  	[spmem:s16] =	stream.indirect.scatter.add.f32 [tilespmem:s29], [sflag:$0x8], $0x40, s2, s26, $0xb8;
	[tilespmem:$0x1C7F0] =	vst v63  }
0x12a: {  	_ =	swait.ge [sflag:s9], $0x1400  }
0x12b: {  	[sflag:s9] =	ssyncset.done $0x0  }
0x12c: {  	[sflag:s9] =	ssyncadd.s32 $0xFFFFEC00  }
0x12d: {  	[spmem:s17] =	stream.indirect.scatter.add.f32 [tilespmem:s31], [sflag:$0xB], $0x40, s2, s26, $0xb8;
	[tilespmem:$0x1C7F0] =	vst v63  }
0x12e: {  	_ =	swait.ge [sflag:s14], $0x1400  }
0x12f: {  	[sflag:s14] =	ssyncset.done $0x0  }
0x130: {  	[sflag:s14] =	ssyncadd.s32 $0xFFFFEC00  }
0x131: {  	_ =	swait.ge [sflag:s18], $0x1400  }
0x132: {  	[sflag:s18] =	ssyncset.done $0x0  }
0x133: {  	s24 =	sadd.s32 $0xF0, s15;
	[sflag:s18] =	ssyncadd.s32 $0xFFFFEC00  }
0x134: {  	[tilespmem:s13], [sflag:$0x1] =	stream.indirect.gather [hbm4b:s23+s26], $0x40, s24, s26, $0xb8;
	[tilespmem:$0x1C7F0] =	vst v63  }
0x135: {  	s22 =	sadd.s32 $0x8C0, s15  }
0x136: {  	[tilespmem:s28], [sflag:$0x4] =	stream.indirect.gather [hbm4b:s23+s26], $0x40, s22, s26, $0xb8;
	[tilespmem:$0x1C7F0] =	vst v63  }
0x137: {  	_ =	swait.ge [sflag:s10], $0x1400  }
0x138: {  	[sflag:s10] =	ssyncset.done $0x0  }
0x139: {  	s24 =	sadd.s32 $0x1040, s15;
	[sflag:s10] =	ssyncadd.s32 $0xFFFFEC00  }
0x13a: {  	[spmem:s16] =	stream.indirect.scatter.add.f32 [tilespmem:s0], [sflag:$0x9], $0x40, s24, s26, $0xb8;
	[tilespmem:$0x1C7F0] =	vst v63  }
0x13b: {  	_ =	swait.ge [sflag:s11], $0x1400  }
0x13c: {  	[sflag:s11] =	ssyncset.done $0x0  }
0x13d: {  	[sflag:s11] =	ssyncadd.s32 $0xFFFFEC00  }
0x13e: {  	[spmem:s17] =	stream.indirect.scatter.add.f32 [tilespmem:s3], [sflag:$0xC], $0x40, s24, s26, $0xb8;
	[tilespmem:$0x1C7F0] =	vst v63  }
0x13f: {  	_ =	swait.ge [sflag:s7], $0x1400  }
0x140: {  	[sflag:s7] =	ssyncset.done $0x0  }
0x141: {  	[sflag:s7] =	ssyncadd.s32 $0xFFFFEC00  }
0x142: {  	_ =	swait.ge [sflag:s1], $0x1400  }
0x143: {  	p2 =	sgt.u32 s30, $0x6;
	[sflag:s1] =	ssyncset.done $0x0  }
0x144: {  	s2 =	simm.s32 @p2 $0x9;
	[sflag:s1] =	ssyncadd.s32 $0xFFFFEC00  }
0x145: {  	_ =	swait.ge @p2 [sflag:s2], $0x1400  }
0x146: {  	[sflag:s2] =	ssyncset.done @p2 $0x0  }
0x147: {  	[sflag:s2] =	ssyncadd.s32 @p2 $0xFFFFEC00;
	s2 =	simm.s32 @p2 $0xC  }
0x148: {  	_ =	swait.ge @p2 [sflag:s2], $0x1400  }
0x149: {  	[sflag:s2] =	ssyncset.done @p2 $0x0  }
0x14a: {  	[sflag:s2] =	ssyncadd.s32 @p2 $0xFFFFEC00;
	s2 =	sshra.s32 @!p2 s21, $0x2  }
0x14b: {  	s22 =	simm.s32 @!p2 $0x50;
	s24 =	simm.s32 @!p2 $0x2B70;
	s15 =	sadd.s32 @!p2 $0x140, s2  }
0x14c: {  	[tilespmem:s24], [sflag:$0x2] =	stream.indirect.gather @!p2 [hbm4b:s23+s22], $0x40, s15, s22, $0xb8;
	[tilespmem:$0x1C7F0] =	vst v63  }
0x14d: {  	s15 =	sadd.s32 @!p2 $0x910, s2;
	s24 =	simm.s32 @!p2 $0x6770  }
0x14e: {  	[tilespmem:s24], [sflag:$0x5] =	stream.indirect.gather @!p2 [hbm4b:s23+s22], $0x40, s15, s22, $0xb8;
	[tilespmem:$0x1C7F0] =	vst v63  }
0x14f: {  	s15 =	simm.s32 @!p2 $0x9  }
0x150: {  	_ =	swait.ge @!p2 [sflag:s15], $0x1400  }
0x151: {  	[sflag:s15] =	ssyncset.done @!p2 $0x0  }
0x152: {  	[sflag:s15] =	ssyncadd.s32 @!p2 $0xFFFFEC00;
	s15 =	simm.s32 @!p2 $0xC  }
0x153: {  	_ =	swait.ge @!p2 [sflag:s15], $0x1400  }
0x154: {  	[sflag:s15] =	ssyncset.done @!p2 $0x0  }
0x155: {  	s24 =	simm.s32 @!p2 $0x3F70;
	[sflag:s15] =	ssyncadd.s32 @!p2 $0xFFFFEC00;
	s15 =	sadd.s32 @!p2 $0x190, s2  }
0x156: {  	[tilespmem:s24], [sflag:$0x3] =	stream.indirect.gather @!p2 [hbm4b:s23+s22], $0x40, s15, s22, $0xb8;
	[tilespmem:$0x1C7F0] =	vst v63  }
0x157: {  	s21 =	sadd.s32 $0x3C0, s21;
	s2 =	sadd.s32 @!p2 $0x960, s2;
	s15 =	simm.s32 @!p2 $0x7B70  }
0x158: {  	[tilespmem:s15], [sflag:$0x6] =	stream.indirect.gather @!p2 [hbm4b:s23+s22], $0x40, s2, s22, $0xb8;
	[tilespmem:$0x1C7F0] =	vst v63  }
0x159: {  	p2 =	sne.s32 s21, $0x21C0  }
.Ltmp6:
0x15a: {  	_ = 	snop;
	(pc) =	sbr.rel @p2 .LBB2_5-.Ltmp6, $4  }
.Ltmp7:
0x15b: {  	_ = 	snop;
	(pc) =	sbr.rel @!p2 .LBB2_7-.Ltmp7, $4  }
0x15c: {  	_ = 	snop  }
0x15d: {  	_ = 	snop  }
0x15e: {  	s30 =	sadd.s32 $0x1, s30  }
0x15f: {  	_ = 	snop  }
.LBB2_9:
0x160: {  	_ =	sfence.sel $0x180000  }
0x161: {  	[bflag:$0x0] =	sbarrier.arrive $0xFFFF  }
0x162: {  	_ =	strace $0x9000004D  }
0x163: {  	s0 =	stileid.u32;
	[bflag:$0x2] =	sbarrier.arrive $0xFFFF  }
0x164: {  	p0 =	sne.s32 s0, $0x0;
	s0 =	rddreg [dreg:$0x4]  }
0x165: {  	s0 =	sadd.s32 @!p0 $0x100000, s0  }
0x166: {  	[sflag:s0] =	ssyncadd.tile.s32 @!p0 $0x1;
	_ =	shalt  }
.Lfunc_end2:
_tile_overlayer_lowered:
.L_overlay_start_2:
0x167: {  	(tag) =	ssettag $0x2  }
0x168: {  	s0 =	rddreg [dreg:$0x0];
	s2 =	stileid.u32  }
0x169: {  	s1 =	rddreg [dreg:$0x1];
	p0 =	sne.s32 s2, $0x0  }
0x16a: {  	s3 =	rddreg [dreg:$0x2];
	[bflag:$0x3] =	sbarrier.arrive $0xFFFF;
	s2 =	simm.s32 @!p0 $0x1C0D  }
0x16b: {  	[timem:s3], [sflag:s2] =	dma.local @!p0 [hbm:s0], s1  }
0x16c: {  	s0 =	simm.s32 @!p0 $0xD  }
0x16d: {  	_ =	swait.ge @!p0 [sflag:s0], s1  }
0x16e: {  	s1 =	ssub.s32 @!p0 $0x0, s1;
	[sflag:s0] =	ssyncset.done @!p0 $0x0  }
0x16f: {  	[sflag:s0] =	ssyncadd.s32 @!p0 s1  }
0x170: {  	[bflag:$0x3] =	sbarrier.arrive $0xFFFF  }
0x171: {  	_ =	shalt  }

// kernel: kernel.19.cloned.1.call-start
scs
__scs_entry_jumppad:
0x0: {  	(pc) =	sbr.rel $0x88, $3  }
0x1: {  	(tag) =	ssettag $0x0;
	lr =	simm.s32 $0x1  }
0x2: {  	[smem:$0x3F99] =	sst lr;
	_ =	strace $0xD0000000  }
0x3: {  	_ = 	snop  }
0x4: {  	_ = 	snop  }
0x5: {  	_ = 	snop  }
0x6: {  	_ = 	snop  }
0x7: {  	_ = 	snop  }
__scs_overlays_trampoline_lowered:
0x8: {  	[smem:$0x3FA8] =	sst s0  }
0x9: {  	[smem:$0x3FA9] =	sst s1  }
0xa: {  	[smem:$0x3FAA] =	sst s2  }
0xb: {  	[smem:$0x3FAB] =	sst s3  }
0xc: {  	[smem:$0x3FAC] =	sst s4  }
0xd: {  	[smem:$0x3FAD] =	sst s5  }
0xe: {  	[smem:$0x3FAE] =	sst s6  }
0xf: {  	[smem:$0x3FAF] =	sst s7  }
0x10: {  	[smem:$0x3FB0] =	sst s8  }
0x11: {  	[smem:$0x3FB1] =	sst s9;
	s0 =	simm.s32 @!p0 $0x0  }
0x12: {  	s1 =	sld [smem:$0x3F97];
	s0 =	simm.s32 @p0 $0x1  }
0x13: {  	[smem:$0x3FB2] =	sst s0;
	s0 =	simm.s32 @!p1 $0x0  }
0x14: {  	s2 =	sld [smem:$0x3F96];
	s0 =	simm.s32 @p1 $0x1  }
0x15: {  	[smem:$0x3FB3] =	sst s0;
	s0 =	simm.s32 @!p2 $0x0  }
0x16: {  	s3 =	sld [smem:$0x3FDB];
	s0 =	simm.s32 @p2 $0x1  }
0x17: {  	s4 =	simm.s32 $0x1BF5;
	[smem:$0x3FB5] =	sst s0  }
0x18: {  	s0 =	sld [smem:$0x3F98];
	_ =	swait.ge [sflag:s4], $0x0  }
0x19: {  	s7 =	sld [smem:$0x3F99]  }
0x1a: {  	s8 =	sadd.s32 $0xFFFFE003, lr  }
0x1b: {  	s9 =	sadd.s32 $0xFFFFFEF7, lr;
	s5 =	simm.s32 $0xFFFFFFFF;
	p2 =	slt.u32 s8, $0xFFFFF086  }
0x1c: {  	p1 =	slt.u32 s9, $0xF7A;
	s5 =	simm.s32 @!p2 $0x0  }
0x1d: {  	s5 =	simm.s32 @p1 $0x1;
	p0 =	seq.s32 s7, s2  }
0x1e: {  	s7 =	smul.u32 @!p0 $0xF7A, s2;
	p2 =	seq.s32 @!p0 s5, $0x0  }
0x1f: {  	s9 =	smul.u32 $0xF7A, s1;
	s8 =	simm.s32 @!p0 $0x1BF5;
	p2 =	por !p2, p0  }
0x20: {  	[sflag:s8] =	ssyncset.s32 @!p0 $0xFFFFF086;
	s6 =	sadd.s32 @!p0 s3, s7;
	s7 =	simm.s32 @!p0 $0x108  }
0x21: {  	s3 =	sadd.s32 s3, s9;
	s6 =	sadd.s32 @!p0 $0x88, s6;
	s7 =	simm.s32 @p2 $0x1082  }
0x22: {  	[simem:s7], [sflag:s8] =	dma.local @!p0 [hbm:s6], $0xF7A  }
0x23: {  	s9 =	sor.u32 $0xD0000000, s2;
	s6 =	simm.s32 $0x108;
	_ =	swait.ge @!p0 [sflag:s8], $0x0  }
0x24: {  	s3 =	sadd.s32 $0x88, s3;
	s6 =	simm.s32 @!p1 $0x1082;
	[sflag:s4] =	ssyncset.s32 $0xFFFFF086  }
0x25: {  	[simem:s6], [sflag:s4] =	dma.local [hbm:s3], $0xF7A  }
0x26: {  	[smem:$0x3F99] =	sst s1;
	(tag) =	ssettag s2;
	_ =	strace s9  }
0x27: {  	s1 =	sld [smem:$0x3FA9]  }
0x28: {  	s2 =	sld [smem:$0x3FAA]  }
0x29: {  	s4 =	sld [smem:$0x3FAC]  }
0x2a: {  	p0 =	seq.s32 s5, $0x0;
	s5 =	sld [smem:$0x3FAD]  }
0x2b: {  	s6 =	sld [smem:$0x3FAE]  }
0x2c: {  	s7 =	sld [smem:$0x3FAF]  }
0x2d: {  	s3 =	simm.s32 $0x108;
	s8 =	sld [smem:$0x3FB0]  }
0x2e: {  	s3 =	simm.s32 @!p0 $0x1082;
	s9 =	sld [smem:$0x3FB1]  }
0x2f: {  	lr =	sadd.s32 s0, s3;
	s0 =	sld [smem:$0x3FA8]  }
0x30: {  	s3 =	sld [smem:$0x3FAB]  }
0x31: {  	[smem:$0x3FB4] =	sst s10  }
0x32: {  	s10 =	sld [smem:$0x3FB2];
	_ =	sdelay $0x3  }
0x33: {  	p0 =	seq.s32 s10, $0x1;
	s10 =	sld [smem:$0x3FB4];
	_ =	sdelay $0x3  }
0x34: {  	[smem:$0x3FB4] =	sst s10  }
0x35: {  	s10 =	sld [smem:$0x3FB3];
	_ =	sdelay $0x3  }
0x36: {  	p1 =	seq.s32 s10, $0x1;
	s10 =	sld [smem:$0x3FB4];
	_ =	sdelay $0x3  }
0x37: {  	[smem:$0x3FB4] =	sst s10  }
0x38: {  	s10 =	sld [smem:$0x3FB5]  }
0x39: {  	_ = 	snop;
	(pc) =	sbr.ind lr, $3  }
0x3a: {  	_ = 	snop  }
0x3b: {  	_ = 	snop  }
0x3c: {  	p2 =	seq.s32 s10, $0x1;
	s10 =	sld [smem:$0x3FB4]  }
0x3d: {  	_ =	shalt  }
0x3e: {  	_ =	shalt  }
0x3f: {  	_ =	shalt  }
0x40: {  	_ =	shalt  }
0x41: {  	_ =	shalt  }
0x42: {  	_ =	shalt  }
0x43: {  	_ =	shalt  }
0x44: {  	_ =	shalt  }
0x45: {  	_ =	shalt  }
0x46: {  	_ =	shalt  }
0x47: {  	_ =	shalt  }
0x48: {  	_ =	shalt  }
0x49: {  	_ =	shalt  }
0x4a: {  	_ =	shalt  }
0x4b: {  	_ =	shalt  }
0x4c: {  	_ =	shalt  }
0x4d: {  	_ =	shalt  }
0x4e: {  	_ =	shalt  }
0x4f: {  	_ =	shalt  }
0x50: {  	_ =	shalt  }
0x51: {  	_ =	shalt  }
0x52: {  	_ =	shalt  }
0x53: {  	_ =	shalt  }
0x54: {  	_ =	shalt  }
0x55: {  	_ =	shalt  }
0x56: {  	_ =	shalt  }
0x57: {  	_ =	shalt  }
0x58: {  	_ =	shalt  }
0x59: {  	_ =	shalt  }
0x5a: {  	_ =	shalt  }
0x5b: {  	_ =	shalt  }
0x5c: {  	_ =	shalt  }
0x5d: {  	_ =	shalt  }
0x5e: {  	_ =	shalt  }
0x5f: {  	_ =	shalt  }
0x60: {  	_ =	shalt  }
0x61: {  	_ =	shalt  }
0x62: {  	_ =	shalt  }
0x63: {  	_ =	shalt  }
0x64: {  	_ =	shalt  }
0x65: {  	_ =	shalt  }
0x66: {  	_ =	shalt  }
0x67: {  	_ =	shalt  }
0x68: {  	_ =	shalt  }
0x69: {  	_ =	shalt  }
0x6a: {  	_ =	shalt  }
0x6b: {  	_ =	shalt  }
0x6c: {  	_ =	shalt  }
0x6d: {  	_ =	shalt  }
0x6e: {  	_ =	shalt  }
0x6f: {  	_ =	shalt  }
0x70: {  	_ =	shalt  }
0x71: {  	_ =	shalt  }
0x72: {  	_ =	shalt  }
0x73: {  	_ =	shalt  }
0x74: {  	_ =	shalt  }
0x75: {  	_ =	shalt  }
0x76: {  	_ =	shalt  }
0x77: {  	_ =	shalt  }
0x78: {  	_ =	shalt  }
0x79: {  	_ =	shalt  }
0x7a: {  	_ =	shalt  }
0x7b: {  	_ =	shalt  }
0x7c: {  	_ =	shalt  }
0x7d: {  	_ =	shalt  }
0x7e: {  	_ =	shalt  }
0x7f: {  	_ =	shalt  }
0x80: {  	_ =	shalt  }
0x81: {  	_ =	shalt  }
0x82: {  	_ =	shalt  }
0x83: {  	_ =	shalt  }
0x84: {  	_ =	shalt  }
0x85: {  	_ =	shalt  }
0x86: {  	_ =	shalt  }
0x87: {  	_ =	shalt  }
.Lfunc_end0:
.L_simem_size_0:
called_computation.3_lowered:
.L_overlay_start_0:
0x88: {  	s2 =	sld [smem:$0x3FD9]  }
0x89: {  	s3 =	sld [smem:$0x3FFE];
	_ =	sdelay $0x1  }
0x8a: {  	s1 =	srdreg.scid  }
0x8b: {  	s0 =	sand.u32 $0x1, s1  }
0x8c: {  	s17 =	sshll.u32 s0, $0xA;
	s2 =	sadd.s32 s3, s2  }
0x8d: {  	s2 =	sadd.s32 s2, s17  }
0x8e: {  	[smem:$0x3FC0] =	sst s2  }
0x8f: {  	_ = 	snop  }
0x90: {  	s2 =	sld [smem:$0x3FD0];
	(tm) =	ssettm $0x1  }
0x91: {  	s18 =	sld [smem:$0x3FFB];
	_ =	sdelay $0x3  }
0x92: {  	_ =	strace s18  }
0x93: {  	s3 =	sld [smem:$0x3FFC];
	_ =	sdelay $0x3  }
0x94: {  	_ =	strace s3  }
0x95: {  	s3 =	sld [smem:$0x3FFD];
	_ =	sdelay $0x3  }
0x96: {  	_ =	strace s3  }
0x97: {  	_ =	strace $0x8FFFFFFF  }
0x98: {  	s19 =	sld [smem:$0x3FDB];
	_ =	sdelay $0x1  }
0x99: {  	s4 =	simm.s32 $_scs_section_size  }
0x9a: {  	s5 =	simm.s32 $_size__tile_overlayer_lowered;
	s6 =	simm.s32 $_tile_overlayer_lowered  }
0x9b: {  	s22 =	simm.s32 $0x1BFF;
	s21 =	sshll.u32 s6, $0x1;
	s3 =	sadd.s32 s4, s19  }
0x9c: {  	s7 =	simm.s32 $0x0;
	s20 =	sshll.u32 s5, $0x1;
	s5 =	sadd.s32 s21, s3  }
0x9d: {  	[timem:s7], [sflag:s22] =	dma.local [hbm:s5], s20  }
0x9e: {  	_ =	swait.ge [sflag:s22], s20  }
0x9f: {  	s4 =	ssub.s32 $0x0, s20;
	[sflag:s22] =	ssyncset.done $0x0  }
0xa0: {  	[sflag:s22] =	ssyncadd.s32 s4;
	_ =	sdelay $0x1  }
0xa1: {  	s23 =	simm.s32 $0x1B8B  }
0xa2: {  	_ =	swait.ge [sflag:s23], $0x1  }
0xa3: {  	[sflag:s23] =	ssyncset.done $0x0  }
0xa4: {  	s25 =	simm.s32 $0x1B8E;
	s24 =	sld [smem:$0x3FFE];
	[sflag:s23] =	ssyncadd.s32 $0xFFFFFFFF  }
0xa5: {  	s26 =	simm.s32 $execute0_lowered;
	[smem:$0x3FD2] =	sst s25  }
0xa6: {  	s5 =	sshll.u32 s26, $0x1;
	_ =	strace $0x8000004F;
	[dreg:$0x1] =	wrdreg $0xFFFFFFFF  }
0xa7: {  	s28 =	simm.s32 $_size_execute0_lowered;
	s3 =	sadd.s32 s3, s5;
	[dreg:$0x0] =	wrdreg $0x0  }
0xa8: {  	s5 =	sshll.u32 s28, $0x1;
	[dreg:$0x2] =	wrdreg s3  }
0xa9: {  	[dreg:$0x3] =	wrdreg s5  }
0xaa: {  	[dreg:$0x4] =	wrdreg $0xC0  }
0xab: {  	_ =	task [dreg:s7], $0x5FFFF  }
0xac: {  	[dreg:$0x1] =	wrdreg $0xFFFFFFFF  }
0xad: {  	[dreg:$0x0] =	wrdreg $0x60  }
0xae: {  	[dreg:$0x2] =	wrdreg s24  }
0xaf: {  	[dreg:$0x3] =	wrdreg s2  }
0xb0: {  	[dreg:$0x4] =	wrdreg $0x7B200  }
0xb1: {  	[dreg:$0x5] =	wrdreg $0x9  }
0xb2: {  	_ =	task.clear_ibuf [dreg:s7], $0x6FFFF;
	_ =	strace $0x9000004F  }
0xb3: {  	s29 =	simm.s32 $0x9;
	_ =	strace $0x80000051  }
0xb4: {  	_ =	swait.ge [sflag:s29], $0x1  }
0xb5: {  	[sflag:s29] =	ssyncadd.s32 $0xFFFFFFFF  }
0xb6: {  	_ =	strace $0x90000051  }
0xb7: {  	_ =	sfence  }
0xb8: {  	s30 =	sld [smem:$0x0];
	_ =	sdelay $0x2  }
0xb9: {  	s31 =	sshll.u32 s1, $0xD;
	s1 =	sshrl.u32 s1, $0x2  }
0xba: {  	s3 =	sand.u32 $0x4000, s31;
	s1 =	sadd.s32 s1, s30  }
0xbb: {  	s0 =	sor.u32 s3, s0;
	s1 =	sshll.u32 s1, $0x11  }
0xbc: {  	s0 =	sor.u32 s1, s0  }
0xbd: {  	s0 =	sadd.s32 $0x8F2B, s0  }
0xbe: {  	[sflag:s0] =	ssyncadd.remote.s32 $0x1  }
0xbf: {  	_ =	sfence.sel $0xFFFF  }
0xc0: {  	[dreg:$0x0] =	wrdreg $0xFFFFFFFF;
	(pc) =	sbr.abs _section_cstart, $3  }
0xc1: {  	[dreg:$0x1] =	wrdreg $0xFFFFFFFF  }
0xc2: {  	_ =	task.clear_ibuf [dreg:s7], $0x2FFFF;
	_ =	strace $0x9FFFFFFF  }
0xc3: {  	(tm) =	ssettm $0x7FFFFFFF  }
tec
execute0_lowered:
.L_overlay_start_1:
0x0: {  	(tag) =	ssettag $0x1  }
0x1: {  	s0 =	srdreg.scid  }
0x2: {  	s30 =	stileid.u32;
	s4 =	rddreg [dreg:$0x0];
	s0 =	sand.u32 $0x1, s0  }
0x3: {  	s2 =	sshll.u32 s30, $0x1;
	s12 =	sor.u32 $0x30, s30;
	s8 =	smul.u32 $0x75300, s0  }
0x4: {  	s2 =	sor.u32 s0, s2;
	s3 =	ssub.s32 $0x2, s0;
	s0 =	smul.u32 $0xF00, s30  }
0x5: {  	s1 =	simm.s32 $0x0;
	s14 =	sor.u32 $0x40, s30;
	s24 =	smul.u32 $0xF00, s12  }
0x6: {  	[smem:$0x7FF] =	sst s1;
	s15 =	sor.u32 $0x50, s30;
	s25 =	smul.u32 $0xF00, s14  }
0x7: {  	s6 =	sadd.s32 $0x1BA00, s4;
	s20 =	sor.u32 $0x70, s30;
	s26 =	smul.u32 $0xF00, s15  }
0x8: {  	s10 =	sor.u32 $0x10, s30;
	s11 =	sor.u32 $0x20, s30;
	s29 =	smul.u32 $0xF00, s20  }
0x9: {  	p1 =	sgt.u32 s30, $0xC;
	s5 =	smul.u32 $0x4E2, s2;
	s16 =	sshrl.u32 s3, $0x1  }
0xa: {  	p0 =	sgt.u32 s20, $0x7C;
	s2 =	smul.u32 $0xF00, s10;
	s7 =	ssub.s32 s3, s16  }
0xb: {  	s16 =	sor.u32 $0x60, s30;
	s17 =	sadd.s32 s8, s0;
	s3 =	smul.u32 $0xF00, s11  }
0xc: {  	s22 =	sadd.s32 s8, s25;
	s23 =	sadd.s32 s8, s26;
	s9 =	sshrl.u32 s17, $0x3  }
0xd: {  	s18 =	sadd.s32 s8, s2;
	s17 =	sadd.s32 s8, s24;
	s28 =	smul.u32 $0xF00, s16  }
0xe: {  	s9 =	sadd.s32 s6, s9;
	s13 =	sadd.s32 s8, s3;
	s21 =	sshrl.u32 s17, $0x3  }
0xf: {  	s17 =	sshrl.u32 s23, $0x3;
	s23 =	smul.u32 $0x3C00, s10;
	s10 =	smax.u32 s7, $0x1  }
0x10: {  	[dreg:$0x4] =	wrdreg s9;
	s9 =	sshrl.u32 s18, $0x3;
	s17 =	sadd.s32 s6, s17  }
0x11: {  	s13 =	sshrl.u32 s13, $0x3;
	s9 =	sadd.s32 s6, s9;
	[dreg:$0x9] =	wrdreg s17  }
0x12: {  	s7 =	simm.s32 $0x1;
	s19 =	sadd.s32 s6, s13;
	[dreg:$0x5] =	wrdreg s9  }
0x13: {  	s18 =	sadd.s32 s8, s28;
	s8 =	sadd.s32 s8, s29;
	[dreg:$0x6] =	wrdreg s19  }
0x14: {  	s13 =	sshrl.u32 s22, $0x3;
	s9 =	sadd.s32 s6, s21;
	s19 =	rddreg [dreg:$0x1]  }
0x15: {  	s8 =	sshrl.u32 s8, $0x3;
	s13 =	sadd.s32 s6, s13;
	[dreg:$0x7] =	wrdreg s9  }
0x16: {  	s21 =	sshrl.u32 s18, $0x3;
	s18 =	smul.u32 $0x3C00, s12;
	[dreg:$0x8] =	wrdreg s13  }
0x17: {  	s9 =	rddreg [dreg:$0x2];
	s17 =	sadd.s32 s6, s21;
	s6 =	sadd.s32 s6, s8  }
0x18: {  	s22 =	sadd.s32 s19, s5;
	s5 =	sadd.s32 s5, s4;
	s8 =	smul.u32 $0x3C00, s30  }
0x19: {  	s13 =	sadd.s32 $0xCE00, s4;
	s21 =	smul.u32 $0x3C00, s14;
	[dreg:$0xa] =	wrdreg s17  }
0x1a: {  	[dreg:$0xb] =	wrdreg s6;
	s5 =	sadd.s32 $0x3000, s5;
	s17 =	smul.u32 $0x3C00, s11  }
0x1b: {  	s6 =	sshrl.u32 s23, $0x2;
	s23 =	smul.u32 $0x3C00, s15;
	s0 =	sadd.s32 s0, s9  }
0x1c: {  	s2 =	sadd.s32 s2, s9;
	_ =	strace $0x80000050;
	[dreg:$0xc] =	wrdreg s22  }
0x1d: {  	s3 =	sadd.s32 s3, s9;
	s14 =	sadd.s32 s24, s9;
	[dreg:$0xd] =	wrdreg s5  }
0x1e: {  	s15 =	sadd.s32 s25, s9;
	[dreg:$0xe] =	wrdreg s10;
	s4 =	sshrl.u32 s8, $0x2  }
0x1f: {  	s19 =	sadd.s32 s6, s9;
	s22 =	sshrl.u32 s18, $0x2;
	s8 =	smul.u32 $0x3C00, s16  }
0x20: {  	s10 =	smul.u32 $0x3C00, s20;
	s16 =	sadd.s32 s26, s9;
	s24 =	sshrl.u32 s0, $0x3  }
0x21: {  	s25 =	sshrl.u32 s2, $0x3;
	s26 =	sshrl.u32 s3, $0x3;
	s0 =	simm.s32 $0x4E20  }
0x22: {  	s2 =	simm.s32 $0x4;
	s3 =	simm.s32 $0x7;
	s6 =	simm.s32 $0x6C20  }
0x23: {  	s4 =	sadd.s32 s4, s9;
	[dreg:$0x10] =	wrdreg s19;
	s5 =	sshrl.u32 s17, $0x2  }
0x24: {  	s19 =	sadd.s32 s22, s9;
	s11 =	sshrl.u32 s23, $0x2;
	s17 =	sadd.s32 s28, s9  }
0x25: {  	s28 =	sshrl.u32 s14, $0x3;
	s30 =	sshrl.u32 s16, $0x3;
	s14 =	simm.s32 $0x6  }
0x26: {  	[dreg:$0xf] =	wrdreg s4;
	s18 =	sadd.s32 s5, s9;
	s4 =	sshrl.u32 s21, $0x2  }
0x27: {  	s5 =	sshrl.u32 s8, $0x2;
	s21 =	sadd.s32 s11, s9;
	s12 =	sshrl.u32 s10, $0x2  }
0x28: {  	s8 =	sadd.s32 s29, s9;
	s29 =	sshrl.u32 s15, $0x3;
	s31 =	sshrl.u32 s17, $0x3  }
0x29: {  	s10 =	simm.s32 $0x2;
	s11 =	simm.s32 $0x3;
	s20 =	sadd.s32 s4, s9  }
0x2a: {  	s22 =	sadd.s32 s5, s9;
	s23 =	sadd.s32 s12, s9;
	s8 =	sshrl.u32 @!p0 s8, $0x3  }
0x2b: {  	v0 =	vimm.f32 $0.0e+00;
	s4 =	simm.s32 $0x50;
	s5 =	simm.s32 $0x5D20;
	s12 =	simm.s32 $0x5  }
.LBB2_1:
0x2c: {  	s15 =	simm.s32 $0xC0;
	s16 =	simm.s32 $0x0  }
.LBB2_2:
0x2d: {  	p2 =	sne.s32 s15, $0x3B40;
	[tilespmem:s16+$0x4E40] =	vst v0;
	s17 =	smov.u32 s15;
	s15 =	sadd.s32 $0xC0, s15  }
.Ltmp0:
0x2e: {  	[tilespmem:s16+$0x4E20] =	vst v0;
	(pc) =	sbr.rel @p2 .LBB2_2-.Ltmp0, $2  }
0x2f: {  	[tilespmem:s16+$0x4E30] =	vst v0;
	_ =	sdelay $0x2  }
0x30: {  	s16 =	sshra.s32 s17, $0x2  }
0x31: {  	[tilespmem:s16+$0x4E40] =	vst v0  }
0x32: {  	[tilespmem:s16+$0x4E20] =	vst v0  }
0x33: {  	[tilespmem:s16+$0x4E30] =	vst v0;
	s15 =	rddreg [dreg:$0xf]  }
0x34: {  	[spmem:s15] =	stream.linear.scatter [tilespmem:s0], [sflag:$0x4], $0xF00, $0x38;
	[tilespmem:$0xF050] =	vst v63  }
0x35: {  	s16 =	rddreg [dreg:$0x10]  }
0x36: {  	[spmem:s16] =	stream.linear.scatter [tilespmem:s0], [sflag:$0x4], $0xF00, $0x38;
	[tilespmem:$0xF050] =	vst v63  }
0x37: {  	_ = 	snop  }
0x38: {  	[spmem:s18] =	stream.linear.scatter [tilespmem:s0], [sflag:$0x4], $0xF00, $0x38;
	[tilespmem:$0xF050] =	vst v63  }
0x39: {  	_ = 	snop  }
0x3a: {  	[spmem:s19] =	stream.linear.scatter [tilespmem:s0], [sflag:$0x4], $0xF00, $0x38;
	[tilespmem:$0xF050] =	vst v63  }
0x3b: {  	_ = 	snop  }
0x3c: {  	[spmem:s20] =	stream.linear.scatter [tilespmem:s0], [sflag:$0x4], $0xF00, $0x38;
	[tilespmem:$0xF050] =	vst v63  }
0x3d: {  	_ = 	snop  }
0x3e: {  	[spmem:s21] =	stream.linear.scatter [tilespmem:s0], [sflag:$0x4], $0xF00, $0x38;
	[tilespmem:$0xF050] =	vst v63  }
0x3f: {  	_ = 	snop  }
0x40: {  	[spmem:s22] =	stream.linear.scatter [tilespmem:s0], [sflag:$0x4], $0xF00, $0x38;
	[tilespmem:$0xF050] =	vst v63  }
0x41: {  	s15 =	simm.s32 @!p0 $0x4E20  }
0x42: {  	[spmem:s23] =	stream.linear.scatter @!p0 [tilespmem:s15], [sflag:$0x4], $0xF00, $0x38;
	[tilespmem:$0xF050] =	vst v63  }
0x43: {  	_ =	swait.ge [sflag:s2], $0xF00  }
0x44: {  	[sflag:s2] =	ssyncset.done $0x0  }
0x45: {  	[sflag:s2] =	ssyncadd.s32 $0xFFFFF100  }
0x46: {  	_ =	swait.ge [sflag:s2], $0xF00  }
0x47: {  	[sflag:s2] =	ssyncset.done $0x0  }
0x48: {  	[sflag:s2] =	ssyncadd.s32 $0xFFFFF100  }
0x49: {  	_ =	swait.ge [sflag:s2], $0xF00  }
0x4a: {  	[sflag:s2] =	ssyncset.done $0x0  }
0x4b: {  	[sflag:s2] =	ssyncadd.s32 $0xFFFFF100  }
0x4c: {  	_ =	swait.ge [sflag:s2], $0xF00  }
0x4d: {  	[sflag:s2] =	ssyncset.done $0x0  }
0x4e: {  	[sflag:s2] =	ssyncadd.s32 $0xFFFFF100  }
0x4f: {  	_ =	swait.ge [sflag:s2], $0xF00  }
0x50: {  	[sflag:s2] =	ssyncset.done $0x0  }
0x51: {  	[sflag:s2] =	ssyncadd.s32 $0xFFFFF100  }
0x52: {  	_ =	swait.ge [sflag:s2], $0xF00  }
0x53: {  	[sflag:s2] =	ssyncset.done $0x0  }
0x54: {  	[sflag:s2] =	ssyncadd.s32 $0xFFFFF100  }
0x55: {  	_ =	swait.ge [sflag:s2], $0xF00  }
0x56: {  	[sflag:s2] =	ssyncset.done $0x0  }
0x57: {  	s15 =	simm.s32 @!p1 $0x4;
	[sflag:s2] =	ssyncadd.s32 $0xFFFFF100  }
0x58: {  	_ =	swait.ge @!p1 [sflag:s15], $0xF00  }
0x59: {  	[sflag:s15] =	ssyncset.done @!p1 $0x0  }
0x5a: {  	[sflag:s15] =	ssyncadd.s32 @!p1 $0xFFFFF100  }
0x5b: {  	[bflag:$0x0] =	sbarrier.arrive $0xFFFF  }
0x5c: {  	s15 =	simm.s32 $0x0;
	s17 =	rddreg [dreg:$0xd]  }
0x5d: {  	[tilespmem:s15], [sflag:$0x7] =	stream.linear.gather [hbm4b:s17+s15], $0x2710, $0x38;
	[tilespmem:$0xF050] =	vst v63  }
0x5e: {  	_ =	swait.ge [sflag:s3], $0x2710  }
0x5f: {  	[sflag:s3] =	ssyncset.done $0x0  }
0x60: {  	s17 =	simm.s32 $0x2710;
	s16 =	rddreg [dreg:$0xc];
	[sflag:s3] =	ssyncadd.s32 $0xFFFFD8F0  }
0x61: {  	[tilespmem:s17], [sflag:$0x7] =	stream.linear.gather [hbm4b:s16+s15], $0x2710, $0x38;
	[tilespmem:$0xF050] =	vst v63  }
0x62: {  	_ =	swait.ge [sflag:s3], $0x2710  }
0x63: {  	[sflag:s3] =	ssyncset.done $0x0  }
0x64: {  	[sflag:s3] =	ssyncadd.s32 $0xFFFFD8F0  }
0x65: {  	[tilespmem:s0], [sflag:$0x1] =	stream.indirect.gather [hbm4b:s13+s4], $0x30, s15, s4, $0xb8;
	[tilespmem:$0xF050] =	vst v63  }
0x66: {  	_ = 	snop  }
0x67: {  	[tilespmem:s5], [sflag:$0x2] =	stream.indirect.gather [hbm4b:s13+s4], $0x30, s4, s4, $0xb8;
	[tilespmem:$0xF050] =	vst v63  }
0x68: {  	s16 =	simm.s32 $0xA0  }
0x69: {  	[tilespmem:s6], [sflag:$0x3] =	stream.indirect.gather [hbm4b:s13+s4], $0x30, s16, s4, $0xb8;
	[tilespmem:$0xF050] =	vst v63  }
0x6a: {  	_ =	swait.ge [sflag:s7], $0xF00  }
0x6b: {  	[sflag:s7] =	ssyncset.done $0x0  }
0x6c: {  	s17 =	simm.s32 $0x2710;
	[sflag:s7] =	ssyncadd.s32 $0xFFFFF100  }
0x6d: {  	[spmem:s9] =	stream.indirect.scatter.add.f32 [tilespmem:s0], [sflag:$0x4], $0x30, s17, s4, $0xb8;
	[tilespmem:$0xF050] =	vst v63  }
0x6e: {  	_ =	swait.ge [sflag:s10], $0xF00  }
0x6f: {  	[sflag:s10] =	ssyncset.done $0x0  }
0x70: {  	s16 =	simm.s32 $0x2760;
	[sflag:s10] =	ssyncadd.s32 $0xFFFFF100  }
0x71: {  	[spmem:s9] =	stream.indirect.scatter.add.f32 [tilespmem:s5], [sflag:$0x5], $0x30, s16, s4, $0xb8;
	[tilespmem:$0xF050] =	vst v63  }
0x72: {  	_ =	swait.ge [sflag:s2], $0xF00  }
0x73: {  	[sflag:s2] =	ssyncset.done $0x0  }
0x74: {  	s17 =	simm.s32 $0xF0;
	[sflag:s2] =	ssyncadd.s32 $0xFFFFF100  }
0x75: {  	[tilespmem:s0], [sflag:$0x1] =	stream.indirect.gather [hbm4b:s13+s4], $0x30, s17, s4, $0xb8;
	[tilespmem:$0xF050] =	vst v63  }
0x76: {  	_ =	swait.ge [sflag:s11], $0xF00  }
0x77: {  	[sflag:s11] =	ssyncset.done $0x0  }
0x78: {  	s16 =	simm.s32 $0x27B0;
	[sflag:s11] =	ssyncadd.s32 $0xFFFFF100  }
0x79: {  	[spmem:s9] =	stream.indirect.scatter.add.f32 [tilespmem:s6], [sflag:$0x6], $0x30, s16, s4, $0xb8;
	[tilespmem:$0xF050] =	vst v63  }
0x7a: {  	_ =	swait.ge [sflag:s12], $0xF00  }
0x7b: {  	[sflag:s12] =	ssyncset.done $0x0  }
0x7c: {  	s17 =	simm.s32 $0x140;
	[sflag:s12] =	ssyncadd.s32 $0xFFFFF100  }
0x7d: {  	[tilespmem:s5], [sflag:$0x2] =	stream.indirect.gather [hbm4b:s13+s4], $0x30, s17, s4, $0xb8;
	[tilespmem:$0xF050] =	vst v63  }
0x7e: {  	_ =	swait.ge [sflag:s14], $0xF00  }
0x7f: {  	[sflag:s14] =	ssyncset.done $0x0  }
0x80: {  	s15 =	simm.s32 $0x3C0;
	s16 =	simm.s32 $0x190;
	[sflag:s14] =	ssyncadd.s32 $0xFFFFF100  }
.LBB2_4:
0x81: {  	[tilespmem:s6], [sflag:$0x3] =	stream.indirect.gather [hbm4b:s13+s4], $0x30, s16, s4, $0xb8;
	[tilespmem:$0xF050] =	vst v63  }
0x82: {  	s16 =	smov.u32 s15;
	s15 =	sadd.s32 $0x3C0, s15;
	_ =	swait.ge [sflag:s7], $0xF00  }
0x83: {  	s16 =	sshra.s32 s16, $0x2;
	p2 =	sne.s32 s15, $0x9600;
	[sflag:s7] =	ssyncset.done $0x0  }
0x84: {  	s17 =	sadd.s32 $0x2710, s16;
	[sflag:s7] =	ssyncadd.s32 $0xFFFFF100  }
0x85: {  	[spmem:s9] =	stream.indirect.scatter.add.f32 [tilespmem:s0], [sflag:$0x4], $0x30, s17, s4, $0xb8;
	[tilespmem:$0xF050] =	vst v63  }
0x86: {  	_ =	swait.ge [sflag:s10], $0xF00  }
0x87: {  	[sflag:s10] =	ssyncset.done $0x0  }
0x88: {  	s17 =	sadd.s32 $0x2760, s16;
	[sflag:s10] =	ssyncadd.s32 $0xFFFFF100  }
0x89: {  	[spmem:s9] =	stream.indirect.scatter.add.f32 [tilespmem:s5], [sflag:$0x5], $0x30, s17, s4, $0xb8;
	[tilespmem:$0xF050] =	vst v63  }
0x8a: {  	_ =	swait.ge [sflag:s2], $0xF00  }
0x8b: {  	[sflag:s2] =	ssyncset.done $0x0  }
0x8c: {  	s17 =	sadd.s32 $0xF0, s16;
	[sflag:s2] =	ssyncadd.s32 $0xFFFFF100  }
0x8d: {  	[tilespmem:s0], [sflag:$0x1] =	stream.indirect.gather [hbm4b:s13+s4], $0x30, s17, s4, $0xb8;
	[tilespmem:$0xF050] =	vst v63  }
0x8e: {  	_ =	swait.ge [sflag:s11], $0xF00  }
0x8f: {  	[sflag:s11] =	ssyncset.done $0x0  }
0x90: {  	s17 =	sadd.s32 $0x27B0, s16;
	[sflag:s11] =	ssyncadd.s32 $0xFFFFF100  }
0x91: {  	[spmem:s9] =	stream.indirect.scatter.add.f32 [tilespmem:s6], [sflag:$0x6], $0x30, s17, s4, $0xb8;
	[tilespmem:$0xF050] =	vst v63  }
0x92: {  	_ =	swait.ge [sflag:s12], $0xF00  }
0x93: {  	[sflag:s12] =	ssyncset.done $0x0  }
.Ltmp1:
0x94: {  	s17 =	sadd.s32 $0x140, s16;
	[sflag:s12] =	ssyncadd.s32 $0xFFFFF100;
	(pc) =	sbr.rel @p2 .LBB2_4-.Ltmp1, $4  }
0x95: {  	[tilespmem:s5], [sflag:$0x2] =	stream.indirect.gather [hbm4b:s13+s4], $0x30, s17, s4, $0xb8;
	[tilespmem:$0xF050] =	vst v63  }
0x96: {  	_ =	swait.ge [sflag:s14], $0xF00  }
0x97: {  	[sflag:s14] =	ssyncset.done $0x0  }
0x98: {  	s16 =	sadd.s32 $0x190, s16;
	[sflag:s14] =	ssyncadd.s32 $0xFFFFF100  }
0x99: {  	[tilespmem:s6], [sflag:$0x3] =	stream.indirect.gather [hbm4b:s13+s4], $0x30, s16, s4, $0xb8;
	[tilespmem:$0xF050] =	vst v63  }
0x9a: {  	_ =	swait.ge [sflag:s7], $0xF00  }
0x9b: {  	s15 =	sshra.s32 s15, $0x2;
	[sflag:s7] =	ssyncset.done $0x0  }
0x9c: {  	s17 =	sadd.s32 $0x2710, s15;
	[sflag:s7] =	ssyncadd.s32 $0xFFFFF100  }
0x9d: {  	[spmem:s9] =	stream.indirect.scatter.add.f32 [tilespmem:s0], [sflag:$0x4], $0x30, s17, s4, $0xb8;
	[tilespmem:$0xF050] =	vst v63  }
0x9e: {  	_ =	swait.ge [sflag:s10], $0xF00  }
0x9f: {  	[sflag:s10] =	ssyncset.done $0x0  }
0xa0: {  	s17 =	sadd.s32 $0x2760, s15;
	[sflag:s10] =	ssyncadd.s32 $0xFFFFF100  }
0xa1: {  	[spmem:s9] =	stream.indirect.scatter.add.f32 [tilespmem:s5], [sflag:$0x5], $0x30, s17, s4, $0xb8;
	[tilespmem:$0xF050] =	vst v63  }
0xa2: {  	_ =	swait.ge [sflag:s2], $0xF00  }
0xa3: {  	[sflag:s2] =	ssyncset.done $0x0  }
0xa4: {  	s17 =	sadd.s32 $0xF0, s15;
	[sflag:s2] =	ssyncadd.s32 $0xFFFFF100  }
0xa5: {  	[tilespmem:s0], [sflag:$0x1] =	stream.indirect.gather [hbm4b:s13+s4], $0x30, s17, s4, $0xb8;
	[tilespmem:$0xF050] =	vst v63  }
0xa6: {  	_ =	swait.ge [sflag:s11], $0xF00  }
0xa7: {  	[sflag:s11] =	ssyncset.done $0x0  }
0xa8: {  	s17 =	sadd.s32 $0x27B0, s15;
	[sflag:s11] =	ssyncadd.s32 $0xFFFFF100  }
0xa9: {  	[spmem:s9] =	stream.indirect.scatter.add.f32 [tilespmem:s6], [sflag:$0x6], $0x30, s17, s4, $0xb8;
	[tilespmem:$0xF050] =	vst v63  }
0xaa: {  	_ =	swait.ge [sflag:s12], $0xF00  }
0xab: {  	[sflag:s12] =	ssyncset.done $0x0  }
0xac: {  	s15 =	sadd.s32 $0x140, s15;
	[sflag:s12] =	ssyncadd.s32 $0xFFFFF100  }
0xad: {  	[tilespmem:s5], [sflag:$0x2] =	stream.indirect.gather [hbm4b:s13+s4], $0x30, s15, s4, $0xb8;
	[tilespmem:$0xF050] =	vst v63  }
0xae: {  	_ =	swait.ge [sflag:s14], $0xF00  }
0xaf: {  	[sflag:s14] =	ssyncset.done $0x0  }
0xb0: {  	[sflag:s14] =	ssyncadd.s32 $0xFFFFF100  }
0xb1: {  	_ =	swait.ge [sflag:s7], $0xF00  }
0xb2: {  	[sflag:s7] =	ssyncset.done $0x0  }
0xb3: {  	s16 =	simm.s32 $0x4D80;
	[sflag:s7] =	ssyncadd.s32 $0xFFFFF100  }
0xb4: {  	[spmem:s9] =	stream.indirect.scatter.add.f32 [tilespmem:s0], [sflag:$0x4], $0x30, s16, s4, $0xb8;
	[tilespmem:$0xF050] =	vst v63  }
0xb5: {  	_ =	swait.ge [sflag:s10], $0xF00  }
0xb6: {  	[sflag:s10] =	ssyncset.done $0x0  }
0xb7: {  	s17 =	simm.s32 $0x4DD0;
	[sflag:s10] =	ssyncadd.s32 $0xFFFFF100  }
0xb8: {  	[spmem:s9] =	stream.indirect.scatter.add.f32 [tilespmem:s5], [sflag:$0x5], $0x30, s17, s4, $0xb8;
	[tilespmem:$0xF050] =	vst v63  }
0xb9: {  	_ =	swait.ge [sflag:s2], $0xF00  }
0xba: {  	[sflag:s2] =	ssyncset.done $0x0  }
0xbb: {  	[sflag:s2] =	ssyncadd.s32 $0xFFFFF100  }
0xbc: {  	_ =	swait.ge [sflag:s12], $0xF00  }
0xbd: {  	[sflag:s12] =	ssyncset.done $0x0  }
0xbe: {  	s16 =	stileid.u32;
	[sflag:s12] =	ssyncadd.s32 $0xFFFFF100  }
0xbf: {  	s15 =	sshll.u32 s16, $0x6;
	[bflag:$0x0] =	sbarrier.arrive $0xFFFF  }
0xc0: {  	s15 =	sor.u32 $0x1C04, s15;
	s17 =	rddreg [dreg:$0x4]  }
0xc1: {  	[hbm:s17], [sflag:s15] =	dma.local [spmem:s24], $0x1E0  }
0xc2: {  	s16 =	rddreg [dreg:$0x5]  }
0xc3: {  	[hbm:s16], [sflag:s15] =	dma.local [spmem:s25], $0x1E0  }
0xc4: {  	s16 =	rddreg [dreg:$0x6]  }
0xc5: {  	[hbm:s16], [sflag:s15] =	dma.local [spmem:s26], $0x1E0  }
0xc6: {  	s16 =	rddreg [dreg:$0x7]  }
0xc7: {  	[hbm:s16], [sflag:s15] =	dma.local [spmem:s28], $0x1E0  }
0xc8: {  	s16 =	rddreg [dreg:$0x8]  }
0xc9: {  	[hbm:s16], [sflag:s15] =	dma.local [spmem:s29], $0x1E0  }
0xca: {  	s16 =	rddreg [dreg:$0x9]  }
0xcb: {  	[hbm:s16], [sflag:s15] =	dma.local [spmem:s30], $0x1E0  }
0xcc: {  	s16 =	rddreg [dreg:$0xa]  }
0xcd: {  	[hbm:s16], [sflag:s15] =	dma.local [spmem:s31], $0x1E0  }
0xce: {  	s16 =	rddreg [dreg:$0xb]  }
0xcf: {  	[hbm:s16], [sflag:s15] =	dma.local @!p0 [spmem:s8], $0x1E0  }
0xd0: {  	_ =	swait.ge [sflag:s2], $0x1E0  }
0xd1: {  	[sflag:s2] =	ssyncset.done $0x0  }
0xd2: {  	[sflag:s2] =	ssyncadd.s32 $0xFFFFFE20  }
0xd3: {  	_ =	swait.ge [sflag:s2], $0x1E0  }
0xd4: {  	[sflag:s2] =	ssyncset.done $0x0  }
0xd5: {  	[sflag:s2] =	ssyncadd.s32 $0xFFFFFE20  }
0xd6: {  	_ =	swait.ge [sflag:s2], $0x1E0  }
0xd7: {  	[sflag:s2] =	ssyncset.done $0x0  }
0xd8: {  	[sflag:s2] =	ssyncadd.s32 $0xFFFFFE20  }
0xd9: {  	_ =	swait.ge [sflag:s2], $0x1E0  }
0xda: {  	[sflag:s2] =	ssyncset.done $0x0  }
0xdb: {  	[sflag:s2] =	ssyncadd.s32 $0xFFFFFE20  }
0xdc: {  	_ =	swait.ge [sflag:s2], $0x1E0  }
0xdd: {  	[sflag:s2] =	ssyncset.done $0x0  }
0xde: {  	[sflag:s2] =	ssyncadd.s32 $0xFFFFFE20  }
0xdf: {  	_ =	swait.ge [sflag:s2], $0x1E0  }
0xe0: {  	[sflag:s2] =	ssyncset.done $0x0  }
0xe1: {  	[sflag:s2] =	ssyncadd.s32 $0xFFFFFE20  }
0xe2: {  	_ =	swait.ge [sflag:s2], $0x1E0  }
0xe3: {  	[sflag:s2] =	ssyncset.done $0x0  }
0xe4: {  	s15 =	simm.s32 @!p1 $0x4;
	[sflag:s2] =	ssyncadd.s32 $0xFFFFFE20  }
0xe5: {  	_ =	swait.ge @!p1 [sflag:s15], $0x1E0  }
0xe6: {  	s1 =	sadd.s32 $0x1, s1;
	s17 =	rddreg [dreg:$0xe]  }
0xe7: {  	p2 =	sne.s32 s1, s17  }
.Ltmp2:
0xe8: {  	_ = 	snop;
	(pc) =	sbr.rel @p2 .LBB2_1-.Ltmp2, $3  }
0xe9: {  	_ =	sdelay $0x1  }
0xea: {  	[sflag:s15] =	ssyncset.done @!p1 $0x0  }
0xeb: {  	[sflag:s15] =	ssyncadd.s32 @!p1 $0xFFFFFE20  }
0xec: {  	_ =	sfence.sel $0x180000  }
0xed: {  	[bflag:$0x0] =	sbarrier.arrive $0xFFFF  }
0xee: {  	_ =	strace $0x90000050  }
0xef: {  	s0 =	stileid.u32;
	[bflag:$0x2] =	sbarrier.arrive $0xFFFF  }
0xf0: {  	p0 =	sne.s32 s0, $0x0;
	s0 =	rddreg [dreg:$0x3]  }
0xf1: {  	s0 =	sadd.s32 @!p0 $0x100000, s0  }
0xf2: {  	[sflag:s0] =	ssyncadd.tile.s32 @!p0 $0x1;
	_ =	shalt  }
.Lfunc_end2:
_tile_overlayer_lowered:
.L_overlay_start_2:
0xf3: {  	(tag) =	ssettag $0x2  }
0xf4: {  	s0 =	rddreg [dreg:$0x0];
	s2 =	stileid.u32  }
0xf5: {  	s1 =	rddreg [dreg:$0x1];
	p0 =	sne.s32 s2, $0x0  }
0xf6: {  	s3 =	rddreg [dreg:$0x2];
	[bflag:$0x3] =	sbarrier.arrive $0xFFFF;
	s2 =	simm.s32 @!p0 $0x1C07  }
0xf7: {  	[timem:s3], [sflag:s2] =	dma.local @!p0 [hbm:s0], s1  }
0xf8: {  	s0 =	simm.s32 @!p0 $0x7  }
0xf9: {  	_ =	swait.ge @!p0 [sflag:s0], s1  }
0xfa: {  	s1 =	ssub.s32 @!p0 $0x0, s1;
	[sflag:s0] =	ssyncset.done @!p0 $0x0  }
0xfb: {  	[sflag:s0] =	ssyncadd.s32 @!p0 s1  }
0xfc: {  	[bflag:$0x3] =	sbarrier.arrive $0xFFFF  }
0xfd: {  	_ =	shalt  }

</sc_bundles>
